<compile_context>
chip_gen: v7x
topology: tpu7x:2x2x1
jax: 0.10.2.dev20260603
libtpu: 0.0.44.dev20260713+nightly
codegen_flags: <defaults>
</compile_context>

<pallas_src>
import jax
import jax.numpy as jnp
from jax import lax
from jax.experimental import pallas as pl
from jax.experimental.pallas import tpu as pltpu
from jax.experimental.pallas import tpu_sc as plsc

D = 512
S = 77
MAIN = 64
TAIL = 16
NC, NS = 2, 16
NW = NC * NS
LANES = 16
VPR = D // LANES
NBUF = 2
BLK = 8


def _pos_vreg(pos_v, r, k):
    return pos_v[pl.ds(r * D + LANES * k, LANES)]


def _emb_body(ids_hbm, tok_hbm, pos_hbm, out_hbm, ids_v, pos_v, bufs, tail_v,
              gsems, ssems, tsem):
    w = lax.axis_index("s") * NC + lax.axis_index("c")
    bpw = ids_hbm.shape[0] // NW
    nblk = bpw // BLK
    groups = BLK // NBUF
    base = w * bpw

    pltpu.sync_copy(pos_hbm, pos_v)

    def fire_tail(cl):
        idx_vec = ids_v[cl, pl.ds(S - TAIL, TAIL)]
        pltpu.async_copy(tok_hbm.at[idx_vec], tail_v, tsem)

    def wait_tail():
        pltpu.make_async_copy(tok_hbm.at[pl.ds(0, TAIL)], tail_v, tsem).wait()

    def fire_main(cl, b):
        return pltpu.async_copy(
            tok_hbm.at[ids_v.at[cl, pl.ds(0, MAIN)]],
            bufs.at[b, pl.ds(0, MAIN)],
            gsems.at[b],
        )

    def drain_scatter(b):
        pltpu.make_async_copy(bufs.at[b], out_hbm.at[0], ssems.at[b]).wait()

    def process(seq, b, mhandle):
        mhandle.wait()

        @plsc.parallel_loop(0, MAIN, step=1, unroll=4)
        def _row(r):
            for k in range(VPR):
                plsc.addupdate(
                    bufs.at[b, r, pl.ds(LANES * k, LANES)],
                    _pos_vreg(pos_v, r, k),
                )

        wait_tail()

        @plsc.parallel_loop(0, S - MAIN, step=1, unroll=1)
        def _mrow(j):
            tr = j + (MAIN - (S - TAIL))
            for k in range(VPR):
                sl = pl.ds(LANES * k, LANES)
                bufs[b, MAIN + j, sl] = tail_v[tr, sl] + _pos_vreg(
                    pos_v, MAIN + j, k
                )

        pltpu.async_copy(bufs.at[b], out_hbm.at[seq], ssems.at[b])

    def block(h, carry):
        pltpu.sync_copy(ids_hbm.at[pl.ds(base + h * BLK, BLK)], ids_v)
        fire_tail(0)

        def group(g, carry2):
            mains = []
            for b in range(NBUF):
                @pl.when(h + g >= 1)
                def _(b=b):
                    drain_scatter(b)

                mains.append(fire_main(g * NBUF + b, b))
            for b in range(NBUF):
                cl = g * NBUF + b
                process(base + h * BLK + cl, b, mains[b])
                if b == 0:
                    fire_tail(cl + 1)
                else:
                    @pl.when(g < groups - 1)
                    def _(cl=cl):
                        fire_tail(cl + 1)
            return carry2

        lax.fori_loop(0, groups, group, 0, unroll=False)
        return carry

    lax.fori_loop(0, nblk, block, 0, unroll=False)
    for b in range(NBUF):
        drain_scatter(b)


@jax.jit
def _emb_call(ids, tok, pos_flat):
    batch = ids.shape[0]
    mesh = plsc.VectorSubcoreMesh(
        core_axis_name="c", subcore_axis_name="s", num_cores=NC, num_subcores=NS
    )
    kern = pl.kernel(
        _emb_body,
        out_type=jax.ShapeDtypeStruct((batch, S, D), jnp.float32),
        mesh=mesh,
        scratch_types=[
            pltpu.VMEM((BLK, S), jnp.int32),
            pltpu.VMEM((S * D,), jnp.float32),
            pltpu.VMEM((NBUF, S, D), jnp.float32),
            pltpu.VMEM((TAIL, D), jnp.float32),
            pltpu.SemaphoreType.DMA((NBUF,)),
            pltpu.SemaphoreType.DMA((NBUF,)),
            pltpu.SemaphoreType.DMA,
        ],
    )
    return kern(ids, tok, pos_flat)


def kernel(input_ids, token_embedding, position_embedding):
    ids = input_ids.astype(jnp.int32)
    pos_flat = position_embedding.reshape(S * D)
    return _emb_call(ids, token_embedding, pos_flat)

# --- scband reference (transcript-rebuilt; emitter-appended) ---
"""Pipeline reference for scband-tfcliptext-embeddings-8048768713470 (READ-ONLY COPY).

The authoritative reference and input builder live on the scoring server;
editing this copy changes nothing except your own understanding.
"""

import jax, jax.numpy as jnp
import numpy as np

VOCAB = 49408
EMBED_DIM = 512
NUM_POSITIONS = 77
BATCH = 4096
SEQ = 77


def setup_inputs(seed: int = 0) -> dict:
    key = jax.random.key(seed)
    k1, k2, k3 = jax.random.split(key, 3)
    input_ids = jax.random.randint(k1, (BATCH, SEQ), 0, VOCAB, dtype=jnp.int64 if jax.config.jax_enable_x64 else jnp.int32)
    token_embedding = jax.random.normal(k2, (VOCAB, EMBED_DIM), dtype=jnp.float32) * 0.02
    position_embedding = jax.random.normal(k3, (NUM_POSITIONS, EMBED_DIM), dtype=jnp.float32) * 0.02
    return {
        "input_ids": input_ids,
        "token_embedding": token_embedding,
        "position_embedding": position_embedding,
    }


def reference(input_ids, token_embedding, position_embedding):
    # inputs_embeds = tf.gather(token_embedding, input_ids)
    inputs_embeds = jnp.take(token_embedding, input_ids, axis=0)  # [B, S, D]
    batch, seq = inputs_embeds.shape[0], inputs_embeds.shape[1]
    # position_ids = tf.expand_dims(tf.range(seq), 0)
    position_ids = jnp.expand_dims(jnp.arange(seq), axis=0)  # [1, S]
    # position_embeds = tf.gather(position_embedding, position_ids)
    position_embeds = jnp.take(position_embedding, position_ids, axis=0)  # [1, S, D]
    # tile to batch
    position_embeds = jnp.tile(position_embeds, (batch, 1, 1))  # [B, S, D]
    final_embeddings = inputs_embeds + position_embeds
    return final_embeddings

if __name__ == "__main__":
    import jax
    _d = setup_inputs()
    print(jax.jit(kernel)(*tuple(_d.values())))

</pallas_src>

<mosaic_0001>
#map = affine_map<(d0, d1) -> (0, 0)>
#map1 = affine_map<(d0, d1) -> (0)>
#map2 = affine_map<(d0, d1) -> (0, 0, 0)>
module attributes {stable_mosaic.version = 14 : i64} {
  func.func @_emb_body(%arg0: i32, %arg1: i32, %arg2: memref<4096x77xi32, #tpu.memory_space<hbm>>, %arg3: memref<49408x512xf32, #tpu.memory_space<hbm>>, %arg4: memref<39424xf32, #tpu.memory_space<hbm>>, %arg5: memref<4096x77x512xf32, #tpu.memory_space<hbm>>, %arg6: memref<8x77xi32, #tpu.memory_space<vmem>>, %arg7: memref<39424xf32, #tpu.memory_space<vmem>>, %arg8: memref<2x77x512xf32, #tpu.memory_space<vmem>>, %arg9: memref<16x512xf32, #tpu.memory_space<vmem>>, %arg10: memref<2x!tpu.dma_semaphore, #tpu.memory_space<semaphore_mem>>, %arg11: memref<2x!tpu.dma_semaphore, #tpu.memory_space<semaphore_mem>>, %arg12: memref<!tpu.dma_semaphore, #tpu.memory_space<semaphore_mem>>) attributes {dimension_semantics = [#tpu.dimension_semantics<core_parallel>, #tpu.dimension_semantics<subcore_parallel>], iteration_bounds = array<i64: 2, 16>, scalar_prefetch = 0 : i64, scratch_operands = 7 : i64, tpu.core_type = #tpu.core_type<sc_vector_subcore>, window_params = [{transform_indices = #map}, {transform_indices = #map}, {transform_indices = #map1}, {transform_indices = #map2}]} {
    %mul3A = arith.constant 2 : i32
    %mul3A_0 = arith.muli %arg1, %mul3A : i32
    %add3A = arith.addi %mul3A_0, %arg0 : i32
    %mul3A_1 = arith.constant 128 : i32
    %mul3A_2 = arith.muli %add3A, %mul3A_1 : i32
    "tpu.region"() ({
      %run_scoped3A = tpu.sem_alloc : memref<!tpu.dma_semaphore, #tpu.memory_space<semaphore_mem>>
      tpu.enqueue_dma source(%arg4 : memref<39424xf32, #tpu.memory_space<hbm>>) target(%arg7 : memref<39424xf32, #tpu.memory_space<vmem>>) target_semaphore(%run_scoped3A : memref<!tpu.dma_semaphore, #tpu.memory_space<semaphore_mem>>)
      tpu.wait_dma2 semaphore(%run_scoped3A : memref<!tpu.dma_semaphore, #tpu.memory_space<semaphore_mem>>) src(%arg4 : memref<39424xf32, #tpu.memory_space<hbm>>) dst(%arg7 : memref<39424xf32, #tpu.memory_space<vmem>>)
      tpu.yield
    }) : () -> ()
    %scan3A = arith.constant 0 : i32
    %scan3A_3 = arith.constant 0 : i32
    %scan3A_4 = arith.constant 16 : i32
    %scan3A_5 = arith.addi %scan3A_3, %scan3A_4 : i32
    %scan3A_6 = arith.constant 1 : i32
    scf.for %scan3A_49 = %scan3A_3 to %scan3A_5 step %scan3A_6  : i32 {
      %mul3A_50 = arith.constant 8 : i32
      %mul3A_51 = arith.muli %scan3A_49, %mul3A_50 : i32
      %add3A_52 = arith.addi %mul3A_2, %mul3A_51 : i32
      "tpu.region"() ({
        %run_scoped3A = tpu.sem_alloc : memref<!tpu.dma_semaphore, #tpu.memory_space<semaphore_mem>>
        %dma_start3A_65 = arith.constant 0 : i32
        %dma_start3A_66 = tpu.memref_slice %arg2[%add3A_52, %dma_start3A_65] : memref<4096x77xi32, #tpu.memory_space<hbm>> -> memref<8x77xi32, #tpu.memory_space<hbm>>
        %dma_start3A_67 = arith.constant 0 : i32
        %dma_start3A_68 = tpu.memref_slice %arg2[%add3A_52, %dma_start3A_67] : memref<4096x77xi32, #tpu.memory_space<hbm>> -> memref<8x77xi32, #tpu.memory_space<hbm>>
        tpu.enqueue_dma source(%dma_start3A_68 : memref<8x77xi32, #tpu.memory_space<hbm>>) target(%arg6 : memref<8x77xi32, #tpu.memory_space<vmem>>) target_semaphore(%run_scoped3A : memref<!tpu.dma_semaphore, #tpu.memory_space<semaphore_mem>>)
        %dma_wait3A_69 = arith.constant 0 : i32
        %dma_wait3A_70 = tpu.memref_slice %arg2[%add3A_52, %dma_wait3A_69] : memref<4096x77xi32, #tpu.memory_space<hbm>> -> memref<8x77xi32, #tpu.memory_space<hbm>>
        %dma_wait3A_71 = arith.constant 0 : i32
        %dma_wait3A_72 = tpu.memref_slice %arg2[%add3A_52, %dma_wait3A_71] : memref<4096x77xi32, #tpu.memory_space<hbm>> -> memref<8x77xi32, #tpu.memory_space<hbm>>
        tpu.wait_dma2 semaphore(%run_scoped3A : memref<!tpu.dma_semaphore, #tpu.memory_space<semaphore_mem>>) src(%dma_wait3A_72 : memref<8x77xi32, #tpu.memory_space<hbm>>) dst(%arg6 : memref<8x77xi32, #tpu.memory_space<vmem>>)
        tpu.yield
      }) : () -> ()
      %get3A = arith.constant 0 : i32
      %get3A_53 = arith.index_cast %get3A : i32 to index
      %get3A_54 = arith.constant 61 : index
      %get3A_55 = tpu.vector_load %arg6[%get3A_53, %get3A_54] {strides = array<i32>} : memref<8x77xi32, #tpu.memory_space<vmem>>, vector<1x16xi32>,
      %get3A_56 = vector.shape_cast %get3A_55 : vector<1x16xi32> to vector<16xi32>
      %dma_start3A = arith.constant 0 : i32
      %dma_start3A_57 = arith.constant 0 : i32
      %dma_start3A_58 = tpu.memref_slice %arg3[%dma_start3A, %dma_start3A_57] : memref<49408x512xf32, #tpu.memory_space<hbm>> -> memref<49408x512xf32, #tpu.memory_space<hbm>>
      tpu.enqueue_indirect_dma source(%dma_start3A_58 : memref<49408x512xf32, #tpu.memory_space<hbm>>) target(%arg9 : memref<16x512xf32, #tpu.memory_space<vmem>>) offsets(%get3A_56 : vector<16xi32>) semaphore(%arg12 : memref<!tpu.dma_semaphore, #tpu.memory_space<semaphore_mem>>)
      %scan3A_59 = arith.constant 0 : i32
      %scan3A_60 = arith.constant 0 : i32
      %scan3A_61 = arith.constant 4 : i32
      %scan3A_62 = arith.addi %scan3A_60, %scan3A_61 : i32
      %scan3A_63 = arith.constant 1 : i32
      scf.for %scan3A_65 = %scan3A_60 to %scan3A_62 step %scan3A_63  : i32 {
        %add3A_66 = arith.addi %scan3A_49, %scan3A_65 : i32
        %ge3A = arith.constant 1 : i32
        %ge3A_67 = arith.cmpi sge, %add3A_66, %ge3A : i32
        %convert_element_type3A = arith.extui %ge3A_67 : i1 to i32
        %cond3A = arith.constant 0 : i32
        %cond3A_68 = arith.cmpi ne, %convert_element_type3A, %cond3A : i32
        scf.if %cond3A_68 {
          %dma_wait3A_231 = arith.constant 0 : i32
          %dma_wait3A_232 = arith.constant 0 : i32
          %dma_wait3A_233 = arith.constant 0 : i32
          %dma_wait3A_234 = arith.constant 0 : i32
          %dma_wait3A_235 = arith.constant 0 : i32
          %dma_wait3A_236 = tpu.memref_slice %arg8[%dma_wait3A_231, %dma_wait3A_234, %dma_wait3A_235] : memref<2x77x512xf32, #tpu.memory_space<vmem>> -> memref<1x77x512xf32, #tpu.memory_space<vmem>>
          %dma_wait3A_237 = tpu.memref_squeeze %dma_wait3A_236 : memref<1x77x512xf32, #tpu.memory_space<vmem>> -> memref<77x512xf32, #tpu.memory_space<vmem>>
          %dma_wait3A_238 = arith.constant 0 : i32
          %dma_wait3A_239 = arith.constant 0 : i32
          %dma_wait3A_240 = tpu.memref_slice %arg5[%dma_wait3A_232, %dma_wait3A_238, %dma_wait3A_239] : memref<4096x77x512xf32, #tpu.memory_space<hbm>> -> memref<1x77x512xf32, #tpu.memory_space<hbm>>
          %dma_wait3A_241 = tpu.memref_squeeze %dma_wait3A_240 : memref<1x77x512xf32, #tpu.memory_space<hbm>> -> memref<77x512xf32, #tpu.memory_space<hbm>>
          %dma_wait3A_242 = tpu.memref_slice %arg11[%dma_wait3A_233] : memref<2x!tpu.dma_semaphore, #tpu.memory_space<semaphore_mem>> -> memref<1x!tpu.dma_semaphore, #tpu.memory_space<semaphore_mem>>
          %dma_wait3A_243 = tpu.memref_squeeze %dma_wait3A_242 : memref<1x!tpu.dma_semaphore, #tpu.memory_space<semaphore_mem>> -> memref<!tpu.dma_semaphore, #tpu.memory_space<semaphore_mem>>
          %dma_wait3A_244 = arith.constant 0 : i32
          %dma_wait3A_245 = arith.constant 0 : i32
          %dma_wait3A_246 = tpu.memref_slice %arg5[%dma_wait3A_232, %dma_wait3A_244, %dma_wait3A_245] : memref<4096x77x512xf32, #tpu.memory_space<hbm>> -> memref<1x77x512xf32, #tpu.memory_space<hbm>>
          %dma_wait3A_247 = tpu.memref_squeeze %dma_wait3A_246 : memref<1x77x512xf32, #tpu.memory_space<hbm>> -> memref<77x512xf32, #tpu.memory_space<hbm>>
          %dma_wait3A_248 = arith.constant 0 : i32
          %dma_wait3A_249 = arith.constant 0 : i32
          %dma_wait3A_250 = tpu.memref_slice %arg8[%dma_wait3A_231, %dma_wait3A_248, %dma_wait3A_249] : memref<2x77x512xf32, #tpu.memory_space<vmem>> -> memref<1x77x512xf32, #tpu.memory_space<vmem>>
          %dma_wait3A_251 = tpu.memref_squeeze %dma_wait3A_250 : memref<1x77x512xf32, #tpu.memory_space<vmem>> -> memref<77x512xf32, #tpu.memory_space<vmem>>
          tpu.wait_dma2 semaphore(%dma_wait3A_243 : memref<!tpu.dma_semaphore, #tpu.memory_space<semaphore_mem>>) src(%dma_wait3A_251 : memref<77x512xf32, #tpu.memory_space<vmem>>) dst(%dma_wait3A_247 : memref<77x512xf32, #tpu.memory_space<hbm>>)
        } else {
        }
        %mul3A_69 = arith.constant 2 : i32
        %mul3A_70 = arith.muli %scan3A_65, %mul3A_69 : i32
        %add3A_71 = arith.constant 0 : i32
        %add3A_72 = arith.addi %mul3A_70, %add3A_71 : i32
        %dma_start3A_73 = arith.constant 0 : i32
        %dma_start3A_74 = arith.constant 0 : i32
        %dma_start3A_75 = arith.constant 0 : i32
        %dma_start3A_76 = arith.constant 0 : i32
        %dma_start3A_77 = tpu.memref_slice %arg8[%dma_start3A_73, %dma_start3A_75, %dma_start3A_76] : memref<2x77x512xf32, #tpu.memory_space<vmem>> -> memref<1x64x512xf32, #tpu.memory_space<vmem>>
        %dma_start3A_78 = tpu.memref_squeeze %dma_start3A_77 : memref<1x64x512xf32, #tpu.memory_space<vmem>> -> memref<64x512xf32, #tpu.memory_space<vmem>>
        %dma_start3A_79 = arith.constant 0 : i32
        %dma_start3A_80 = tpu.memref_slice %arg6[%add3A_72, %dma_start3A_79] : memref<8x77xi32, #tpu.memory_space<vmem>> -> memref<1x64xi32, #tpu.memory_space<vmem>>
        %dma_start3A_81 = tpu.memref_squeeze %dma_start3A_80 : memref<1x64xi32, #tpu.memory_space<vmem>> -> memref<64xi32, #tpu.memory_space<vmem>>
        %dma_start3A_82 = arith.constant 0 : i32
        %dma_start3A_83 = arith.constant 0 : i32
        %dma_start3A_84 = tpu.memref_slice %arg3[%dma_start3A_82, %dma_start3A_83] : memref<49408x512xf32, #tpu.memory_space<hbm>> -> memref<49408x512xf32, #tpu.memory_space<hbm>>
        %dma_start3A_85 = tpu.memref_slice %arg10[%dma_start3A_74] : memref<2x!tpu.dma_semaphore, #tpu.memory_space<semaphore_mem>> -> memref<1x!tpu.dma_semaphore, #tpu.memory_space<semaphore_mem>>
        %dma_start3A_86 = tpu.memref_squeeze %dma_start3A_85 : memref<1x!tpu.dma_semaphore, #tpu.memory_space<semaphore_mem>> -> memref<!tpu.dma_semaphore, #tpu.memory_space<semaphore_mem>>
        tpu.enqueue_indirect_dma source(%dma_start3A_84 : memref<49408x512xf32, #tpu.memory_space<hbm>>) target(%dma_start3A_78 : memref<64x512xf32, #tpu.memory_space<vmem>>) offsets(%dma_start3A_81 : memref<64xi32, #tpu.memory_space<vmem>>) semaphore(%dma_start3A_86 : memref<!tpu.dma_semaphore, #tpu.memory_space<semaphore_mem>>)
        %add3A_87 = arith.addi %scan3A_49, %scan3A_65 : i32
        %ge3A_88 = arith.constant 1 : i32
        %ge3A_89 = arith.cmpi sge, %add3A_87, %ge3A_88 : i32
        %convert_element_type3A_90 = arith.extui %ge3A_89 : i1 to i32
        %cond3A_91 = arith.constant 0 : i32
        %cond3A_92 = arith.cmpi ne, %convert_element_type3A_90, %cond3A_91 : i32
        scf.if %cond3A_92 {
          %dma_wait3A_231 = arith.constant 1 : i32
          %dma_wait3A_232 = arith.constant 0 : i32
          %dma_wait3A_233 = arith.constant 1 : i32
          %dma_wait3A_234 = arith.constant 0 : i32
          %dma_wait3A_235 = arith.constant 0 : i32
          %dma_wait3A_236 = tpu.memref_slice %arg8[%dma_wait3A_231, %dma_wait3A_234, %dma_wait3A_235] : memref<2x77x512xf32, #tpu.memory_space<vmem>> -> memref<1x77x512xf32, #tpu.memory_space<vmem>>
          %dma_wait3A_237 = tpu.memref_squeeze %dma_wait3A_236 : memref<1x77x512xf32, #tpu.memory_space<vmem>> -> memref<77x512xf32, #tpu.memory_space<vmem>>
          %dma_wait3A_238 = arith.constant 0 : i32
          %dma_wait3A_239 = arith.constant 0 : i32
          %dma_wait3A_240 = tpu.memref_slice %arg5[%dma_wait3A_232, %dma_wait3A_238, %dma_wait3A_239] : memref<4096x77x512xf32, #tpu.memory_space<hbm>> -> memref<1x77x512xf32, #tpu.memory_space<hbm>>
          %dma_wait3A_241 = tpu.memref_squeeze %dma_wait3A_240 : memref<1x77x512xf32, #tpu.memory_space<hbm>> -> memref<77x512xf32, #tpu.memory_space<hbm>>
          %dma_wait3A_242 = tpu.memref_slice %arg11[%dma_wait3A_233] : memref<2x!tpu.dma_semaphore, #tpu.memory_space<semaphore_mem>> -> memref<1x!tpu.dma_semaphore, #tpu.memory_space<semaphore_mem>>
          %dma_wait3A_243 = tpu.memref_squeeze %dma_wait3A_242 : memref<1x!tpu.dma_semaphore, #tpu.memory_space<semaphore_mem>> -> memref<!tpu.dma_semaphore, #tpu.memory_space<semaphore_mem>>
          %dma_wait3A_244 = arith.constant 0 : i32
          %dma_wait3A_245 = arith.constant 0 : i32
          %dma_wait3A_246 = tpu.memref_slice %arg5[%dma_wait3A_232, %dma_wait3A_244, %dma_wait3A_245] : memref<4096x77x512xf32, #tpu.memory_space<hbm>> -> memref<1x77x512xf32, #tpu.memory_space<hbm>>
          %dma_wait3A_247 = tpu.memref_squeeze %dma_wait3A_246 : memref<1x77x512xf32, #tpu.memory_space<hbm>> -> memref<77x512xf32, #tpu.memory_space<hbm>>
          %dma_wait3A_248 = arith.constant 0 : i32
          %dma_wait3A_249 = arith.constant 0 : i32
          %dma_wait3A_250 = tpu.memref_slice %arg8[%dma_wait3A_231, %dma_wait3A_248, %dma_wait3A_249] : memref<2x77x512xf32, #tpu.memory_space<vmem>> -> memref<1x77x512xf32, #tpu.memory_space<vmem>>
          %dma_wait3A_251 = tpu.memref_squeeze %dma_wait3A_250 : memref<1x77x512xf32, #tpu.memory_space<vmem>> -> memref<77x512xf32, #tpu.memory_space<vmem>>
          tpu.wait_dma2 semaphore(%dma_wait3A_243 : memref<!tpu.dma_semaphore, #tpu.memory_space<semaphore_mem>>) src(%dma_wait3A_251 : memref<77x512xf32, #tpu.memory_space<vmem>>) dst(%dma_wait3A_247 : memref<77x512xf32, #tpu.memory_space<hbm>>)
        } else {
        }
        %mul3A_93 = arith.constant 2 : i32
        %mul3A_94 = arith.muli %scan3A_65, %mul3A_93 : i32
        %add3A_95 = arith.constant 1 : i32
        %add3A_96 = arith.addi %mul3A_94, %add3A_95 : i32
        %dma_start3A_97 = arith.constant 1 : i32
        %dma_start3A_98 = arith.constant 1 : i32
        %dma_start3A_99 = arith.constant 0 : i32
        %dma_start3A_100 = arith.constant 0 : i32
        %dma_start3A_101 = tpu.memref_slice %arg8[%dma_start3A_97, %dma_start3A_99, %dma_start3A_100] : memref<2x77x512xf32, #tpu.memory_space<vmem>> -> memref<1x64x512xf32, #tpu.memory_space<vmem>>
        %dma_start3A_102 = tpu.memref_squeeze %dma_start3A_101 : memref<1x64x512xf32, #tpu.memory_space<vmem>> -> memref<64x512xf32, #tpu.memory_space<vmem>>
        %dma_start3A_103 = arith.constant 0 : i32
        %dma_start3A_104 = tpu.memref_slice %arg6[%add3A_96, %dma_start3A_103] : memref<8x77xi32, #tpu.memory_space<vmem>> -> memref<1x64xi32, #tpu.memory_space<vmem>>
        %dma_start3A_105 = tpu.memref_squeeze %dma_start3A_104 : memref<1x64xi32, #tpu.memory_space<vmem>> -> memref<64xi32, #tpu.memory_space<vmem>>
        %dma_start3A_106 = arith.constant 0 : i32
        %dma_start3A_107 = arith.constant 0 : i32
        %dma_start3A_108 = tpu.memref_slice %arg3[%dma_start3A_106, %dma_start3A_107] : memref<49408x512xf32, #tpu.memory_space<hbm>> -> memref<49408x512xf32, #tpu.memory_space<hbm>>
        %dma_start3A_109 = tpu.memref_slice %arg10[%dma_start3A_98] : memref<2x!tpu.dma_semaphore, #tpu.memory_space<semaphore_mem>> -> memref<1x!tpu.dma_semaphore, #tpu.memory_space<semaphore_mem>>
        %dma_start3A_110 = tpu.memref_squeeze %dma_start3A_109 : memref<1x!tpu.dma_semaphore, #tpu.memory_space<semaphore_mem>> -> memref<!tpu.dma_semaphore, #tpu.memory_space<semaphore_mem>>
        tpu.enqueue_indirect_dma source(%dma_start3A_108 : memref<49408x512xf32, #tpu.memory_space<hbm>>) target(%dma_start3A_102 : memref<64x512xf32, #tpu.memory_space<vmem>>) offsets(%dma_start3A_105 : memref<64xi32, #tpu.memory_space<vmem>>) semaphore(%dma_start3A_110 : memref<!tpu.dma_semaphore, #tpu.memory_space<semaphore_mem>>)
        %mul3A_111 = arith.constant 2 : i32
        %mul3A_112 = arith.muli %scan3A_65, %mul3A_111 : i32
        %add3A_113 = arith.constant 0 : i32
        %add3A_114 = arith.addi %mul3A_112, %add3A_113 : i32
        %mul3A_115 = arith.constant 8 : i32
        %mul3A_116 = arith.muli %scan3A_49, %mul3A_115 : i32
        %add3A_117 = arith.addi %mul3A_2, %mul3A_116 : i32
        %add3A_118 = arith.addi %add3A_117, %add3A_114 : i32
        %dma_wait3A_119 = arith.constant 0 : i32
        %dma_wait3A_120 = arith.constant 0 : i32
        %dma_wait3A_121 = arith.constant 0 : i32
        %dma_wait3A_122 = arith.constant 0 : i32
        %dma_wait3A_123 = tpu.memref_slice %arg8[%dma_wait3A_119, %dma_wait3A_121, %dma_wait3A_122] : memref<2x77x512xf32, #tpu.memory_space<vmem>> -> memref<1x64x512xf32, #tpu.memory_space<vmem>>
        %dma_wait3A_124 = tpu.memref_squeeze %dma_wait3A_123 : memref<1x64x512xf32, #tpu.memory_space<vmem>> -> memref<64x512xf32, #tpu.memory_space<vmem>>
        %dma_wait3A_125 = arith.constant 0 : i32
        %dma_wait3A_126 = tpu.memref_slice %arg6[%add3A_72, %dma_wait3A_125] : memref<8x77xi32, #tpu.memory_space<vmem>> -> memref<1x64xi32, #tpu.memory_space<vmem>>
        %dma_wait3A_127 = tpu.memref_squeeze %dma_wait3A_126 : memref<1x64xi32, #tpu.memory_space<vmem>> -> memref<64xi32, #tpu.memory_space<vmem>>
        %dma_wait3A_128 = arith.constant 0 : i32
        %dma_wait3A_129 = arith.constant 0 : i32
        %dma_wait3A_130 = tpu.memref_slice %arg3[%dma_wait3A_128, %dma_wait3A_129] : memref<49408x512xf32, #tpu.memory_space<hbm>> -> memref<49408x512xf32, #tpu.memory_space<hbm>>
        %dma_wait3A_131 = tpu.memref_slice %arg10[%dma_wait3A_120] : memref<2x!tpu.dma_semaphore, #tpu.memory_space<semaphore_mem>> -> memref<1x!tpu.dma_semaphore, #tpu.memory_space<semaphore_mem>>
        %dma_wait3A_132 = tpu.memref_squeeze %dma_wait3A_131 : memref<1x!tpu.dma_semaphore, #tpu.memory_space<semaphore_mem>> -> memref<!tpu.dma_semaphore, #tpu.memory_space<semaphore_mem>>
        tpu.wait_indirect_dma semaphore(%dma_wait3A_132 : memref<!tpu.dma_semaphore, #tpu.memory_space<semaphore_mem>>) src(%dma_wait3A_130 : memref<49408x512xf32, #tpu.memory_space<hbm>>) dst(%dma_wait3A_124 : memref<64x512xf32, #tpu.memory_space<vmem>>)
        %parallel_loop3A = arith.constant 0 : i32
        %parallel_loop3A_133 = arith.constant 64 : i32
        %parallel_loop3A_134 = arith.constant 1 : i32
        scf.for %parallel_loop3A_231 = %parallel_loop3A to %parallel_loop3A_133 step %parallel_loop3A_134  : i32 {
          %parallel_loop3A_232 = arith.constant 512 : i32
          %parallel_loop3A_233 = arith.muli %parallel_loop3A_231, %parallel_loop3A_232 : i32
          %parallel_loop3A_234 = arith.constant 0 : i32
          %parallel_loop3A_235 = arith.addi %parallel_loop3A_233, %parallel_loop3A_234 : i32
          %parallel_loop3A_236 = arith.index_cast %parallel_loop3A_235 : i32 to index
          %parallel_loop3A_237 = tpu.vector_load %arg7[%parallel_loop3A_236] {strides = array<i32>} : memref<39424xf32, #tpu.memory_space<vmem>>, vector<16xf32>,
          %parallel_loop3A_238 = vector.shape_cast %parallel_loop3A_237 : vector<16xf32> to vector<16xf32>
          %parallel_loop3A_239 = arith.constant 0 : i32
          %parallel_loop3A_240 = arith.index_cast %parallel_loop3A_239 : i32 to index
          %parallel_loop3A_241 = arith.index_cast %parallel_loop3A_231 : i32 to index
          %parallel_loop3A_242 = arith.constant 0 : index
          %parallel_loop3A_243 = tpu.vector_load %arg8[%parallel_loop3A_240, %parallel_loop3A_241, %parallel_loop3A_242] {strides = array<i32>} : memref<2x77x512xf32, #tpu.memory_space<vmem>>, vector<1x1x16xf32>,
          %parallel_loop3A_244 = vector.shape_cast %parallel_loop3A_243 : vector<1x1x16xf32> to vector<16xf32>
          %parallel_loop3A_245 = vector.shape_cast %parallel_loop3A_238 : vector<16xf32> to vector<1x1x16xf32>
          tpu.vector_store %arg8[%parallel_loop3A_240, %parallel_loop3A_241, %parallel_loop3A_242], %parallel_loop3A_245 {add = true, strides = array<i32>} : memref<2x77x512xf32, #tpu.memory_space<vmem>>, vector<1x1x16xf32>,
          %parallel_loop3A_246 = arith.constant 512 : i32
          %parallel_loop3A_247 = arith.muli %parallel_loop3A_231, %parallel_loop3A_246 : i32
          %parallel_loop3A_248 = arith.constant 16 : i32
          %parallel_loop3A_249 = arith.addi %parallel_loop3A_247, %parallel_loop3A_248 : i32
          %parallel_loop3A_250 = arith.index_cast %parallel_loop3A_249 : i32 to index
          %parallel_loop3A_251 = tpu.vector_load %arg7[%parallel_loop3A_250] {strides = array<i32>} : memref<39424xf32, #tpu.memory_space<vmem>>, vector<16xf32>,
          %parallel_loop3A_252 = vector.shape_cast %parallel_loop3A_251 : vector<16xf32> to vector<16xf32>
          %parallel_loop3A_253 = arith.constant 0 : i32
          %parallel_loop3A_254 = arith.index_cast %parallel_loop3A_253 : i32 to index
          %parallel_loop3A_255 = arith.index_cast %parallel_loop3A_231 : i32 to index
          %parallel_loop3A_256 = arith.constant 16 : index
          %parallel_loop3A_257 = tpu.vector_load %arg8[%parallel_loop3A_254, %parallel_loop3A_255, %parallel_loop3A_256] {strides = array<i32>} : memref<2x77x512xf32, #tpu.memory_space<vmem>>, vector<1x1x16xf32>,
          %parallel_loop3A_258 = vector.shape_cast %parallel_loop3A_257 : vector<1x1x16xf32> to vector<16xf32>
          %parallel_loop3A_259 = vector.shape_cast %parallel_loop3A_252 : vector<16xf32> to vector<1x1x16xf32>
          tpu.vector_store %arg8[%parallel_loop3A_254, %parallel_loop3A_255, %parallel_loop3A_256], %parallel_loop3A_259 {add = true, strides = array<i32>} : memref<2x77x512xf32, #tpu.memory_space<vmem>>, vector<1x1x16xf32>,
          %parallel_loop3A_260 = arith.constant 512 : i32
          %parallel_loop3A_261 = arith.muli %parallel_loop3A_231, %parallel_loop3A_260 : i32
          %parallel_loop3A_262 = arith.constant 32 : i32
          %parallel_loop3A_263 = arith.addi %parallel_loop3A_261, %parallel_loop3A_262 : i32
          %parallel_loop3A_264 = arith.index_cast %parallel_loop3A_263 : i32 to index
          %parallel_loop3A_265 = tpu.vector_load %arg7[%parallel_loop3A_264] {strides = array<i32>} : memref<39424xf32, #tpu.memory_space<vmem>>, vector<16xf32>,
          %parallel_loop3A_266 = vector.shape_cast %parallel_loop3A_265 : vector<16xf32> to vector<16xf32>
          %parallel_loop3A_267 = arith.constant 0 : i32
          %parallel_loop3A_268 = arith.index_cast %parallel_loop3A_267 : i32 to index
          %parallel_loop3A_269 = arith.index_cast %parallel_loop3A_231 : i32 to index
          %parallel_loop3A_270 = arith.constant 32 : index
          %parallel_loop3A_271 = tpu.vector_load %arg8[%parallel_loop3A_268, %parallel_loop3A_269, %parallel_loop3A_270] {strides = array<i32>} : memref<2x77x512xf32, #tpu.memory_space<vmem>>, vector<1x1x16xf32>,
          %parallel_loop3A_272 = vector.shape_cast %parallel_loop3A_271 : vector<1x1x16xf32> to vector<16xf32>
          %parallel_loop3A_273 = vector.shape_cast %parallel_loop3A_266 : vector<16xf32> to vector<1x1x16xf32>
          tpu.vector_store %arg8[%parallel_loop3A_268, %parallel_loop3A_269, %parallel_loop3A_270], %parallel_loop3A_273 {add = true, strides = array<i32>} : memref<2x77x512xf32, #tpu.memory_space<vmem>>, vector<1x1x16xf32>,
          %parallel_loop3A_274 = arith.constant 512 : i32
          %parallel_loop3A_275 = arith.muli %parallel_loop3A_231, %parallel_loop3A_274 : i32
          %parallel_loop3A_276 = arith.constant 48 : i32
          %parallel_loop3A_277 = arith.addi %parallel_loop3A_275, %parallel_loop3A_276 : i32
          %parallel_loop3A_278 = arith.index_cast %parallel_loop3A_277 : i32 to index
          %parallel_loop3A_279 = tpu.vector_load %arg7[%parallel_loop3A_278] {strides = array<i32>} : memref<39424xf32, #tpu.memory_space<vmem>>, vector<16xf32>,
          %parallel_loop3A_280 = vector.shape_cast %parallel_loop3A_279 : vector<16xf32> to vector<16xf32>
          %parallel_loop3A_281 = arith.constant 0 : i32
          %parallel_loop3A_282 = arith.index_cast %parallel_loop3A_281 : i32 to index
          %parallel_loop3A_283 = arith.index_cast %parallel_loop3A_231 : i32 to index
          %parallel_loop3A_284 = arith.constant 48 : index
          %parallel_loop3A_285 = tpu.vector_load %arg8[%parallel_loop3A_282, %parallel_loop3A_283, %parallel_loop3A_284] {strides = array<i32>} : memref<2x77x512xf32, #tpu.memory_space<vmem>>, vector<1x1x16xf32>,
          %parallel_loop3A_286 = vector.shape_cast %parallel_loop3A_285 : vector<1x1x16xf32> to vector<16xf32>
          %parallel_loop3A_287 = vector.shape_cast %parallel_loop3A_280 : vector<16xf32> to vector<1x1x16xf32>
          tpu.vector_store %arg8[%parallel_loop3A_282, %parallel_loop3A_283, %parallel_loop3A_284], %parallel_loop3A_287 {add = true, strides = array<i32>} : memref<2x77x512xf32, #tpu.memory_space<vmem>>, vector<1x1x16xf32>,
          %parallel_loop3A_288 = arith.constant 512 : i32
          %parallel_loop3A_289 = arith.muli %parallel_loop3A_231, %parallel_loop3A_288 : i32
          %parallel_loop3A_290 = arith.constant 64 : i32
          %parallel_loop3A_291 = arith.addi %parallel_loop3A_289, %parallel_loop3A_290 : i32
          %parallel_loop3A_292 = arith.index_cast %parallel_loop3A_291 : i32 to index
          %parallel_loop3A_293 = tpu.vector_load %arg7[%parallel_loop3A_292] {strides = array<i32>} : memref<39424xf32, #tpu.memory_space<vmem>>, vector<16xf32>,
          %parallel_loop3A_294 = vector.shape_cast %parallel_loop3A_293 : vector<16xf32> to vector<16xf32>
          %parallel_loop3A_295 = arith.constant 0 : i32
          %parallel_loop3A_296 = arith.index_cast %parallel_loop3A_295 : i32 to index
          %parallel_loop3A_297 = arith.index_cast %parallel_loop3A_231 : i32 to index
          %parallel_loop3A_298 = arith.constant 64 : index
          %parallel_loop3A_299 = tpu.vector_load %arg8[%parallel_loop3A_296, %parallel_loop3A_297, %parallel_loop3A_298] {strides = array<i32>} : memref<2x77x512xf32, #tpu.memory_space<vmem>>, vector<1x1x16xf32>,
          %parallel_loop3A_300 = vector.shape_cast %parallel_loop3A_299 : vector<1x1x16xf32> to vector<16xf32>
          %parallel_loop3A_301 = vector.shape_cast %parallel_loop3A_294 : vector<16xf32> to vector<1x1x16xf32>
          tpu.vector_store %arg8[%parallel_loop3A_296, %parallel_loop3A_297, %parallel_loop3A_298], %parallel_loop3A_301 {add = true, strides = array<i32>} : memref<2x77x512xf32, #tpu.memory_space<vmem>>, vector<1x1x16xf32>,
          %parallel_loop3A_302 = arith.constant 512 : i32
          %parallel_loop3A_303 = arith.muli %parallel_loop3A_231, %parallel_loop3A_302 : i32
          %parallel_loop3A_304 = arith.constant 80 : i32
          %parallel_loop3A_305 = arith.addi %parallel_loop3A_303, %parallel_loop3A_304 : i32
          %parallel_loop3A_306 = arith.index_cast %parallel_loop3A_305 : i32 to index
          %parallel_loop3A_307 = tpu.vector_load %arg7[%parallel_loop3A_306] {strides = array<i32>} : memref<39424xf32, #tpu.memory_space<vmem>>, vector<16xf32>,
          %parallel_loop3A_308 = vector.shape_cast %parallel_loop3A_307 : vector<16xf32> to vector<16xf32>
          %parallel_loop3A_309 = arith.constant 0 : i32
          %parallel_loop3A_310 = arith.index_cast %parallel_loop3A_309 : i32 to index
          %parallel_loop3A_311 = arith.index_cast %parallel_loop3A_231 : i32 to index
          %parallel_loop3A_312 = arith.constant 80 : index
          %parallel_loop3A_313 = tpu.vector_load %arg8[%parallel_loop3A_310, %parallel_loop3A_311, %parallel_loop3A_312] {strides = array<i32>} : memref<2x77x512xf32, #tpu.memory_space<vmem>>, vector<1x1x16xf32>,
          %parallel_loop3A_314 = vector.shape_cast %parallel_loop3A_313 : vector<1x1x16xf32> to vector<16xf32>
          %parallel_loop3A_315 = vector.shape_cast %parallel_loop3A_308 : vector<16xf32> to vector<1x1x16xf32>
          tpu.vector_store %arg8[%parallel_loop3A_310, %parallel_loop3A_311, %parallel_loop3A_312], %parallel_loop3A_315 {add = true, strides = array<i32>} : memref<2x77x512xf32, #tpu.memory_space<vmem>>, vector<1x1x16xf32>,
          %parallel_loop3A_316 = arith.constant 512 : i32
          %parallel_loop3A_317 = arith.muli %parallel_loop3A_231, %parallel_loop3A_316 : i32
          %parallel_loop3A_318 = arith.constant 96 : i32
          %parallel_loop3A_319 = arith.addi %parallel_loop3A_317, %parallel_loop3A_318 : i32
          %parallel_loop3A_320 = arith.index_cast %parallel_loop3A_319 : i32 to index
          %parallel_loop3A_321 = tpu.vector_load %arg7[%parallel_loop3A_320] {strides = array<i32>} : memref<39424xf32, #tpu.memory_space<vmem>>, vector<16xf32>,
          %parallel_loop3A_322 = vector.shape_cast %parallel_loop3A_321 : vector<16xf32> to vector<16xf32>
          %parallel_loop3A_323 = arith.constant 0 : i32
          %parallel_loop3A_324 = arith.index_cast %parallel_loop3A_323 : i32 to index
          %parallel_loop3A_325 = arith.index_cast %parallel_loop3A_231 : i32 to index
          %parallel_loop3A_326 = arith.constant 96 : index
          %parallel_loop3A_327 = tpu.vector_load %arg8[%parallel_loop3A_324, %parallel_loop3A_325, %parallel_loop3A_326] {strides = array<i32>} : memref<2x77x512xf32, #tpu.memory_space<vmem>>, vector<1x1x16xf32>,
          %parallel_loop3A_328 = vector.shape_cast %parallel_loop3A_327 : vector<1x1x16xf32> to vector<16xf32>
          %parallel_loop3A_329 = vector.shape_cast %parallel_loop3A_322 : vector<16xf32> to vector<1x1x16xf32>
          tpu.vector_store %arg8[%parallel_loop3A_324, %parallel_loop3A_325, %parallel_loop3A_326], %parallel_loop3A_329 {add = true, strides = array<i32>} : memref<2x77x512xf32, #tpu.memory_space<vmem>>, vector<1x1x16xf32>,
          %parallel_loop3A_330 = arith.constant 512 : i32
          %parallel_loop3A_331 = arith.muli %parallel_loop3A_231, %parallel_loop3A_330 : i32
          %parallel_loop3A_332 = arith.constant 112 : i32
          %parallel_loop3A_333 = arith.addi %parallel_loop3A_331, %parallel_loop3A_332 : i32
          %parallel_loop3A_334 = arith.index_cast %parallel_loop3A_333 : i32 to index
          %parallel_loop3A_335 = tpu.vector_load %arg7[%parallel_loop3A_334] {strides = array<i32>} : memref<39424xf32, #tpu.memory_space<vmem>>, vector<16xf32>,
          %parallel_loop3A_336 = vector.shape_cast %parallel_loop3A_335 : vector<16xf32> to vector<16xf32>
          %parallel_loop3A_337 = arith.constant 0 : i32
          %parallel_loop3A_338 = arith.index_cast %parallel_loop3A_337 : i32 to index
          %parallel_loop3A_339 = arith.index_cast %parallel_loop3A_231 : i32 to index
          %parallel_loop3A_340 = arith.constant 112 : index
          %parallel_loop3A_341 = tpu.vector_load %arg8[%parallel_loop3A_338, %parallel_loop3A_339, %parallel_loop3A_340] {strides = array<i32>} : memref<2x77x512xf32, #tpu.memory_space<vmem>>, vector<1x1x16xf32>,
          %parallel_loop3A_342 = vector.shape_cast %parallel_loop3A_341 : vector<1x1x16xf32> to vector<16xf32>
          %parallel_loop3A_343 = vector.shape_cast %parallel_loop3A_336 : vector<16xf32> to vector<1x1x16xf32>
          tpu.vector_store %arg8[%parallel_loop3A_338, %parallel_loop3A_339, %parallel_loop3A_340], %parallel_loop3A_343 {add = true, strides = array<i32>} : memref<2x77x512xf32, #tpu.memory_space<vmem>>, vector<1x1x16xf32>,
          %parallel_loop3A_344 = arith.constant 512 : i32
          %parallel_loop3A_345 = arith.muli %parallel_loop3A_231, %parallel_loop3A_344 : i32
          %parallel_loop3A_346 = arith.constant 128 : i32
          %parallel_loop3A_347 = arith.addi %parallel_loop3A_345, %parallel_loop3A_346 : i32
          %parallel_loop3A_348 = arith.index_cast %parallel_loop3A_347 : i32 to index
          %parallel_loop3A_349 = tpu.vector_load %arg7[%parallel_loop3A_348] {strides = array<i32>} : memref<39424xf32, #tpu.memory_space<vmem>>, vector<16xf32>,
          %parallel_loop3A_350 = vector.shape_cast %parallel_loop3A_349 : vector<16xf32> to vector<16xf32>
          %parallel_loop3A_351 = arith.constant 0 : i32
          %parallel_loop3A_352 = arith.index_cast %parallel_loop3A_351 : i32 to index
          %parallel_loop3A_353 = arith.index_cast %parallel_loop3A_231 : i32 to index
          %parallel_loop3A_354 = arith.constant 128 : index
          %parallel_loop3A_355 = tpu.vector_load %arg8[%parallel_loop3A_352, %parallel_loop3A_353, %parallel_loop3A_354] {strides = array<i32>} : memref<2x77x512xf32, #tpu.memory_space<vmem>>, vector<1x1x16xf32>,
          %parallel_loop3A_356 = vector.shape_cast %parallel_loop3A_355 : vector<1x1x16xf32> to vector<16xf32>
          %parallel_loop3A_357 = vector.shape_cast %parallel_loop3A_350 : vector<16xf32> to vector<1x1x16xf32>
          tpu.vector_store %arg8[%parallel_loop3A_352, %parallel_loop3A_353, %parallel_loop3A_354], %parallel_loop3A_357 {add = true, strides = array<i32>} : memref<2x77x512xf32, #tpu.memory_space<vmem>>, vector<1x1x16xf32>,
          %parallel_loop3A_358 = arith.constant 512 : i32
          %parallel_loop3A_359 = arith.muli %parallel_loop3A_231, %parallel_loop3A_358 : i32
          %parallel_loop3A_360 = arith.constant 144 : i32
          %parallel_loop3A_361 = arith.addi %parallel_loop3A_359, %parallel_loop3A_360 : i32
          %parallel_loop3A_362 = arith.index_cast %parallel_loop3A_361 : i32 to index
          %parallel_loop3A_363 = tpu.vector_load %arg7[%parallel_loop3A_362] {strides = array<i32>} : memref<39424xf32, #tpu.memory_space<vmem>>, vector<16xf32>,
          %parallel_loop3A_364 = vector.shape_cast %parallel_loop3A_363 : vector<16xf32> to vector<16xf32>
          %parallel_loop3A_365 = arith.constant 0 : i32
          %parallel_loop3A_366 = arith.index_cast %parallel_loop3A_365 : i32 to index
          %parallel_loop3A_367 = arith.index_cast %parallel_loop3A_231 : i32 to index
          %parallel_loop3A_368 = arith.constant 144 : index
          %parallel_loop3A_369 = tpu.vector_load %arg8[%parallel_loop3A_366, %parallel_loop3A_367, %parallel_loop3A_368] {strides = array<i32>} : memref<2x77x512xf32, #tpu.memory_space<vmem>>, vector<1x1x16xf32>,
          %parallel_loop3A_370 = vector.shape_cast %parallel_loop3A_369 : vector<1x1x16xf32> to vector<16xf32>
          %parallel_loop3A_371 = vector.shape_cast %parallel_loop3A_364 : vector<16xf32> to vector<1x1x16xf32>
          tpu.vector_store %arg8[%parallel_loop3A_366, %parallel_loop3A_367, %parallel_loop3A_368], %parallel_loop3A_371 {add = true, strides = array<i32>} : memref<2x77x512xf32, #tpu.memory_space<vmem>>, vector<1x1x16xf32>,
          %parallel_loop3A_372 = arith.constant 512 : i32
          %parallel_loop3A_373 = arith.muli %parallel_loop3A_231, %parallel_loop3A_372 : i32
          %parallel_loop3A_374 = arith.constant 160 : i32
          %parallel_loop3A_375 = arith.addi %parallel_loop3A_373, %parallel_loop3A_374 : i32
          %parallel_loop3A_376 = arith.index_cast %parallel_loop3A_375 : i32 to index
          %parallel_loop3A_377 = tpu.vector_load %arg7[%parallel_loop3A_376] {strides = array<i32>} : memref<39424xf32, #tpu.memory_space<vmem>>, vector<16xf32>,
          %parallel_loop3A_378 = vector.shape_cast %parallel_loop3A_377 : vector<16xf32> to vector<16xf32>
          %parallel_loop3A_379 = arith.constant 0 : i32
          %parallel_loop3A_380 = arith.index_cast %parallel_loop3A_379 : i32 to index
          %parallel_loop3A_381 = arith.index_cast %parallel_loop3A_231 : i32 to index
          %parallel_loop3A_382 = arith.constant 160 : index
          %parallel_loop3A_383 = tpu.vector_load %arg8[%parallel_loop3A_380, %parallel_loop3A_381, %parallel_loop3A_382] {strides = array<i32>} : memref<2x77x512xf32, #tpu.memory_space<vmem>>, vector<1x1x16xf32>,
          %parallel_loop3A_384 = vector.shape_cast %parallel_loop3A_383 : vector<1x1x16xf32> to vector<16xf32>
          %parallel_loop3A_385 = vector.shape_cast %parallel_loop3A_378 : vector<16xf32> to vector<1x1x16xf32>
          tpu.vector_store %arg8[%parallel_loop3A_380, %parallel_loop3A_381, %parallel_loop3A_382], %parallel_loop3A_385 {add = true, strides = array<i32>} : memref<2x77x512xf32, #tpu.memory_space<vmem>>, vector<1x1x16xf32>,
          %parallel_loop3A_386 = arith.constant 512 : i32
          %parallel_loop3A_387 = arith.muli %parallel_loop3A_231, %parallel_loop3A_386 : i32
          %parallel_loop3A_388 = arith.constant 176 : i32
          %parallel_loop3A_389 = arith.addi %parallel_loop3A_387, %parallel_loop3A_388 : i32
          %parallel_loop3A_390 = arith.index_cast %parallel_loop3A_389 : i32 to index
          %parallel_loop3A_391 = tpu.vector_load %arg7[%parallel_loop3A_390] {strides = array<i32>} : memref<39424xf32, #tpu.memory_space<vmem>>, vector<16xf32>,
          %parallel_loop3A_392 = vector.shape_cast %parallel_loop3A_391 : vector<16xf32> to vector<16xf32>
          %parallel_loop3A_393 = arith.constant 0 : i32
          %parallel_loop3A_394 = arith.index_cast %parallel_loop3A_393 : i32 to index
          %parallel_loop3A_395 = arith.index_cast %parallel_loop3A_231 : i32 to index
          %parallel_loop3A_396 = arith.constant 176 : index
          %parallel_loop3A_397 = tpu.vector_load %arg8[%parallel_loop3A_394, %parallel_loop3A_395, %parallel_loop3A_396] {strides = array<i32>} : memref<2x77x512xf32, #tpu.memory_space<vmem>>, vector<1x1x16xf32>,
          %parallel_loop3A_398 = vector.shape_cast %parallel_loop3A_397 : vector<1x1x16xf32> to vector<16xf32>
          %parallel_loop3A_399 = vector.shape_cast %parallel_loop3A_392 : vector<16xf32> to vector<1x1x16xf32>
          tpu.vector_store %arg8[%parallel_loop3A_394, %parallel_loop3A_395, %parallel_loop3A_396], %parallel_loop3A_399 {add = true, strides = array<i32>} : memref<2x77x512xf32, #tpu.memory_space<vmem>>, vector<1x1x16xf32>,
          %parallel_loop3A_400 = arith.constant 512 : i32
          %parallel_loop3A_401 = arith.muli %parallel_loop3A_231, %parallel_loop3A_400 : i32
          %parallel_loop3A_402 = arith.constant 192 : i32
          %parallel_loop3A_403 = arith.addi %parallel_loop3A_401, %parallel_loop3A_402 : i32
          %parallel_loop3A_404 = arith.index_cast %parallel_loop3A_403 : i32 to index
          %parallel_loop3A_405 = tpu.vector_load %arg7[%parallel_loop3A_404] {strides = array<i32>} : memref<39424xf32, #tpu.memory_space<vmem>>, vector<16xf32>,
          %parallel_loop3A_406 = vector.shape_cast %parallel_loop3A_405 : vector<16xf32> to vector<16xf32>
          %parallel_loop3A_407 = arith.constant 0 : i32
          %parallel_loop3A_408 = arith.index_cast %parallel_loop3A_407 : i32 to index
          %parallel_loop3A_409 = arith.index_cast %parallel_loop3A_231 : i32 to index
          %parallel_loop3A_410 = arith.constant 192 : index
          %parallel_loop3A_411 = tpu.vector_load %arg8[%parallel_loop3A_408, %parallel_loop3A_409, %parallel_loop3A_410] {strides = array<i32>} : memref<2x77x512xf32, #tpu.memory_space<vmem>>, vector<1x1x16xf32>,
          %parallel_loop3A_412 = vector.shape_cast %parallel_loop3A_411 : vector<1x1x16xf32> to vector<16xf32>
          %parallel_loop3A_413 = vector.shape_cast %parallel_loop3A_406 : vector<16xf32> to vector<1x1x16xf32>
          tpu.vector_store %arg8[%parallel_loop3A_408, %parallel_loop3A_409, %parallel_loop3A_410], %parallel_loop3A_413 {add = true, strides = array<i32>} : memref<2x77x512xf32, #tpu.memory_space<vmem>>, vector<1x1x16xf32>,
          %parallel_loop3A_414 = arith.constant 512 : i32
          %parallel_loop3A_415 = arith.muli %parallel_loop3A_231, %parallel_loop3A_414 : i32
          %parallel_loop3A_416 = arith.constant 208 : i32
          %parallel_loop3A_417 = arith.addi %parallel_loop3A_415, %parallel_loop3A_416 : i32
          %parallel_loop3A_418 = arith.index_cast %parallel_loop3A_417 : i32 to index
          %parallel_loop3A_419 = tpu.vector_load %arg7[%parallel_loop3A_418] {strides = array<i32>} : memref<39424xf32, #tpu.memory_space<vmem>>, vector<16xf32>,
          %parallel_loop3A_420 = vector.shape_cast %parallel_loop3A_419 : vector<16xf32> to vector<16xf32>
          %parallel_loop3A_421 = arith.constant 0 : i32
          %parallel_loop3A_422 = arith.index_cast %parallel_loop3A_421 : i32 to index
          %parallel_loop3A_423 = arith.index_cast %parallel_loop3A_231 : i32 to index
          %parallel_loop3A_424 = arith.constant 208 : index
          %parallel_loop3A_425 = tpu.vector_load %arg8[%parallel_loop3A_422, %parallel_loop3A_423, %parallel_loop3A_424] {strides = array<i32>} : memref<2x77x512xf32, #tpu.memory_space<vmem>>, vector<1x1x16xf32>,
          %parallel_loop3A_426 = vector.shape_cast %parallel_loop3A_425 : vector<1x1x16xf32> to vector<16xf32>
          %parallel_loop3A_427 = vector.shape_cast %parallel_loop3A_420 : vector<16xf32> to vector<1x1x16xf32>
          tpu.vector_store %arg8[%parallel_loop3A_422, %parallel_loop3A_423, %parallel_loop3A_424], %parallel_loop3A_427 {add = true, strides = array<i32>} : memref<2x77x512xf32, #tpu.memory_space<vmem>>, vector<1x1x16xf32>,
          %parallel_loop3A_428 = arith.constant 512 : i32
          %parallel_loop3A_429 = arith.muli %parallel_loop3A_231, %parallel_loop3A_428 : i32
          %parallel_loop3A_430 = arith.constant 224 : i32
          %parallel_loop3A_431 = arith.addi %parallel_loop3A_429, %parallel_loop3A_430 : i32
          %parallel_loop3A_432 = arith.index_cast %parallel_loop3A_431 : i32 to index
          %parallel_loop3A_433 = tpu.vector_load %arg7[%parallel_loop3A_432] {strides = array<i32>} : memref<39424xf32, #tpu.memory_space<vmem>>, vector<16xf32>,
          %parallel_loop3A_434 = vector.shape_cast %parallel_loop3A_433 : vector<16xf32> to vector<16xf32>
          %parallel_loop3A_435 = arith.constant 0 : i32
          %parallel_loop3A_436 = arith.index_cast %parallel_loop3A_435 : i32 to index
          %parallel_loop3A_437 = arith.index_cast %parallel_loop3A_231 : i32 to index
          %parallel_loop3A_438 = arith.constant 224 : index
          %parallel_loop3A_439 = tpu.vector_load %arg8[%parallel_loop3A_436, %parallel_loop3A_437, %parallel_loop3A_438] {strides = array<i32>} : memref<2x77x512xf32, #tpu.memory_space<vmem>>, vector<1x1x16xf32>,
          %parallel_loop3A_440 = vector.shape_cast %parallel_loop3A_439 : vector<1x1x16xf32> to vector<16xf32>
          %parallel_loop3A_441 = vector.shape_cast %parallel_loop3A_434 : vector<16xf32> to vector<1x1x16xf32>
          tpu.vector_store %arg8[%parallel_loop3A_436, %parallel_loop3A_437, %parallel_loop3A_438], %parallel_loop3A_441 {add = true, strides = array<i32>} : memref<2x77x512xf32, #tpu.memory_space<vmem>>, vector<1x1x16xf32>,
          %parallel_loop3A_442 = arith.constant 512 : i32
          %parallel_loop3A_443 = arith.muli %parallel_loop3A_231, %parallel_loop3A_442 : i32
          %parallel_loop3A_444 = arith.constant 240 : i32
          %parallel_loop3A_445 = arith.addi %parallel_loop3A_443, %parallel_loop3A_444 : i32
          %parallel_loop3A_446 = arith.index_cast %parallel_loop3A_445 : i32 to index
          %parallel_loop3A_447 = tpu.vector_load %arg7[%parallel_loop3A_446] {strides = array<i32>} : memref<39424xf32, #tpu.memory_space<vmem>>, vector<16xf32>,
          %parallel_loop3A_448 = vector.shape_cast %parallel_loop3A_447 : vector<16xf32> to vector<16xf32>
          %parallel_loop3A_449 = arith.constant 0 : i32
          %parallel_loop3A_450 = arith.index_cast %parallel_loop3A_449 : i32 to index
          %parallel_loop3A_451 = arith.index_cast %parallel_loop3A_231 : i32 to index
          %parallel_loop3A_452 = arith.constant 240 : index
          %parallel_loop3A_453 = tpu.vector_load %arg8[%parallel_loop3A_450, %parallel_loop3A_451, %parallel_loop3A_452] {strides = array<i32>} : memref<2x77x512xf32, #tpu.memory_space<vmem>>, vector<1x1x16xf32>,
          %parallel_loop3A_454 = vector.shape_cast %parallel_loop3A_453 : vector<1x1x16xf32> to vector<16xf32>
          %parallel_loop3A_455 = vector.shape_cast %parallel_loop3A_448 : vector<16xf32> to vector<1x1x16xf32>
          tpu.vector_store %arg8[%parallel_loop3A_450, %parallel_loop3A_451, %parallel_loop3A_452], %parallel_loop3A_455 {add = true, strides = array<i32>} : memref<2x77x512xf32, #tpu.memory_space<vmem>>, vector<1x1x16xf32>,
          %parallel_loop3A_456 = arith.constant 512 : i32
          %parallel_loop3A_457 = arith.muli %parallel_loop3A_231, %parallel_loop3A_456 : i32
          %parallel_loop3A_458 = arith.constant 256 : i32
          %parallel_loop3A_459 = arith.addi %parallel_loop3A_457, %parallel_loop3A_458 : i32
          %parallel_loop3A_460 = arith.index_cast %parallel_loop3A_459 : i32 to index
          %parallel_loop3A_461 = tpu.vector_load %arg7[%parallel_loop3A_460] {strides = array<i32>} : memref<39424xf32, #tpu.memory_space<vmem>>, vector<16xf32>,
          %parallel_loop3A_462 = vector.shape_cast %parallel_loop3A_461 : vector<16xf32> to vector<16xf32>
          %parallel_loop3A_463 = arith.constant 0 : i32
          %parallel_loop3A_464 = arith.index_cast %parallel_loop3A_463 : i32 to index
          %parallel_loop3A_465 = arith.index_cast %parallel_loop3A_231 : i32 to index
          %parallel_loop3A_466 = arith.constant 256 : index
          %parallel_loop3A_467 = tpu.vector_load %arg8[%parallel_loop3A_464, %parallel_loop3A_465, %parallel_loop3A_466] {strides = array<i32>} : memref<2x77x512xf32, #tpu.memory_space<vmem>>, vector<1x1x16xf32>,
          %parallel_loop3A_468 = vector.shape_cast %parallel_loop3A_467 : vector<1x1x16xf32> to vector<16xf32>
          %parallel_loop3A_469 = vector.shape_cast %parallel_loop3A_462 : vector<16xf32> to vector<1x1x16xf32>
          tpu.vector_store %arg8[%parallel_loop3A_464, %parallel_loop3A_465, %parallel_loop3A_466], %parallel_loop3A_469 {add = true, strides = array<i32>} : memref<2x77x512xf32, #tpu.memory_space<vmem>>, vector<1x1x16xf32>,
          %parallel_loop3A_470 = arith.constant 512 : i32
          %parallel_loop3A_471 = arith.muli %parallel_loop3A_231, %parallel_loop3A_470 : i32
          %parallel_loop3A_472 = arith.constant 272 : i32
          %parallel_loop3A_473 = arith.addi %parallel_loop3A_471, %parallel_loop3A_472 : i32
          %parallel_loop3A_474 = arith.index_cast %parallel_loop3A_473 : i32 to index
          %parallel_loop3A_475 = tpu.vector_load %arg7[%parallel_loop3A_474] {strides = array<i32>} : memref<39424xf32, #tpu.memory_space<vmem>>, vector<16xf32>,
          %parallel_loop3A_476 = vector.shape_cast %parallel_loop3A_475 : vector<16xf32> to vector<16xf32>
          %parallel_loop3A_477 = arith.constant 0 : i32
          %parallel_loop3A_478 = arith.index_cast %parallel_loop3A_477 : i32 to index
          %parallel_loop3A_479 = arith.index_cast %parallel_loop3A_231 : i32 to index
          %parallel_loop3A_480 = arith.constant 272 : index
          %parallel_loop3A_481 = tpu.vector_load %arg8[%parallel_loop3A_478, %parallel_loop3A_479, %parallel_loop3A_480] {strides = array<i32>} : memref<2x77x512xf32, #tpu.memory_space<vmem>>, vector<1x1x16xf32>,
          %parallel_loop3A_482 = vector.shape_cast %parallel_loop3A_481 : vector<1x1x16xf32> to vector<16xf32>
          %parallel_loop3A_483 = vector.shape_cast %parallel_loop3A_476 : vector<16xf32> to vector<1x1x16xf32>
          tpu.vector_store %arg8[%parallel_loop3A_478, %parallel_loop3A_479, %parallel_loop3A_480], %parallel_loop3A_483 {add = true, strides = array<i32>} : memref<2x77x512xf32, #tpu.memory_space<vmem>>, vector<1x1x16xf32>,
          %parallel_loop3A_484 = arith.constant 512 : i32
          %parallel_loop3A_485 = arith.muli %parallel_loop3A_231, %parallel_loop3A_484 : i32
          %parallel_loop3A_486 = arith.constant 288 : i32
          %parallel_loop3A_487 = arith.addi %parallel_loop3A_485, %parallel_loop3A_486 : i32
          %parallel_loop3A_488 = arith.index_cast %parallel_loop3A_487 : i32 to index
          %parallel_loop3A_489 = tpu.vector_load %arg7[%parallel_loop3A_488] {strides = array<i32>} : memref<39424xf32, #tpu.memory_space<vmem>>, vector<16xf32>,
          %parallel_loop3A_490 = vector.shape_cast %parallel_loop3A_489 : vector<16xf32> to vector<16xf32>
          %parallel_loop3A_491 = arith.constant 0 : i32
          %parallel_loop3A_492 = arith.index_cast %parallel_loop3A_491 : i32 to index
          %parallel_loop3A_493 = arith.index_cast %parallel_loop3A_231 : i32 to index
          %parallel_loop3A_494 = arith.constant 288 : index
          %parallel_loop3A_495 = tpu.vector_load %arg8[%parallel_loop3A_492, %parallel_loop3A_493, %parallel_loop3A_494] {strides = array<i32>} : memref<2x77x512xf32, #tpu.memory_space<vmem>>, vector<1x1x16xf32>,
          %parallel_loop3A_496 = vector.shape_cast %parallel_loop3A_495 : vector<1x1x16xf32> to vector<16xf32>
          %parallel_loop3A_497 = vector.shape_cast %parallel_loop3A_490 : vector<16xf32> to vector<1x1x16xf32>
          tpu.vector_store %arg8[%parallel_loop3A_492, %parallel_loop3A_493, %parallel_loop3A_494], %parallel_loop3A_497 {add = true, strides = array<i32>} : memref<2x77x512xf32, #tpu.memory_space<vmem>>, vector<1x1x16xf32>,
          %parallel_loop3A_498 = arith.constant 512 : i32
          %parallel_loop3A_499 = arith.muli %parallel_loop3A_231, %parallel_loop3A_498 : i32
          %parallel_loop3A_500 = arith.constant 304 : i32
          %parallel_loop3A_501 = arith.addi %parallel_loop3A_499, %parallel_loop3A_500 : i32
          %parallel_loop3A_502 = arith.index_cast %parallel_loop3A_501 : i32 to index
          %parallel_loop3A_503 = tpu.vector_load %arg7[%parallel_loop3A_502] {strides = array<i32>} : memref<39424xf32, #tpu.memory_space<vmem>>, vector<16xf32>,
          %parallel_loop3A_504 = vector.shape_cast %parallel_loop3A_503 : vector<16xf32> to vector<16xf32>
          %parallel_loop3A_505 = arith.constant 0 : i32
          %parallel_loop3A_506 = arith.index_cast %parallel_loop3A_505 : i32 to index
          %parallel_loop3A_507 = arith.index_cast %parallel_loop3A_231 : i32 to index
          %parallel_loop3A_508 = arith.constant 304 : index
          %parallel_loop3A_509 = tpu.vector_load %arg8[%parallel_loop3A_506, %parallel_loop3A_507, %parallel_loop3A_508] {strides = array<i32>} : memref<2x77x512xf32, #tpu.memory_space<vmem>>, vector<1x1x16xf32>,
          %parallel_loop3A_510 = vector.shape_cast %parallel_loop3A_509 : vector<1x1x16xf32> to vector<16xf32>
          %parallel_loop3A_511 = vector.shape_cast %parallel_loop3A_504 : vector<16xf32> to vector<1x1x16xf32>
          tpu.vector_store %arg8[%parallel_loop3A_506, %parallel_loop3A_507, %parallel_loop3A_508], %parallel_loop3A_511 {add = true, strides = array<i32>} : memref<2x77x512xf32, #tpu.memory_space<vmem>>, vector<1x1x16xf32>,
          %parallel_loop3A_512 = arith.constant 512 : i32
          %parallel_loop3A_513 = arith.muli %parallel_loop3A_231, %parallel_loop3A_512 : i32
          %parallel_loop3A_514 = arith.constant 320 : i32
          %parallel_loop3A_515 = arith.addi %parallel_loop3A_513, %parallel_loop3A_514 : i32
          %parallel_loop3A_516 = arith.index_cast %parallel_loop3A_515 : i32 to index
          %parallel_loop3A_517 = tpu.vector_load %arg7[%parallel_loop3A_516] {strides = array<i32>} : memref<39424xf32, #tpu.memory_space<vmem>>, vector<16xf32>,
          %parallel_loop3A_518 = vector.shape_cast %parallel_loop3A_517 : vector<16xf32> to vector<16xf32>
          %parallel_loop3A_519 = arith.constant 0 : i32
          %parallel_loop3A_520 = arith.index_cast %parallel_loop3A_519 : i32 to index
          %parallel_loop3A_521 = arith.index_cast %parallel_loop3A_231 : i32 to index
          %parallel_loop3A_522 = arith.constant 320 : index
          %parallel_loop3A_523 = tpu.vector_load %arg8[%parallel_loop3A_520, %parallel_loop3A_521, %parallel_loop3A_522] {strides = array<i32>} : memref<2x77x512xf32, #tpu.memory_space<vmem>>, vector<1x1x16xf32>,
          %parallel_loop3A_524 = vector.shape_cast %parallel_loop3A_523 : vector<1x1x16xf32> to vector<16xf32>
          %parallel_loop3A_525 = vector.shape_cast %parallel_loop3A_518 : vector<16xf32> to vector<1x1x16xf32>
          tpu.vector_store %arg8[%parallel_loop3A_520, %parallel_loop3A_521, %parallel_loop3A_522], %parallel_loop3A_525 {add = true, strides = array<i32>} : memref<2x77x512xf32, #tpu.memory_space<vmem>>, vector<1x1x16xf32>,
          %parallel_loop3A_526 = arith.constant 512 : i32
          %parallel_loop3A_527 = arith.muli %parallel_loop3A_231, %parallel_loop3A_526 : i32
          %parallel_loop3A_528 = arith.constant 336 : i32
          %parallel_loop3A_529 = arith.addi %parallel_loop3A_527, %parallel_loop3A_528 : i32
          %parallel_loop3A_530 = arith.index_cast %parallel_loop3A_529 : i32 to index
          %parallel_loop3A_531 = tpu.vector_load %arg7[%parallel_loop3A_530] {strides = array<i32>} : memref<39424xf32, #tpu.memory_space<vmem>>, vector<16xf32>,
          %parallel_loop3A_532 = vector.shape_cast %parallel_loop3A_531 : vector<16xf32> to vector<16xf32>
          %parallel_loop3A_533 = arith.constant 0 : i32
          %parallel_loop3A_534 = arith.index_cast %parallel_loop3A_533 : i32 to index
          %parallel_loop3A_535 = arith.index_cast %parallel_loop3A_231 : i32 to index
          %parallel_loop3A_536 = arith.constant 336 : index
          %parallel_loop3A_537 = tpu.vector_load %arg8[%parallel_loop3A_534, %parallel_loop3A_535, %parallel_loop3A_536] {strides = array<i32>} : memref<2x77x512xf32, #tpu.memory_space<vmem>>, vector<1x1x16xf32>,
          %parallel_loop3A_538 = vector.shape_cast %parallel_loop3A_537 : vector<1x1x16xf32> to vector<16xf32>
          %parallel_loop3A_539 = vector.shape_cast %parallel_loop3A_532 : vector<16xf32> to vector<1x1x16xf32>
          tpu.vector_store %arg8[%parallel_loop3A_534, %parallel_loop3A_535, %parallel_loop3A_536], %parallel_loop3A_539 {add = true, strides = array<i32>} : memref<2x77x512xf32, #tpu.memory_space<vmem>>, vector<1x1x16xf32>,
          %parallel_loop3A_540 = arith.constant 512 : i32
          %parallel_loop3A_541 = arith.muli %parallel_loop3A_231, %parallel_loop3A_540 : i32
          %parallel_loop3A_542 = arith.constant 352 : i32
          %parallel_loop3A_543 = arith.addi %parallel_loop3A_541, %parallel_loop3A_542 : i32
          %parallel_loop3A_544 = arith.index_cast %parallel_loop3A_543 : i32 to index
          %parallel_loop3A_545 = tpu.vector_load %arg7[%parallel_loop3A_544] {strides = array<i32>} : memref<39424xf32, #tpu.memory_space<vmem>>, vector<16xf32>,
          %parallel_loop3A_546 = vector.shape_cast %parallel_loop3A_545 : vector<16xf32> to vector<16xf32>
          %parallel_loop3A_547 = arith.constant 0 : i32
          %parallel_loop3A_548 = arith.index_cast %parallel_loop3A_547 : i32 to index
          %parallel_loop3A_549 = arith.index_cast %parallel_loop3A_231 : i32 to index
          %parallel_loop3A_550 = arith.constant 352 : index
          %parallel_loop3A_551 = tpu.vector_load %arg8[%parallel_loop3A_548, %parallel_loop3A_549, %parallel_loop3A_550] {strides = array<i32>} : memref<2x77x512xf32, #tpu.memory_space<vmem>>, vector<1x1x16xf32>,
          %parallel_loop3A_552 = vector.shape_cast %parallel_loop3A_551 : vector<1x1x16xf32> to vector<16xf32>
          %parallel_loop3A_553 = vector.shape_cast %parallel_loop3A_546 : vector<16xf32> to vector<1x1x16xf32>
          tpu.vector_store %arg8[%parallel_loop3A_548, %parallel_loop3A_549, %parallel_loop3A_550], %parallel_loop3A_553 {add = true, strides = array<i32>} : memref<2x77x512xf32, #tpu.memory_space<vmem>>, vector<1x1x16xf32>,
          %parallel_loop3A_554 = arith.constant 512 : i32
          %parallel_loop3A_555 = arith.muli %parallel_loop3A_231, %parallel_loop3A_554 : i32
          %parallel_loop3A_556 = arith.constant 368 : i32
          %parallel_loop3A_557 = arith.addi %parallel_loop3A_555, %parallel_loop3A_556 : i32
          %parallel_loop3A_558 = arith.index_cast %parallel_loop3A_557 : i32 to index
          %parallel_loop3A_559 = tpu.vector_load %arg7[%parallel_loop3A_558] {strides = array<i32>} : memref<39424xf32, #tpu.memory_space<vmem>>, vector<16xf32>,
          %parallel_loop3A_560 = vector.shape_cast %parallel_loop3A_559 : vector<16xf32> to vector<16xf32>
          %parallel_loop3A_561 = arith.constant 0 : i32
          %parallel_loop3A_562 = arith.index_cast %parallel_loop3A_561 : i32 to index
          %parallel_loop3A_563 = arith.index_cast %parallel_loop3A_231 : i32 to index
          %parallel_loop3A_564 = arith.constant 368 : index
          %parallel_loop3A_565 = tpu.vector_load %arg8[%parallel_loop3A_562, %parallel_loop3A_563, %parallel_loop3A_564] {strides = array<i32>} : memref<2x77x512xf32, #tpu.memory_space<vmem>>, vector<1x1x16xf32>,
          %parallel_loop3A_566 = vector.shape_cast %parallel_loop3A_565 : vector<1x1x16xf32> to vector<16xf32>
          %parallel_loop3A_567 = vector.shape_cast %parallel_loop3A_560 : vector<16xf32> to vector<1x1x16xf32>
          tpu.vector_store %arg8[%parallel_loop3A_562, %parallel_loop3A_563, %parallel_loop3A_564], %parallel_loop3A_567 {add = true, strides = array<i32>} : memref<2x77x512xf32, #tpu.memory_space<vmem>>, vector<1x1x16xf32>,
          %parallel_loop3A_568 = arith.constant 512 : i32
          %parallel_loop3A_569 = arith.muli %parallel_loop3A_231, %parallel_loop3A_568 : i32
          %parallel_loop3A_570 = arith.constant 384 : i32
          %parallel_loop3A_571 = arith.addi %parallel_loop3A_569, %parallel_loop3A_570 : i32
          %parallel_loop3A_572 = arith.index_cast %parallel_loop3A_571 : i32 to index
          %parallel_loop3A_573 = tpu.vector_load %arg7[%parallel_loop3A_572] {strides = array<i32>} : memref<39424xf32, #tpu.memory_space<vmem>>, vector<16xf32>,
          %parallel_loop3A_574 = vector.shape_cast %parallel_loop3A_573 : vector<16xf32> to vector<16xf32>
          %parallel_loop3A_575 = arith.constant 0 : i32
          %parallel_loop3A_576 = arith.index_cast %parallel_loop3A_575 : i32 to index
          %parallel_loop3A_577 = arith.index_cast %parallel_loop3A_231 : i32 to index
          %parallel_loop3A_578 = arith.constant 384 : index
          %parallel_loop3A_579 = tpu.vector_load %arg8[%parallel_loop3A_576, %parallel_loop3A_577, %parallel_loop3A_578] {strides = array<i32>} : memref<2x77x512xf32, #tpu.memory_space<vmem>>, vector<1x1x16xf32>,
          %parallel_loop3A_580 = vector.shape_cast %parallel_loop3A_579 : vector<1x1x16xf32> to vector<16xf32>
          %parallel_loop3A_581 = vector.shape_cast %parallel_loop3A_574 : vector<16xf32> to vector<1x1x16xf32>
          tpu.vector_store %arg8[%parallel_loop3A_576, %parallel_loop3A_577, %parallel_loop3A_578], %parallel_loop3A_581 {add = true, strides = array<i32>} : memref<2x77x512xf32, #tpu.memory_space<vmem>>, vector<1x1x16xf32>,
          %parallel_loop3A_582 = arith.constant 512 : i32
          %parallel_loop3A_583 = arith.muli %parallel_loop3A_231, %parallel_loop3A_582 : i32
          %parallel_loop3A_584 = arith.constant 400 : i32
          %parallel_loop3A_585 = arith.addi %parallel_loop3A_583, %parallel_loop3A_584 : i32
          %parallel_loop3A_586 = arith.index_cast %parallel_loop3A_585 : i32 to index
          %parallel_loop3A_587 = tpu.vector_load %arg7[%parallel_loop3A_586] {strides = array<i32>} : memref<39424xf32, #tpu.memory_space<vmem>>, vector<16xf32>,
          %parallel_loop3A_588 = vector.shape_cast %parallel_loop3A_587 : vector<16xf32> to vector<16xf32>
          %parallel_loop3A_589 = arith.constant 0 : i32
          %parallel_loop3A_590 = arith.index_cast %parallel_loop3A_589 : i32 to index
          %parallel_loop3A_591 = arith.index_cast %parallel_loop3A_231 : i32 to index
          %parallel_loop3A_592 = arith.constant 400 : index
          %parallel_loop3A_593 = tpu.vector_load %arg8[%parallel_loop3A_590, %parallel_loop3A_591, %parallel_loop3A_592] {strides = array<i32>} : memref<2x77x512xf32, #tpu.memory_space<vmem>>, vector<1x1x16xf32>,
          %parallel_loop3A_594 = vector.shape_cast %parallel_loop3A_593 : vector<1x1x16xf32> to vector<16xf32>
          %parallel_loop3A_595 = vector.shape_cast %parallel_loop3A_588 : vector<16xf32> to vector<1x1x16xf32>
          tpu.vector_store %arg8[%parallel_loop3A_590, %parallel_loop3A_591, %parallel_loop3A_592], %parallel_loop3A_595 {add = true, strides = array<i32>} : memref<2x77x512xf32, #tpu.memory_space<vmem>>, vector<1x1x16xf32>,
          %parallel_loop3A_596 = arith.constant 512 : i32
          %parallel_loop3A_597 = arith.muli %parallel_loop3A_231, %parallel_loop3A_596 : i32
          %parallel_loop3A_598 = arith.constant 416 : i32
          %parallel_loop3A_599 = arith.addi %parallel_loop3A_597, %parallel_loop3A_598 : i32
          %parallel_loop3A_600 = arith.index_cast %parallel_loop3A_599 : i32 to index
          %parallel_loop3A_601 = tpu.vector_load %arg7[%parallel_loop3A_600] {strides = array<i32>} : memref<39424xf32, #tpu.memory_space<vmem>>, vector<16xf32>,
          %parallel_loop3A_602 = vector.shape_cast %parallel_loop3A_601 : vector<16xf32> to vector<16xf32>
          %parallel_loop3A_603 = arith.constant 0 : i32
          %parallel_loop3A_604 = arith.index_cast %parallel_loop3A_603 : i32 to index
          %parallel_loop3A_605 = arith.index_cast %parallel_loop3A_231 : i32 to index
          %parallel_loop3A_606 = arith.constant 416 : index
          %parallel_loop3A_607 = tpu.vector_load %arg8[%parallel_loop3A_604, %parallel_loop3A_605, %parallel_loop3A_606] {strides = array<i32>} : memref<2x77x512xf32, #tpu.memory_space<vmem>>, vector<1x1x16xf32>,
          %parallel_loop3A_608 = vector.shape_cast %parallel_loop3A_607 : vector<1x1x16xf32> to vector<16xf32>
          %parallel_loop3A_609 = vector.shape_cast %parallel_loop3A_602 : vector<16xf32> to vector<1x1x16xf32>
          tpu.vector_store %arg8[%parallel_loop3A_604, %parallel_loop3A_605, %parallel_loop3A_606], %parallel_loop3A_609 {add = true, strides = array<i32>} : memref<2x77x512xf32, #tpu.memory_space<vmem>>, vector<1x1x16xf32>,
          %parallel_loop3A_610 = arith.constant 512 : i32
          %parallel_loop3A_611 = arith.muli %parallel_loop3A_231, %parallel_loop3A_610 : i32
          %parallel_loop3A_612 = arith.constant 432 : i32
          %parallel_loop3A_613 = arith.addi %parallel_loop3A_611, %parallel_loop3A_612 : i32
          %parallel_loop3A_614 = arith.index_cast %parallel_loop3A_613 : i32 to index
          %parallel_loop3A_615 = tpu.vector_load %arg7[%parallel_loop3A_614] {strides = array<i32>} : memref<39424xf32, #tpu.memory_space<vmem>>, vector<16xf32>,
          %parallel_loop3A_616 = vector.shape_cast %parallel_loop3A_615 : vector<16xf32> to vector<16xf32>
          %parallel_loop3A_617 = arith.constant 0 : i32
          %parallel_loop3A_618 = arith.index_cast %parallel_loop3A_617 : i32 to index
          %parallel_loop3A_619 = arith.index_cast %parallel_loop3A_231 : i32 to index
          %parallel_loop3A_620 = arith.constant 432 : index
          %parallel_loop3A_621 = tpu.vector_load %arg8[%parallel_loop3A_618, %parallel_loop3A_619, %parallel_loop3A_620] {strides = array<i32>} : memref<2x77x512xf32, #tpu.memory_space<vmem>>, vector<1x1x16xf32>,
          %parallel_loop3A_622 = vector.shape_cast %parallel_loop3A_621 : vector<1x1x16xf32> to vector<16xf32>
          %parallel_loop3A_623 = vector.shape_cast %parallel_loop3A_616 : vector<16xf32> to vector<1x1x16xf32>
          tpu.vector_store %arg8[%parallel_loop3A_618, %parallel_loop3A_619, %parallel_loop3A_620], %parallel_loop3A_623 {add = true, strides = array<i32>} : memref<2x77x512xf32, #tpu.memory_space<vmem>>, vector<1x1x16xf32>,
          %parallel_loop3A_624 = arith.constant 512 : i32
          %parallel_loop3A_625 = arith.muli %parallel_loop3A_231, %parallel_loop3A_624 : i32
          %parallel_loop3A_626 = arith.constant 448 : i32
          %parallel_loop3A_627 = arith.addi %parallel_loop3A_625, %parallel_loop3A_626 : i32
          %parallel_loop3A_628 = arith.index_cast %parallel_loop3A_627 : i32 to index
          %parallel_loop3A_629 = tpu.vector_load %arg7[%parallel_loop3A_628] {strides = array<i32>} : memref<39424xf32, #tpu.memory_space<vmem>>, vector<16xf32>,
          %parallel_loop3A_630 = vector.shape_cast %parallel_loop3A_629 : vector<16xf32> to vector<16xf32>
          %parallel_loop3A_631 = arith.constant 0 : i32
          %parallel_loop3A_632 = arith.index_cast %parallel_loop3A_631 : i32 to index
          %parallel_loop3A_633 = arith.index_cast %parallel_loop3A_231 : i32 to index
          %parallel_loop3A_634 = arith.constant 448 : index
          %parallel_loop3A_635 = tpu.vector_load %arg8[%parallel_loop3A_632, %parallel_loop3A_633, %parallel_loop3A_634] {strides = array<i32>} : memref<2x77x512xf32, #tpu.memory_space<vmem>>, vector<1x1x16xf32>,
          %parallel_loop3A_636 = vector.shape_cast %parallel_loop3A_635 : vector<1x1x16xf32> to vector<16xf32>
          %parallel_loop3A_637 = vector.shape_cast %parallel_loop3A_630 : vector<16xf32> to vector<1x1x16xf32>
          tpu.vector_store %arg8[%parallel_loop3A_632, %parallel_loop3A_633, %parallel_loop3A_634], %parallel_loop3A_637 {add = true, strides = array<i32>} : memref<2x77x512xf32, #tpu.memory_space<vmem>>, vector<1x1x16xf32>,
          %parallel_loop3A_638 = arith.constant 512 : i32
          %parallel_loop3A_639 = arith.muli %parallel_loop3A_231, %parallel_loop3A_638 : i32
          %parallel_loop3A_640 = arith.constant 464 : i32
          %parallel_loop3A_641 = arith.addi %parallel_loop3A_639, %parallel_loop3A_640 : i32
          %parallel_loop3A_642 = arith.index_cast %parallel_loop3A_641 : i32 to index
          %parallel_loop3A_643 = tpu.vector_load %arg7[%parallel_loop3A_642] {strides = array<i32>} : memref<39424xf32, #tpu.memory_space<vmem>>, vector<16xf32>,
          %parallel_loop3A_644 = vector.shape_cast %parallel_loop3A_643 : vector<16xf32> to vector<16xf32>
          %parallel_loop3A_645 = arith.constant 0 : i32
          %parallel_loop3A_646 = arith.index_cast %parallel_loop3A_645 : i32 to index
          %parallel_loop3A_647 = arith.index_cast %parallel_loop3A_231 : i32 to index
          %parallel_loop3A_648 = arith.constant 464 : index
          %parallel_loop3A_649 = tpu.vector_load %arg8[%parallel_loop3A_646, %parallel_loop3A_647, %parallel_loop3A_648] {strides = array<i32>} : memref<2x77x512xf32, #tpu.memory_space<vmem>>, vector<1x1x16xf32>,
          %parallel_loop3A_650 = vector.shape_cast %parallel_loop3A_649 : vector<1x1x16xf32> to vector<16xf32>
          %parallel_loop3A_651 = vector.shape_cast %parallel_loop3A_644 : vector<16xf32> to vector<1x1x16xf32>
          tpu.vector_store %arg8[%parallel_loop3A_646, %parallel_loop3A_647, %parallel_loop3A_648], %parallel_loop3A_651 {add = true, strides = array<i32>} : memref<2x77x512xf32, #tpu.memory_space<vmem>>, vector<1x1x16xf32>,
          %parallel_loop3A_652 = arith.constant 512 : i32
          %parallel_loop3A_653 = arith.muli %parallel_loop3A_231, %parallel_loop3A_652 : i32
          %parallel_loop3A_654 = arith.constant 480 : i32
          %parallel_loop3A_655 = arith.addi %parallel_loop3A_653, %parallel_loop3A_654 : i32
          %parallel_loop3A_656 = arith.index_cast %parallel_loop3A_655 : i32 to index
          %parallel_loop3A_657 = tpu.vector_load %arg7[%parallel_loop3A_656] {strides = array<i32>} : memref<39424xf32, #tpu.memory_space<vmem>>, vector<16xf32>,
          %parallel_loop3A_658 = vector.shape_cast %parallel_loop3A_657 : vector<16xf32> to vector<16xf32>
          %parallel_loop3A_659 = arith.constant 0 : i32
          %parallel_loop3A_660 = arith.index_cast %parallel_loop3A_659 : i32 to index
          %parallel_loop3A_661 = arith.index_cast %parallel_loop3A_231 : i32 to index
          %parallel_loop3A_662 = arith.constant 480 : index
          %parallel_loop3A_663 = tpu.vector_load %arg8[%parallel_loop3A_660, %parallel_loop3A_661, %parallel_loop3A_662] {strides = array<i32>} : memref<2x77x512xf32, #tpu.memory_space<vmem>>, vector<1x1x16xf32>,
          %parallel_loop3A_664 = vector.shape_cast %parallel_loop3A_663 : vector<1x1x16xf32> to vector<16xf32>
          %parallel_loop3A_665 = vector.shape_cast %parallel_loop3A_658 : vector<16xf32> to vector<1x1x16xf32>
          tpu.vector_store %arg8[%parallel_loop3A_660, %parallel_loop3A_661, %parallel_loop3A_662], %parallel_loop3A_665 {add = true, strides = array<i32>} : memref<2x77x512xf32, #tpu.memory_space<vmem>>, vector<1x1x16xf32>,
          %parallel_loop3A_666 = arith.constant 512 : i32
          %parallel_loop3A_667 = arith.muli %parallel_loop3A_231, %parallel_loop3A_666 : i32
          %parallel_loop3A_668 = arith.constant 496 : i32
          %parallel_loop3A_669 = arith.addi %parallel_loop3A_667, %parallel_loop3A_668 : i32
          %parallel_loop3A_670 = arith.index_cast %parallel_loop3A_669 : i32 to index
          %parallel_loop3A_671 = tpu.vector_load %arg7[%parallel_loop3A_670] {strides = array<i32>} : memref<39424xf32, #tpu.memory_space<vmem>>, vector<16xf32>,
          %parallel_loop3A_672 = vector.shape_cast %parallel_loop3A_671 : vector<16xf32> to vector<16xf32>
          %parallel_loop3A_673 = arith.constant 0 : i32
          %parallel_loop3A_674 = arith.index_cast %parallel_loop3A_673 : i32 to index
          %parallel_loop3A_675 = arith.index_cast %parallel_loop3A_231 : i32 to index
          %parallel_loop3A_676 = arith.constant 496 : index
          %parallel_loop3A_677 = tpu.vector_load %arg8[%parallel_loop3A_674, %parallel_loop3A_675, %parallel_loop3A_676] {strides = array<i32>} : memref<2x77x512xf32, #tpu.memory_space<vmem>>, vector<1x1x16xf32>,
          %parallel_loop3A_678 = vector.shape_cast %parallel_loop3A_677 : vector<1x1x16xf32> to vector<16xf32>
          %parallel_loop3A_679 = vector.shape_cast %parallel_loop3A_672 : vector<16xf32> to vector<1x1x16xf32>
          tpu.vector_store %arg8[%parallel_loop3A_674, %parallel_loop3A_675, %parallel_loop3A_676], %parallel_loop3A_679 {add = true, strides = array<i32>} : memref<2x77x512xf32, #tpu.memory_space<vmem>>, vector<1x1x16xf32>,
        } {sc.loop_unroll_factor = 4 : i64, sc.parallel_access}
        %dma_wait3A_135 = arith.constant 0 : i32
        %dma_wait3A_136 = arith.constant 0 : i32
        %dma_wait3A_137 = tpu.memref_slice %arg3[%dma_wait3A_135, %dma_wait3A_136] : memref<49408x512xf32, #tpu.memory_space<hbm>> -> memref<16x512xf32, #tpu.memory_space<hbm>>
        %dma_wait3A_138 = arith.constant 0 : i32
        %dma_wait3A_139 = arith.constant 0 : i32
        %dma_wait3A_140 = tpu.memref_slice %arg3[%dma_wait3A_138, %dma_wait3A_139] : memref<49408x512xf32, #tpu.memory_space<hbm>> -> memref<16x512xf32, #tpu.memory_space<hbm>>
        tpu.wait_dma2 semaphore(%arg12 : memref<!tpu.dma_semaphore, #tpu.memory_space<semaphore_mem>>) src(%dma_wait3A_140 : memref<16x512xf32, #tpu.memory_space<hbm>>) dst(%arg9 : memref<16x512xf32, #tpu.memory_space<vmem>>)
        %parallel_loop3A_141 = arith.constant 0 : i32
        %parallel_loop3A_142 = arith.constant 13 : i32
        %parallel_loop3A_143 = arith.constant 1 : i32
        scf.for %parallel_loop3A_231 = %parallel_loop3A_141 to %parallel_loop3A_142 step %parallel_loop3A_143  : i32 {
          %parallel_loop3A_232 = arith.constant 3 : i32
          %parallel_loop3A_233 = arith.addi %parallel_loop3A_231, %parallel_loop3A_232 : i32
          %parallel_loop3A_234 = arith.index_cast %parallel_loop3A_233 : i32 to index
          %parallel_loop3A_235 = arith.constant 0 : index
          %parallel_loop3A_236 = tpu.vector_load %arg9[%parallel_loop3A_234, %parallel_loop3A_235] {strides = array<i32>} : memref<16x512xf32, #tpu.memory_space<vmem>>, vector<1x16xf32>,
          %parallel_loop3A_237 = vector.shape_cast %parallel_loop3A_236 : vector<1x16xf32> to vector<16xf32>
          %parallel_loop3A_238 = arith.constant 64 : i32
          %parallel_loop3A_239 = arith.addi %parallel_loop3A_238, %parallel_loop3A_231 : i32
          %parallel_loop3A_240 = arith.constant 512 : i32
          %parallel_loop3A_241 = arith.muli %parallel_loop3A_239, %parallel_loop3A_240 : i32
          %parallel_loop3A_242 = arith.constant 0 : i32
          %parallel_loop3A_243 = arith.addi %parallel_loop3A_241, %parallel_loop3A_242 : i32
          %parallel_loop3A_244 = arith.index_cast %parallel_loop3A_243 : i32 to index
          %parallel_loop3A_245 = tpu.vector_load %arg7[%parallel_loop3A_244] {strides = array<i32>} : memref<39424xf32, #tpu.memory_space<vmem>>, vector<16xf32>,
          %parallel_loop3A_246 = vector.shape_cast %parallel_loop3A_245 : vector<16xf32> to vector<16xf32>
          %parallel_loop3A_247 = arith.addf %parallel_loop3A_237, %parallel_loop3A_246 : vector<16xf32>
          %parallel_loop3A_248 = arith.constant 64 : i32
          %parallel_loop3A_249 = arith.addi %parallel_loop3A_248, %parallel_loop3A_231 : i32
          %parallel_loop3A_250 = arith.constant 0 : i32
          %parallel_loop3A_251 = arith.index_cast %parallel_loop3A_250 : i32 to index
          %parallel_loop3A_252 = arith.index_cast %parallel_loop3A_249 : i32 to index
          %parallel_loop3A_253 = arith.constant 0 : index
          %parallel_loop3A_254 = tpu.vector_load %arg8[%parallel_loop3A_251, %parallel_loop3A_252, %parallel_loop3A_253] {strides = array<i32>} : memref<2x77x512xf32, #tpu.memory_space<vmem>>, vector<1x1x16xf32>,
          %parallel_loop3A_255 = vector.shape_cast %parallel_loop3A_254 : vector<1x1x16xf32> to vector<16xf32>
          %parallel_loop3A_256 = vector.shape_cast %parallel_loop3A_247 : vector<16xf32> to vector<1x1x16xf32>
          tpu.vector_store %arg8[%parallel_loop3A_251, %parallel_loop3A_252, %parallel_loop3A_253], %parallel_loop3A_256 {strides = array<i32>} : memref<2x77x512xf32, #tpu.memory_space<vmem>>, vector<1x1x16xf32>,
          %parallel_loop3A_257 = arith.index_cast %parallel_loop3A_233 : i32 to index
          %parallel_loop3A_258 = arith.constant 16 : index
          %parallel_loop3A_259 = tpu.vector_load %arg9[%parallel_loop3A_257, %parallel_loop3A_258] {strides = array<i32>} : memref<16x512xf32, #tpu.memory_space<vmem>>, vector<1x16xf32>,
          %parallel_loop3A_260 = vector.shape_cast %parallel_loop3A_259 : vector<1x16xf32> to vector<16xf32>
          %parallel_loop3A_261 = arith.constant 64 : i32
          %parallel_loop3A_262 = arith.addi %parallel_loop3A_261, %parallel_loop3A_231 : i32
          %parallel_loop3A_263 = arith.constant 512 : i32
          %parallel_loop3A_264 = arith.muli %parallel_loop3A_262, %parallel_loop3A_263 : i32
          %parallel_loop3A_265 = arith.constant 16 : i32
          %parallel_loop3A_266 = arith.addi %parallel_loop3A_264, %parallel_loop3A_265 : i32
          %parallel_loop3A_267 = arith.index_cast %parallel_loop3A_266 : i32 to index
          %parallel_loop3A_268 = tpu.vector_load %arg7[%parallel_loop3A_267] {strides = array<i32>} : memref<39424xf32, #tpu.memory_space<vmem>>, vector<16xf32>,
          %parallel_loop3A_269 = vector.shape_cast %parallel_loop3A_268 : vector<16xf32> to vector<16xf32>
          %parallel_loop3A_270 = arith.addf %parallel_loop3A_260, %parallel_loop3A_269 : vector<16xf32>
          %parallel_loop3A_271 = arith.constant 64 : i32
          %parallel_loop3A_272 = arith.addi %parallel_loop3A_271, %parallel_loop3A_231 : i32
          %parallel_loop3A_273 = arith.constant 0 : i32
          %parallel_loop3A_274 = arith.index_cast %parallel_loop3A_273 : i32 to index
          %parallel_loop3A_275 = arith.index_cast %parallel_loop3A_272 : i32 to index
          %parallel_loop3A_276 = arith.constant 16 : index
          %parallel_loop3A_277 = tpu.vector_load %arg8[%parallel_loop3A_274, %parallel_loop3A_275, %parallel_loop3A_276] {strides = array<i32>} : memref<2x77x512xf32, #tpu.memory_space<vmem>>, vector<1x1x16xf32>,
          %parallel_loop3A_278 = vector.shape_cast %parallel_loop3A_277 : vector<1x1x16xf32> to vector<16xf32>
          %parallel_loop3A_279 = vector.shape_cast %parallel_loop3A_270 : vector<16xf32> to vector<1x1x16xf32>
          tpu.vector_store %arg8[%parallel_loop3A_274, %parallel_loop3A_275, %parallel_loop3A_276], %parallel_loop3A_279 {strides = array<i32>} : memref<2x77x512xf32, #tpu.memory_space<vmem>>, vector<1x1x16xf32>,
          %parallel_loop3A_280 = arith.index_cast %parallel_loop3A_233 : i32 to index
          %parallel_loop3A_281 = arith.constant 32 : index
          %parallel_loop3A_282 = tpu.vector_load %arg9[%parallel_loop3A_280, %parallel_loop3A_281] {strides = array<i32>} : memref<16x512xf32, #tpu.memory_space<vmem>>, vector<1x16xf32>,
          %parallel_loop3A_283 = vector.shape_cast %parallel_loop3A_282 : vector<1x16xf32> to vector<16xf32>
          %parallel_loop3A_284 = arith.constant 64 : i32
          %parallel_loop3A_285 = arith.addi %parallel_loop3A_284, %parallel_loop3A_231 : i32
          %parallel_loop3A_286 = arith.constant 512 : i32
          %parallel_loop3A_287 = arith.muli %parallel_loop3A_285, %parallel_loop3A_286 : i32
          %parallel_loop3A_288 = arith.constant 32 : i32
          %parallel_loop3A_289 = arith.addi %parallel_loop3A_287, %parallel_loop3A_288 : i32
          %parallel_loop3A_290 = arith.index_cast %parallel_loop3A_289 : i32 to index
          %parallel_loop3A_291 = tpu.vector_load %arg7[%parallel_loop3A_290] {strides = array<i32>} : memref<39424xf32, #tpu.memory_space<vmem>>, vector<16xf32>,
          %parallel_loop3A_292 = vector.shape_cast %parallel_loop3A_291 : vector<16xf32> to vector<16xf32>
          %parallel_loop3A_293 = arith.addf %parallel_loop3A_283, %parallel_loop3A_292 : vector<16xf32>
          %parallel_loop3A_294 = arith.constant 64 : i32
          %parallel_loop3A_295 = arith.addi %parallel_loop3A_294, %parallel_loop3A_231 : i32
          %parallel_loop3A_296 = arith.constant 0 : i32
          %parallel_loop3A_297 = arith.index_cast %parallel_loop3A_296 : i32 to index
          %parallel_loop3A_298 = arith.index_cast %parallel_loop3A_295 : i32 to index
          %parallel_loop3A_299 = arith.constant 32 : index
          %parallel_loop3A_300 = tpu.vector_load %arg8[%parallel_loop3A_297, %parallel_loop3A_298, %parallel_loop3A_299] {strides = array<i32>} : memref<2x77x512xf32, #tpu.memory_space<vmem>>, vector<1x1x16xf32>,
          %parallel_loop3A_301 = vector.shape_cast %parallel_loop3A_300 : vector<1x1x16xf32> to vector<16xf32>
          %parallel_loop3A_302 = vector.shape_cast %parallel_loop3A_293 : vector<16xf32> to vector<1x1x16xf32>
          tpu.vector_store %arg8[%parallel_loop3A_297, %parallel_loop3A_298, %parallel_loop3A_299], %parallel_loop3A_302 {strides = array<i32>} : memref<2x77x512xf32, #tpu.memory_space<vmem>>, vector<1x1x16xf32>,
          %parallel_loop3A_303 = arith.index_cast %parallel_loop3A_233 : i32 to index
          %parallel_loop3A_304 = arith.constant 48 : index
          %parallel_loop3A_305 = tpu.vector_load %arg9[%parallel_loop3A_303, %parallel_loop3A_304] {strides = array<i32>} : memref<16x512xf32, #tpu.memory_space<vmem>>, vector<1x16xf32>,
          %parallel_loop3A_306 = vector.shape_cast %parallel_loop3A_305 : vector<1x16xf32> to vector<16xf32>
          %parallel_loop3A_307 = arith.constant 64 : i32
          %parallel_loop3A_308 = arith.addi %parallel_loop3A_307, %parallel_loop3A_231 : i32
          %parallel_loop3A_309 = arith.constant 512 : i32
          %parallel_loop3A_310 = arith.muli %parallel_loop3A_308, %parallel_loop3A_309 : i32
          %parallel_loop3A_311 = arith.constant 48 : i32
          %parallel_loop3A_312 = arith.addi %parallel_loop3A_310, %parallel_loop3A_311 : i32
          %parallel_loop3A_313 = arith.index_cast %parallel_loop3A_312 : i32 to index
          %parallel_loop3A_314 = tpu.vector_load %arg7[%parallel_loop3A_313] {strides = array<i32>} : memref<39424xf32, #tpu.memory_space<vmem>>, vector<16xf32>,
          %parallel_loop3A_315 = vector.shape_cast %parallel_loop3A_314 : vector<16xf32> to vector<16xf32>
          %parallel_loop3A_316 = arith.addf %parallel_loop3A_306, %parallel_loop3A_315 : vector<16xf32>
          %parallel_loop3A_317 = arith.constant 64 : i32
          %parallel_loop3A_318 = arith.addi %parallel_loop3A_317, %parallel_loop3A_231 : i32
          %parallel_loop3A_319 = arith.constant 0 : i32
          %parallel_loop3A_320 = arith.index_cast %parallel_loop3A_319 : i32 to index
          %parallel_loop3A_321 = arith.index_cast %parallel_loop3A_318 : i32 to index
          %parallel_loop3A_322 = arith.constant 48 : index
          %parallel_loop3A_323 = tpu.vector_load %arg8[%parallel_loop3A_320, %parallel_loop3A_321, %parallel_loop3A_322] {strides = array<i32>} : memref<2x77x512xf32, #tpu.memory_space<vmem>>, vector<1x1x16xf32>,
          %parallel_loop3A_324 = vector.shape_cast %parallel_loop3A_323 : vector<1x1x16xf32> to vector<16xf32>
          %parallel_loop3A_325 = vector.shape_cast %parallel_loop3A_316 : vector<16xf32> to vector<1x1x16xf32>
          tpu.vector_store %arg8[%parallel_loop3A_320, %parallel_loop3A_321, %parallel_loop3A_322], %parallel_loop3A_325 {strides = array<i32>} : memref<2x77x512xf32, #tpu.memory_space<vmem>>, vector<1x1x16xf32>,
          %parallel_loop3A_326 = arith.index_cast %parallel_loop3A_233 : i32 to index
          %parallel_loop3A_327 = arith.constant 64 : index
          %parallel_loop3A_328 = tpu.vector_load %arg9[%parallel_loop3A_326, %parallel_loop3A_327] {strides = array<i32>} : memref<16x512xf32, #tpu.memory_space<vmem>>, vector<1x16xf32>,
          %parallel_loop3A_329 = vector.shape_cast %parallel_loop3A_328 : vector<1x16xf32> to vector<16xf32>
          %parallel_loop3A_330 = arith.constant 64 : i32
          %parallel_loop3A_331 = arith.addi %parallel_loop3A_330, %parallel_loop3A_231 : i32
          %parallel_loop3A_332 = arith.constant 512 : i32
          %parallel_loop3A_333 = arith.muli %parallel_loop3A_331, %parallel_loop3A_332 : i32
          %parallel_loop3A_334 = arith.constant 64 : i32
          %parallel_loop3A_335 = arith.addi %parallel_loop3A_333, %parallel_loop3A_334 : i32
          %parallel_loop3A_336 = arith.index_cast %parallel_loop3A_335 : i32 to index
          %parallel_loop3A_337 = tpu.vector_load %arg7[%parallel_loop3A_336] {strides = array<i32>} : memref<39424xf32, #tpu.memory_space<vmem>>, vector<16xf32>,
          %parallel_loop3A_338 = vector.shape_cast %parallel_loop3A_337 : vector<16xf32> to vector<16xf32>
          %parallel_loop3A_339 = arith.addf %parallel_loop3A_329, %parallel_loop3A_338 : vector<16xf32>
          %parallel_loop3A_340 = arith.constant 64 : i32
          %parallel_loop3A_341 = arith.addi %parallel_loop3A_340, %parallel_loop3A_231 : i32
          %parallel_loop3A_342 = arith.constant 0 : i32
          %parallel_loop3A_343 = arith.index_cast %parallel_loop3A_342 : i32 to index
          %parallel_loop3A_344 = arith.index_cast %parallel_loop3A_341 : i32 to index
          %parallel_loop3A_345 = arith.constant 64 : index
          %parallel_loop3A_346 = tpu.vector_load %arg8[%parallel_loop3A_343, %parallel_loop3A_344, %parallel_loop3A_345] {strides = array<i32>} : memref<2x77x512xf32, #tpu.memory_space<vmem>>, vector<1x1x16xf32>,
          %parallel_loop3A_347 = vector.shape_cast %parallel_loop3A_346 : vector<1x1x16xf32> to vector<16xf32>
          %parallel_loop3A_348 = vector.shape_cast %parallel_loop3A_339 : vector<16xf32> to vector<1x1x16xf32>
          tpu.vector_store %arg8[%parallel_loop3A_343, %parallel_loop3A_344, %parallel_loop3A_345], %parallel_loop3A_348 {strides = array<i32>} : memref<2x77x512xf32, #tpu.memory_space<vmem>>, vector<1x1x16xf32>,
          %parallel_loop3A_349 = arith.index_cast %parallel_loop3A_233 : i32 to index
          %parallel_loop3A_350 = arith.constant 80 : index
          %parallel_loop3A_351 = tpu.vector_load %arg9[%parallel_loop3A_349, %parallel_loop3A_350] {strides = array<i32>} : memref<16x512xf32, #tpu.memory_space<vmem>>, vector<1x16xf32>,
          %parallel_loop3A_352 = vector.shape_cast %parallel_loop3A_351 : vector<1x16xf32> to vector<16xf32>
          %parallel_loop3A_353 = arith.constant 64 : i32
          %parallel_loop3A_354 = arith.addi %parallel_loop3A_353, %parallel_loop3A_231 : i32
          %parallel_loop3A_355 = arith.constant 512 : i32
          %parallel_loop3A_356 = arith.muli %parallel_loop3A_354, %parallel_loop3A_355 : i32
          %parallel_loop3A_357 = arith.constant 80 : i32
          %parallel_loop3A_358 = arith.addi %parallel_loop3A_356, %parallel_loop3A_357 : i32
          %parallel_loop3A_359 = arith.index_cast %parallel_loop3A_358 : i32 to index
          %parallel_loop3A_360 = tpu.vector_load %arg7[%parallel_loop3A_359] {strides = array<i32>} : memref<39424xf32, #tpu.memory_space<vmem>>, vector<16xf32>,
          %parallel_loop3A_361 = vector.shape_cast %parallel_loop3A_360 : vector<16xf32> to vector<16xf32>
          %parallel_loop3A_362 = arith.addf %parallel_loop3A_352, %parallel_loop3A_361 : vector<16xf32>
          %parallel_loop3A_363 = arith.constant 64 : i32
          %parallel_loop3A_364 = arith.addi %parallel_loop3A_363, %parallel_loop3A_231 : i32
          %parallel_loop3A_365 = arith.constant 0 : i32
          %parallel_loop3A_366 = arith.index_cast %parallel_loop3A_365 : i32 to index
          %parallel_loop3A_367 = arith.index_cast %parallel_loop3A_364 : i32 to index
          %parallel_loop3A_368 = arith.constant 80 : index
          %parallel_loop3A_369 = tpu.vector_load %arg8[%parallel_loop3A_366, %parallel_loop3A_367, %parallel_loop3A_368] {strides = array<i32>} : memref<2x77x512xf32, #tpu.memory_space<vmem>>, vector<1x1x16xf32>,
          %parallel_loop3A_370 = vector.shape_cast %parallel_loop3A_369 : vector<1x1x16xf32> to vector<16xf32>
          %parallel_loop3A_371 = vector.shape_cast %parallel_loop3A_362 : vector<16xf32> to vector<1x1x16xf32>
          tpu.vector_store %arg8[%parallel_loop3A_366, %parallel_loop3A_367, %parallel_loop3A_368], %parallel_loop3A_371 {strides = array<i32>} : memref<2x77x512xf32, #tpu.memory_space<vmem>>, vector<1x1x16xf32>,
          %parallel_loop3A_372 = arith.index_cast %parallel_loop3A_233 : i32 to index
          %parallel_loop3A_373 = arith.constant 96 : index
          %parallel_loop3A_374 = tpu.vector_load %arg9[%parallel_loop3A_372, %parallel_loop3A_373] {strides = array<i32>} : memref<16x512xf32, #tpu.memory_space<vmem>>, vector<1x16xf32>,
          %parallel_loop3A_375 = vector.shape_cast %parallel_loop3A_374 : vector<1x16xf32> to vector<16xf32>
          %parallel_loop3A_376 = arith.constant 64 : i32
          %parallel_loop3A_377 = arith.addi %parallel_loop3A_376, %parallel_loop3A_231 : i32
          %parallel_loop3A_378 = arith.constant 512 : i32
          %parallel_loop3A_379 = arith.muli %parallel_loop3A_377, %parallel_loop3A_378 : i32
          %parallel_loop3A_380 = arith.constant 96 : i32
          %parallel_loop3A_381 = arith.addi %parallel_loop3A_379, %parallel_loop3A_380 : i32
          %parallel_loop3A_382 = arith.index_cast %parallel_loop3A_381 : i32 to index
          %parallel_loop3A_383 = tpu.vector_load %arg7[%parallel_loop3A_382] {strides = array<i32>} : memref<39424xf32, #tpu.memory_space<vmem>>, vector<16xf32>,
          %parallel_loop3A_384 = vector.shape_cast %parallel_loop3A_383 : vector<16xf32> to vector<16xf32>
          %parallel_loop3A_385 = arith.addf %parallel_loop3A_375, %parallel_loop3A_384 : vector<16xf32>
          %parallel_loop3A_386 = arith.constant 64 : i32
          %parallel_loop3A_387 = arith.addi %parallel_loop3A_386, %parallel_loop3A_231 : i32
          %parallel_loop3A_388 = arith.constant 0 : i32
          %parallel_loop3A_389 = arith.index_cast %parallel_loop3A_388 : i32 to index
          %parallel_loop3A_390 = arith.index_cast %parallel_loop3A_387 : i32 to index
          %parallel_loop3A_391 = arith.constant 96 : index
          %parallel_loop3A_392 = tpu.vector_load %arg8[%parallel_loop3A_389, %parallel_loop3A_390, %parallel_loop3A_391] {strides = array<i32>} : memref<2x77x512xf32, #tpu.memory_space<vmem>>, vector<1x1x16xf32>,
          %parallel_loop3A_393 = vector.shape_cast %parallel_loop3A_392 : vector<1x1x16xf32> to vector<16xf32>
          %parallel_loop3A_394 = vector.shape_cast %parallel_loop3A_385 : vector<16xf32> to vector<1x1x16xf32>
          tpu.vector_store %arg8[%parallel_loop3A_389, %parallel_loop3A_390, %parallel_loop3A_391], %parallel_loop3A_394 {strides = array<i32>} : memref<2x77x512xf32, #tpu.memory_space<vmem>>, vector<1x1x16xf32>,
          %parallel_loop3A_395 = arith.index_cast %parallel_loop3A_233 : i32 to index
          %parallel_loop3A_396 = arith.constant 112 : index
          %parallel_loop3A_397 = tpu.vector_load %arg9[%parallel_loop3A_395, %parallel_loop3A_396] {strides = array<i32>} : memref<16x512xf32, #tpu.memory_space<vmem>>, vector<1x16xf32>,
          %parallel_loop3A_398 = vector.shape_cast %parallel_loop3A_397 : vector<1x16xf32> to vector<16xf32>
          %parallel_loop3A_399 = arith.constant 64 : i32
          %parallel_loop3A_400 = arith.addi %parallel_loop3A_399, %parallel_loop3A_231 : i32
          %parallel_loop3A_401 = arith.constant 512 : i32
          %parallel_loop3A_402 = arith.muli %parallel_loop3A_400, %parallel_loop3A_401 : i32
          %parallel_loop3A_403 = arith.constant 112 : i32
          %parallel_loop3A_404 = arith.addi %parallel_loop3A_402, %parallel_loop3A_403 : i32
          %parallel_loop3A_405 = arith.index_cast %parallel_loop3A_404 : i32 to index
          %parallel_loop3A_406 = tpu.vector_load %arg7[%parallel_loop3A_405] {strides = array<i32>} : memref<39424xf32, #tpu.memory_space<vmem>>, vector<16xf32>,
          %parallel_loop3A_407 = vector.shape_cast %parallel_loop3A_406 : vector<16xf32> to vector<16xf32>
          %parallel_loop3A_408 = arith.addf %parallel_loop3A_398, %parallel_loop3A_407 : vector<16xf32>
          %parallel_loop3A_409 = arith.constant 64 : i32
          %parallel_loop3A_410 = arith.addi %parallel_loop3A_409, %parallel_loop3A_231 : i32
          %parallel_loop3A_411 = arith.constant 0 : i32
          %parallel_loop3A_412 = arith.index_cast %parallel_loop3A_411 : i32 to index
          %parallel_loop3A_413 = arith.index_cast %parallel_loop3A_410 : i32 to index
          %parallel_loop3A_414 = arith.constant 112 : index
          %parallel_loop3A_415 = tpu.vector_load %arg8[%parallel_loop3A_412, %parallel_loop3A_413, %parallel_loop3A_414] {strides = array<i32>} : memref<2x77x512xf32, #tpu.memory_space<vmem>>, vector<1x1x16xf32>,
          %parallel_loop3A_416 = vector.shape_cast %parallel_loop3A_415 : vector<1x1x16xf32> to vector<16xf32>
          %parallel_loop3A_417 = vector.shape_cast %parallel_loop3A_408 : vector<16xf32> to vector<1x1x16xf32>
          tpu.vector_store %arg8[%parallel_loop3A_412, %parallel_loop3A_413, %parallel_loop3A_414], %parallel_loop3A_417 {strides = array<i32>} : memref<2x77x512xf32, #tpu.memory_space<vmem>>, vector<1x1x16xf32>,
          %parallel_loop3A_418 = arith.index_cast %parallel_loop3A_233 : i32 to index
          %parallel_loop3A_419 = arith.constant 128 : index
          %parallel_loop3A_420 = tpu.vector_load %arg9[%parallel_loop3A_418, %parallel_loop3A_419] {strides = array<i32>} : memref<16x512xf32, #tpu.memory_space<vmem>>, vector<1x16xf32>,
          %parallel_loop3A_421 = vector.shape_cast %parallel_loop3A_420 : vector<1x16xf32> to vector<16xf32>
          %parallel_loop3A_422 = arith.constant 64 : i32
          %parallel_loop3A_423 = arith.addi %parallel_loop3A_422, %parallel_loop3A_231 : i32
          %parallel_loop3A_424 = arith.constant 512 : i32
          %parallel_loop3A_425 = arith.muli %parallel_loop3A_423, %parallel_loop3A_424 : i32
          %parallel_loop3A_426 = arith.constant 128 : i32
          %parallel_loop3A_427 = arith.addi %parallel_loop3A_425, %parallel_loop3A_426 : i32
          %parallel_loop3A_428 = arith.index_cast %parallel_loop3A_427 : i32 to index
          %parallel_loop3A_429 = tpu.vector_load %arg7[%parallel_loop3A_428] {strides = array<i32>} : memref<39424xf32, #tpu.memory_space<vmem>>, vector<16xf32>,
          %parallel_loop3A_430 = vector.shape_cast %parallel_loop3A_429 : vector<16xf32> to vector<16xf32>
          %parallel_loop3A_431 = arith.addf %parallel_loop3A_421, %parallel_loop3A_430 : vector<16xf32>
          %parallel_loop3A_432 = arith.constant 64 : i32
          %parallel_loop3A_433 = arith.addi %parallel_loop3A_432, %parallel_loop3A_231 : i32
          %parallel_loop3A_434 = arith.constant 0 : i32
          %parallel_loop3A_435 = arith.index_cast %parallel_loop3A_434 : i32 to index
          %parallel_loop3A_436 = arith.index_cast %parallel_loop3A_433 : i32 to index
          %parallel_loop3A_437 = arith.constant 128 : index
          %parallel_loop3A_438 = tpu.vector_load %arg8[%parallel_loop3A_435, %parallel_loop3A_436, %parallel_loop3A_437] {strides = array<i32>} : memref<2x77x512xf32, #tpu.memory_space<vmem>>, vector<1x1x16xf32>,
          %parallel_loop3A_439 = vector.shape_cast %parallel_loop3A_438 : vector<1x1x16xf32> to vector<16xf32>
          %parallel_loop3A_440 = vector.shape_cast %parallel_loop3A_431 : vector<16xf32> to vector<1x1x16xf32>
          tpu.vector_store %arg8[%parallel_loop3A_435, %parallel_loop3A_436, %parallel_loop3A_437], %parallel_loop3A_440 {strides = array<i32>} : memref<2x77x512xf32, #tpu.memory_space<vmem>>, vector<1x1x16xf32>,
          %parallel_loop3A_441 = arith.index_cast %parallel_loop3A_233 : i32 to index
          %parallel_loop3A_442 = arith.constant 144 : index
          %parallel_loop3A_443 = tpu.vector_load %arg9[%parallel_loop3A_441, %parallel_loop3A_442] {strides = array<i32>} : memref<16x512xf32, #tpu.memory_space<vmem>>, vector<1x16xf32>,
          %parallel_loop3A_444 = vector.shape_cast %parallel_loop3A_443 : vector<1x16xf32> to vector<16xf32>
          %parallel_loop3A_445 = arith.constant 64 : i32
          %parallel_loop3A_446 = arith.addi %parallel_loop3A_445, %parallel_loop3A_231 : i32
          %parallel_loop3A_447 = arith.constant 512 : i32
          %parallel_loop3A_448 = arith.muli %parallel_loop3A_446, %parallel_loop3A_447 : i32
          %parallel_loop3A_449 = arith.constant 144 : i32
          %parallel_loop3A_450 = arith.addi %parallel_loop3A_448, %parallel_loop3A_449 : i32
          %parallel_loop3A_451 = arith.index_cast %parallel_loop3A_450 : i32 to index
          %parallel_loop3A_452 = tpu.vector_load %arg7[%parallel_loop3A_451] {strides = array<i32>} : memref<39424xf32, #tpu.memory_space<vmem>>, vector<16xf32>,
          %parallel_loop3A_453 = vector.shape_cast %parallel_loop3A_452 : vector<16xf32> to vector<16xf32>
          %parallel_loop3A_454 = arith.addf %parallel_loop3A_444, %parallel_loop3A_453 : vector<16xf32>
          %parallel_loop3A_455 = arith.constant 64 : i32
          %parallel_loop3A_456 = arith.addi %parallel_loop3A_455, %parallel_loop3A_231 : i32
          %parallel_loop3A_457 = arith.constant 0 : i32
          %parallel_loop3A_458 = arith.index_cast %parallel_loop3A_457 : i32 to index
          %parallel_loop3A_459 = arith.index_cast %parallel_loop3A_456 : i32 to index
          %parallel_loop3A_460 = arith.constant 144 : index
          %parallel_loop3A_461 = tpu.vector_load %arg8[%parallel_loop3A_458, %parallel_loop3A_459, %parallel_loop3A_460] {strides = array<i32>} : memref<2x77x512xf32, #tpu.memory_space<vmem>>, vector<1x1x16xf32>,
          %parallel_loop3A_462 = vector.shape_cast %parallel_loop3A_461 : vector<1x1x16xf32> to vector<16xf32>
          %parallel_loop3A_463 = vector.shape_cast %parallel_loop3A_454 : vector<16xf32> to vector<1x1x16xf32>
          tpu.vector_store %arg8[%parallel_loop3A_458, %parallel_loop3A_459, %parallel_loop3A_460], %parallel_loop3A_463 {strides = array<i32>} : memref<2x77x512xf32, #tpu.memory_space<vmem>>, vector<1x1x16xf32>,
          %parallel_loop3A_464 = arith.index_cast %parallel_loop3A_233 : i32 to index
          %parallel_loop3A_465 = arith.constant 160 : index
          %parallel_loop3A_466 = tpu.vector_load %arg9[%parallel_loop3A_464, %parallel_loop3A_465] {strides = array<i32>} : memref<16x512xf32, #tpu.memory_space<vmem>>, vector<1x16xf32>,
          %parallel_loop3A_467 = vector.shape_cast %parallel_loop3A_466 : vector<1x16xf32> to vector<16xf32>
          %parallel_loop3A_468 = arith.constant 64 : i32
          %parallel_loop3A_469 = arith.addi %parallel_loop3A_468, %parallel_loop3A_231 : i32
          %parallel_loop3A_470 = arith.constant 512 : i32
          %parallel_loop3A_471 = arith.muli %parallel_loop3A_469, %parallel_loop3A_470 : i32
          %parallel_loop3A_472 = arith.constant 160 : i32
          %parallel_loop3A_473 = arith.addi %parallel_loop3A_471, %parallel_loop3A_472 : i32
          %parallel_loop3A_474 = arith.index_cast %parallel_loop3A_473 : i32 to index
          %parallel_loop3A_475 = tpu.vector_load %arg7[%parallel_loop3A_474] {strides = array<i32>} : memref<39424xf32, #tpu.memory_space<vmem>>, vector<16xf32>,
          %parallel_loop3A_476 = vector.shape_cast %parallel_loop3A_475 : vector<16xf32> to vector<16xf32>
          %parallel_loop3A_477 = arith.addf %parallel_loop3A_467, %parallel_loop3A_476 : vector<16xf32>
          %parallel_loop3A_478 = arith.constant 64 : i32
          %parallel_loop3A_479 = arith.addi %parallel_loop3A_478, %parallel_loop3A_231 : i32
          %parallel_loop3A_480 = arith.constant 0 : i32
          %parallel_loop3A_481 = arith.index_cast %parallel_loop3A_480 : i32 to index
          %parallel_loop3A_482 = arith.index_cast %parallel_loop3A_479 : i32 to index
          %parallel_loop3A_483 = arith.constant 160 : index
          %parallel_loop3A_484 = tpu.vector_load %arg8[%parallel_loop3A_481, %parallel_loop3A_482, %parallel_loop3A_483] {strides = array<i32>} : memref<2x77x512xf32, #tpu.memory_space<vmem>>, vector<1x1x16xf32>,
          %parallel_loop3A_485 = vector.shape_cast %parallel_loop3A_484 : vector<1x1x16xf32> to vector<16xf32>
          %parallel_loop3A_486 = vector.shape_cast %parallel_loop3A_477 : vector<16xf32> to vector<1x1x16xf32>
          tpu.vector_store %arg8[%parallel_loop3A_481, %parallel_loop3A_482, %parallel_loop3A_483], %parallel_loop3A_486 {strides = array<i32>} : memref<2x77x512xf32, #tpu.memory_space<vmem>>, vector<1x1x16xf32>,
          %parallel_loop3A_487 = arith.index_cast %parallel_loop3A_233 : i32 to index
          %parallel_loop3A_488 = arith.constant 176 : index
          %parallel_loop3A_489 = tpu.vector_load %arg9[%parallel_loop3A_487, %parallel_loop3A_488] {strides = array<i32>} : memref<16x512xf32, #tpu.memory_space<vmem>>, vector<1x16xf32>,
          %parallel_loop3A_490 = vector.shape_cast %parallel_loop3A_489 : vector<1x16xf32> to vector<16xf32>
          %parallel_loop3A_491 = arith.constant 64 : i32
          %parallel_loop3A_492 = arith.addi %parallel_loop3A_491, %parallel_loop3A_231 : i32
          %parallel_loop3A_493 = arith.constant 512 : i32
          %parallel_loop3A_494 = arith.muli %parallel_loop3A_492, %parallel_loop3A_493 : i32
          %parallel_loop3A_495 = arith.constant 176 : i32
          %parallel_loop3A_496 = arith.addi %parallel_loop3A_494, %parallel_loop3A_495 : i32
          %parallel_loop3A_497 = arith.index_cast %parallel_loop3A_496 : i32 to index
          %parallel_loop3A_498 = tpu.vector_load %arg7[%parallel_loop3A_497] {strides = array<i32>} : memref<39424xf32, #tpu.memory_space<vmem>>, vector<16xf32>,
          %parallel_loop3A_499 = vector.shape_cast %parallel_loop3A_498 : vector<16xf32> to vector<16xf32>
          %parallel_loop3A_500 = arith.addf %parallel_loop3A_490, %parallel_loop3A_499 : vector<16xf32>
          %parallel_loop3A_501 = arith.constant 64 : i32
          %parallel_loop3A_502 = arith.addi %parallel_loop3A_501, %parallel_loop3A_231 : i32
          %parallel_loop3A_503 = arith.constant 0 : i32
          %parallel_loop3A_504 = arith.index_cast %parallel_loop3A_503 : i32 to index
          %parallel_loop3A_505 = arith.index_cast %parallel_loop3A_502 : i32 to index
          %parallel_loop3A_506 = arith.constant 176 : index
          %parallel_loop3A_507 = tpu.vector_load %arg8[%parallel_loop3A_504, %parallel_loop3A_505, %parallel_loop3A_506] {strides = array<i32>} : memref<2x77x512xf32, #tpu.memory_space<vmem>>, vector<1x1x16xf32>,
          %parallel_loop3A_508 = vector.shape_cast %parallel_loop3A_507 : vector<1x1x16xf32> to vector<16xf32>
          %parallel_loop3A_509 = vector.shape_cast %parallel_loop3A_500 : vector<16xf32> to vector<1x1x16xf32>
          tpu.vector_store %arg8[%parallel_loop3A_504, %parallel_loop3A_505, %parallel_loop3A_506], %parallel_loop3A_509 {strides = array<i32>} : memref<2x77x512xf32, #tpu.memory_space<vmem>>, vector<1x1x16xf32>,
          %parallel_loop3A_510 = arith.index_cast %parallel_loop3A_233 : i32 to index
          %parallel_loop3A_511 = arith.constant 192 : index
          %parallel_loop3A_512 = tpu.vector_load %arg9[%parallel_loop3A_510, %parallel_loop3A_511] {strides = array<i32>} : memref<16x512xf32, #tpu.memory_space<vmem>>, vector<1x16xf32>,
          %parallel_loop3A_513 = vector.shape_cast %parallel_loop3A_512 : vector<1x16xf32> to vector<16xf32>
          %parallel_loop3A_514 = arith.constant 64 : i32
          %parallel_loop3A_515 = arith.addi %parallel_loop3A_514, %parallel_loop3A_231 : i32
          %parallel_loop3A_516 = arith.constant 512 : i32
          %parallel_loop3A_517 = arith.muli %parallel_loop3A_515, %parallel_loop3A_516 : i32
          %parallel_loop3A_518 = arith.constant 192 : i32
          %parallel_loop3A_519 = arith.addi %parallel_loop3A_517, %parallel_loop3A_518 : i32
          %parallel_loop3A_520 = arith.index_cast %parallel_loop3A_519 : i32 to index
          %parallel_loop3A_521 = tpu.vector_load %arg7[%parallel_loop3A_520] {strides = array<i32>} : memref<39424xf32, #tpu.memory_space<vmem>>, vector<16xf32>,
          %parallel_loop3A_522 = vector.shape_cast %parallel_loop3A_521 : vector<16xf32> to vector<16xf32>
          %parallel_loop3A_523 = arith.addf %parallel_loop3A_513, %parallel_loop3A_522 : vector<16xf32>
          %parallel_loop3A_524 = arith.constant 64 : i32
          %parallel_loop3A_525 = arith.addi %parallel_loop3A_524, %parallel_loop3A_231 : i32
          %parallel_loop3A_526 = arith.constant 0 : i32
          %parallel_loop3A_527 = arith.index_cast %parallel_loop3A_526 : i32 to index
          %parallel_loop3A_528 = arith.index_cast %parallel_loop3A_525 : i32 to index
          %parallel_loop3A_529 = arith.constant 192 : index
          %parallel_loop3A_530 = tpu.vector_load %arg8[%parallel_loop3A_527, %parallel_loop3A_528, %parallel_loop3A_529] {strides = array<i32>} : memref<2x77x512xf32, #tpu.memory_space<vmem>>, vector<1x1x16xf32>,
          %parallel_loop3A_531 = vector.shape_cast %parallel_loop3A_530 : vector<1x1x16xf32> to vector<16xf32>
          %parallel_loop3A_532 = vector.shape_cast %parallel_loop3A_523 : vector<16xf32> to vector<1x1x16xf32>
          tpu.vector_store %arg8[%parallel_loop3A_527, %parallel_loop3A_528, %parallel_loop3A_529], %parallel_loop3A_532 {strides = array<i32>} : memref<2x77x512xf32, #tpu.memory_space<vmem>>, vector<1x1x16xf32>,
          %parallel_loop3A_533 = arith.index_cast %parallel_loop3A_233 : i32 to index
          %parallel_loop3A_534 = arith.constant 208 : index
          %parallel_loop3A_535 = tpu.vector_load %arg9[%parallel_loop3A_533, %parallel_loop3A_534] {strides = array<i32>} : memref<16x512xf32, #tpu.memory_space<vmem>>, vector<1x16xf32>,
          %parallel_loop3A_536 = vector.shape_cast %parallel_loop3A_535 : vector<1x16xf32> to vector<16xf32>
          %parallel_loop3A_537 = arith.constant 64 : i32
          %parallel_loop3A_538 = arith.addi %parallel_loop3A_537, %parallel_loop3A_231 : i32
          %parallel_loop3A_539 = arith.constant 512 : i32
          %parallel_loop3A_540 = arith.muli %parallel_loop3A_538, %parallel_loop3A_539 : i32
          %parallel_loop3A_541 = arith.constant 208 : i32
          %parallel_loop3A_542 = arith.addi %parallel_loop3A_540, %parallel_loop3A_541 : i32
          %parallel_loop3A_543 = arith.index_cast %parallel_loop3A_542 : i32 to index
          %parallel_loop3A_544 = tpu.vector_load %arg7[%parallel_loop3A_543] {strides = array<i32>} : memref<39424xf32, #tpu.memory_space<vmem>>, vector<16xf32>,
          %parallel_loop3A_545 = vector.shape_cast %parallel_loop3A_544 : vector<16xf32> to vector<16xf32>
          %parallel_loop3A_546 = arith.addf %parallel_loop3A_536, %parallel_loop3A_545 : vector<16xf32>
          %parallel_loop3A_547 = arith.constant 64 : i32
          %parallel_loop3A_548 = arith.addi %parallel_loop3A_547, %parallel_loop3A_231 : i32
          %parallel_loop3A_549 = arith.constant 0 : i32
          %parallel_loop3A_550 = arith.index_cast %parallel_loop3A_549 : i32 to index
          %parallel_loop3A_551 = arith.index_cast %parallel_loop3A_548 : i32 to index
          %parallel_loop3A_552 = arith.constant 208 : index
          %parallel_loop3A_553 = tpu.vector_load %arg8[%parallel_loop3A_550, %parallel_loop3A_551, %parallel_loop3A_552] {strides = array<i32>} : memref<2x77x512xf32, #tpu.memory_space<vmem>>, vector<1x1x16xf32>,
          %parallel_loop3A_554 = vector.shape_cast %parallel_loop3A_553 : vector<1x1x16xf32> to vector<16xf32>
          %parallel_loop3A_555 = vector.shape_cast %parallel_loop3A_546 : vector<16xf32> to vector<1x1x16xf32>
          tpu.vector_store %arg8[%parallel_loop3A_550, %parallel_loop3A_551, %parallel_loop3A_552], %parallel_loop3A_555 {strides = array<i32>} : memref<2x77x512xf32, #tpu.memory_space<vmem>>, vector<1x1x16xf32>,
          %parallel_loop3A_556 = arith.index_cast %parallel_loop3A_233 : i32 to index
          %parallel_loop3A_557 = arith.constant 224 : index
          %parallel_loop3A_558 = tpu.vector_load %arg9[%parallel_loop3A_556, %parallel_loop3A_557] {strides = array<i32>} : memref<16x512xf32, #tpu.memory_space<vmem>>, vector<1x16xf32>,
          %parallel_loop3A_559 = vector.shape_cast %parallel_loop3A_558 : vector<1x16xf32> to vector<16xf32>
          %parallel_loop3A_560 = arith.constant 64 : i32
          %parallel_loop3A_561 = arith.addi %parallel_loop3A_560, %parallel_loop3A_231 : i32
          %parallel_loop3A_562 = arith.constant 512 : i32
          %parallel_loop3A_563 = arith.muli %parallel_loop3A_561, %parallel_loop3A_562 : i32
          %parallel_loop3A_564 = arith.constant 224 : i32
          %parallel_loop3A_565 = arith.addi %parallel_loop3A_563, %parallel_loop3A_564 : i32
          %parallel_loop3A_566 = arith.index_cast %parallel_loop3A_565 : i32 to index
          %parallel_loop3A_567 = tpu.vector_load %arg7[%parallel_loop3A_566] {strides = array<i32>} : memref<39424xf32, #tpu.memory_space<vmem>>, vector<16xf32>,
          %parallel_loop3A_568 = vector.shape_cast %parallel_loop3A_567 : vector<16xf32> to vector<16xf32>
          %parallel_loop3A_569 = arith.addf %parallel_loop3A_559, %parallel_loop3A_568 : vector<16xf32>
          %parallel_loop3A_570 = arith.constant 64 : i32
          %parallel_loop3A_571 = arith.addi %parallel_loop3A_570, %parallel_loop3A_231 : i32
          %parallel_loop3A_572 = arith.constant 0 : i32
          %parallel_loop3A_573 = arith.index_cast %parallel_loop3A_572 : i32 to index
          %parallel_loop3A_574 = arith.index_cast %parallel_loop3A_571 : i32 to index
          %parallel_loop3A_575 = arith.constant 224 : index
          %parallel_loop3A_576 = tpu.vector_load %arg8[%parallel_loop3A_573, %parallel_loop3A_574, %parallel_loop3A_575] {strides = array<i32>} : memref<2x77x512xf32, #tpu.memory_space<vmem>>, vector<1x1x16xf32>,
          %parallel_loop3A_577 = vector.shape_cast %parallel_loop3A_576 : vector<1x1x16xf32> to vector<16xf32>
          %parallel_loop3A_578 = vector.shape_cast %parallel_loop3A_569 : vector<16xf32> to vector<1x1x16xf32>
          tpu.vector_store %arg8[%parallel_loop3A_573, %parallel_loop3A_574, %parallel_loop3A_575], %parallel_loop3A_578 {strides = array<i32>} : memref<2x77x512xf32, #tpu.memory_space<vmem>>, vector<1x1x16xf32>,
          %parallel_loop3A_579 = arith.index_cast %parallel_loop3A_233 : i32 to index
          %parallel_loop3A_580 = arith.constant 240 : index
          %parallel_loop3A_581 = tpu.vector_load %arg9[%parallel_loop3A_579, %parallel_loop3A_580] {strides = array<i32>} : memref<16x512xf32, #tpu.memory_space<vmem>>, vector<1x16xf32>,
          %parallel_loop3A_582 = vector.shape_cast %parallel_loop3A_581 : vector<1x16xf32> to vector<16xf32>
          %parallel_loop3A_583 = arith.constant 64 : i32
          %parallel_loop3A_584 = arith.addi %parallel_loop3A_583, %parallel_loop3A_231 : i32
          %parallel_loop3A_585 = arith.constant 512 : i32
          %parallel_loop3A_586 = arith.muli %parallel_loop3A_584, %parallel_loop3A_585 : i32
          %parallel_loop3A_587 = arith.constant 240 : i32
          %parallel_loop3A_588 = arith.addi %parallel_loop3A_586, %parallel_loop3A_587 : i32
          %parallel_loop3A_589 = arith.index_cast %parallel_loop3A_588 : i32 to index
          %parallel_loop3A_590 = tpu.vector_load %arg7[%parallel_loop3A_589] {strides = array<i32>} : memref<39424xf32, #tpu.memory_space<vmem>>, vector<16xf32>,
          %parallel_loop3A_591 = vector.shape_cast %parallel_loop3A_590 : vector<16xf32> to vector<16xf32>
          %parallel_loop3A_592 = arith.addf %parallel_loop3A_582, %parallel_loop3A_591 : vector<16xf32>
          %parallel_loop3A_593 = arith.constant 64 : i32
          %parallel_loop3A_594 = arith.addi %parallel_loop3A_593, %parallel_loop3A_231 : i32
          %parallel_loop3A_595 = arith.constant 0 : i32
          %parallel_loop3A_596 = arith.index_cast %parallel_loop3A_595 : i32 to index
          %parallel_loop3A_597 = arith.index_cast %parallel_loop3A_594 : i32 to index
          %parallel_loop3A_598 = arith.constant 240 : index
          %parallel_loop3A_599 = tpu.vector_load %arg8[%parallel_loop3A_596, %parallel_loop3A_597, %parallel_loop3A_598] {strides = array<i32>} : memref<2x77x512xf32, #tpu.memory_space<vmem>>, vector<1x1x16xf32>,
          %parallel_loop3A_600 = vector.shape_cast %parallel_loop3A_599 : vector<1x1x16xf32> to vector<16xf32>
          %parallel_loop3A_601 = vector.shape_cast %parallel_loop3A_592 : vector<16xf32> to vector<1x1x16xf32>
          tpu.vector_store %arg8[%parallel_loop3A_596, %parallel_loop3A_597, %parallel_loop3A_598], %parallel_loop3A_601 {strides = array<i32>} : memref<2x77x512xf32, #tpu.memory_space<vmem>>, vector<1x1x16xf32>,
          %parallel_loop3A_602 = arith.index_cast %parallel_loop3A_233 : i32 to index
          %parallel_loop3A_603 = arith.constant 256 : index
          %parallel_loop3A_604 = tpu.vector_load %arg9[%parallel_loop3A_602, %parallel_loop3A_603] {strides = array<i32>} : memref<16x512xf32, #tpu.memory_space<vmem>>, vector<1x16xf32>,
          %parallel_loop3A_605 = vector.shape_cast %parallel_loop3A_604 : vector<1x16xf32> to vector<16xf32>
          %parallel_loop3A_606 = arith.constant 64 : i32
          %parallel_loop3A_607 = arith.addi %parallel_loop3A_606, %parallel_loop3A_231 : i32
          %parallel_loop3A_608 = arith.constant 512 : i32
          %parallel_loop3A_609 = arith.muli %parallel_loop3A_607, %parallel_loop3A_608 : i32
          %parallel_loop3A_610 = arith.constant 256 : i32
          %parallel_loop3A_611 = arith.addi %parallel_loop3A_609, %parallel_loop3A_610 : i32
          %parallel_loop3A_612 = arith.index_cast %parallel_loop3A_611 : i32 to index
          %parallel_loop3A_613 = tpu.vector_load %arg7[%parallel_loop3A_612] {strides = array<i32>} : memref<39424xf32, #tpu.memory_space<vmem>>, vector<16xf32>,
          %parallel_loop3A_614 = vector.shape_cast %parallel_loop3A_613 : vector<16xf32> to vector<16xf32>
          %parallel_loop3A_615 = arith.addf %parallel_loop3A_605, %parallel_loop3A_614 : vector<16xf32>
          %parallel_loop3A_616 = arith.constant 64 : i32
          %parallel_loop3A_617 = arith.addi %parallel_loop3A_616, %parallel_loop3A_231 : i32
          %parallel_loop3A_618 = arith.constant 0 : i32
          %parallel_loop3A_619 = arith.index_cast %parallel_loop3A_618 : i32 to index
          %parallel_loop3A_620 = arith.index_cast %parallel_loop3A_617 : i32 to index
          %parallel_loop3A_621 = arith.constant 256 : index
          %parallel_loop3A_622 = tpu.vector_load %arg8[%parallel_loop3A_619, %parallel_loop3A_620, %parallel_loop3A_621] {strides = array<i32>} : memref<2x77x512xf32, #tpu.memory_space<vmem>>, vector<1x1x16xf32>,
          %parallel_loop3A_623 = vector.shape_cast %parallel_loop3A_622 : vector<1x1x16xf32> to vector<16xf32>
          %parallel_loop3A_624 = vector.shape_cast %parallel_loop3A_615 : vector<16xf32> to vector<1x1x16xf32>
          tpu.vector_store %arg8[%parallel_loop3A_619, %parallel_loop3A_620, %parallel_loop3A_621], %parallel_loop3A_624 {strides = array<i32>} : memref<2x77x512xf32, #tpu.memory_space<vmem>>, vector<1x1x16xf32>,
          %parallel_loop3A_625 = arith.index_cast %parallel_loop3A_233 : i32 to index
          %parallel_loop3A_626 = arith.constant 272 : index
          %parallel_loop3A_627 = tpu.vector_load %arg9[%parallel_loop3A_625, %parallel_loop3A_626] {strides = array<i32>} : memref<16x512xf32, #tpu.memory_space<vmem>>, vector<1x16xf32>,
          %parallel_loop3A_628 = vector.shape_cast %parallel_loop3A_627 : vector<1x16xf32> to vector<16xf32>
          %parallel_loop3A_629 = arith.constant 64 : i32
          %parallel_loop3A_630 = arith.addi %parallel_loop3A_629, %parallel_loop3A_231 : i32
          %parallel_loop3A_631 = arith.constant 512 : i32
          %parallel_loop3A_632 = arith.muli %parallel_loop3A_630, %parallel_loop3A_631 : i32
          %parallel_loop3A_633 = arith.constant 272 : i32
          %parallel_loop3A_634 = arith.addi %parallel_loop3A_632, %parallel_loop3A_633 : i32
          %parallel_loop3A_635 = arith.index_cast %parallel_loop3A_634 : i32 to index
          %parallel_loop3A_636 = tpu.vector_load %arg7[%parallel_loop3A_635] {strides = array<i32>} : memref<39424xf32, #tpu.memory_space<vmem>>, vector<16xf32>,
          %parallel_loop3A_637 = vector.shape_cast %parallel_loop3A_636 : vector<16xf32> to vector<16xf32>
          %parallel_loop3A_638 = arith.addf %parallel_loop3A_628, %parallel_loop3A_637 : vector<16xf32>
          %parallel_loop3A_639 = arith.constant 64 : i32
          %parallel_loop3A_640 = arith.addi %parallel_loop3A_639, %parallel_loop3A_231 : i32
          %parallel_loop3A_641 = arith.constant 0 : i32
          %parallel_loop3A_642 = arith.index_cast %parallel_loop3A_641 : i32 to index
          %parallel_loop3A_643 = arith.index_cast %parallel_loop3A_640 : i32 to index
          %parallel_loop3A_644 = arith.constant 272 : index
          %parallel_loop3A_645 = tpu.vector_load %arg8[%parallel_loop3A_642, %parallel_loop3A_643, %parallel_loop3A_644] {strides = array<i32>} : memref<2x77x512xf32, #tpu.memory_space<vmem>>, vector<1x1x16xf32>,
          %parallel_loop3A_646 = vector.shape_cast %parallel_loop3A_645 : vector<1x1x16xf32> to vector<16xf32>
          %parallel_loop3A_647 = vector.shape_cast %parallel_loop3A_638 : vector<16xf32> to vector<1x1x16xf32>
          tpu.vector_store %arg8[%parallel_loop3A_642, %parallel_loop3A_643, %parallel_loop3A_644], %parallel_loop3A_647 {strides = array<i32>} : memref<2x77x512xf32, #tpu.memory_space<vmem>>, vector<1x1x16xf32>,
          %parallel_loop3A_648 = arith.index_cast %parallel_loop3A_233 : i32 to index
          %parallel_loop3A_649 = arith.constant 288 : index
          %parallel_loop3A_650 = tpu.vector_load %arg9[%parallel_loop3A_648, %parallel_loop3A_649] {strides = array<i32>} : memref<16x512xf32, #tpu.memory_space<vmem>>, vector<1x16xf32>,
          %parallel_loop3A_651 = vector.shape_cast %parallel_loop3A_650 : vector<1x16xf32> to vector<16xf32>
          %parallel_loop3A_652 = arith.constant 64 : i32
          %parallel_loop3A_653 = arith.addi %parallel_loop3A_652, %parallel_loop3A_231 : i32
          %parallel_loop3A_654 = arith.constant 512 : i32
          %parallel_loop3A_655 = arith.muli %parallel_loop3A_653, %parallel_loop3A_654 : i32
          %parallel_loop3A_656 = arith.constant 288 : i32
          %parallel_loop3A_657 = arith.addi %parallel_loop3A_655, %parallel_loop3A_656 : i32
          %parallel_loop3A_658 = arith.index_cast %parallel_loop3A_657 : i32 to index
          %parallel_loop3A_659 = tpu.vector_load %arg7[%parallel_loop3A_658] {strides = array<i32>} : memref<39424xf32, #tpu.memory_space<vmem>>, vector<16xf32>,
          %parallel_loop3A_660 = vector.shape_cast %parallel_loop3A_659 : vector<16xf32> to vector<16xf32>
          %parallel_loop3A_661 = arith.addf %parallel_loop3A_651, %parallel_loop3A_660 : vector<16xf32>
          %parallel_loop3A_662 = arith.constant 64 : i32
          %parallel_loop3A_663 = arith.addi %parallel_loop3A_662, %parallel_loop3A_231 : i32
          %parallel_loop3A_664 = arith.constant 0 : i32
          %parallel_loop3A_665 = arith.index_cast %parallel_loop3A_664 : i32 to index
          %parallel_loop3A_666 = arith.index_cast %parallel_loop3A_663 : i32 to index
          %parallel_loop3A_667 = arith.constant 288 : index
          %parallel_loop3A_668 = tpu.vector_load %arg8[%parallel_loop3A_665, %parallel_loop3A_666, %parallel_loop3A_667] {strides = array<i32>} : memref<2x77x512xf32, #tpu.memory_space<vmem>>, vector<1x1x16xf32>,
          %parallel_loop3A_669 = vector.shape_cast %parallel_loop3A_668 : vector<1x1x16xf32> to vector<16xf32>
          %parallel_loop3A_670 = vector.shape_cast %parallel_loop3A_661 : vector<16xf32> to vector<1x1x16xf32>
          tpu.vector_store %arg8[%parallel_loop3A_665, %parallel_loop3A_666, %parallel_loop3A_667], %parallel_loop3A_670 {strides = array<i32>} : memref<2x77x512xf32, #tpu.memory_space<vmem>>, vector<1x1x16xf32>,
          %parallel_loop3A_671 = arith.index_cast %parallel_loop3A_233 : i32 to index
          %parallel_loop3A_672 = arith.constant 304 : index
          %parallel_loop3A_673 = tpu.vector_load %arg9[%parallel_loop3A_671, %parallel_loop3A_672] {strides = array<i32>} : memref<16x512xf32, #tpu.memory_space<vmem>>, vector<1x16xf32>,
          %parallel_loop3A_674 = vector.shape_cast %parallel_loop3A_673 : vector<1x16xf32> to vector<16xf32>
          %parallel_loop3A_675 = arith.constant 64 : i32
          %parallel_loop3A_676 = arith.addi %parallel_loop3A_675, %parallel_loop3A_231 : i32
          %parallel_loop3A_677 = arith.constant 512 : i32
          %parallel_loop3A_678 = arith.muli %parallel_loop3A_676, %parallel_loop3A_677 : i32
          %parallel_loop3A_679 = arith.constant 304 : i32
          %parallel_loop3A_680 = arith.addi %parallel_loop3A_678, %parallel_loop3A_679 : i32
          %parallel_loop3A_681 = arith.index_cast %parallel_loop3A_680 : i32 to index
          %parallel_loop3A_682 = tpu.vector_load %arg7[%parallel_loop3A_681] {strides = array<i32>} : memref<39424xf32, #tpu.memory_space<vmem>>, vector<16xf32>,
          %parallel_loop3A_683 = vector.shape_cast %parallel_loop3A_682 : vector<16xf32> to vector<16xf32>
          %parallel_loop3A_684 = arith.addf %parallel_loop3A_674, %parallel_loop3A_683 : vector<16xf32>
          %parallel_loop3A_685 = arith.constant 64 : i32
          %parallel_loop3A_686 = arith.addi %parallel_loop3A_685, %parallel_loop3A_231 : i32
          %parallel_loop3A_687 = arith.constant 0 : i32
          %parallel_loop3A_688 = arith.index_cast %parallel_loop3A_687 : i32 to index
          %parallel_loop3A_689 = arith.index_cast %parallel_loop3A_686 : i32 to index
          %parallel_loop3A_690 = arith.constant 304 : index
          %parallel_loop3A_691 = tpu.vector_load %arg8[%parallel_loop3A_688, %parallel_loop3A_689, %parallel_loop3A_690] {strides = array<i32>} : memref<2x77x512xf32, #tpu.memory_space<vmem>>, vector<1x1x16xf32>,
          %parallel_loop3A_692 = vector.shape_cast %parallel_loop3A_691 : vector<1x1x16xf32> to vector<16xf32>
          %parallel_loop3A_693 = vector.shape_cast %parallel_loop3A_684 : vector<16xf32> to vector<1x1x16xf32>
          tpu.vector_store %arg8[%parallel_loop3A_688, %parallel_loop3A_689, %parallel_loop3A_690], %parallel_loop3A_693 {strides = array<i32>} : memref<2x77x512xf32, #tpu.memory_space<vmem>>, vector<1x1x16xf32>,
          %parallel_loop3A_694 = arith.index_cast %parallel_loop3A_233 : i32 to index
          %parallel_loop3A_695 = arith.constant 320 : index
          %parallel_loop3A_696 = tpu.vector_load %arg9[%parallel_loop3A_694, %parallel_loop3A_695] {strides = array<i32>} : memref<16x512xf32, #tpu.memory_space<vmem>>, vector<1x16xf32>,
          %parallel_loop3A_697 = vector.shape_cast %parallel_loop3A_696 : vector<1x16xf32> to vector<16xf32>
          %parallel_loop3A_698 = arith.constant 64 : i32
          %parallel_loop3A_699 = arith.addi %parallel_loop3A_698, %parallel_loop3A_231 : i32
          %parallel_loop3A_700 = arith.constant 512 : i32
          %parallel_loop3A_701 = arith.muli %parallel_loop3A_699, %parallel_loop3A_700 : i32
          %parallel_loop3A_702 = arith.constant 320 : i32
          %parallel_loop3A_703 = arith.addi %parallel_loop3A_701, %parallel_loop3A_702 : i32
          %parallel_loop3A_704 = arith.index_cast %parallel_loop3A_703 : i32 to index
          %parallel_loop3A_705 = tpu.vector_load %arg7[%parallel_loop3A_704] {strides = array<i32>} : memref<39424xf32, #tpu.memory_space<vmem>>, vector<16xf32>,
          %parallel_loop3A_706 = vector.shape_cast %parallel_loop3A_705 : vector<16xf32> to vector<16xf32>
          %parallel_loop3A_707 = arith.addf %parallel_loop3A_697, %parallel_loop3A_706 : vector<16xf32>
          %parallel_loop3A_708 = arith.constant 64 : i32
          %parallel_loop3A_709 = arith.addi %parallel_loop3A_708, %parallel_loop3A_231 : i32
          %parallel_loop3A_710 = arith.constant 0 : i32
          %parallel_loop3A_711 = arith.index_cast %parallel_loop3A_710 : i32 to index
          %parallel_loop3A_712 = arith.index_cast %parallel_loop3A_709 : i32 to index
          %parallel_loop3A_713 = arith.constant 320 : index
          %parallel_loop3A_714 = tpu.vector_load %arg8[%parallel_loop3A_711, %parallel_loop3A_712, %parallel_loop3A_713] {strides = array<i32>} : memref<2x77x512xf32, #tpu.memory_space<vmem>>, vector<1x1x16xf32>,
          %parallel_loop3A_715 = vector.shape_cast %parallel_loop3A_714 : vector<1x1x16xf32> to vector<16xf32>
          %parallel_loop3A_716 = vector.shape_cast %parallel_loop3A_707 : vector<16xf32> to vector<1x1x16xf32>
          tpu.vector_store %arg8[%parallel_loop3A_711, %parallel_loop3A_712, %parallel_loop3A_713], %parallel_loop3A_716 {strides = array<i32>} : memref<2x77x512xf32, #tpu.memory_space<vmem>>, vector<1x1x16xf32>,
          %parallel_loop3A_717 = arith.index_cast %parallel_loop3A_233 : i32 to index
          %parallel_loop3A_718 = arith.constant 336 : index
          %parallel_loop3A_719 = tpu.vector_load %arg9[%parallel_loop3A_717, %parallel_loop3A_718] {strides = array<i32>} : memref<16x512xf32, #tpu.memory_space<vmem>>, vector<1x16xf32>,
          %parallel_loop3A_720 = vector.shape_cast %parallel_loop3A_719 : vector<1x16xf32> to vector<16xf32>
          %parallel_loop3A_721 = arith.constant 64 : i32
          %parallel_loop3A_722 = arith.addi %parallel_loop3A_721, %parallel_loop3A_231 : i32
          %parallel_loop3A_723 = arith.constant 512 : i32
          %parallel_loop3A_724 = arith.muli %parallel_loop3A_722, %parallel_loop3A_723 : i32
          %parallel_loop3A_725 = arith.constant 336 : i32
          %parallel_loop3A_726 = arith.addi %parallel_loop3A_724, %parallel_loop3A_725 : i32
          %parallel_loop3A_727 = arith.index_cast %parallel_loop3A_726 : i32 to index
          %parallel_loop3A_728 = tpu.vector_load %arg7[%parallel_loop3A_727] {strides = array<i32>} : memref<39424xf32, #tpu.memory_space<vmem>>, vector<16xf32>,
          %parallel_loop3A_729 = vector.shape_cast %parallel_loop3A_728 : vector<16xf32> to vector<16xf32>
          %parallel_loop3A_730 = arith.addf %parallel_loop3A_720, %parallel_loop3A_729 : vector<16xf32>
          %parallel_loop3A_731 = arith.constant 64 : i32
          %parallel_loop3A_732 = arith.addi %parallel_loop3A_731, %parallel_loop3A_231 : i32
          %parallel_loop3A_733 = arith.constant 0 : i32
          %parallel_loop3A_734 = arith.index_cast %parallel_loop3A_733 : i32 to index
          %parallel_loop3A_735 = arith.index_cast %parallel_loop3A_732 : i32 to index
          %parallel_loop3A_736 = arith.constant 336 : index
          %parallel_loop3A_737 = tpu.vector_load %arg8[%parallel_loop3A_734, %parallel_loop3A_735, %parallel_loop3A_736] {strides = array<i32>} : memref<2x77x512xf32, #tpu.memory_space<vmem>>, vector<1x1x16xf32>,
          %parallel_loop3A_738 = vector.shape_cast %parallel_loop3A_737 : vector<1x1x16xf32> to vector<16xf32>
          %parallel_loop3A_739 = vector.shape_cast %parallel_loop3A_730 : vector<16xf32> to vector<1x1x16xf32>
          tpu.vector_store %arg8[%parallel_loop3A_734, %parallel_loop3A_735, %parallel_loop3A_736], %parallel_loop3A_739 {strides = array<i32>} : memref<2x77x512xf32, #tpu.memory_space<vmem>>, vector<1x1x16xf32>,
          %parallel_loop3A_740 = arith.index_cast %parallel_loop3A_233 : i32 to index
          %parallel_loop3A_741 = arith.constant 352 : index
          %parallel_loop3A_742 = tpu.vector_load %arg9[%parallel_loop3A_740, %parallel_loop3A_741] {strides = array<i32>} : memref<16x512xf32, #tpu.memory_space<vmem>>, vector<1x16xf32>,
          %parallel_loop3A_743 = vector.shape_cast %parallel_loop3A_742 : vector<1x16xf32> to vector<16xf32>
          %parallel_loop3A_744 = arith.constant 64 : i32
          %parallel_loop3A_745 = arith.addi %parallel_loop3A_744, %parallel_loop3A_231 : i32
          %parallel_loop3A_746 = arith.constant 512 : i32
          %parallel_loop3A_747 = arith.muli %parallel_loop3A_745, %parallel_loop3A_746 : i32
          %parallel_loop3A_748 = arith.constant 352 : i32
          %parallel_loop3A_749 = arith.addi %parallel_loop3A_747, %parallel_loop3A_748 : i32
          %parallel_loop3A_750 = arith.index_cast %parallel_loop3A_749 : i32 to index
          %parallel_loop3A_751 = tpu.vector_load %arg7[%parallel_loop3A_750] {strides = array<i32>} : memref<39424xf32, #tpu.memory_space<vmem>>, vector<16xf32>,
          %parallel_loop3A_752 = vector.shape_cast %parallel_loop3A_751 : vector<16xf32> to vector<16xf32>
          %parallel_loop3A_753 = arith.addf %parallel_loop3A_743, %parallel_loop3A_752 : vector<16xf32>
          %parallel_loop3A_754 = arith.constant 64 : i32
          %parallel_loop3A_755 = arith.addi %parallel_loop3A_754, %parallel_loop3A_231 : i32
          %parallel_loop3A_756 = arith.constant 0 : i32
          %parallel_loop3A_757 = arith.index_cast %parallel_loop3A_756 : i32 to index
          %parallel_loop3A_758 = arith.index_cast %parallel_loop3A_755 : i32 to index
          %parallel_loop3A_759 = arith.constant 352 : index
          %parallel_loop3A_760 = tpu.vector_load %arg8[%parallel_loop3A_757, %parallel_loop3A_758, %parallel_loop3A_759] {strides = array<i32>} : memref<2x77x512xf32, #tpu.memory_space<vmem>>, vector<1x1x16xf32>,
          %parallel_loop3A_761 = vector.shape_cast %parallel_loop3A_760 : vector<1x1x16xf32> to vector<16xf32>
          %parallel_loop3A_762 = vector.shape_cast %parallel_loop3A_753 : vector<16xf32> to vector<1x1x16xf32>
          tpu.vector_store %arg8[%parallel_loop3A_757, %parallel_loop3A_758, %parallel_loop3A_759], %parallel_loop3A_762 {strides = array<i32>} : memref<2x77x512xf32, #tpu.memory_space<vmem>>, vector<1x1x16xf32>,
          %parallel_loop3A_763 = arith.index_cast %parallel_loop3A_233 : i32 to index
          %parallel_loop3A_764 = arith.constant 368 : index
          %parallel_loop3A_765 = tpu.vector_load %arg9[%parallel_loop3A_763, %parallel_loop3A_764] {strides = array<i32>} : memref<16x512xf32, #tpu.memory_space<vmem>>, vector<1x16xf32>,
          %parallel_loop3A_766 = vector.shape_cast %parallel_loop3A_765 : vector<1x16xf32> to vector<16xf32>
          %parallel_loop3A_767 = arith.constant 64 : i32
          %parallel_loop3A_768 = arith.addi %parallel_loop3A_767, %parallel_loop3A_231 : i32
          %parallel_loop3A_769 = arith.constant 512 : i32
          %parallel_loop3A_770 = arith.muli %parallel_loop3A_768, %parallel_loop3A_769 : i32
          %parallel_loop3A_771 = arith.constant 368 : i32
          %parallel_loop3A_772 = arith.addi %parallel_loop3A_770, %parallel_loop3A_771 : i32
          %parallel_loop3A_773 = arith.index_cast %parallel_loop3A_772 : i32 to index
          %parallel_loop3A_774 = tpu.vector_load %arg7[%parallel_loop3A_773] {strides = array<i32>} : memref<39424xf32, #tpu.memory_space<vmem>>, vector<16xf32>,
          %parallel_loop3A_775 = vector.shape_cast %parallel_loop3A_774 : vector<16xf32> to vector<16xf32>
          %parallel_loop3A_776 = arith.addf %parallel_loop3A_766, %parallel_loop3A_775 : vector<16xf32>
          %parallel_loop3A_777 = arith.constant 64 : i32
          %parallel_loop3A_778 = arith.addi %parallel_loop3A_777, %parallel_loop3A_231 : i32
          %parallel_loop3A_779 = arith.constant 0 : i32
          %parallel_loop3A_780 = arith.index_cast %parallel_loop3A_779 : i32 to index
          %parallel_loop3A_781 = arith.index_cast %parallel_loop3A_778 : i32 to index
          %parallel_loop3A_782 = arith.constant 368 : index
          %parallel_loop3A_783 = tpu.vector_load %arg8[%parallel_loop3A_780, %parallel_loop3A_781, %parallel_loop3A_782] {strides = array<i32>} : memref<2x77x512xf32, #tpu.memory_space<vmem>>, vector<1x1x16xf32>,
          %parallel_loop3A_784 = vector.shape_cast %parallel_loop3A_783 : vector<1x1x16xf32> to vector<16xf32>
          %parallel_loop3A_785 = vector.shape_cast %parallel_loop3A_776 : vector<16xf32> to vector<1x1x16xf32>
          tpu.vector_store %arg8[%parallel_loop3A_780, %parallel_loop3A_781, %parallel_loop3A_782], %parallel_loop3A_785 {strides = array<i32>} : memref<2x77x512xf32, #tpu.memory_space<vmem>>, vector<1x1x16xf32>,
          %parallel_loop3A_786 = arith.index_cast %parallel_loop3A_233 : i32 to index
          %parallel_loop3A_787 = arith.constant 384 : index
          %parallel_loop3A_788 = tpu.vector_load %arg9[%parallel_loop3A_786, %parallel_loop3A_787] {strides = array<i32>} : memref<16x512xf32, #tpu.memory_space<vmem>>, vector<1x16xf32>,
          %parallel_loop3A_789 = vector.shape_cast %parallel_loop3A_788 : vector<1x16xf32> to vector<16xf32>
          %parallel_loop3A_790 = arith.constant 64 : i32
          %parallel_loop3A_791 = arith.addi %parallel_loop3A_790, %parallel_loop3A_231 : i32
          %parallel_loop3A_792 = arith.constant 512 : i32
          %parallel_loop3A_793 = arith.muli %parallel_loop3A_791, %parallel_loop3A_792 : i32
          %parallel_loop3A_794 = arith.constant 384 : i32
          %parallel_loop3A_795 = arith.addi %parallel_loop3A_793, %parallel_loop3A_794 : i32
          %parallel_loop3A_796 = arith.index_cast %parallel_loop3A_795 : i32 to index
          %parallel_loop3A_797 = tpu.vector_load %arg7[%parallel_loop3A_796] {strides = array<i32>} : memref<39424xf32, #tpu.memory_space<vmem>>, vector<16xf32>,
          %parallel_loop3A_798 = vector.shape_cast %parallel_loop3A_797 : vector<16xf32> to vector<16xf32>
          %parallel_loop3A_799 = arith.addf %parallel_loop3A_789, %parallel_loop3A_798 : vector<16xf32>
          %parallel_loop3A_800 = arith.constant 64 : i32
          %parallel_loop3A_801 = arith.addi %parallel_loop3A_800, %parallel_loop3A_231 : i32
          %parallel_loop3A_802 = arith.constant 0 : i32
          %parallel_loop3A_803 = arith.index_cast %parallel_loop3A_802 : i32 to index
          %parallel_loop3A_804 = arith.index_cast %parallel_loop3A_801 : i32 to index
          %parallel_loop3A_805 = arith.constant 384 : index
          %parallel_loop3A_806 = tpu.vector_load %arg8[%parallel_loop3A_803, %parallel_loop3A_804, %parallel_loop3A_805] {strides = array<i32>} : memref<2x77x512xf32, #tpu.memory_space<vmem>>, vector<1x1x16xf32>,
          %parallel_loop3A_807 = vector.shape_cast %parallel_loop3A_806 : vector<1x1x16xf32> to vector<16xf32>
          %parallel_loop3A_808 = vector.shape_cast %parallel_loop3A_799 : vector<16xf32> to vector<1x1x16xf32>
          tpu.vector_store %arg8[%parallel_loop3A_803, %parallel_loop3A_804, %parallel_loop3A_805], %parallel_loop3A_808 {strides = array<i32>} : memref<2x77x512xf32, #tpu.memory_space<vmem>>, vector<1x1x16xf32>,
          %parallel_loop3A_809 = arith.index_cast %parallel_loop3A_233 : i32 to index
          %parallel_loop3A_810 = arith.constant 400 : index
          %parallel_loop3A_811 = tpu.vector_load %arg9[%parallel_loop3A_809, %parallel_loop3A_810] {strides = array<i32>} : memref<16x512xf32, #tpu.memory_space<vmem>>, vector<1x16xf32>,
          %parallel_loop3A_812 = vector.shape_cast %parallel_loop3A_811 : vector<1x16xf32> to vector<16xf32>
          %parallel_loop3A_813 = arith.constant 64 : i32
          %parallel_loop3A_814 = arith.addi %parallel_loop3A_813, %parallel_loop3A_231 : i32
          %parallel_loop3A_815 = arith.constant 512 : i32
          %parallel_loop3A_816 = arith.muli %parallel_loop3A_814, %parallel_loop3A_815 : i32
          %parallel_loop3A_817 = arith.constant 400 : i32
          %parallel_loop3A_818 = arith.addi %parallel_loop3A_816, %parallel_loop3A_817 : i32
          %parallel_loop3A_819 = arith.index_cast %parallel_loop3A_818 : i32 to index
          %parallel_loop3A_820 = tpu.vector_load %arg7[%parallel_loop3A_819] {strides = array<i32>} : memref<39424xf32, #tpu.memory_space<vmem>>, vector<16xf32>,
          %parallel_loop3A_821 = vector.shape_cast %parallel_loop3A_820 : vector<16xf32> to vector<16xf32>
          %parallel_loop3A_822 = arith.addf %parallel_loop3A_812, %parallel_loop3A_821 : vector<16xf32>
          %parallel_loop3A_823 = arith.constant 64 : i32
          %parallel_loop3A_824 = arith.addi %parallel_loop3A_823, %parallel_loop3A_231 : i32
          %parallel_loop3A_825 = arith.constant 0 : i32
          %parallel_loop3A_826 = arith.index_cast %parallel_loop3A_825 : i32 to index
          %parallel_loop3A_827 = arith.index_cast %parallel_loop3A_824 : i32 to index
          %parallel_loop3A_828 = arith.constant 400 : index
          %parallel_loop3A_829 = tpu.vector_load %arg8[%parallel_loop3A_826, %parallel_loop3A_827, %parallel_loop3A_828] {strides = array<i32>} : memref<2x77x512xf32, #tpu.memory_space<vmem>>, vector<1x1x16xf32>,
          %parallel_loop3A_830 = vector.shape_cast %parallel_loop3A_829 : vector<1x1x16xf32> to vector<16xf32>
          %parallel_loop3A_831 = vector.shape_cast %parallel_loop3A_822 : vector<16xf32> to vector<1x1x16xf32>
          tpu.vector_store %arg8[%parallel_loop3A_826, %parallel_loop3A_827, %parallel_loop3A_828], %parallel_loop3A_831 {strides = array<i32>} : memref<2x77x512xf32, #tpu.memory_space<vmem>>, vector<1x1x16xf32>,
          %parallel_loop3A_832 = arith.index_cast %parallel_loop3A_233 : i32 to index
          %parallel_loop3A_833 = arith.constant 416 : index
          %parallel_loop3A_834 = tpu.vector_load %arg9[%parallel_loop3A_832, %parallel_loop3A_833] {strides = array<i32>} : memref<16x512xf32, #tpu.memory_space<vmem>>, vector<1x16xf32>,
          %parallel_loop3A_835 = vector.shape_cast %parallel_loop3A_834 : vector<1x16xf32> to vector<16xf32>
          %parallel_loop3A_836 = arith.constant 64 : i32
          %parallel_loop3A_837 = arith.addi %parallel_loop3A_836, %parallel_loop3A_231 : i32
          %parallel_loop3A_838 = arith.constant 512 : i32
          %parallel_loop3A_839 = arith.muli %parallel_loop3A_837, %parallel_loop3A_838 : i32
          %parallel_loop3A_840 = arith.constant 416 : i32
          %parallel_loop3A_841 = arith.addi %parallel_loop3A_839, %parallel_loop3A_840 : i32
          %parallel_loop3A_842 = arith.index_cast %parallel_loop3A_841 : i32 to index
          %parallel_loop3A_843 = tpu.vector_load %arg7[%parallel_loop3A_842] {strides = array<i32>} : memref<39424xf32, #tpu.memory_space<vmem>>, vector<16xf32>,
          %parallel_loop3A_844 = vector.shape_cast %parallel_loop3A_843 : vector<16xf32> to vector<16xf32>
          %parallel_loop3A_845 = arith.addf %parallel_loop3A_835, %parallel_loop3A_844 : vector<16xf32>
          %parallel_loop3A_846 = arith.constant 64 : i32
          %parallel_loop3A_847 = arith.addi %parallel_loop3A_846, %parallel_loop3A_231 : i32
          %parallel_loop3A_848 = arith.constant 0 : i32
          %parallel_loop3A_849 = arith.index_cast %parallel_loop3A_848 : i32 to index
          %parallel_loop3A_850 = arith.index_cast %parallel_loop3A_847 : i32 to index
          %parallel_loop3A_851 = arith.constant 416 : index
          %parallel_loop3A_852 = tpu.vector_load %arg8[%parallel_loop3A_849, %parallel_loop3A_850, %parallel_loop3A_851] {strides = array<i32>} : memref<2x77x512xf32, #tpu.memory_space<vmem>>, vector<1x1x16xf32>,
          %parallel_loop3A_853 = vector.shape_cast %parallel_loop3A_852 : vector<1x1x16xf32> to vector<16xf32>
          %parallel_loop3A_854 = vector.shape_cast %parallel_loop3A_845 : vector<16xf32> to vector<1x1x16xf32>
          tpu.vector_store %arg8[%parallel_loop3A_849, %parallel_loop3A_850, %parallel_loop3A_851], %parallel_loop3A_854 {strides = array<i32>} : memref<2x77x512xf32, #tpu.memory_space<vmem>>, vector<1x1x16xf32>,
          %parallel_loop3A_855 = arith.index_cast %parallel_loop3A_233 : i32 to index
          %parallel_loop3A_856 = arith.constant 432 : index
          %parallel_loop3A_857 = tpu.vector_load %arg9[%parallel_loop3A_855, %parallel_loop3A_856] {strides = array<i32>} : memref<16x512xf32, #tpu.memory_space<vmem>>, vector<1x16xf32>,
          %parallel_loop3A_858 = vector.shape_cast %parallel_loop3A_857 : vector<1x16xf32> to vector<16xf32>
          %parallel_loop3A_859 = arith.constant 64 : i32
          %parallel_loop3A_860 = arith.addi %parallel_loop3A_859, %parallel_loop3A_231 : i32
          %parallel_loop3A_861 = arith.constant 512 : i32
          %parallel_loop3A_862 = arith.muli %parallel_loop3A_860, %parallel_loop3A_861 : i32
          %parallel_loop3A_863 = arith.constant 432 : i32
          %parallel_loop3A_864 = arith.addi %parallel_loop3A_862, %parallel_loop3A_863 : i32
          %parallel_loop3A_865 = arith.index_cast %parallel_loop3A_864 : i32 to index
          %parallel_loop3A_866 = tpu.vector_load %arg7[%parallel_loop3A_865] {strides = array<i32>} : memref<39424xf32, #tpu.memory_space<vmem>>, vector<16xf32>,
          %parallel_loop3A_867 = vector.shape_cast %parallel_loop3A_866 : vector<16xf32> to vector<16xf32>
          %parallel_loop3A_868 = arith.addf %parallel_loop3A_858, %parallel_loop3A_867 : vector<16xf32>
          %parallel_loop3A_869 = arith.constant 64 : i32
          %parallel_loop3A_870 = arith.addi %parallel_loop3A_869, %parallel_loop3A_231 : i32
          %parallel_loop3A_871 = arith.constant 0 : i32
          %parallel_loop3A_872 = arith.index_cast %parallel_loop3A_871 : i32 to index
          %parallel_loop3A_873 = arith.index_cast %parallel_loop3A_870 : i32 to index
          %parallel_loop3A_874 = arith.constant 432 : index
          %parallel_loop3A_875 = tpu.vector_load %arg8[%parallel_loop3A_872, %parallel_loop3A_873, %parallel_loop3A_874] {strides = array<i32>} : memref<2x77x512xf32, #tpu.memory_space<vmem>>, vector<1x1x16xf32>,
          %parallel_loop3A_876 = vector.shape_cast %parallel_loop3A_875 : vector<1x1x16xf32> to vector<16xf32>
          %parallel_loop3A_877 = vector.shape_cast %parallel_loop3A_868 : vector<16xf32> to vector<1x1x16xf32>
          tpu.vector_store %arg8[%parallel_loop3A_872, %parallel_loop3A_873, %parallel_loop3A_874], %parallel_loop3A_877 {strides = array<i32>} : memref<2x77x512xf32, #tpu.memory_space<vmem>>, vector<1x1x16xf32>,
          %parallel_loop3A_878 = arith.index_cast %parallel_loop3A_233 : i32 to index
          %parallel_loop3A_879 = arith.constant 448 : index
          %parallel_loop3A_880 = tpu.vector_load %arg9[%parallel_loop3A_878, %parallel_loop3A_879] {strides = array<i32>} : memref<16x512xf32, #tpu.memory_space<vmem>>, vector<1x16xf32>,
          %parallel_loop3A_881 = vector.shape_cast %parallel_loop3A_880 : vector<1x16xf32> to vector<16xf32>
          %parallel_loop3A_882 = arith.constant 64 : i32
          %parallel_loop3A_883 = arith.addi %parallel_loop3A_882, %parallel_loop3A_231 : i32
          %parallel_loop3A_884 = arith.constant 512 : i32
          %parallel_loop3A_885 = arith.muli %parallel_loop3A_883, %parallel_loop3A_884 : i32
          %parallel_loop3A_886 = arith.constant 448 : i32
          %parallel_loop3A_887 = arith.addi %parallel_loop3A_885, %parallel_loop3A_886 : i32
          %parallel_loop3A_888 = arith.index_cast %parallel_loop3A_887 : i32 to index
          %parallel_loop3A_889 = tpu.vector_load %arg7[%parallel_loop3A_888] {strides = array<i32>} : memref<39424xf32, #tpu.memory_space<vmem>>, vector<16xf32>,
          %parallel_loop3A_890 = vector.shape_cast %parallel_loop3A_889 : vector<16xf32> to vector<16xf32>
          %parallel_loop3A_891 = arith.addf %parallel_loop3A_881, %parallel_loop3A_890 : vector<16xf32>
          %parallel_loop3A_892 = arith.constant 64 : i32
          %parallel_loop3A_893 = arith.addi %parallel_loop3A_892, %parallel_loop3A_231 : i32
          %parallel_loop3A_894 = arith.constant 0 : i32
          %parallel_loop3A_895 = arith.index_cast %parallel_loop3A_894 : i32 to index
          %parallel_loop3A_896 = arith.index_cast %parallel_loop3A_893 : i32 to index
          %parallel_loop3A_897 = arith.constant 448 : index
          %parallel_loop3A_898 = tpu.vector_load %arg8[%parallel_loop3A_895, %parallel_loop3A_896, %parallel_loop3A_897] {strides = array<i32>} : memref<2x77x512xf32, #tpu.memory_space<vmem>>, vector<1x1x16xf32>,
          %parallel_loop3A_899 = vector.shape_cast %parallel_loop3A_898 : vector<1x1x16xf32> to vector<16xf32>
          %parallel_loop3A_900 = vector.shape_cast %parallel_loop3A_891 : vector<16xf32> to vector<1x1x16xf32>
          tpu.vector_store %arg8[%parallel_loop3A_895, %parallel_loop3A_896, %parallel_loop3A_897], %parallel_loop3A_900 {strides = array<i32>} : memref<2x77x512xf32, #tpu.memory_space<vmem>>, vector<1x1x16xf32>,
          %parallel_loop3A_901 = arith.index_cast %parallel_loop3A_233 : i32 to index
          %parallel_loop3A_902 = arith.constant 464 : index
          %parallel_loop3A_903 = tpu.vector_load %arg9[%parallel_loop3A_901, %parallel_loop3A_902] {strides = array<i32>} : memref<16x512xf32, #tpu.memory_space<vmem>>, vector<1x16xf32>,
          %parallel_loop3A_904 = vector.shape_cast %parallel_loop3A_903 : vector<1x16xf32> to vector<16xf32>
          %parallel_loop3A_905 = arith.constant 64 : i32
          %parallel_loop3A_906 = arith.addi %parallel_loop3A_905, %parallel_loop3A_231 : i32
          %parallel_loop3A_907 = arith.constant 512 : i32
          %parallel_loop3A_908 = arith.muli %parallel_loop3A_906, %parallel_loop3A_907 : i32
          %parallel_loop3A_909 = arith.constant 464 : i32
          %parallel_loop3A_910 = arith.addi %parallel_loop3A_908, %parallel_loop3A_909 : i32
          %parallel_loop3A_911 = arith.index_cast %parallel_loop3A_910 : i32 to index
          %parallel_loop3A_912 = tpu.vector_load %arg7[%parallel_loop3A_911] {strides = array<i32>} : memref<39424xf32, #tpu.memory_space<vmem>>, vector<16xf32>,
          %parallel_loop3A_913 = vector.shape_cast %parallel_loop3A_912 : vector<16xf32> to vector<16xf32>
          %parallel_loop3A_914 = arith.addf %parallel_loop3A_904, %parallel_loop3A_913 : vector<16xf32>
          %parallel_loop3A_915 = arith.constant 64 : i32
          %parallel_loop3A_916 = arith.addi %parallel_loop3A_915, %parallel_loop3A_231 : i32
          %parallel_loop3A_917 = arith.constant 0 : i32
          %parallel_loop3A_918 = arith.index_cast %parallel_loop3A_917 : i32 to index
          %parallel_loop3A_919 = arith.index_cast %parallel_loop3A_916 : i32 to index
          %parallel_loop3A_920 = arith.constant 464 : index
          %parallel_loop3A_921 = tpu.vector_load %arg8[%parallel_loop3A_918, %parallel_loop3A_919, %parallel_loop3A_920] {strides = array<i32>} : memref<2x77x512xf32, #tpu.memory_space<vmem>>, vector<1x1x16xf32>,
          %parallel_loop3A_922 = vector.shape_cast %parallel_loop3A_921 : vector<1x1x16xf32> to vector<16xf32>
          %parallel_loop3A_923 = vector.shape_cast %parallel_loop3A_914 : vector<16xf32> to vector<1x1x16xf32>
          tpu.vector_store %arg8[%parallel_loop3A_918, %parallel_loop3A_919, %parallel_loop3A_920], %parallel_loop3A_923 {strides = array<i32>} : memref<2x77x512xf32, #tpu.memory_space<vmem>>, vector<1x1x16xf32>,
          %parallel_loop3A_924 = arith.index_cast %parallel_loop3A_233 : i32 to index
          %parallel_loop3A_925 = arith.constant 480 : index
          %parallel_loop3A_926 = tpu.vector_load %arg9[%parallel_loop3A_924, %parallel_loop3A_925] {strides = array<i32>} : memref<16x512xf32, #tpu.memory_space<vmem>>, vector<1x16xf32>,
          %parallel_loop3A_927 = vector.shape_cast %parallel_loop3A_926 : vector<1x16xf32> to vector<16xf32>
          %parallel_loop3A_928 = arith.constant 64 : i32
          %parallel_loop3A_929 = arith.addi %parallel_loop3A_928, %parallel_loop3A_231 : i32
          %parallel_loop3A_930 = arith.constant 512 : i32
          %parallel_loop3A_931 = arith.muli %parallel_loop3A_929, %parallel_loop3A_930 : i32
          %parallel_loop3A_932 = arith.constant 480 : i32
          %parallel_loop3A_933 = arith.addi %parallel_loop3A_931, %parallel_loop3A_932 : i32
          %parallel_loop3A_934 = arith.index_cast %parallel_loop3A_933 : i32 to index
          %parallel_loop3A_935 = tpu.vector_load %arg7[%parallel_loop3A_934] {strides = array<i32>} : memref<39424xf32, #tpu.memory_space<vmem>>, vector<16xf32>,
          %parallel_loop3A_936 = vector.shape_cast %parallel_loop3A_935 : vector<16xf32> to vector<16xf32>
          %parallel_loop3A_937 = arith.addf %parallel_loop3A_927, %parallel_loop3A_936 : vector<16xf32>
          %parallel_loop3A_938 = arith.constant 64 : i32
          %parallel_loop3A_939 = arith.addi %parallel_loop3A_938, %parallel_loop3A_231 : i32
          %parallel_loop3A_940 = arith.constant 0 : i32
          %parallel_loop3A_941 = arith.index_cast %parallel_loop3A_940 : i32 to index
          %parallel_loop3A_942 = arith.index_cast %parallel_loop3A_939 : i32 to index
          %parallel_loop3A_943 = arith.constant 480 : index
          %parallel_loop3A_944 = tpu.vector_load %arg8[%parallel_loop3A_941, %parallel_loop3A_942, %parallel_loop3A_943] {strides = array<i32>} : memref<2x77x512xf32, #tpu.memory_space<vmem>>, vector<1x1x16xf32>,
          %parallel_loop3A_945 = vector.shape_cast %parallel_loop3A_944 : vector<1x1x16xf32> to vector<16xf32>
          %parallel_loop3A_946 = vector.shape_cast %parallel_loop3A_937 : vector<16xf32> to vector<1x1x16xf32>
          tpu.vector_store %arg8[%parallel_loop3A_941, %parallel_loop3A_942, %parallel_loop3A_943], %parallel_loop3A_946 {strides = array<i32>} : memref<2x77x512xf32, #tpu.memory_space<vmem>>, vector<1x1x16xf32>,
          %parallel_loop3A_947 = arith.index_cast %parallel_loop3A_233 : i32 to index
          %parallel_loop3A_948 = arith.constant 496 : index
          %parallel_loop3A_949 = tpu.vector_load %arg9[%parallel_loop3A_947, %parallel_loop3A_948] {strides = array<i32>} : memref<16x512xf32, #tpu.memory_space<vmem>>, vector<1x16xf32>,
          %parallel_loop3A_950 = vector.shape_cast %parallel_loop3A_949 : vector<1x16xf32> to vector<16xf32>
          %parallel_loop3A_951 = arith.constant 64 : i32
          %parallel_loop3A_952 = arith.addi %parallel_loop3A_951, %parallel_loop3A_231 : i32
          %parallel_loop3A_953 = arith.constant 512 : i32
          %parallel_loop3A_954 = arith.muli %parallel_loop3A_952, %parallel_loop3A_953 : i32
          %parallel_loop3A_955 = arith.constant 496 : i32
          %parallel_loop3A_956 = arith.addi %parallel_loop3A_954, %parallel_loop3A_955 : i32
          %parallel_loop3A_957 = arith.index_cast %parallel_loop3A_956 : i32 to index
          %parallel_loop3A_958 = tpu.vector_load %arg7[%parallel_loop3A_957] {strides = array<i32>} : memref<39424xf32, #tpu.memory_space<vmem>>, vector<16xf32>,
          %parallel_loop3A_959 = vector.shape_cast %parallel_loop3A_958 : vector<16xf32> to vector<16xf32>
          %parallel_loop3A_960 = arith.addf %parallel_loop3A_950, %parallel_loop3A_959 : vector<16xf32>
          %parallel_loop3A_961 = arith.constant 64 : i32
          %parallel_loop3A_962 = arith.addi %parallel_loop3A_961, %parallel_loop3A_231 : i32
          %parallel_loop3A_963 = arith.constant 0 : i32
          %parallel_loop3A_964 = arith.index_cast %parallel_loop3A_963 : i32 to index
          %parallel_loop3A_965 = arith.index_cast %parallel_loop3A_962 : i32 to index
          %parallel_loop3A_966 = arith.constant 496 : index
          %parallel_loop3A_967 = tpu.vector_load %arg8[%parallel_loop3A_964, %parallel_loop3A_965, %parallel_loop3A_966] {strides = array<i32>} : memref<2x77x512xf32, #tpu.memory_space<vmem>>, vector<1x1x16xf32>,
          %parallel_loop3A_968 = vector.shape_cast %parallel_loop3A_967 : vector<1x1x16xf32> to vector<16xf32>
          %parallel_loop3A_969 = vector.shape_cast %parallel_loop3A_960 : vector<16xf32> to vector<1x1x16xf32>
          tpu.vector_store %arg8[%parallel_loop3A_964, %parallel_loop3A_965, %parallel_loop3A_966], %parallel_loop3A_969 {strides = array<i32>} : memref<2x77x512xf32, #tpu.memory_space<vmem>>, vector<1x1x16xf32>,
        } {sc.loop_unroll_factor = 1 : i64, sc.parallel_access}
        %dma_start3A_144 = arith.constant 0 : i32
        %dma_start3A_145 = arith.constant 0 : i32
        %dma_start3A_146 = arith.constant 0 : i32
        %dma_start3A_147 = arith.constant 0 : i32
        %dma_start3A_148 = tpu.memref_slice %arg8[%dma_start3A_144, %dma_start3A_146, %dma_start3A_147] : memref<2x77x512xf32, #tpu.memory_space<vmem>> -> memref<1x77x512xf32, #tpu.memory_space<vmem>>
        %dma_start3A_149 = tpu.memref_squeeze %dma_start3A_148 : memref<1x77x512xf32, #tpu.memory_space<vmem>> -> memref<77x512xf32, #tpu.memory_space<vmem>>
        %dma_start3A_150 = arith.constant 0 : i32
        %dma_start3A_151 = arith.constant 0 : i32
        %dma_start3A_152 = tpu.memref_slice %arg5[%add3A_118, %dma_start3A_150, %dma_start3A_151] : memref<4096x77x512xf32, #tpu.memory_space<hbm>> -> memref<1x77x512xf32, #tpu.memory_space<hbm>>
        %dma_start3A_153 = tpu.memref_squeeze %dma_start3A_152 : memref<1x77x512xf32, #tpu.memory_space<hbm>> -> memref<77x512xf32, #tpu.memory_space<hbm>>
        %dma_start3A_154 = tpu.memref_slice %arg11[%dma_start3A_145] : memref<2x!tpu.dma_semaphore, #tpu.memory_space<semaphore_mem>> -> memref<1x!tpu.dma_semaphore, #tpu.memory_space<semaphore_mem>>
        %dma_start3A_155 = tpu.memref_squeeze %dma_start3A_154 : memref<1x!tpu.dma_semaphore, #tpu.memory_space<semaphore_mem>> -> memref<!tpu.dma_semaphore, #tpu.memory_space<semaphore_mem>>
        %dma_start3A_156 = arith.constant 0 : i32
        %dma_start3A_157 = arith.constant 0 : i32
        %dma_start3A_158 = tpu.memref_slice %arg5[%add3A_118, %dma_start3A_156, %dma_start3A_157] : memref<4096x77x512xf32, #tpu.memory_space<hbm>> -> memref<1x77x512xf32, #tpu.memory_space<hbm>>
        %dma_start3A_159 = tpu.memref_squeeze %dma_start3A_158 : memref<1x77x512xf32, #tpu.memory_space<hbm>> -> memref<77x512xf32, #tpu.memory_space<hbm>>
        %dma_start3A_160 = arith.constant 0 : i32
        %dma_start3A_161 = arith.constant 0 : i32
        %dma_start3A_162 = tpu.memref_slice %arg8[%dma_start3A_144, %dma_start3A_160, %dma_start3A_161] : memref<2x77x512xf32, #tpu.memory_space<vmem>> -> memref<1x77x512xf32, #tpu.memory_space<vmem>>
        %dma_start3A_163 = tpu.memref_squeeze %dma_start3A_162 : memref<1x77x512xf32, #tpu.memory_space<vmem>> -> memref<77x512xf32, #tpu.memory_space<vmem>>
        tpu.enqueue_dma source(%dma_start3A_163 : memref<77x512xf32, #tpu.memory_space<vmem>>) target(%dma_start3A_159 : memref<77x512xf32, #tpu.memory_space<hbm>>) target_semaphore(%dma_start3A_155 : memref<!tpu.dma_semaphore, #tpu.memory_space<semaphore_mem>>)
        %add3A_164 = arith.constant 1 : i32
        %add3A_165 = arith.addi %add3A_114, %add3A_164 : i32
        %get3A_166 = arith.index_cast %add3A_165 : i32 to index
        %get3A_167 = arith.constant 61 : index
        %get3A_168 = tpu.vector_load %arg6[%get3A_166, %get3A_167] {strides = array<i32>} : memref<8x77xi32, #tpu.memory_space<vmem>>, vector<1x16xi32>,
        %get3A_169 = vector.shape_cast %get3A_168 : vector<1x16xi32> to vector<16xi32>
        %dma_start3A_170 = arith.constant 0 : i32
        %dma_start3A_171 = arith.constant 0 : i32
        %dma_start3A_172 = tpu.memref_slice %arg3[%dma_start3A_170, %dma_start3A_171] : memref<49408x512xf32, #tpu.memory_space<hbm>> -> memref<49408x512xf32, #tpu.memory_space<hbm>>
        tpu.enqueue_indirect_dma source(%dma_start3A_172 : memref<49408x512xf32, #tpu.memory_space<hbm>>) target(%arg9 : memref<16x512xf32, #tpu.memory_space<vmem>>) offsets(%get3A_169 : vector<16xi32>) semaphore(%arg12 : memref<!tpu.dma_semaphore, #tpu.memory_space<semaphore_mem>>)
        %mul3A_173 = arith.constant 2 : i32
        %mul3A_174 = arith.muli %scan3A_65, %mul3A_173 : i32
        %add3A_175 = arith.constant 1 : i32
        %add3A_176 = arith.addi %mul3A_174, %add3A_175 : i32
        %mul3A_177 = arith.constant 8 : i32
        %mul3A_178 = arith.muli %scan3A_49, %mul3A_177 : i32
        %add3A_179 = arith.addi %mul3A_2, %mul3A_178 : i32
        %add3A_180 = arith.addi %add3A_179, %add3A_176 : i32
        %dma_wait3A_181 = arith.constant 1 : i32
        %dma_wait3A_182 = arith.constant 1 : i32
        %dma_wait3A_183 = arith.constant 0 : i32
        %dma_wait3A_184 = arith.constant 0 : i32
        %dma_wait3A_185 = tpu.memref_slice %arg8[%dma_wait3A_181, %dma_wait3A_183, %dma_wait3A_184] : memref<2x77x512xf32, #tpu.memory_space<vmem>> -> memref<1x64x512xf32, #tpu.memory_space<vmem>>
        %dma_wait3A_186 = tpu.memref_squeeze %dma_wait3A_185 : memref<1x64x512xf32, #tpu.memory_space<vmem>> -> memref<64x512xf32, #tpu.memory_space<vmem>>
        %dma_wait3A_187 = arith.constant 0 : i32
        %dma_wait3A_188 = tpu.memref_slice %arg6[%add3A_96, %dma_wait3A_187] : memref<8x77xi32, #tpu.memory_space<vmem>> -> memref<1x64xi32, #tpu.memory_space<vmem>>
        %dma_wait3A_189 = tpu.memref_squeeze %dma_wait3A_188 : memref<1x64xi32, #tpu.memory_space<vmem>> -> memref<64xi32, #tpu.memory_space<vmem>>
        %dma_wait3A_190 = arith.constant 0 : i32
        %dma_wait3A_191 = arith.constant 0 : i32
        %dma_wait3A_192 = tpu.memref_slice %arg3[%dma_wait3A_190, %dma_wait3A_191] : memref<49408x512xf32, #tpu.memory_space<hbm>> -> memref<49408x512xf32, #tpu.memory_space<hbm>>
        %dma_wait3A_193 = tpu.memref_slice %arg10[%dma_wait3A_182] : memref<2x!tpu.dma_semaphore, #tpu.memory_space<semaphore_mem>> -> memref<1x!tpu.dma_semaphore, #tpu.memory_space<semaphore_mem>>
        %dma_wait3A_194 = tpu.memref_squeeze %dma_wait3A_193 : memref<1x!tpu.dma_semaphore, #tpu.memory_space<semaphore_mem>> -> memref<!tpu.dma_semaphore, #tpu.memory_space<semaphore_mem>>
        tpu.wait_indirect_dma semaphore(%dma_wait3A_194 : memref<!tpu.dma_semaphore, #tpu.memory_space<semaphore_mem>>) src(%dma_wait3A_192 : memref<49408x512xf32, #tpu.memory_space<hbm>>) dst(%dma_wait3A_186 : memref<64x512xf32, #tpu.memory_space<vmem>>)
        %parallel_loop3A_195 = arith.constant 0 : i32
        %parallel_loop3A_196 = arith.constant 64 : i32
        %parallel_loop3A_197 = arith.constant 1 : i32
        scf.for %parallel_loop3A_231 = %parallel_loop3A_195 to %parallel_loop3A_196 step %parallel_loop3A_197  : i32 {
          %parallel_loop3A_232 = arith.constant 512 : i32
          %parallel_loop3A_233 = arith.muli %parallel_loop3A_231, %parallel_loop3A_232 : i32
          %parallel_loop3A_234 = arith.constant 0 : i32
          %parallel_loop3A_235 = arith.addi %parallel_loop3A_233, %parallel_loop3A_234 : i32
          %parallel_loop3A_236 = arith.index_cast %parallel_loop3A_235 : i32 to index
          %parallel_loop3A_237 = tpu.vector_load %arg7[%parallel_loop3A_236] {strides = array<i32>} : memref<39424xf32, #tpu.memory_space<vmem>>, vector<16xf32>,
          %parallel_loop3A_238 = vector.shape_cast %parallel_loop3A_237 : vector<16xf32> to vector<16xf32>
          %parallel_loop3A_239 = arith.constant 1 : i32
          %parallel_loop3A_240 = arith.index_cast %parallel_loop3A_239 : i32 to index
          %parallel_loop3A_241 = arith.index_cast %parallel_loop3A_231 : i32 to index
          %parallel_loop3A_242 = arith.constant 0 : index
          %parallel_loop3A_243 = tpu.vector_load %arg8[%parallel_loop3A_240, %parallel_loop3A_241, %parallel_loop3A_242] {strides = array<i32>} : memref<2x77x512xf32, #tpu.memory_space<vmem>>, vector<1x1x16xf32>,
          %parallel_loop3A_244 = vector.shape_cast %parallel_loop3A_243 : vector<1x1x16xf32> to vector<16xf32>
          %parallel_loop3A_245 = vector.shape_cast %parallel_loop3A_238 : vector<16xf32> to vector<1x1x16xf32>
          tpu.vector_store %arg8[%parallel_loop3A_240, %parallel_loop3A_241, %parallel_loop3A_242], %parallel_loop3A_245 {add = true, strides = array<i32>} : memref<2x77x512xf32, #tpu.memory_space<vmem>>, vector<1x1x16xf32>,
          %parallel_loop3A_246 = arith.constant 512 : i32
          %parallel_loop3A_247 = arith.muli %parallel_loop3A_231, %parallel_loop3A_246 : i32
          %parallel_loop3A_248 = arith.constant 16 : i32
          %parallel_loop3A_249 = arith.addi %parallel_loop3A_247, %parallel_loop3A_248 : i32
          %parallel_loop3A_250 = arith.index_cast %parallel_loop3A_249 : i32 to index
          %parallel_loop3A_251 = tpu.vector_load %arg7[%parallel_loop3A_250] {strides = array<i32>} : memref<39424xf32, #tpu.memory_space<vmem>>, vector<16xf32>,
          %parallel_loop3A_252 = vector.shape_cast %parallel_loop3A_251 : vector<16xf32> to vector<16xf32>
          %parallel_loop3A_253 = arith.constant 1 : i32
          %parallel_loop3A_254 = arith.index_cast %parallel_loop3A_253 : i32 to index
          %parallel_loop3A_255 = arith.index_cast %parallel_loop3A_231 : i32 to index
          %parallel_loop3A_256 = arith.constant 16 : index
          %parallel_loop3A_257 = tpu.vector_load %arg8[%parallel_loop3A_254, %parallel_loop3A_255, %parallel_loop3A_256] {strides = array<i32>} : memref<2x77x512xf32, #tpu.memory_space<vmem>>, vector<1x1x16xf32>,
          %parallel_loop3A_258 = vector.shape_cast %parallel_loop3A_257 : vector<1x1x16xf32> to vector<16xf32>
          %parallel_loop3A_259 = vector.shape_cast %parallel_loop3A_252 : vector<16xf32> to vector<1x1x16xf32>
          tpu.vector_store %arg8[%parallel_loop3A_254, %parallel_loop3A_255, %parallel_loop3A_256], %parallel_loop3A_259 {add = true, strides = array<i32>} : memref<2x77x512xf32, #tpu.memory_space<vmem>>, vector<1x1x16xf32>,
          %parallel_loop3A_260 = arith.constant 512 : i32
          %parallel_loop3A_261 = arith.muli %parallel_loop3A_231, %parallel_loop3A_260 : i32
          %parallel_loop3A_262 = arith.constant 32 : i32
          %parallel_loop3A_263 = arith.addi %parallel_loop3A_261, %parallel_loop3A_262 : i32
          %parallel_loop3A_264 = arith.index_cast %parallel_loop3A_263 : i32 to index
          %parallel_loop3A_265 = tpu.vector_load %arg7[%parallel_loop3A_264] {strides = array<i32>} : memref<39424xf32, #tpu.memory_space<vmem>>, vector<16xf32>,
          %parallel_loop3A_266 = vector.shape_cast %parallel_loop3A_265 : vector<16xf32> to vector<16xf32>
          %parallel_loop3A_267 = arith.constant 1 : i32
          %parallel_loop3A_268 = arith.index_cast %parallel_loop3A_267 : i32 to index
          %parallel_loop3A_269 = arith.index_cast %parallel_loop3A_231 : i32 to index
          %parallel_loop3A_270 = arith.constant 32 : index
          %parallel_loop3A_271 = tpu.vector_load %arg8[%parallel_loop3A_268, %parallel_loop3A_269, %parallel_loop3A_270] {strides = array<i32>} : memref<2x77x512xf32, #tpu.memory_space<vmem>>, vector<1x1x16xf32>,
          %parallel_loop3A_272 = vector.shape_cast %parallel_loop3A_271 : vector<1x1x16xf32> to vector<16xf32>
          %parallel_loop3A_273 = vector.shape_cast %parallel_loop3A_266 : vector<16xf32> to vector<1x1x16xf32>
          tpu.vector_store %arg8[%parallel_loop3A_268, %parallel_loop3A_269, %parallel_loop3A_270], %parallel_loop3A_273 {add = true, strides = array<i32>} : memref<2x77x512xf32, #tpu.memory_space<vmem>>, vector<1x1x16xf32>,
          %parallel_loop3A_274 = arith.constant 512 : i32
          %parallel_loop3A_275 = arith.muli %parallel_loop3A_231, %parallel_loop3A_274 : i32
          %parallel_loop3A_276 = arith.constant 48 : i32
          %parallel_loop3A_277 = arith.addi %parallel_loop3A_275, %parallel_loop3A_276 : i32
          %parallel_loop3A_278 = arith.index_cast %parallel_loop3A_277 : i32 to index
          %parallel_loop3A_279 = tpu.vector_load %arg7[%parallel_loop3A_278] {strides = array<i32>} : memref<39424xf32, #tpu.memory_space<vmem>>, vector<16xf32>,
          %parallel_loop3A_280 = vector.shape_cast %parallel_loop3A_279 : vector<16xf32> to vector<16xf32>
          %parallel_loop3A_281 = arith.constant 1 : i32
          %parallel_loop3A_282 = arith.index_cast %parallel_loop3A_281 : i32 to index
          %parallel_loop3A_283 = arith.index_cast %parallel_loop3A_231 : i32 to index
          %parallel_loop3A_284 = arith.constant 48 : index
          %parallel_loop3A_285 = tpu.vector_load %arg8[%parallel_loop3A_282, %parallel_loop3A_283, %parallel_loop3A_284] {strides = array<i32>} : memref<2x77x512xf32, #tpu.memory_space<vmem>>, vector<1x1x16xf32>,
          %parallel_loop3A_286 = vector.shape_cast %parallel_loop3A_285 : vector<1x1x16xf32> to vector<16xf32>
          %parallel_loop3A_287 = vector.shape_cast %parallel_loop3A_280 : vector<16xf32> to vector<1x1x16xf32>
          tpu.vector_store %arg8[%parallel_loop3A_282, %parallel_loop3A_283, %parallel_loop3A_284], %parallel_loop3A_287 {add = true, strides = array<i32>} : memref<2x77x512xf32, #tpu.memory_space<vmem>>, vector<1x1x16xf32>,
          %parallel_loop3A_288 = arith.constant 512 : i32
          %parallel_loop3A_289 = arith.muli %parallel_loop3A_231, %parallel_loop3A_288 : i32
          %parallel_loop3A_290 = arith.constant 64 : i32
          %parallel_loop3A_291 = arith.addi %parallel_loop3A_289, %parallel_loop3A_290 : i32
          %parallel_loop3A_292 = arith.index_cast %parallel_loop3A_291 : i32 to index
          %parallel_loop3A_293 = tpu.vector_load %arg7[%parallel_loop3A_292] {strides = array<i32>} : memref<39424xf32, #tpu.memory_space<vmem>>, vector<16xf32>,
          %parallel_loop3A_294 = vector.shape_cast %parallel_loop3A_293 : vector<16xf32> to vector<16xf32>
          %parallel_loop3A_295 = arith.constant 1 : i32
          %parallel_loop3A_296 = arith.index_cast %parallel_loop3A_295 : i32 to index
          %parallel_loop3A_297 = arith.index_cast %parallel_loop3A_231 : i32 to index
          %parallel_loop3A_298 = arith.constant 64 : index
          %parallel_loop3A_299 = tpu.vector_load %arg8[%parallel_loop3A_296, %parallel_loop3A_297, %parallel_loop3A_298] {strides = array<i32>} : memref<2x77x512xf32, #tpu.memory_space<vmem>>, vector<1x1x16xf32>,
          %parallel_loop3A_300 = vector.shape_cast %parallel_loop3A_299 : vector<1x1x16xf32> to vector<16xf32>
          %parallel_loop3A_301 = vector.shape_cast %parallel_loop3A_294 : vector<16xf32> to vector<1x1x16xf32>
          tpu.vector_store %arg8[%parallel_loop3A_296, %parallel_loop3A_297, %parallel_loop3A_298], %parallel_loop3A_301 {add = true, strides = array<i32>} : memref<2x77x512xf32, #tpu.memory_space<vmem>>, vector<1x1x16xf32>,
          %parallel_loop3A_302 = arith.constant 512 : i32
          %parallel_loop3A_303 = arith.muli %parallel_loop3A_231, %parallel_loop3A_302 : i32
          %parallel_loop3A_304 = arith.constant 80 : i32
          %parallel_loop3A_305 = arith.addi %parallel_loop3A_303, %parallel_loop3A_304 : i32
          %parallel_loop3A_306 = arith.index_cast %parallel_loop3A_305 : i32 to index
          %parallel_loop3A_307 = tpu.vector_load %arg7[%parallel_loop3A_306] {strides = array<i32>} : memref<39424xf32, #tpu.memory_space<vmem>>, vector<16xf32>,
          %parallel_loop3A_308 = vector.shape_cast %parallel_loop3A_307 : vector<16xf32> to vector<16xf32>
          %parallel_loop3A_309 = arith.constant 1 : i32
          %parallel_loop3A_310 = arith.index_cast %parallel_loop3A_309 : i32 to index
          %parallel_loop3A_311 = arith.index_cast %parallel_loop3A_231 : i32 to index
          %parallel_loop3A_312 = arith.constant 80 : index
          %parallel_loop3A_313 = tpu.vector_load %arg8[%parallel_loop3A_310, %parallel_loop3A_311, %parallel_loop3A_312] {strides = array<i32>} : memref<2x77x512xf32, #tpu.memory_space<vmem>>, vector<1x1x16xf32>,
          %parallel_loop3A_314 = vector.shape_cast %parallel_loop3A_313 : vector<1x1x16xf32> to vector<16xf32>
          %parallel_loop3A_315 = vector.shape_cast %parallel_loop3A_308 : vector<16xf32> to vector<1x1x16xf32>
          tpu.vector_store %arg8[%parallel_loop3A_310, %parallel_loop3A_311, %parallel_loop3A_312], %parallel_loop3A_315 {add = true, strides = array<i32>} : memref<2x77x512xf32, #tpu.memory_space<vmem>>, vector<1x1x16xf32>,
          %parallel_loop3A_316 = arith.constant 512 : i32
          %parallel_loop3A_317 = arith.muli %parallel_loop3A_231, %parallel_loop3A_316 : i32
          %parallel_loop3A_318 = arith.constant 96 : i32
          %parallel_loop3A_319 = arith.addi %parallel_loop3A_317, %parallel_loop3A_318 : i32
          %parallel_loop3A_320 = arith.index_cast %parallel_loop3A_319 : i32 to index
          %parallel_loop3A_321 = tpu.vector_load %arg7[%parallel_loop3A_320] {strides = array<i32>} : memref<39424xf32, #tpu.memory_space<vmem>>, vector<16xf32>,
          %parallel_loop3A_322 = vector.shape_cast %parallel_loop3A_321 : vector<16xf32> to vector<16xf32>
          %parallel_loop3A_323 = arith.constant 1 : i32
          %parallel_loop3A_324 = arith.index_cast %parallel_loop3A_323 : i32 to index
          %parallel_loop3A_325 = arith.index_cast %parallel_loop3A_231 : i32 to index
          %parallel_loop3A_326 = arith.constant 96 : index
          %parallel_loop3A_327 = tpu.vector_load %arg8[%parallel_loop3A_324, %parallel_loop3A_325, %parallel_loop3A_326] {strides = array<i32>} : memref<2x77x512xf32, #tpu.memory_space<vmem>>, vector<1x1x16xf32>,
          %parallel_loop3A_328 = vector.shape_cast %parallel_loop3A_327 : vector<1x1x16xf32> to vector<16xf32>
          %parallel_loop3A_329 = vector.shape_cast %parallel_loop3A_322 : vector<16xf32> to vector<1x1x16xf32>
          tpu.vector_store %arg8[%parallel_loop3A_324, %parallel_loop3A_325, %parallel_loop3A_326], %parallel_loop3A_329 {add = true, strides = array<i32>} : memref<2x77x512xf32, #tpu.memory_space<vmem>>, vector<1x1x16xf32>,
          %parallel_loop3A_330 = arith.constant 512 : i32
          %parallel_loop3A_331 = arith.muli %parallel_loop3A_231, %parallel_loop3A_330 : i32
          %parallel_loop3A_332 = arith.constant 112 : i32
          %parallel_loop3A_333 = arith.addi %parallel_loop3A_331, %parallel_loop3A_332 : i32
          %parallel_loop3A_334 = arith.index_cast %parallel_loop3A_333 : i32 to index
          %parallel_loop3A_335 = tpu.vector_load %arg7[%parallel_loop3A_334] {strides = array<i32>} : memref<39424xf32, #tpu.memory_space<vmem>>, vector<16xf32>,
          %parallel_loop3A_336 = vector.shape_cast %parallel_loop3A_335 : vector<16xf32> to vector<16xf32>
          %parallel_loop3A_337 = arith.constant 1 : i32
          %parallel_loop3A_338 = arith.index_cast %parallel_loop3A_337 : i32 to index
          %parallel_loop3A_339 = arith.index_cast %parallel_loop3A_231 : i32 to index
          %parallel_loop3A_340 = arith.constant 112 : index
          %parallel_loop3A_341 = tpu.vector_load %arg8[%parallel_loop3A_338, %parallel_loop3A_339, %parallel_loop3A_340] {strides = array<i32>} : memref<2x77x512xf32, #tpu.memory_space<vmem>>, vector<1x1x16xf32>,
          %parallel_loop3A_342 = vector.shape_cast %parallel_loop3A_341 : vector<1x1x16xf32> to vector<16xf32>
          %parallel_loop3A_343 = vector.shape_cast %parallel_loop3A_336 : vector<16xf32> to vector<1x1x16xf32>
          tpu.vector_store %arg8[%parallel_loop3A_338, %parallel_loop3A_339, %parallel_loop3A_340], %parallel_loop3A_343 {add = true, strides = array<i32>} : memref<2x77x512xf32, #tpu.memory_space<vmem>>, vector<1x1x16xf32>,
          %parallel_loop3A_344 = arith.constant 512 : i32
          %parallel_loop3A_345 = arith.muli %parallel_loop3A_231, %parallel_loop3A_344 : i32
          %parallel_loop3A_346 = arith.constant 128 : i32
          %parallel_loop3A_347 = arith.addi %parallel_loop3A_345, %parallel_loop3A_346 : i32
          %parallel_loop3A_348 = arith.index_cast %parallel_loop3A_347 : i32 to index
          %parallel_loop3A_349 = tpu.vector_load %arg7[%parallel_loop3A_348] {strides = array<i32>} : memref<39424xf32, #tpu.memory_space<vmem>>, vector<16xf32>,
          %parallel_loop3A_350 = vector.shape_cast %parallel_loop3A_349 : vector<16xf32> to vector<16xf32>
          %parallel_loop3A_351 = arith.constant 1 : i32
          %parallel_loop3A_352 = arith.index_cast %parallel_loop3A_351 : i32 to index
          %parallel_loop3A_353 = arith.index_cast %parallel_loop3A_231 : i32 to index
          %parallel_loop3A_354 = arith.constant 128 : index
          %parallel_loop3A_355 = tpu.vector_load %arg8[%parallel_loop3A_352, %parallel_loop3A_353, %parallel_loop3A_354] {strides = array<i32>} : memref<2x77x512xf32, #tpu.memory_space<vmem>>, vector<1x1x16xf32>,
          %parallel_loop3A_356 = vector.shape_cast %parallel_loop3A_355 : vector<1x1x16xf32> to vector<16xf32>
          %parallel_loop3A_357 = vector.shape_cast %parallel_loop3A_350 : vector<16xf32> to vector<1x1x16xf32>
          tpu.vector_store %arg8[%parallel_loop3A_352, %parallel_loop3A_353, %parallel_loop3A_354], %parallel_loop3A_357 {add = true, strides = array<i32>} : memref<2x77x512xf32, #tpu.memory_space<vmem>>, vector<1x1x16xf32>,
          %parallel_loop3A_358 = arith.constant 512 : i32
          %parallel_loop3A_359 = arith.muli %parallel_loop3A_231, %parallel_loop3A_358 : i32
          %parallel_loop3A_360 = arith.constant 144 : i32
          %parallel_loop3A_361 = arith.addi %parallel_loop3A_359, %parallel_loop3A_360 : i32
          %parallel_loop3A_362 = arith.index_cast %parallel_loop3A_361 : i32 to index
          %parallel_loop3A_363 = tpu.vector_load %arg7[%parallel_loop3A_362] {strides = array<i32>} : memref<39424xf32, #tpu.memory_space<vmem>>, vector<16xf32>,
          %parallel_loop3A_364 = vector.shape_cast %parallel_loop3A_363 : vector<16xf32> to vector<16xf32>
          %parallel_loop3A_365 = arith.constant 1 : i32
          %parallel_loop3A_366 = arith.index_cast %parallel_loop3A_365 : i32 to index
          %parallel_loop3A_367 = arith.index_cast %parallel_loop3A_231 : i32 to index
          %parallel_loop3A_368 = arith.constant 144 : index
          %parallel_loop3A_369 = tpu.vector_load %arg8[%parallel_loop3A_366, %parallel_loop3A_367, %parallel_loop3A_368] {strides = array<i32>} : memref<2x77x512xf32, #tpu.memory_space<vmem>>, vector<1x1x16xf32>,
          %parallel_loop3A_370 = vector.shape_cast %parallel_loop3A_369 : vector<1x1x16xf32> to vector<16xf32>
          %parallel_loop3A_371 = vector.shape_cast %parallel_loop3A_364 : vector<16xf32> to vector<1x1x16xf32>
          tpu.vector_store %arg8[%parallel_loop3A_366, %parallel_loop3A_367, %parallel_loop3A_368], %parallel_loop3A_371 {add = true, strides = array<i32>} : memref<2x77x512xf32, #tpu.memory_space<vmem>>, vector<1x1x16xf32>,
          %parallel_loop3A_372 = arith.constant 512 : i32
          %parallel_loop3A_373 = arith.muli %parallel_loop3A_231, %parallel_loop3A_372 : i32
          %parallel_loop3A_374 = arith.constant 160 : i32
          %parallel_loop3A_375 = arith.addi %parallel_loop3A_373, %parallel_loop3A_374 : i32
          %parallel_loop3A_376 = arith.index_cast %parallel_loop3A_375 : i32 to index
          %parallel_loop3A_377 = tpu.vector_load %arg7[%parallel_loop3A_376] {strides = array<i32>} : memref<39424xf32, #tpu.memory_space<vmem>>, vector<16xf32>,
          %parallel_loop3A_378 = vector.shape_cast %parallel_loop3A_377 : vector<16xf32> to vector<16xf32>
          %parallel_loop3A_379 = arith.constant 1 : i32
          %parallel_loop3A_380 = arith.index_cast %parallel_loop3A_379 : i32 to index
          %parallel_loop3A_381 = arith.index_cast %parallel_loop3A_231 : i32 to index
          %parallel_loop3A_382 = arith.constant 160 : index
          %parallel_loop3A_383 = tpu.vector_load %arg8[%parallel_loop3A_380, %parallel_loop3A_381, %parallel_loop3A_382] {strides = array<i32>} : memref<2x77x512xf32, #tpu.memory_space<vmem>>, vector<1x1x16xf32>,
          %parallel_loop3A_384 = vector.shape_cast %parallel_loop3A_383 : vector<1x1x16xf32> to vector<16xf32>
          %parallel_loop3A_385 = vector.shape_cast %parallel_loop3A_378 : vector<16xf32> to vector<1x1x16xf32>
          tpu.vector_store %arg8[%parallel_loop3A_380, %parallel_loop3A_381, %parallel_loop3A_382], %parallel_loop3A_385 {add = true, strides = array<i32>} : memref<2x77x512xf32, #tpu.memory_space<vmem>>, vector<1x1x16xf32>,
          %parallel_loop3A_386 = arith.constant 512 : i32
          %parallel_loop3A_387 = arith.muli %parallel_loop3A_231, %parallel_loop3A_386 : i32
          %parallel_loop3A_388 = arith.constant 176 : i32
          %parallel_loop3A_389 = arith.addi %parallel_loop3A_387, %parallel_loop3A_388 : i32
          %parallel_loop3A_390 = arith.index_cast %parallel_loop3A_389 : i32 to index
          %parallel_loop3A_391 = tpu.vector_load %arg7[%parallel_loop3A_390] {strides = array<i32>} : memref<39424xf32, #tpu.memory_space<vmem>>, vector<16xf32>,
          %parallel_loop3A_392 = vector.shape_cast %parallel_loop3A_391 : vector<16xf32> to vector<16xf32>
          %parallel_loop3A_393 = arith.constant 1 : i32
          %parallel_loop3A_394 = arith.index_cast %parallel_loop3A_393 : i32 to index
          %parallel_loop3A_395 = arith.index_cast %parallel_loop3A_231 : i32 to index
          %parallel_loop3A_396 = arith.constant 176 : index
          %parallel_loop3A_397 = tpu.vector_load %arg8[%parallel_loop3A_394, %parallel_loop3A_395, %parallel_loop3A_396] {strides = array<i32>} : memref<2x77x512xf32, #tpu.memory_space<vmem>>, vector<1x1x16xf32>,
          %parallel_loop3A_398 = vector.shape_cast %parallel_loop3A_397 : vector<1x1x16xf32> to vector<16xf32>
          %parallel_loop3A_399 = vector.shape_cast %parallel_loop3A_392 : vector<16xf32> to vector<1x1x16xf32>
          tpu.vector_store %arg8[%parallel_loop3A_394, %parallel_loop3A_395, %parallel_loop3A_396], %parallel_loop3A_399 {add = true, strides = array<i32>} : memref<2x77x512xf32, #tpu.memory_space<vmem>>, vector<1x1x16xf32>,
          %parallel_loop3A_400 = arith.constant 512 : i32
          %parallel_loop3A_401 = arith.muli %parallel_loop3A_231, %parallel_loop3A_400 : i32
          %parallel_loop3A_402 = arith.constant 192 : i32
          %parallel_loop3A_403 = arith.addi %parallel_loop3A_401, %parallel_loop3A_402 : i32
          %parallel_loop3A_404 = arith.index_cast %parallel_loop3A_403 : i32 to index
          %parallel_loop3A_405 = tpu.vector_load %arg7[%parallel_loop3A_404] {strides = array<i32>} : memref<39424xf32, #tpu.memory_space<vmem>>, vector<16xf32>,
          %parallel_loop3A_406 = vector.shape_cast %parallel_loop3A_405 : vector<16xf32> to vector<16xf32>
          %parallel_loop3A_407 = arith.constant 1 : i32
          %parallel_loop3A_408 = arith.index_cast %parallel_loop3A_407 : i32 to index
          %parallel_loop3A_409 = arith.index_cast %parallel_loop3A_231 : i32 to index
          %parallel_loop3A_410 = arith.constant 192 : index
          %parallel_loop3A_411 = tpu.vector_load %arg8[%parallel_loop3A_408, %parallel_loop3A_409, %parallel_loop3A_410] {strides = array<i32>} : memref<2x77x512xf32, #tpu.memory_space<vmem>>, vector<1x1x16xf32>,
          %parallel_loop3A_412 = vector.shape_cast %parallel_loop3A_411 : vector<1x1x16xf32> to vector<16xf32>
          %parallel_loop3A_413 = vector.shape_cast %parallel_loop3A_406 : vector<16xf32> to vector<1x1x16xf32>
          tpu.vector_store %arg8[%parallel_loop3A_408, %parallel_loop3A_409, %parallel_loop3A_410], %parallel_loop3A_413 {add = true, strides = array<i32>} : memref<2x77x512xf32, #tpu.memory_space<vmem>>, vector<1x1x16xf32>,
          %parallel_loop3A_414 = arith.constant 512 : i32
          %parallel_loop3A_415 = arith.muli %parallel_loop3A_231, %parallel_loop3A_414 : i32
          %parallel_loop3A_416 = arith.constant 208 : i32
          %parallel_loop3A_417 = arith.addi %parallel_loop3A_415, %parallel_loop3A_416 : i32
          %parallel_loop3A_418 = arith.index_cast %parallel_loop3A_417 : i32 to index
          %parallel_loop3A_419 = tpu.vector_load %arg7[%parallel_loop3A_418] {strides = array<i32>} : memref<39424xf32, #tpu.memory_space<vmem>>, vector<16xf32>,
          %parallel_loop3A_420 = vector.shape_cast %parallel_loop3A_419 : vector<16xf32> to vector<16xf32>
          %parallel_loop3A_421 = arith.constant 1 : i32
          %parallel_loop3A_422 = arith.index_cast %parallel_loop3A_421 : i32 to index
          %parallel_loop3A_423 = arith.index_cast %parallel_loop3A_231 : i32 to index
          %parallel_loop3A_424 = arith.constant 208 : index
          %parallel_loop3A_425 = tpu.vector_load %arg8[%parallel_loop3A_422, %parallel_loop3A_423, %parallel_loop3A_424] {strides = array<i32>} : memref<2x77x512xf32, #tpu.memory_space<vmem>>, vector<1x1x16xf32>,
          %parallel_loop3A_426 = vector.shape_cast %parallel_loop3A_425 : vector<1x1x16xf32> to vector<16xf32>
          %parallel_loop3A_427 = vector.shape_cast %parallel_loop3A_420 : vector<16xf32> to vector<1x1x16xf32>
          tpu.vector_store %arg8[%parallel_loop3A_422, %parallel_loop3A_423, %parallel_loop3A_424], %parallel_loop3A_427 {add = true, strides = array<i32>} : memref<2x77x512xf32, #tpu.memory_space<vmem>>, vector<1x1x16xf32>,
          %parallel_loop3A_428 = arith.constant 512 : i32
          %parallel_loop3A_429 = arith.muli %parallel_loop3A_231, %parallel_loop3A_428 : i32
          %parallel_loop3A_430 = arith.constant 224 : i32
          %parallel_loop3A_431 = arith.addi %parallel_loop3A_429, %parallel_loop3A_430 : i32
          %parallel_loop3A_432 = arith.index_cast %parallel_loop3A_431 : i32 to index
          %parallel_loop3A_433 = tpu.vector_load %arg7[%parallel_loop3A_432] {strides = array<i32>} : memref<39424xf32, #tpu.memory_space<vmem>>, vector<16xf32>,
          %parallel_loop3A_434 = vector.shape_cast %parallel_loop3A_433 : vector<16xf32> to vector<16xf32>
          %parallel_loop3A_435 = arith.constant 1 : i32
          %parallel_loop3A_436 = arith.index_cast %parallel_loop3A_435 : i32 to index
          %parallel_loop3A_437 = arith.index_cast %parallel_loop3A_231 : i32 to index
          %parallel_loop3A_438 = arith.constant 224 : index
          %parallel_loop3A_439 = tpu.vector_load %arg8[%parallel_loop3A_436, %parallel_loop3A_437, %parallel_loop3A_438] {strides = array<i32>} : memref<2x77x512xf32, #tpu.memory_space<vmem>>, vector<1x1x16xf32>,
          %parallel_loop3A_440 = vector.shape_cast %parallel_loop3A_439 : vector<1x1x16xf32> to vector<16xf32>
          %parallel_loop3A_441 = vector.shape_cast %parallel_loop3A_434 : vector<16xf32> to vector<1x1x16xf32>
          tpu.vector_store %arg8[%parallel_loop3A_436, %parallel_loop3A_437, %parallel_loop3A_438], %parallel_loop3A_441 {add = true, strides = array<i32>} : memref<2x77x512xf32, #tpu.memory_space<vmem>>, vector<1x1x16xf32>,
          %parallel_loop3A_442 = arith.constant 512 : i32
          %parallel_loop3A_443 = arith.muli %parallel_loop3A_231, %parallel_loop3A_442 : i32
          %parallel_loop3A_444 = arith.constant 240 : i32
          %parallel_loop3A_445 = arith.addi %parallel_loop3A_443, %parallel_loop3A_444 : i32
          %parallel_loop3A_446 = arith.index_cast %parallel_loop3A_445 : i32 to index
          %parallel_loop3A_447 = tpu.vector_load %arg7[%parallel_loop3A_446] {strides = array<i32>} : memref<39424xf32, #tpu.memory_space<vmem>>, vector<16xf32>,
          %parallel_loop3A_448 = vector.shape_cast %parallel_loop3A_447 : vector<16xf32> to vector<16xf32>
          %parallel_loop3A_449 = arith.constant 1 : i32
          %parallel_loop3A_450 = arith.index_cast %parallel_loop3A_449 : i32 to index
          %parallel_loop3A_451 = arith.index_cast %parallel_loop3A_231 : i32 to index
          %parallel_loop3A_452 = arith.constant 240 : index
          %parallel_loop3A_453 = tpu.vector_load %arg8[%parallel_loop3A_450, %parallel_loop3A_451, %parallel_loop3A_452] {strides = array<i32>} : memref<2x77x512xf32, #tpu.memory_space<vmem>>, vector<1x1x16xf32>,
          %parallel_loop3A_454 = vector.shape_cast %parallel_loop3A_453 : vector<1x1x16xf32> to vector<16xf32>
          %parallel_loop3A_455 = vector.shape_cast %parallel_loop3A_448 : vector<16xf32> to vector<1x1x16xf32>
          tpu.vector_store %arg8[%parallel_loop3A_450, %parallel_loop3A_451, %parallel_loop3A_452], %parallel_loop3A_455 {add = true, strides = array<i32>} : memref<2x77x512xf32, #tpu.memory_space<vmem>>, vector<1x1x16xf32>,
          %parallel_loop3A_456 = arith.constant 512 : i32
          %parallel_loop3A_457 = arith.muli %parallel_loop3A_231, %parallel_loop3A_456 : i32
          %parallel_loop3A_458 = arith.constant 256 : i32
          %parallel_loop3A_459 = arith.addi %parallel_loop3A_457, %parallel_loop3A_458 : i32
          %parallel_loop3A_460 = arith.index_cast %parallel_loop3A_459 : i32 to index
          %parallel_loop3A_461 = tpu.vector_load %arg7[%parallel_loop3A_460] {strides = array<i32>} : memref<39424xf32, #tpu.memory_space<vmem>>, vector<16xf32>,
          %parallel_loop3A_462 = vector.shape_cast %parallel_loop3A_461 : vector<16xf32> to vector<16xf32>
          %parallel_loop3A_463 = arith.constant 1 : i32
          %parallel_loop3A_464 = arith.index_cast %parallel_loop3A_463 : i32 to index
          %parallel_loop3A_465 = arith.index_cast %parallel_loop3A_231 : i32 to index
          %parallel_loop3A_466 = arith.constant 256 : index
          %parallel_loop3A_467 = tpu.vector_load %arg8[%parallel_loop3A_464, %parallel_loop3A_465, %parallel_loop3A_466] {strides = array<i32>} : memref<2x77x512xf32, #tpu.memory_space<vmem>>, vector<1x1x16xf32>,
          %parallel_loop3A_468 = vector.shape_cast %parallel_loop3A_467 : vector<1x1x16xf32> to vector<16xf32>
          %parallel_loop3A_469 = vector.shape_cast %parallel_loop3A_462 : vector<16xf32> to vector<1x1x16xf32>
          tpu.vector_store %arg8[%parallel_loop3A_464, %parallel_loop3A_465, %parallel_loop3A_466], %parallel_loop3A_469 {add = true, strides = array<i32>} : memref<2x77x512xf32, #tpu.memory_space<vmem>>, vector<1x1x16xf32>,
          %parallel_loop3A_470 = arith.constant 512 : i32
          %parallel_loop3A_471 = arith.muli %parallel_loop3A_231, %parallel_loop3A_470 : i32
          %parallel_loop3A_472 = arith.constant 272 : i32
          %parallel_loop3A_473 = arith.addi %parallel_loop3A_471, %parallel_loop3A_472 : i32
          %parallel_loop3A_474 = arith.index_cast %parallel_loop3A_473 : i32 to index
          %parallel_loop3A_475 = tpu.vector_load %arg7[%parallel_loop3A_474] {strides = array<i32>} : memref<39424xf32, #tpu.memory_space<vmem>>, vector<16xf32>,
          %parallel_loop3A_476 = vector.shape_cast %parallel_loop3A_475 : vector<16xf32> to vector<16xf32>
          %parallel_loop3A_477 = arith.constant 1 : i32
          %parallel_loop3A_478 = arith.index_cast %parallel_loop3A_477 : i32 to index
          %parallel_loop3A_479 = arith.index_cast %parallel_loop3A_231 : i32 to index
          %parallel_loop3A_480 = arith.constant 272 : index
          %parallel_loop3A_481 = tpu.vector_load %arg8[%parallel_loop3A_478, %parallel_loop3A_479, %parallel_loop3A_480] {strides = array<i32>} : memref<2x77x512xf32, #tpu.memory_space<vmem>>, vector<1x1x16xf32>,
          %parallel_loop3A_482 = vector.shape_cast %parallel_loop3A_481 : vector<1x1x16xf32> to vector<16xf32>
          %parallel_loop3A_483 = vector.shape_cast %parallel_loop3A_476 : vector<16xf32> to vector<1x1x16xf32>
          tpu.vector_store %arg8[%parallel_loop3A_478, %parallel_loop3A_479, %parallel_loop3A_480], %parallel_loop3A_483 {add = true, strides = array<i32>} : memref<2x77x512xf32, #tpu.memory_space<vmem>>, vector<1x1x16xf32>,
          %parallel_loop3A_484 = arith.constant 512 : i32
          %parallel_loop3A_485 = arith.muli %parallel_loop3A_231, %parallel_loop3A_484 : i32
          %parallel_loop3A_486 = arith.constant 288 : i32
          %parallel_loop3A_487 = arith.addi %parallel_loop3A_485, %parallel_loop3A_486 : i32
          %parallel_loop3A_488 = arith.index_cast %parallel_loop3A_487 : i32 to index
          %parallel_loop3A_489 = tpu.vector_load %arg7[%parallel_loop3A_488] {strides = array<i32>} : memref<39424xf32, #tpu.memory_space<vmem>>, vector<16xf32>,
          %parallel_loop3A_490 = vector.shape_cast %parallel_loop3A_489 : vector<16xf32> to vector<16xf32>
          %parallel_loop3A_491 = arith.constant 1 : i32
          %parallel_loop3A_492 = arith.index_cast %parallel_loop3A_491 : i32 to index
          %parallel_loop3A_493 = arith.index_cast %parallel_loop3A_231 : i32 to index
          %parallel_loop3A_494 = arith.constant 288 : index
          %parallel_loop3A_495 = tpu.vector_load %arg8[%parallel_loop3A_492, %parallel_loop3A_493, %parallel_loop3A_494] {strides = array<i32>} : memref<2x77x512xf32, #tpu.memory_space<vmem>>, vector<1x1x16xf32>,
          %parallel_loop3A_496 = vector.shape_cast %parallel_loop3A_495 : vector<1x1x16xf32> to vector<16xf32>
          %parallel_loop3A_497 = vector.shape_cast %parallel_loop3A_490 : vector<16xf32> to vector<1x1x16xf32>
          tpu.vector_store %arg8[%parallel_loop3A_492, %parallel_loop3A_493, %parallel_loop3A_494], %parallel_loop3A_497 {add = true, strides = array<i32>} : memref<2x77x512xf32, #tpu.memory_space<vmem>>, vector<1x1x16xf32>,
          %parallel_loop3A_498 = arith.constant 512 : i32
          %parallel_loop3A_499 = arith.muli %parallel_loop3A_231, %parallel_loop3A_498 : i32
          %parallel_loop3A_500 = arith.constant 304 : i32
          %parallel_loop3A_501 = arith.addi %parallel_loop3A_499, %parallel_loop3A_500 : i32
          %parallel_loop3A_502 = arith.index_cast %parallel_loop3A_501 : i32 to index
          %parallel_loop3A_503 = tpu.vector_load %arg7[%parallel_loop3A_502] {strides = array<i32>} : memref<39424xf32, #tpu.memory_space<vmem>>, vector<16xf32>,
          %parallel_loop3A_504 = vector.shape_cast %parallel_loop3A_503 : vector<16xf32> to vector<16xf32>
          %parallel_loop3A_505 = arith.constant 1 : i32
          %parallel_loop3A_506 = arith.index_cast %parallel_loop3A_505 : i32 to index
          %parallel_loop3A_507 = arith.index_cast %parallel_loop3A_231 : i32 to index
          %parallel_loop3A_508 = arith.constant 304 : index
          %parallel_loop3A_509 = tpu.vector_load %arg8[%parallel_loop3A_506, %parallel_loop3A_507, %parallel_loop3A_508] {strides = array<i32>} : memref<2x77x512xf32, #tpu.memory_space<vmem>>, vector<1x1x16xf32>,
          %parallel_loop3A_510 = vector.shape_cast %parallel_loop3A_509 : vector<1x1x16xf32> to vector<16xf32>
          %parallel_loop3A_511 = vector.shape_cast %parallel_loop3A_504 : vector<16xf32> to vector<1x1x16xf32>
          tpu.vector_store %arg8[%parallel_loop3A_506, %parallel_loop3A_507, %parallel_loop3A_508], %parallel_loop3A_511 {add = true, strides = array<i32>} : memref<2x77x512xf32, #tpu.memory_space<vmem>>, vector<1x1x16xf32>,
          %parallel_loop3A_512 = arith.constant 512 : i32
          %parallel_loop3A_513 = arith.muli %parallel_loop3A_231, %parallel_loop3A_512 : i32
          %parallel_loop3A_514 = arith.constant 320 : i32
          %parallel_loop3A_515 = arith.addi %parallel_loop3A_513, %parallel_loop3A_514 : i32
          %parallel_loop3A_516 = arith.index_cast %parallel_loop3A_515 : i32 to index
          %parallel_loop3A_517 = tpu.vector_load %arg7[%parallel_loop3A_516] {strides = array<i32>} : memref<39424xf32, #tpu.memory_space<vmem>>, vector<16xf32>,
          %parallel_loop3A_518 = vector.shape_cast %parallel_loop3A_517 : vector<16xf32> to vector<16xf32>
          %parallel_loop3A_519 = arith.constant 1 : i32
          %parallel_loop3A_520 = arith.index_cast %parallel_loop3A_519 : i32 to index
          %parallel_loop3A_521 = arith.index_cast %parallel_loop3A_231 : i32 to index
          %parallel_loop3A_522 = arith.constant 320 : index
          %parallel_loop3A_523 = tpu.vector_load %arg8[%parallel_loop3A_520, %parallel_loop3A_521, %parallel_loop3A_522] {strides = array<i32>} : memref<2x77x512xf32, #tpu.memory_space<vmem>>, vector<1x1x16xf32>,
          %parallel_loop3A_524 = vector.shape_cast %parallel_loop3A_523 : vector<1x1x16xf32> to vector<16xf32>
          %parallel_loop3A_525 = vector.shape_cast %parallel_loop3A_518 : vector<16xf32> to vector<1x1x16xf32>
          tpu.vector_store %arg8[%parallel_loop3A_520, %parallel_loop3A_521, %parallel_loop3A_522], %parallel_loop3A_525 {add = true, strides = array<i32>} : memref<2x77x512xf32, #tpu.memory_space<vmem>>, vector<1x1x16xf32>,
          %parallel_loop3A_526 = arith.constant 512 : i32
          %parallel_loop3A_527 = arith.muli %parallel_loop3A_231, %parallel_loop3A_526 : i32
          %parallel_loop3A_528 = arith.constant 336 : i32
          %parallel_loop3A_529 = arith.addi %parallel_loop3A_527, %parallel_loop3A_528 : i32
          %parallel_loop3A_530 = arith.index_cast %parallel_loop3A_529 : i32 to index
          %parallel_loop3A_531 = tpu.vector_load %arg7[%parallel_loop3A_530] {strides = array<i32>} : memref<39424xf32, #tpu.memory_space<vmem>>, vector<16xf32>,
          %parallel_loop3A_532 = vector.shape_cast %parallel_loop3A_531 : vector<16xf32> to vector<16xf32>
          %parallel_loop3A_533 = arith.constant 1 : i32
          %parallel_loop3A_534 = arith.index_cast %parallel_loop3A_533 : i32 to index
          %parallel_loop3A_535 = arith.index_cast %parallel_loop3A_231 : i32 to index
          %parallel_loop3A_536 = arith.constant 336 : index
          %parallel_loop3A_537 = tpu.vector_load %arg8[%parallel_loop3A_534, %parallel_loop3A_535, %parallel_loop3A_536] {strides = array<i32>} : memref<2x77x512xf32, #tpu.memory_space<vmem>>, vector<1x1x16xf32>,
          %parallel_loop3A_538 = vector.shape_cast %parallel_loop3A_537 : vector<1x1x16xf32> to vector<16xf32>
          %parallel_loop3A_539 = vector.shape_cast %parallel_loop3A_532 : vector<16xf32> to vector<1x1x16xf32>
          tpu.vector_store %arg8[%parallel_loop3A_534, %parallel_loop3A_535, %parallel_loop3A_536], %parallel_loop3A_539 {add = true, strides = array<i32>} : memref<2x77x512xf32, #tpu.memory_space<vmem>>, vector<1x1x16xf32>,
          %parallel_loop3A_540 = arith.constant 512 : i32
          %parallel_loop3A_541 = arith.muli %parallel_loop3A_231, %parallel_loop3A_540 : i32
          %parallel_loop3A_542 = arith.constant 352 : i32
          %parallel_loop3A_543 = arith.addi %parallel_loop3A_541, %parallel_loop3A_542 : i32
          %parallel_loop3A_544 = arith.index_cast %parallel_loop3A_543 : i32 to index
          %parallel_loop3A_545 = tpu.vector_load %arg7[%parallel_loop3A_544] {strides = array<i32>} : memref<39424xf32, #tpu.memory_space<vmem>>, vector<16xf32>,
          %parallel_loop3A_546 = vector.shape_cast %parallel_loop3A_545 : vector<16xf32> to vector<16xf32>
          %parallel_loop3A_547 = arith.constant 1 : i32
          %parallel_loop3A_548 = arith.index_cast %parallel_loop3A_547 : i32 to index
          %parallel_loop3A_549 = arith.index_cast %parallel_loop3A_231 : i32 to index
          %parallel_loop3A_550 = arith.constant 352 : index
          %parallel_loop3A_551 = tpu.vector_load %arg8[%parallel_loop3A_548, %parallel_loop3A_549, %parallel_loop3A_550] {strides = array<i32>} : memref<2x77x512xf32, #tpu.memory_space<vmem>>, vector<1x1x16xf32>,
          %parallel_loop3A_552 = vector.shape_cast %parallel_loop3A_551 : vector<1x1x16xf32> to vector<16xf32>
          %parallel_loop3A_553 = vector.shape_cast %parallel_loop3A_546 : vector<16xf32> to vector<1x1x16xf32>
          tpu.vector_store %arg8[%parallel_loop3A_548, %parallel_loop3A_549, %parallel_loop3A_550], %parallel_loop3A_553 {add = true, strides = array<i32>} : memref<2x77x512xf32, #tpu.memory_space<vmem>>, vector<1x1x16xf32>,
          %parallel_loop3A_554 = arith.constant 512 : i32
          %parallel_loop3A_555 = arith.muli %parallel_loop3A_231, %parallel_loop3A_554 : i32
          %parallel_loop3A_556 = arith.constant 368 : i32
          %parallel_loop3A_557 = arith.addi %parallel_loop3A_555, %parallel_loop3A_556 : i32
          %parallel_loop3A_558 = arith.index_cast %parallel_loop3A_557 : i32 to index
          %parallel_loop3A_559 = tpu.vector_load %arg7[%parallel_loop3A_558] {strides = array<i32>} : memref<39424xf32, #tpu.memory_space<vmem>>, vector<16xf32>,
          %parallel_loop3A_560 = vector.shape_cast %parallel_loop3A_559 : vector<16xf32> to vector<16xf32>
          %parallel_loop3A_561 = arith.constant 1 : i32
          %parallel_loop3A_562 = arith.index_cast %parallel_loop3A_561 : i32 to index
          %parallel_loop3A_563 = arith.index_cast %parallel_loop3A_231 : i32 to index
          %parallel_loop3A_564 = arith.constant 368 : index
          %parallel_loop3A_565 = tpu.vector_load %arg8[%parallel_loop3A_562, %parallel_loop3A_563, %parallel_loop3A_564] {strides = array<i32>} : memref<2x77x512xf32, #tpu.memory_space<vmem>>, vector<1x1x16xf32>,
          %parallel_loop3A_566 = vector.shape_cast %parallel_loop3A_565 : vector<1x1x16xf32> to vector<16xf32>
          %parallel_loop3A_567 = vector.shape_cast %parallel_loop3A_560 : vector<16xf32> to vector<1x1x16xf32>
          tpu.vector_store %arg8[%parallel_loop3A_562, %parallel_loop3A_563, %parallel_loop3A_564], %parallel_loop3A_567 {add = true, strides = array<i32>} : memref<2x77x512xf32, #tpu.memory_space<vmem>>, vector<1x1x16xf32>,
          %parallel_loop3A_568 = arith.constant 512 : i32
          %parallel_loop3A_569 = arith.muli %parallel_loop3A_231, %parallel_loop3A_568 : i32
          %parallel_loop3A_570 = arith.constant 384 : i32
          %parallel_loop3A_571 = arith.addi %parallel_loop3A_569, %parallel_loop3A_570 : i32
          %parallel_loop3A_572 = arith.index_cast %parallel_loop3A_571 : i32 to index
          %parallel_loop3A_573 = tpu.vector_load %arg7[%parallel_loop3A_572] {strides = array<i32>} : memref<39424xf32, #tpu.memory_space<vmem>>, vector<16xf32>,
          %parallel_loop3A_574 = vector.shape_cast %parallel_loop3A_573 : vector<16xf32> to vector<16xf32>
          %parallel_loop3A_575 = arith.constant 1 : i32
          %parallel_loop3A_576 = arith.index_cast %parallel_loop3A_575 : i32 to index
          %parallel_loop3A_577 = arith.index_cast %parallel_loop3A_231 : i32 to index
          %parallel_loop3A_578 = arith.constant 384 : index
          %parallel_loop3A_579 = tpu.vector_load %arg8[%parallel_loop3A_576, %parallel_loop3A_577, %parallel_loop3A_578] {strides = array<i32>} : memref<2x77x512xf32, #tpu.memory_space<vmem>>, vector<1x1x16xf32>,
          %parallel_loop3A_580 = vector.shape_cast %parallel_loop3A_579 : vector<1x1x16xf32> to vector<16xf32>
          %parallel_loop3A_581 = vector.shape_cast %parallel_loop3A_574 : vector<16xf32> to vector<1x1x16xf32>
          tpu.vector_store %arg8[%parallel_loop3A_576, %parallel_loop3A_577, %parallel_loop3A_578], %parallel_loop3A_581 {add = true, strides = array<i32>} : memref<2x77x512xf32, #tpu.memory_space<vmem>>, vector<1x1x16xf32>,
          %parallel_loop3A_582 = arith.constant 512 : i32
          %parallel_loop3A_583 = arith.muli %parallel_loop3A_231, %parallel_loop3A_582 : i32
          %parallel_loop3A_584 = arith.constant 400 : i32
          %parallel_loop3A_585 = arith.addi %parallel_loop3A_583, %parallel_loop3A_584 : i32
          %parallel_loop3A_586 = arith.index_cast %parallel_loop3A_585 : i32 to index
          %parallel_loop3A_587 = tpu.vector_load %arg7[%parallel_loop3A_586] {strides = array<i32>} : memref<39424xf32, #tpu.memory_space<vmem>>, vector<16xf32>,
          %parallel_loop3A_588 = vector.shape_cast %parallel_loop3A_587 : vector<16xf32> to vector<16xf32>
          %parallel_loop3A_589 = arith.constant 1 : i32
          %parallel_loop3A_590 = arith.index_cast %parallel_loop3A_589 : i32 to index
          %parallel_loop3A_591 = arith.index_cast %parallel_loop3A_231 : i32 to index
          %parallel_loop3A_592 = arith.constant 400 : index
          %parallel_loop3A_593 = tpu.vector_load %arg8[%parallel_loop3A_590, %parallel_loop3A_591, %parallel_loop3A_592] {strides = array<i32>} : memref<2x77x512xf32, #tpu.memory_space<vmem>>, vector<1x1x16xf32>,
          %parallel_loop3A_594 = vector.shape_cast %parallel_loop3A_593 : vector<1x1x16xf32> to vector<16xf32>
          %parallel_loop3A_595 = vector.shape_cast %parallel_loop3A_588 : vector<16xf32> to vector<1x1x16xf32>
          tpu.vector_store %arg8[%parallel_loop3A_590, %parallel_loop3A_591, %parallel_loop3A_592], %parallel_loop3A_595 {add = true, strides = array<i32>} : memref<2x77x512xf32, #tpu.memory_space<vmem>>, vector<1x1x16xf32>,
          %parallel_loop3A_596 = arith.constant 512 : i32
          %parallel_loop3A_597 = arith.muli %parallel_loop3A_231, %parallel_loop3A_596 : i32
          %parallel_loop3A_598 = arith.constant 416 : i32
          %parallel_loop3A_599 = arith.addi %parallel_loop3A_597, %parallel_loop3A_598 : i32
          %parallel_loop3A_600 = arith.index_cast %parallel_loop3A_599 : i32 to index
          %parallel_loop3A_601 = tpu.vector_load %arg7[%parallel_loop3A_600] {strides = array<i32>} : memref<39424xf32, #tpu.memory_space<vmem>>, vector<16xf32>,
          %parallel_loop3A_602 = vector.shape_cast %parallel_loop3A_601 : vector<16xf32> to vector<16xf32>
          %parallel_loop3A_603 = arith.constant 1 : i32
          %parallel_loop3A_604 = arith.index_cast %parallel_loop3A_603 : i32 to index
          %parallel_loop3A_605 = arith.index_cast %parallel_loop3A_231 : i32 to index
          %parallel_loop3A_606 = arith.constant 416 : index
          %parallel_loop3A_607 = tpu.vector_load %arg8[%parallel_loop3A_604, %parallel_loop3A_605, %parallel_loop3A_606] {strides = array<i32>} : memref<2x77x512xf32, #tpu.memory_space<vmem>>, vector<1x1x16xf32>,
          %parallel_loop3A_608 = vector.shape_cast %parallel_loop3A_607 : vector<1x1x16xf32> to vector<16xf32>
          %parallel_loop3A_609 = vector.shape_cast %parallel_loop3A_602 : vector<16xf32> to vector<1x1x16xf32>
          tpu.vector_store %arg8[%parallel_loop3A_604, %parallel_loop3A_605, %parallel_loop3A_606], %parallel_loop3A_609 {add = true, strides = array<i32>} : memref<2x77x512xf32, #tpu.memory_space<vmem>>, vector<1x1x16xf32>,
          %parallel_loop3A_610 = arith.constant 512 : i32
          %parallel_loop3A_611 = arith.muli %parallel_loop3A_231, %parallel_loop3A_610 : i32
          %parallel_loop3A_612 = arith.constant 432 : i32
          %parallel_loop3A_613 = arith.addi %parallel_loop3A_611, %parallel_loop3A_612 : i32
          %parallel_loop3A_614 = arith.index_cast %parallel_loop3A_613 : i32 to index
          %parallel_loop3A_615 = tpu.vector_load %arg7[%parallel_loop3A_614] {strides = array<i32>} : memref<39424xf32, #tpu.memory_space<vmem>>, vector<16xf32>,
          %parallel_loop3A_616 = vector.shape_cast %parallel_loop3A_615 : vector<16xf32> to vector<16xf32>
          %parallel_loop3A_617 = arith.constant 1 : i32
          %parallel_loop3A_618 = arith.index_cast %parallel_loop3A_617 : i32 to index
          %parallel_loop3A_619 = arith.index_cast %parallel_loop3A_231 : i32 to index
          %parallel_loop3A_620 = arith.constant 432 : index
          %parallel_loop3A_621 = tpu.vector_load %arg8[%parallel_loop3A_618, %parallel_loop3A_619, %parallel_loop3A_620] {strides = array<i32>} : memref<2x77x512xf32, #tpu.memory_space<vmem>>, vector<1x1x16xf32>,
          %parallel_loop3A_622 = vector.shape_cast %parallel_loop3A_621 : vector<1x1x16xf32> to vector<16xf32>
          %parallel_loop3A_623 = vector.shape_cast %parallel_loop3A_616 : vector<16xf32> to vector<1x1x16xf32>
          tpu.vector_store %arg8[%parallel_loop3A_618, %parallel_loop3A_619, %parallel_loop3A_620], %parallel_loop3A_623 {add = true, strides = array<i32>} : memref<2x77x512xf32, #tpu.memory_space<vmem>>, vector<1x1x16xf32>,
          %parallel_loop3A_624 = arith.constant 512 : i32
          %parallel_loop3A_625 = arith.muli %parallel_loop3A_231, %parallel_loop3A_624 : i32
          %parallel_loop3A_626 = arith.constant 448 : i32
          %parallel_loop3A_627 = arith.addi %parallel_loop3A_625, %parallel_loop3A_626 : i32
          %parallel_loop3A_628 = arith.index_cast %parallel_loop3A_627 : i32 to index
          %parallel_loop3A_629 = tpu.vector_load %arg7[%parallel_loop3A_628] {strides = array<i32>} : memref<39424xf32, #tpu.memory_space<vmem>>, vector<16xf32>,
          %parallel_loop3A_630 = vector.shape_cast %parallel_loop3A_629 : vector<16xf32> to vector<16xf32>
          %parallel_loop3A_631 = arith.constant 1 : i32
          %parallel_loop3A_632 = arith.index_cast %parallel_loop3A_631 : i32 to index
          %parallel_loop3A_633 = arith.index_cast %parallel_loop3A_231 : i32 to index
          %parallel_loop3A_634 = arith.constant 448 : index
          %parallel_loop3A_635 = tpu.vector_load %arg8[%parallel_loop3A_632, %parallel_loop3A_633, %parallel_loop3A_634] {strides = array<i32>} : memref<2x77x512xf32, #tpu.memory_space<vmem>>, vector<1x1x16xf32>,
          %parallel_loop3A_636 = vector.shape_cast %parallel_loop3A_635 : vector<1x1x16xf32> to vector<16xf32>
          %parallel_loop3A_637 = vector.shape_cast %parallel_loop3A_630 : vector<16xf32> to vector<1x1x16xf32>
          tpu.vector_store %arg8[%parallel_loop3A_632, %parallel_loop3A_633, %parallel_loop3A_634], %parallel_loop3A_637 {add = true, strides = array<i32>} : memref<2x77x512xf32, #tpu.memory_space<vmem>>, vector<1x1x16xf32>,
          %parallel_loop3A_638 = arith.constant 512 : i32
          %parallel_loop3A_639 = arith.muli %parallel_loop3A_231, %parallel_loop3A_638 : i32
          %parallel_loop3A_640 = arith.constant 464 : i32
          %parallel_loop3A_641 = arith.addi %parallel_loop3A_639, %parallel_loop3A_640 : i32
          %parallel_loop3A_642 = arith.index_cast %parallel_loop3A_641 : i32 to index
          %parallel_loop3A_643 = tpu.vector_load %arg7[%parallel_loop3A_642] {strides = array<i32>} : memref<39424xf32, #tpu.memory_space<vmem>>, vector<16xf32>,
          %parallel_loop3A_644 = vector.shape_cast %parallel_loop3A_643 : vector<16xf32> to vector<16xf32>
          %parallel_loop3A_645 = arith.constant 1 : i32
          %parallel_loop3A_646 = arith.index_cast %parallel_loop3A_645 : i32 to index
          %parallel_loop3A_647 = arith.index_cast %parallel_loop3A_231 : i32 to index
          %parallel_loop3A_648 = arith.constant 464 : index
          %parallel_loop3A_649 = tpu.vector_load %arg8[%parallel_loop3A_646, %parallel_loop3A_647, %parallel_loop3A_648] {strides = array<i32>} : memref<2x77x512xf32, #tpu.memory_space<vmem>>, vector<1x1x16xf32>,
          %parallel_loop3A_650 = vector.shape_cast %parallel_loop3A_649 : vector<1x1x16xf32> to vector<16xf32>
          %parallel_loop3A_651 = vector.shape_cast %parallel_loop3A_644 : vector<16xf32> to vector<1x1x16xf32>
          tpu.vector_store %arg8[%parallel_loop3A_646, %parallel_loop3A_647, %parallel_loop3A_648], %parallel_loop3A_651 {add = true, strides = array<i32>} : memref<2x77x512xf32, #tpu.memory_space<vmem>>, vector<1x1x16xf32>,
          %parallel_loop3A_652 = arith.constant 512 : i32
          %parallel_loop3A_653 = arith.muli %parallel_loop3A_231, %parallel_loop3A_652 : i32
          %parallel_loop3A_654 = arith.constant 480 : i32
          %parallel_loop3A_655 = arith.addi %parallel_loop3A_653, %parallel_loop3A_654 : i32
          %parallel_loop3A_656 = arith.index_cast %parallel_loop3A_655 : i32 to index
          %parallel_loop3A_657 = tpu.vector_load %arg7[%parallel_loop3A_656] {strides = array<i32>} : memref<39424xf32, #tpu.memory_space<vmem>>, vector<16xf32>,
          %parallel_loop3A_658 = vector.shape_cast %parallel_loop3A_657 : vector<16xf32> to vector<16xf32>
          %parallel_loop3A_659 = arith.constant 1 : i32
          %parallel_loop3A_660 = arith.index_cast %parallel_loop3A_659 : i32 to index
          %parallel_loop3A_661 = arith.index_cast %parallel_loop3A_231 : i32 to index
          %parallel_loop3A_662 = arith.constant 480 : index
          %parallel_loop3A_663 = tpu.vector_load %arg8[%parallel_loop3A_660, %parallel_loop3A_661, %parallel_loop3A_662] {strides = array<i32>} : memref<2x77x512xf32, #tpu.memory_space<vmem>>, vector<1x1x16xf32>,
          %parallel_loop3A_664 = vector.shape_cast %parallel_loop3A_663 : vector<1x1x16xf32> to vector<16xf32>
          %parallel_loop3A_665 = vector.shape_cast %parallel_loop3A_658 : vector<16xf32> to vector<1x1x16xf32>
          tpu.vector_store %arg8[%parallel_loop3A_660, %parallel_loop3A_661, %parallel_loop3A_662], %parallel_loop3A_665 {add = true, strides = array<i32>} : memref<2x77x512xf32, #tpu.memory_space<vmem>>, vector<1x1x16xf32>,
          %parallel_loop3A_666 = arith.constant 512 : i32
          %parallel_loop3A_667 = arith.muli %parallel_loop3A_231, %parallel_loop3A_666 : i32
          %parallel_loop3A_668 = arith.constant 496 : i32
          %parallel_loop3A_669 = arith.addi %parallel_loop3A_667, %parallel_loop3A_668 : i32
          %parallel_loop3A_670 = arith.index_cast %parallel_loop3A_669 : i32 to index
          %parallel_loop3A_671 = tpu.vector_load %arg7[%parallel_loop3A_670] {strides = array<i32>} : memref<39424xf32, #tpu.memory_space<vmem>>, vector<16xf32>,
          %parallel_loop3A_672 = vector.shape_cast %parallel_loop3A_671 : vector<16xf32> to vector<16xf32>
          %parallel_loop3A_673 = arith.constant 1 : i32
          %parallel_loop3A_674 = arith.index_cast %parallel_loop3A_673 : i32 to index
          %parallel_loop3A_675 = arith.index_cast %parallel_loop3A_231 : i32 to index
          %parallel_loop3A_676 = arith.constant 496 : index
          %parallel_loop3A_677 = tpu.vector_load %arg8[%parallel_loop3A_674, %parallel_loop3A_675, %parallel_loop3A_676] {strides = array<i32>} : memref<2x77x512xf32, #tpu.memory_space<vmem>>, vector<1x1x16xf32>,
          %parallel_loop3A_678 = vector.shape_cast %parallel_loop3A_677 : vector<1x1x16xf32> to vector<16xf32>
          %parallel_loop3A_679 = vector.shape_cast %parallel_loop3A_672 : vector<16xf32> to vector<1x1x16xf32>
          tpu.vector_store %arg8[%parallel_loop3A_674, %parallel_loop3A_675, %parallel_loop3A_676], %parallel_loop3A_679 {add = true, strides = array<i32>} : memref<2x77x512xf32, #tpu.memory_space<vmem>>, vector<1x1x16xf32>,
        } {sc.loop_unroll_factor = 4 : i64, sc.parallel_access}
        %dma_wait3A_198 = arith.constant 0 : i32
        %dma_wait3A_199 = arith.constant 0 : i32
        %dma_wait3A_200 = tpu.memref_slice %arg3[%dma_wait3A_198, %dma_wait3A_199] : memref<49408x512xf32, #tpu.memory_space<hbm>> -> memref<16x512xf32, #tpu.memory_space<hbm>>
        %dma_wait3A_201 = arith.constant 0 : i32
        %dma_wait3A_202 = arith.constant 0 : i32
        %dma_wait3A_203 = tpu.memref_slice %arg3[%dma_wait3A_201, %dma_wait3A_202] : memref<49408x512xf32, #tpu.memory_space<hbm>> -> memref<16x512xf32, #tpu.memory_space<hbm>>
        tpu.wait_dma2 semaphore(%arg12 : memref<!tpu.dma_semaphore, #tpu.memory_space<semaphore_mem>>) src(%dma_wait3A_203 : memref<16x512xf32, #tpu.memory_space<hbm>>) dst(%arg9 : memref<16x512xf32, #tpu.memory_space<vmem>>)
        %parallel_loop3A_204 = arith.constant 0 : i32
        %parallel_loop3A_205 = arith.constant 13 : i32
        %parallel_loop3A_206 = arith.constant 1 : i32
        scf.for %parallel_loop3A_231 = %parallel_loop3A_204 to %parallel_loop3A_205 step %parallel_loop3A_206  : i32 {
          %parallel_loop3A_232 = arith.constant 3 : i32
          %parallel_loop3A_233 = arith.addi %parallel_loop3A_231, %parallel_loop3A_232 : i32
          %parallel_loop3A_234 = arith.index_cast %parallel_loop3A_233 : i32 to index
          %parallel_loop3A_235 = arith.constant 0 : index
          %parallel_loop3A_236 = tpu.vector_load %arg9[%parallel_loop3A_234, %parallel_loop3A_235] {strides = array<i32>} : memref<16x512xf32, #tpu.memory_space<vmem>>, vector<1x16xf32>,
          %parallel_loop3A_237 = vector.shape_cast %parallel_loop3A_236 : vector<1x16xf32> to vector<16xf32>
          %parallel_loop3A_238 = arith.constant 64 : i32
          %parallel_loop3A_239 = arith.addi %parallel_loop3A_238, %parallel_loop3A_231 : i32
          %parallel_loop3A_240 = arith.constant 512 : i32
          %parallel_loop3A_241 = arith.muli %parallel_loop3A_239, %parallel_loop3A_240 : i32
          %parallel_loop3A_242 = arith.constant 0 : i32
          %parallel_loop3A_243 = arith.addi %parallel_loop3A_241, %parallel_loop3A_242 : i32
          %parallel_loop3A_244 = arith.index_cast %parallel_loop3A_243 : i32 to index
          %parallel_loop3A_245 = tpu.vector_load %arg7[%parallel_loop3A_244] {strides = array<i32>} : memref<39424xf32, #tpu.memory_space<vmem>>, vector<16xf32>,
          %parallel_loop3A_246 = vector.shape_cast %parallel_loop3A_245 : vector<16xf32> to vector<16xf32>
          %parallel_loop3A_247 = arith.addf %parallel_loop3A_237, %parallel_loop3A_246 : vector<16xf32>
          %parallel_loop3A_248 = arith.constant 64 : i32
          %parallel_loop3A_249 = arith.addi %parallel_loop3A_248, %parallel_loop3A_231 : i32
          %parallel_loop3A_250 = arith.constant 1 : i32
          %parallel_loop3A_251 = arith.index_cast %parallel_loop3A_250 : i32 to index
          %parallel_loop3A_252 = arith.index_cast %parallel_loop3A_249 : i32 to index
          %parallel_loop3A_253 = arith.constant 0 : index
          %parallel_loop3A_254 = tpu.vector_load %arg8[%parallel_loop3A_251, %parallel_loop3A_252, %parallel_loop3A_253] {strides = array<i32>} : memref<2x77x512xf32, #tpu.memory_space<vmem>>, vector<1x1x16xf32>,
          %parallel_loop3A_255 = vector.shape_cast %parallel_loop3A_254 : vector<1x1x16xf32> to vector<16xf32>
          %parallel_loop3A_256 = vector.shape_cast %parallel_loop3A_247 : vector<16xf32> to vector<1x1x16xf32>
          tpu.vector_store %arg8[%parallel_loop3A_251, %parallel_loop3A_252, %parallel_loop3A_253], %parallel_loop3A_256 {strides = array<i32>} : memref<2x77x512xf32, #tpu.memory_space<vmem>>, vector<1x1x16xf32>,
          %parallel_loop3A_257 = arith.index_cast %parallel_loop3A_233 : i32 to index
          %parallel_loop3A_258 = arith.constant 16 : index
          %parallel_loop3A_259 = tpu.vector_load %arg9[%parallel_loop3A_257, %parallel_loop3A_258] {strides = array<i32>} : memref<16x512xf32, #tpu.memory_space<vmem>>, vector<1x16xf32>,
          %parallel_loop3A_260 = vector.shape_cast %parallel_loop3A_259 : vector<1x16xf32> to vector<16xf32>
          %parallel_loop3A_261 = arith.constant 64 : i32
          %parallel_loop3A_262 = arith.addi %parallel_loop3A_261, %parallel_loop3A_231 : i32
          %parallel_loop3A_263 = arith.constant 512 : i32
          %parallel_loop3A_264 = arith.muli %parallel_loop3A_262, %parallel_loop3A_263 : i32
          %parallel_loop3A_265 = arith.constant 16 : i32
          %parallel_loop3A_266 = arith.addi %parallel_loop3A_264, %parallel_loop3A_265 : i32
          %parallel_loop3A_267 = arith.index_cast %parallel_loop3A_266 : i32 to index
          %parallel_loop3A_268 = tpu.vector_load %arg7[%parallel_loop3A_267] {strides = array<i32>} : memref<39424xf32, #tpu.memory_space<vmem>>, vector<16xf32>,
          %parallel_loop3A_269 = vector.shape_cast %parallel_loop3A_268 : vector<16xf32> to vector<16xf32>
          %parallel_loop3A_270 = arith.addf %parallel_loop3A_260, %parallel_loop3A_269 : vector<16xf32>
          %parallel_loop3A_271 = arith.constant 64 : i32
          %parallel_loop3A_272 = arith.addi %parallel_loop3A_271, %parallel_loop3A_231 : i32
          %parallel_loop3A_273 = arith.constant 1 : i32
          %parallel_loop3A_274 = arith.index_cast %parallel_loop3A_273 : i32 to index
          %parallel_loop3A_275 = arith.index_cast %parallel_loop3A_272 : i32 to index
          %parallel_loop3A_276 = arith.constant 16 : index
          %parallel_loop3A_277 = tpu.vector_load %arg8[%parallel_loop3A_274, %parallel_loop3A_275, %parallel_loop3A_276] {strides = array<i32>} : memref<2x77x512xf32, #tpu.memory_space<vmem>>, vector<1x1x16xf32>,
          %parallel_loop3A_278 = vector.shape_cast %parallel_loop3A_277 : vector<1x1x16xf32> to vector<16xf32>
          %parallel_loop3A_279 = vector.shape_cast %parallel_loop3A_270 : vector<16xf32> to vector<1x1x16xf32>
          tpu.vector_store %arg8[%parallel_loop3A_274, %parallel_loop3A_275, %parallel_loop3A_276], %parallel_loop3A_279 {strides = array<i32>} : memref<2x77x512xf32, #tpu.memory_space<vmem>>, vector<1x1x16xf32>,
          %parallel_loop3A_280 = arith.index_cast %parallel_loop3A_233 : i32 to index
          %parallel_loop3A_281 = arith.constant 32 : index
          %parallel_loop3A_282 = tpu.vector_load %arg9[%parallel_loop3A_280, %parallel_loop3A_281] {strides = array<i32>} : memref<16x512xf32, #tpu.memory_space<vmem>>, vector<1x16xf32>,
          %parallel_loop3A_283 = vector.shape_cast %parallel_loop3A_282 : vector<1x16xf32> to vector<16xf32>
          %parallel_loop3A_284 = arith.constant 64 : i32
          %parallel_loop3A_285 = arith.addi %parallel_loop3A_284, %parallel_loop3A_231 : i32
          %parallel_loop3A_286 = arith.constant 512 : i32
          %parallel_loop3A_287 = arith.muli %parallel_loop3A_285, %parallel_loop3A_286 : i32
          %parallel_loop3A_288 = arith.constant 32 : i32
          %parallel_loop3A_289 = arith.addi %parallel_loop3A_287, %parallel_loop3A_288 : i32
          %parallel_loop3A_290 = arith.index_cast %parallel_loop3A_289 : i32 to index
          %parallel_loop3A_291 = tpu.vector_load %arg7[%parallel_loop3A_290] {strides = array<i32>} : memref<39424xf32, #tpu.memory_space<vmem>>, vector<16xf32>,
          %parallel_loop3A_292 = vector.shape_cast %parallel_loop3A_291 : vector<16xf32> to vector<16xf32>
          %parallel_loop3A_293 = arith.addf %parallel_loop3A_283, %parallel_loop3A_292 : vector<16xf32>
          %parallel_loop3A_294 = arith.constant 64 : i32
          %parallel_loop3A_295 = arith.addi %parallel_loop3A_294, %parallel_loop3A_231 : i32
          %parallel_loop3A_296 = arith.constant 1 : i32
          %parallel_loop3A_297 = arith.index_cast %parallel_loop3A_296 : i32 to index
          %parallel_loop3A_298 = arith.index_cast %parallel_loop3A_295 : i32 to index
          %parallel_loop3A_299 = arith.constant 32 : index
          %parallel_loop3A_300 = tpu.vector_load %arg8[%parallel_loop3A_297, %parallel_loop3A_298, %parallel_loop3A_299] {strides = array<i32>} : memref<2x77x512xf32, #tpu.memory_space<vmem>>, vector<1x1x16xf32>,
          %parallel_loop3A_301 = vector.shape_cast %parallel_loop3A_300 : vector<1x1x16xf32> to vector<16xf32>
          %parallel_loop3A_302 = vector.shape_cast %parallel_loop3A_293 : vector<16xf32> to vector<1x1x16xf32>
          tpu.vector_store %arg8[%parallel_loop3A_297, %parallel_loop3A_298, %parallel_loop3A_299], %parallel_loop3A_302 {strides = array<i32>} : memref<2x77x512xf32, #tpu.memory_space<vmem>>, vector<1x1x16xf32>,
          %parallel_loop3A_303 = arith.index_cast %parallel_loop3A_233 : i32 to index
          %parallel_loop3A_304 = arith.constant 48 : index
          %parallel_loop3A_305 = tpu.vector_load %arg9[%parallel_loop3A_303, %parallel_loop3A_304] {strides = array<i32>} : memref<16x512xf32, #tpu.memory_space<vmem>>, vector<1x16xf32>,
          %parallel_loop3A_306 = vector.shape_cast %parallel_loop3A_305 : vector<1x16xf32> to vector<16xf32>
          %parallel_loop3A_307 = arith.constant 64 : i32
          %parallel_loop3A_308 = arith.addi %parallel_loop3A_307, %parallel_loop3A_231 : i32
          %parallel_loop3A_309 = arith.constant 512 : i32
          %parallel_loop3A_310 = arith.muli %parallel_loop3A_308, %parallel_loop3A_309 : i32
          %parallel_loop3A_311 = arith.constant 48 : i32
          %parallel_loop3A_312 = arith.addi %parallel_loop3A_310, %parallel_loop3A_311 : i32
          %parallel_loop3A_313 = arith.index_cast %parallel_loop3A_312 : i32 to index
          %parallel_loop3A_314 = tpu.vector_load %arg7[%parallel_loop3A_313] {strides = array<i32>} : memref<39424xf32, #tpu.memory_space<vmem>>, vector<16xf32>,
          %parallel_loop3A_315 = vector.shape_cast %parallel_loop3A_314 : vector<16xf32> to vector<16xf32>
          %parallel_loop3A_316 = arith.addf %parallel_loop3A_306, %parallel_loop3A_315 : vector<16xf32>
          %parallel_loop3A_317 = arith.constant 64 : i32
          %parallel_loop3A_318 = arith.addi %parallel_loop3A_317, %parallel_loop3A_231 : i32
          %parallel_loop3A_319 = arith.constant 1 : i32
          %parallel_loop3A_320 = arith.index_cast %parallel_loop3A_319 : i32 to index
          %parallel_loop3A_321 = arith.index_cast %parallel_loop3A_318 : i32 to index
          %parallel_loop3A_322 = arith.constant 48 : index
          %parallel_loop3A_323 = tpu.vector_load %arg8[%parallel_loop3A_320, %parallel_loop3A_321, %parallel_loop3A_322] {strides = array<i32>} : memref<2x77x512xf32, #tpu.memory_space<vmem>>, vector<1x1x16xf32>,
          %parallel_loop3A_324 = vector.shape_cast %parallel_loop3A_323 : vector<1x1x16xf32> to vector<16xf32>
          %parallel_loop3A_325 = vector.shape_cast %parallel_loop3A_316 : vector<16xf32> to vector<1x1x16xf32>
          tpu.vector_store %arg8[%parallel_loop3A_320, %parallel_loop3A_321, %parallel_loop3A_322], %parallel_loop3A_325 {strides = array<i32>} : memref<2x77x512xf32, #tpu.memory_space<vmem>>, vector<1x1x16xf32>,
          %parallel_loop3A_326 = arith.index_cast %parallel_loop3A_233 : i32 to index
          %parallel_loop3A_327 = arith.constant 64 : index
          %parallel_loop3A_328 = tpu.vector_load %arg9[%parallel_loop3A_326, %parallel_loop3A_327] {strides = array<i32>} : memref<16x512xf32, #tpu.memory_space<vmem>>, vector<1x16xf32>,
          %parallel_loop3A_329 = vector.shape_cast %parallel_loop3A_328 : vector<1x16xf32> to vector<16xf32>
          %parallel_loop3A_330 = arith.constant 64 : i32
          %parallel_loop3A_331 = arith.addi %parallel_loop3A_330, %parallel_loop3A_231 : i32
          %parallel_loop3A_332 = arith.constant 512 : i32
          %parallel_loop3A_333 = arith.muli %parallel_loop3A_331, %parallel_loop3A_332 : i32
          %parallel_loop3A_334 = arith.constant 64 : i32
          %parallel_loop3A_335 = arith.addi %parallel_loop3A_333, %parallel_loop3A_334 : i32
          %parallel_loop3A_336 = arith.index_cast %parallel_loop3A_335 : i32 to index
          %parallel_loop3A_337 = tpu.vector_load %arg7[%parallel_loop3A_336] {strides = array<i32>} : memref<39424xf32, #tpu.memory_space<vmem>>, vector<16xf32>,
          %parallel_loop3A_338 = vector.shape_cast %parallel_loop3A_337 : vector<16xf32> to vector<16xf32>
          %parallel_loop3A_339 = arith.addf %parallel_loop3A_329, %parallel_loop3A_338 : vector<16xf32>
          %parallel_loop3A_340 = arith.constant 64 : i32
          %parallel_loop3A_341 = arith.addi %parallel_loop3A_340, %parallel_loop3A_231 : i32
          %parallel_loop3A_342 = arith.constant 1 : i32
          %parallel_loop3A_343 = arith.index_cast %parallel_loop3A_342 : i32 to index
          %parallel_loop3A_344 = arith.index_cast %parallel_loop3A_341 : i32 to index
          %parallel_loop3A_345 = arith.constant 64 : index
          %parallel_loop3A_346 = tpu.vector_load %arg8[%parallel_loop3A_343, %parallel_loop3A_344, %parallel_loop3A_345] {strides = array<i32>} : memref<2x77x512xf32, #tpu.memory_space<vmem>>, vector<1x1x16xf32>,
          %parallel_loop3A_347 = vector.shape_cast %parallel_loop3A_346 : vector<1x1x16xf32> to vector<16xf32>
          %parallel_loop3A_348 = vector.shape_cast %parallel_loop3A_339 : vector<16xf32> to vector<1x1x16xf32>
          tpu.vector_store %arg8[%parallel_loop3A_343, %parallel_loop3A_344, %parallel_loop3A_345], %parallel_loop3A_348 {strides = array<i32>} : memref<2x77x512xf32, #tpu.memory_space<vmem>>, vector<1x1x16xf32>,
          %parallel_loop3A_349 = arith.index_cast %parallel_loop3A_233 : i32 to index
          %parallel_loop3A_350 = arith.constant 80 : index
          %parallel_loop3A_351 = tpu.vector_load %arg9[%parallel_loop3A_349, %parallel_loop3A_350] {strides = array<i32>} : memref<16x512xf32, #tpu.memory_space<vmem>>, vector<1x16xf32>,
          %parallel_loop3A_352 = vector.shape_cast %parallel_loop3A_351 : vector<1x16xf32> to vector<16xf32>
          %parallel_loop3A_353 = arith.constant 64 : i32
          %parallel_loop3A_354 = arith.addi %parallel_loop3A_353, %parallel_loop3A_231 : i32
          %parallel_loop3A_355 = arith.constant 512 : i32
          %parallel_loop3A_356 = arith.muli %parallel_loop3A_354, %parallel_loop3A_355 : i32
          %parallel_loop3A_357 = arith.constant 80 : i32
          %parallel_loop3A_358 = arith.addi %parallel_loop3A_356, %parallel_loop3A_357 : i32
          %parallel_loop3A_359 = arith.index_cast %parallel_loop3A_358 : i32 to index
          %parallel_loop3A_360 = tpu.vector_load %arg7[%parallel_loop3A_359] {strides = array<i32>} : memref<39424xf32, #tpu.memory_space<vmem>>, vector<16xf32>,
          %parallel_loop3A_361 = vector.shape_cast %parallel_loop3A_360 : vector<16xf32> to vector<16xf32>
          %parallel_loop3A_362 = arith.addf %parallel_loop3A_352, %parallel_loop3A_361 : vector<16xf32>
          %parallel_loop3A_363 = arith.constant 64 : i32
          %parallel_loop3A_364 = arith.addi %parallel_loop3A_363, %parallel_loop3A_231 : i32
          %parallel_loop3A_365 = arith.constant 1 : i32
          %parallel_loop3A_366 = arith.index_cast %parallel_loop3A_365 : i32 to index
          %parallel_loop3A_367 = arith.index_cast %parallel_loop3A_364 : i32 to index
          %parallel_loop3A_368 = arith.constant 80 : index
          %parallel_loop3A_369 = tpu.vector_load %arg8[%parallel_loop3A_366, %parallel_loop3A_367, %parallel_loop3A_368] {strides = array<i32>} : memref<2x77x512xf32, #tpu.memory_space<vmem>>, vector<1x1x16xf32>,
          %parallel_loop3A_370 = vector.shape_cast %parallel_loop3A_369 : vector<1x1x16xf32> to vector<16xf32>
          %parallel_loop3A_371 = vector.shape_cast %parallel_loop3A_362 : vector<16xf32> to vector<1x1x16xf32>
          tpu.vector_store %arg8[%parallel_loop3A_366, %parallel_loop3A_367, %parallel_loop3A_368], %parallel_loop3A_371 {strides = array<i32>} : memref<2x77x512xf32, #tpu.memory_space<vmem>>, vector<1x1x16xf32>,
          %parallel_loop3A_372 = arith.index_cast %parallel_loop3A_233 : i32 to index
          %parallel_loop3A_373 = arith.constant 96 : index
          %parallel_loop3A_374 = tpu.vector_load %arg9[%parallel_loop3A_372, %parallel_loop3A_373] {strides = array<i32>} : memref<16x512xf32, #tpu.memory_space<vmem>>, vector<1x16xf32>,
          %parallel_loop3A_375 = vector.shape_cast %parallel_loop3A_374 : vector<1x16xf32> to vector<16xf32>
          %parallel_loop3A_376 = arith.constant 64 : i32
          %parallel_loop3A_377 = arith.addi %parallel_loop3A_376, %parallel_loop3A_231 : i32
          %parallel_loop3A_378 = arith.constant 512 : i32
          %parallel_loop3A_379 = arith.muli %parallel_loop3A_377, %parallel_loop3A_378 : i32
          %parallel_loop3A_380 = arith.constant 96 : i32
          %parallel_loop3A_381 = arith.addi %parallel_loop3A_379, %parallel_loop3A_380 : i32
          %parallel_loop3A_382 = arith.index_cast %parallel_loop3A_381 : i32 to index
          %parallel_loop3A_383 = tpu.vector_load %arg7[%parallel_loop3A_382] {strides = array<i32>} : memref<39424xf32, #tpu.memory_space<vmem>>, vector<16xf32>,
          %parallel_loop3A_384 = vector.shape_cast %parallel_loop3A_383 : vector<16xf32> to vector<16xf32>
          %parallel_loop3A_385 = arith.addf %parallel_loop3A_375, %parallel_loop3A_384 : vector<16xf32>
          %parallel_loop3A_386 = arith.constant 64 : i32
          %parallel_loop3A_387 = arith.addi %parallel_loop3A_386, %parallel_loop3A_231 : i32
          %parallel_loop3A_388 = arith.constant 1 : i32
          %parallel_loop3A_389 = arith.index_cast %parallel_loop3A_388 : i32 to index
          %parallel_loop3A_390 = arith.index_cast %parallel_loop3A_387 : i32 to index
          %parallel_loop3A_391 = arith.constant 96 : index
          %parallel_loop3A_392 = tpu.vector_load %arg8[%parallel_loop3A_389, %parallel_loop3A_390, %parallel_loop3A_391] {strides = array<i32>} : memref<2x77x512xf32, #tpu.memory_space<vmem>>, vector<1x1x16xf32>,
          %parallel_loop3A_393 = vector.shape_cast %parallel_loop3A_392 : vector<1x1x16xf32> to vector<16xf32>
          %parallel_loop3A_394 = vector.shape_cast %parallel_loop3A_385 : vector<16xf32> to vector<1x1x16xf32>
          tpu.vector_store %arg8[%parallel_loop3A_389, %parallel_loop3A_390, %parallel_loop3A_391], %parallel_loop3A_394 {strides = array<i32>} : memref<2x77x512xf32, #tpu.memory_space<vmem>>, vector<1x1x16xf32>,
          %parallel_loop3A_395 = arith.index_cast %parallel_loop3A_233 : i32 to index
          %parallel_loop3A_396 = arith.constant 112 : index
          %parallel_loop3A_397 = tpu.vector_load %arg9[%parallel_loop3A_395, %parallel_loop3A_396] {strides = array<i32>} : memref<16x512xf32, #tpu.memory_space<vmem>>, vector<1x16xf32>,
          %parallel_loop3A_398 = vector.shape_cast %parallel_loop3A_397 : vector<1x16xf32> to vector<16xf32>
          %parallel_loop3A_399 = arith.constant 64 : i32
          %parallel_loop3A_400 = arith.addi %parallel_loop3A_399, %parallel_loop3A_231 : i32
          %parallel_loop3A_401 = arith.constant 512 : i32
          %parallel_loop3A_402 = arith.muli %parallel_loop3A_400, %parallel_loop3A_401 : i32
          %parallel_loop3A_403 = arith.constant 112 : i32
          %parallel_loop3A_404 = arith.addi %parallel_loop3A_402, %parallel_loop3A_403 : i32
          %parallel_loop3A_405 = arith.index_cast %parallel_loop3A_404 : i32 to index
          %parallel_loop3A_406 = tpu.vector_load %arg7[%parallel_loop3A_405] {strides = array<i32>} : memref<39424xf32, #tpu.memory_space<vmem>>, vector<16xf32>,
          %parallel_loop3A_407 = vector.shape_cast %parallel_loop3A_406 : vector<16xf32> to vector<16xf32>
          %parallel_loop3A_408 = arith.addf %parallel_loop3A_398, %parallel_loop3A_407 : vector<16xf32>
          %parallel_loop3A_409 = arith.constant 64 : i32
          %parallel_loop3A_410 = arith.addi %parallel_loop3A_409, %parallel_loop3A_231 : i32
          %parallel_loop3A_411 = arith.constant 1 : i32
          %parallel_loop3A_412 = arith.index_cast %parallel_loop3A_411 : i32 to index
          %parallel_loop3A_413 = arith.index_cast %parallel_loop3A_410 : i32 to index
          %parallel_loop3A_414 = arith.constant 112 : index
          %parallel_loop3A_415 = tpu.vector_load %arg8[%parallel_loop3A_412, %parallel_loop3A_413, %parallel_loop3A_414] {strides = array<i32>} : memref<2x77x512xf32, #tpu.memory_space<vmem>>, vector<1x1x16xf32>,
          %parallel_loop3A_416 = vector.shape_cast %parallel_loop3A_415 : vector<1x1x16xf32> to vector<16xf32>
          %parallel_loop3A_417 = vector.shape_cast %parallel_loop3A_408 : vector<16xf32> to vector<1x1x16xf32>
          tpu.vector_store %arg8[%parallel_loop3A_412, %parallel_loop3A_413, %parallel_loop3A_414], %parallel_loop3A_417 {strides = array<i32>} : memref<2x77x512xf32, #tpu.memory_space<vmem>>, vector<1x1x16xf32>,
          %parallel_loop3A_418 = arith.index_cast %parallel_loop3A_233 : i32 to index
          %parallel_loop3A_419 = arith.constant 128 : index
          %parallel_loop3A_420 = tpu.vector_load %arg9[%parallel_loop3A_418, %parallel_loop3A_419] {strides = array<i32>} : memref<16x512xf32, #tpu.memory_space<vmem>>, vector<1x16xf32>,
          %parallel_loop3A_421 = vector.shape_cast %parallel_loop3A_420 : vector<1x16xf32> to vector<16xf32>
          %parallel_loop3A_422 = arith.constant 64 : i32
          %parallel_loop3A_423 = arith.addi %parallel_loop3A_422, %parallel_loop3A_231 : i32
          %parallel_loop3A_424 = arith.constant 512 : i32
          %parallel_loop3A_425 = arith.muli %parallel_loop3A_423, %parallel_loop3A_424 : i32
          %parallel_loop3A_426 = arith.constant 128 : i32
          %parallel_loop3A_427 = arith.addi %parallel_loop3A_425, %parallel_loop3A_426 : i32
          %parallel_loop3A_428 = arith.index_cast %parallel_loop3A_427 : i32 to index
          %parallel_loop3A_429 = tpu.vector_load %arg7[%parallel_loop3A_428] {strides = array<i32>} : memref<39424xf32, #tpu.memory_space<vmem>>, vector<16xf32>,
          %parallel_loop3A_430 = vector.shape_cast %parallel_loop3A_429 : vector<16xf32> to vector<16xf32>
          %parallel_loop3A_431 = arith.addf %parallel_loop3A_421, %parallel_loop3A_430 : vector<16xf32>
          %parallel_loop3A_432 = arith.constant 64 : i32
          %parallel_loop3A_433 = arith.addi %parallel_loop3A_432, %parallel_loop3A_231 : i32
          %parallel_loop3A_434 = arith.constant 1 : i32
          %parallel_loop3A_435 = arith.index_cast %parallel_loop3A_434 : i32 to index
          %parallel_loop3A_436 = arith.index_cast %parallel_loop3A_433 : i32 to index
          %parallel_loop3A_437 = arith.constant 128 : index
          %parallel_loop3A_438 = tpu.vector_load %arg8[%parallel_loop3A_435, %parallel_loop3A_436, %parallel_loop3A_437] {strides = array<i32>} : memref<2x77x512xf32, #tpu.memory_space<vmem>>, vector<1x1x16xf32>,
          %parallel_loop3A_439 = vector.shape_cast %parallel_loop3A_438 : vector<1x1x16xf32> to vector<16xf32>
          %parallel_loop3A_440 = vector.shape_cast %parallel_loop3A_431 : vector<16xf32> to vector<1x1x16xf32>
          tpu.vector_store %arg8[%parallel_loop3A_435, %parallel_loop3A_436, %parallel_loop3A_437], %parallel_loop3A_440 {strides = array<i32>} : memref<2x77x512xf32, #tpu.memory_space<vmem>>, vector<1x1x16xf32>,
          %parallel_loop3A_441 = arith.index_cast %parallel_loop3A_233 : i32 to index
          %parallel_loop3A_442 = arith.constant 144 : index
          %parallel_loop3A_443 = tpu.vector_load %arg9[%parallel_loop3A_441, %parallel_loop3A_442] {strides = array<i32>} : memref<16x512xf32, #tpu.memory_space<vmem>>, vector<1x16xf32>,
          %parallel_loop3A_444 = vector.shape_cast %parallel_loop3A_443 : vector<1x16xf32> to vector<16xf32>
          %parallel_loop3A_445 = arith.constant 64 : i32
          %parallel_loop3A_446 = arith.addi %parallel_loop3A_445, %parallel_loop3A_231 : i32
          %parallel_loop3A_447 = arith.constant 512 : i32
          %parallel_loop3A_448 = arith.muli %parallel_loop3A_446, %parallel_loop3A_447 : i32
          %parallel_loop3A_449 = arith.constant 144 : i32
          %parallel_loop3A_450 = arith.addi %parallel_loop3A_448, %parallel_loop3A_449 : i32
          %parallel_loop3A_451 = arith.index_cast %parallel_loop3A_450 : i32 to index
          %parallel_loop3A_452 = tpu.vector_load %arg7[%parallel_loop3A_451] {strides = array<i32>} : memref<39424xf32, #tpu.memory_space<vmem>>, vector<16xf32>,
          %parallel_loop3A_453 = vector.shape_cast %parallel_loop3A_452 : vector<16xf32> to vector<16xf32>
          %parallel_loop3A_454 = arith.addf %parallel_loop3A_444, %parallel_loop3A_453 : vector<16xf32>
          %parallel_loop3A_455 = arith.constant 64 : i32
          %parallel_loop3A_456 = arith.addi %parallel_loop3A_455, %parallel_loop3A_231 : i32
          %parallel_loop3A_457 = arith.constant 1 : i32
          %parallel_loop3A_458 = arith.index_cast %parallel_loop3A_457 : i32 to index
          %parallel_loop3A_459 = arith.index_cast %parallel_loop3A_456 : i32 to index
          %parallel_loop3A_460 = arith.constant 144 : index
          %parallel_loop3A_461 = tpu.vector_load %arg8[%parallel_loop3A_458, %parallel_loop3A_459, %parallel_loop3A_460] {strides = array<i32>} : memref<2x77x512xf32, #tpu.memory_space<vmem>>, vector<1x1x16xf32>,
          %parallel_loop3A_462 = vector.shape_cast %parallel_loop3A_461 : vector<1x1x16xf32> to vector<16xf32>
          %parallel_loop3A_463 = vector.shape_cast %parallel_loop3A_454 : vector<16xf32> to vector<1x1x16xf32>
          tpu.vector_store %arg8[%parallel_loop3A_458, %parallel_loop3A_459, %parallel_loop3A_460], %parallel_loop3A_463 {strides = array<i32>} : memref<2x77x512xf32, #tpu.memory_space<vmem>>, vector<1x1x16xf32>,
          %parallel_loop3A_464 = arith.index_cast %parallel_loop3A_233 : i32 to index
          %parallel_loop3A_465 = arith.constant 160 : index
          %parallel_loop3A_466 = tpu.vector_load %arg9[%parallel_loop3A_464, %parallel_loop3A_465] {strides = array<i32>} : memref<16x512xf32, #tpu.memory_space<vmem>>, vector<1x16xf32>,
          %parallel_loop3A_467 = vector.shape_cast %parallel_loop3A_466 : vector<1x16xf32> to vector<16xf32>
          %parallel_loop3A_468 = arith.constant 64 : i32
          %parallel_loop3A_469 = arith.addi %parallel_loop3A_468, %parallel_loop3A_231 : i32
          %parallel_loop3A_470 = arith.constant 512 : i32
          %parallel_loop3A_471 = arith.muli %parallel_loop3A_469, %parallel_loop3A_470 : i32
          %parallel_loop3A_472 = arith.constant 160 : i32
          %parallel_loop3A_473 = arith.addi %parallel_loop3A_471, %parallel_loop3A_472 : i32
          %parallel_loop3A_474 = arith.index_cast %parallel_loop3A_473 : i32 to index
          %parallel_loop3A_475 = tpu.vector_load %arg7[%parallel_loop3A_474] {strides = array<i32>} : memref<39424xf32, #tpu.memory_space<vmem>>, vector<16xf32>,
          %parallel_loop3A_476 = vector.shape_cast %parallel_loop3A_475 : vector<16xf32> to vector<16xf32>
          %parallel_loop3A_477 = arith.addf %parallel_loop3A_467, %parallel_loop3A_476 : vector<16xf32>
          %parallel_loop3A_478 = arith.constant 64 : i32
          %parallel_loop3A_479 = arith.addi %parallel_loop3A_478, %parallel_loop3A_231 : i32
          %parallel_loop3A_480 = arith.constant 1 : i32
          %parallel_loop3A_481 = arith.index_cast %parallel_loop3A_480 : i32 to index
          %parallel_loop3A_482 = arith.index_cast %parallel_loop3A_479 : i32 to index
          %parallel_loop3A_483 = arith.constant 160 : index
          %parallel_loop3A_484 = tpu.vector_load %arg8[%parallel_loop3A_481, %parallel_loop3A_482, %parallel_loop3A_483] {strides = array<i32>} : memref<2x77x512xf32, #tpu.memory_space<vmem>>, vector<1x1x16xf32>,
          %parallel_loop3A_485 = vector.shape_cast %parallel_loop3A_484 : vector<1x1x16xf32> to vector<16xf32>
          %parallel_loop3A_486 = vector.shape_cast %parallel_loop3A_477 : vector<16xf32> to vector<1x1x16xf32>
          tpu.vector_store %arg8[%parallel_loop3A_481, %parallel_loop3A_482, %parallel_loop3A_483], %parallel_loop3A_486 {strides = array<i32>} : memref<2x77x512xf32, #tpu.memory_space<vmem>>, vector<1x1x16xf32>,
          %parallel_loop3A_487 = arith.index_cast %parallel_loop3A_233 : i32 to index
          %parallel_loop3A_488 = arith.constant 176 : index
          %parallel_loop3A_489 = tpu.vector_load %arg9[%parallel_loop3A_487, %parallel_loop3A_488] {strides = array<i32>} : memref<16x512xf32, #tpu.memory_space<vmem>>, vector<1x16xf32>,
          %parallel_loop3A_490 = vector.shape_cast %parallel_loop3A_489 : vector<1x16xf32> to vector<16xf32>
          %parallel_loop3A_491 = arith.constant 64 : i32
          %parallel_loop3A_492 = arith.addi %parallel_loop3A_491, %parallel_loop3A_231 : i32
          %parallel_loop3A_493 = arith.constant 512 : i32
          %parallel_loop3A_494 = arith.muli %parallel_loop3A_492, %parallel_loop3A_493 : i32
          %parallel_loop3A_495 = arith.constant 176 : i32
          %parallel_loop3A_496 = arith.addi %parallel_loop3A_494, %parallel_loop3A_495 : i32
          %parallel_loop3A_497 = arith.index_cast %parallel_loop3A_496 : i32 to index
          %parallel_loop3A_498 = tpu.vector_load %arg7[%parallel_loop3A_497] {strides = array<i32>} : memref<39424xf32, #tpu.memory_space<vmem>>, vector<16xf32>,
          %parallel_loop3A_499 = vector.shape_cast %parallel_loop3A_498 : vector<16xf32> to vector<16xf32>
          %parallel_loop3A_500 = arith.addf %parallel_loop3A_490, %parallel_loop3A_499 : vector<16xf32>
          %parallel_loop3A_501 = arith.constant 64 : i32
          %parallel_loop3A_502 = arith.addi %parallel_loop3A_501, %parallel_loop3A_231 : i32
          %parallel_loop3A_503 = arith.constant 1 : i32
          %parallel_loop3A_504 = arith.index_cast %parallel_loop3A_503 : i32 to index
          %parallel_loop3A_505 = arith.index_cast %parallel_loop3A_502 : i32 to index
          %parallel_loop3A_506 = arith.constant 176 : index
          %parallel_loop3A_507 = tpu.vector_load %arg8[%parallel_loop3A_504, %parallel_loop3A_505, %parallel_loop3A_506] {strides = array<i32>} : memref<2x77x512xf32, #tpu.memory_space<vmem>>, vector<1x1x16xf32>,
          %parallel_loop3A_508 = vector.shape_cast %parallel_loop3A_507 : vector<1x1x16xf32> to vector<16xf32>
          %parallel_loop3A_509 = vector.shape_cast %parallel_loop3A_500 : vector<16xf32> to vector<1x1x16xf32>
          tpu.vector_store %arg8[%parallel_loop3A_504, %parallel_loop3A_505, %parallel_loop3A_506], %parallel_loop3A_509 {strides = array<i32>} : memref<2x77x512xf32, #tpu.memory_space<vmem>>, vector<1x1x16xf32>,
          %parallel_loop3A_510 = arith.index_cast %parallel_loop3A_233 : i32 to index
          %parallel_loop3A_511 = arith.constant 192 : index
          %parallel_loop3A_512 = tpu.vector_load %arg9[%parallel_loop3A_510, %parallel_loop3A_511] {strides = array<i32>} : memref<16x512xf32, #tpu.memory_space<vmem>>, vector<1x16xf32>,
          %parallel_loop3A_513 = vector.shape_cast %parallel_loop3A_512 : vector<1x16xf32> to vector<16xf32>
          %parallel_loop3A_514 = arith.constant 64 : i32
          %parallel_loop3A_515 = arith.addi %parallel_loop3A_514, %parallel_loop3A_231 : i32
          %parallel_loop3A_516 = arith.constant 512 : i32
          %parallel_loop3A_517 = arith.muli %parallel_loop3A_515, %parallel_loop3A_516 : i32
          %parallel_loop3A_518 = arith.constant 192 : i32
          %parallel_loop3A_519 = arith.addi %parallel_loop3A_517, %parallel_loop3A_518 : i32
          %parallel_loop3A_520 = arith.index_cast %parallel_loop3A_519 : i32 to index
          %parallel_loop3A_521 = tpu.vector_load %arg7[%parallel_loop3A_520] {strides = array<i32>} : memref<39424xf32, #tpu.memory_space<vmem>>, vector<16xf32>,
          %parallel_loop3A_522 = vector.shape_cast %parallel_loop3A_521 : vector<16xf32> to vector<16xf32>
          %parallel_loop3A_523 = arith.addf %parallel_loop3A_513, %parallel_loop3A_522 : vector<16xf32>
          %parallel_loop3A_524 = arith.constant 64 : i32
          %parallel_loop3A_525 = arith.addi %parallel_loop3A_524, %parallel_loop3A_231 : i32
          %parallel_loop3A_526 = arith.constant 1 : i32
          %parallel_loop3A_527 = arith.index_cast %parallel_loop3A_526 : i32 to index
          %parallel_loop3A_528 = arith.index_cast %parallel_loop3A_525 : i32 to index
          %parallel_loop3A_529 = arith.constant 192 : index
          %parallel_loop3A_530 = tpu.vector_load %arg8[%parallel_loop3A_527, %parallel_loop3A_528, %parallel_loop3A_529] {strides = array<i32>} : memref<2x77x512xf32, #tpu.memory_space<vmem>>, vector<1x1x16xf32>,
          %parallel_loop3A_531 = vector.shape_cast %parallel_loop3A_530 : vector<1x1x16xf32> to vector<16xf32>
          %parallel_loop3A_532 = vector.shape_cast %parallel_loop3A_523 : vector<16xf32> to vector<1x1x16xf32>
          tpu.vector_store %arg8[%parallel_loop3A_527, %parallel_loop3A_528, %parallel_loop3A_529], %parallel_loop3A_532 {strides = array<i32>} : memref<2x77x512xf32, #tpu.memory_space<vmem>>, vector<1x1x16xf32>,
          %parallel_loop3A_533 = arith.index_cast %parallel_loop3A_233 : i32 to index
          %parallel_loop3A_534 = arith.constant 208 : index
          %parallel_loop3A_535 = tpu.vector_load %arg9[%parallel_loop3A_533, %parallel_loop3A_534] {strides = array<i32>} : memref<16x512xf32, #tpu.memory_space<vmem>>, vector<1x16xf32>,
          %parallel_loop3A_536 = vector.shape_cast %parallel_loop3A_535 : vector<1x16xf32> to vector<16xf32>
          %parallel_loop3A_537 = arith.constant 64 : i32
          %parallel_loop3A_538 = arith.addi %parallel_loop3A_537, %parallel_loop3A_231 : i32
          %parallel_loop3A_539 = arith.constant 512 : i32
          %parallel_loop3A_540 = arith.muli %parallel_loop3A_538, %parallel_loop3A_539 : i32
          %parallel_loop3A_541 = arith.constant 208 : i32
          %parallel_loop3A_542 = arith.addi %parallel_loop3A_540, %parallel_loop3A_541 : i32
          %parallel_loop3A_543 = arith.index_cast %parallel_loop3A_542 : i32 to index
          %parallel_loop3A_544 = tpu.vector_load %arg7[%parallel_loop3A_543] {strides = array<i32>} : memref<39424xf32, #tpu.memory_space<vmem>>, vector<16xf32>,
          %parallel_loop3A_545 = vector.shape_cast %parallel_loop3A_544 : vector<16xf32> to vector<16xf32>
          %parallel_loop3A_546 = arith.addf %parallel_loop3A_536, %parallel_loop3A_545 : vector<16xf32>
          %parallel_loop3A_547 = arith.constant 64 : i32
          %parallel_loop3A_548 = arith.addi %parallel_loop3A_547, %parallel_loop3A_231 : i32
          %parallel_loop3A_549 = arith.constant 1 : i32
          %parallel_loop3A_550 = arith.index_cast %parallel_loop3A_549 : i32 to index
          %parallel_loop3A_551 = arith.index_cast %parallel_loop3A_548 : i32 to index
          %parallel_loop3A_552 = arith.constant 208 : index
          %parallel_loop3A_553 = tpu.vector_load %arg8[%parallel_loop3A_550, %parallel_loop3A_551, %parallel_loop3A_552] {strides = array<i32>} : memref<2x77x512xf32, #tpu.memory_space<vmem>>, vector<1x1x16xf32>,
          %parallel_loop3A_554 = vector.shape_cast %parallel_loop3A_553 : vector<1x1x16xf32> to vector<16xf32>
          %parallel_loop3A_555 = vector.shape_cast %parallel_loop3A_546 : vector<16xf32> to vector<1x1x16xf32>
          tpu.vector_store %arg8[%parallel_loop3A_550, %parallel_loop3A_551, %parallel_loop3A_552], %parallel_loop3A_555 {strides = array<i32>} : memref<2x77x512xf32, #tpu.memory_space<vmem>>, vector<1x1x16xf32>,
          %parallel_loop3A_556 = arith.index_cast %parallel_loop3A_233 : i32 to index
          %parallel_loop3A_557 = arith.constant 224 : index
          %parallel_loop3A_558 = tpu.vector_load %arg9[%parallel_loop3A_556, %parallel_loop3A_557] {strides = array<i32>} : memref<16x512xf32, #tpu.memory_space<vmem>>, vector<1x16xf32>,
          %parallel_loop3A_559 = vector.shape_cast %parallel_loop3A_558 : vector<1x16xf32> to vector<16xf32>
          %parallel_loop3A_560 = arith.constant 64 : i32
          %parallel_loop3A_561 = arith.addi %parallel_loop3A_560, %parallel_loop3A_231 : i32
          %parallel_loop3A_562 = arith.constant 512 : i32
          %parallel_loop3A_563 = arith.muli %parallel_loop3A_561, %parallel_loop3A_562 : i32
          %parallel_loop3A_564 = arith.constant 224 : i32
          %parallel_loop3A_565 = arith.addi %parallel_loop3A_563, %parallel_loop3A_564 : i32
          %parallel_loop3A_566 = arith.index_cast %parallel_loop3A_565 : i32 to index
          %parallel_loop3A_567 = tpu.vector_load %arg7[%parallel_loop3A_566] {strides = array<i32>} : memref<39424xf32, #tpu.memory_space<vmem>>, vector<16xf32>,
          %parallel_loop3A_568 = vector.shape_cast %parallel_loop3A_567 : vector<16xf32> to vector<16xf32>
          %parallel_loop3A_569 = arith.addf %parallel_loop3A_559, %parallel_loop3A_568 : vector<16xf32>
          %parallel_loop3A_570 = arith.constant 64 : i32
          %parallel_loop3A_571 = arith.addi %parallel_loop3A_570, %parallel_loop3A_231 : i32
          %parallel_loop3A_572 = arith.constant 1 : i32
          %parallel_loop3A_573 = arith.index_cast %parallel_loop3A_572 : i32 to index
          %parallel_loop3A_574 = arith.index_cast %parallel_loop3A_571 : i32 to index
          %parallel_loop3A_575 = arith.constant 224 : index
          %parallel_loop3A_576 = tpu.vector_load %arg8[%parallel_loop3A_573, %parallel_loop3A_574, %parallel_loop3A_575] {strides = array<i32>} : memref<2x77x512xf32, #tpu.memory_space<vmem>>, vector<1x1x16xf32>,
          %parallel_loop3A_577 = vector.shape_cast %parallel_loop3A_576 : vector<1x1x16xf32> to vector<16xf32>
          %parallel_loop3A_578 = vector.shape_cast %parallel_loop3A_569 : vector<16xf32> to vector<1x1x16xf32>
          tpu.vector_store %arg8[%parallel_loop3A_573, %parallel_loop3A_574, %parallel_loop3A_575], %parallel_loop3A_578 {strides = array<i32>} : memref<2x77x512xf32, #tpu.memory_space<vmem>>, vector<1x1x16xf32>,
          %parallel_loop3A_579 = arith.index_cast %parallel_loop3A_233 : i32 to index
          %parallel_loop3A_580 = arith.constant 240 : index
          %parallel_loop3A_581 = tpu.vector_load %arg9[%parallel_loop3A_579, %parallel_loop3A_580] {strides = array<i32>} : memref<16x512xf32, #tpu.memory_space<vmem>>, vector<1x16xf32>,
          %parallel_loop3A_582 = vector.shape_cast %parallel_loop3A_581 : vector<1x16xf32> to vector<16xf32>
          %parallel_loop3A_583 = arith.constant 64 : i32
          %parallel_loop3A_584 = arith.addi %parallel_loop3A_583, %parallel_loop3A_231 : i32
          %parallel_loop3A_585 = arith.constant 512 : i32
          %parallel_loop3A_586 = arith.muli %parallel_loop3A_584, %parallel_loop3A_585 : i32
          %parallel_loop3A_587 = arith.constant 240 : i32
          %parallel_loop3A_588 = arith.addi %parallel_loop3A_586, %parallel_loop3A_587 : i32
          %parallel_loop3A_589 = arith.index_cast %parallel_loop3A_588 : i32 to index
          %parallel_loop3A_590 = tpu.vector_load %arg7[%parallel_loop3A_589] {strides = array<i32>} : memref<39424xf32, #tpu.memory_space<vmem>>, vector<16xf32>,
          %parallel_loop3A_591 = vector.shape_cast %parallel_loop3A_590 : vector<16xf32> to vector<16xf32>
          %parallel_loop3A_592 = arith.addf %parallel_loop3A_582, %parallel_loop3A_591 : vector<16xf32>
          %parallel_loop3A_593 = arith.constant 64 : i32
          %parallel_loop3A_594 = arith.addi %parallel_loop3A_593, %parallel_loop3A_231 : i32
          %parallel_loop3A_595 = arith.constant 1 : i32
          %parallel_loop3A_596 = arith.index_cast %parallel_loop3A_595 : i32 to index
          %parallel_loop3A_597 = arith.index_cast %parallel_loop3A_594 : i32 to index
          %parallel_loop3A_598 = arith.constant 240 : index
          %parallel_loop3A_599 = tpu.vector_load %arg8[%parallel_loop3A_596, %parallel_loop3A_597, %parallel_loop3A_598] {strides = array<i32>} : memref<2x77x512xf32, #tpu.memory_space<vmem>>, vector<1x1x16xf32>,
          %parallel_loop3A_600 = vector.shape_cast %parallel_loop3A_599 : vector<1x1x16xf32> to vector<16xf32>
          %parallel_loop3A_601 = vector.shape_cast %parallel_loop3A_592 : vector<16xf32> to vector<1x1x16xf32>
          tpu.vector_store %arg8[%parallel_loop3A_596, %parallel_loop3A_597, %parallel_loop3A_598], %parallel_loop3A_601 {strides = array<i32>} : memref<2x77x512xf32, #tpu.memory_space<vmem>>, vector<1x1x16xf32>,
          %parallel_loop3A_602 = arith.index_cast %parallel_loop3A_233 : i32 to index
          %parallel_loop3A_603 = arith.constant 256 : index
          %parallel_loop3A_604 = tpu.vector_load %arg9[%parallel_loop3A_602, %parallel_loop3A_603] {strides = array<i32>} : memref<16x512xf32, #tpu.memory_space<vmem>>, vector<1x16xf32>,
          %parallel_loop3A_605 = vector.shape_cast %parallel_loop3A_604 : vector<1x16xf32> to vector<16xf32>
          %parallel_loop3A_606 = arith.constant 64 : i32
          %parallel_loop3A_607 = arith.addi %parallel_loop3A_606, %parallel_loop3A_231 : i32
          %parallel_loop3A_608 = arith.constant 512 : i32
          %parallel_loop3A_609 = arith.muli %parallel_loop3A_607, %parallel_loop3A_608 : i32
          %parallel_loop3A_610 = arith.constant 256 : i32
          %parallel_loop3A_611 = arith.addi %parallel_loop3A_609, %parallel_loop3A_610 : i32
          %parallel_loop3A_612 = arith.index_cast %parallel_loop3A_611 : i32 to index
          %parallel_loop3A_613 = tpu.vector_load %arg7[%parallel_loop3A_612] {strides = array<i32>} : memref<39424xf32, #tpu.memory_space<vmem>>, vector<16xf32>,
          %parallel_loop3A_614 = vector.shape_cast %parallel_loop3A_613 : vector<16xf32> to vector<16xf32>
          %parallel_loop3A_615 = arith.addf %parallel_loop3A_605, %parallel_loop3A_614 : vector<16xf32>
          %parallel_loop3A_616 = arith.constant 64 : i32
          %parallel_loop3A_617 = arith.addi %parallel_loop3A_616, %parallel_loop3A_231 : i32
          %parallel_loop3A_618 = arith.constant 1 : i32
          %parallel_loop3A_619 = arith.index_cast %parallel_loop3A_618 : i32 to index
          %parallel_loop3A_620 = arith.index_cast %parallel_loop3A_617 : i32 to index
          %parallel_loop3A_621 = arith.constant 256 : index
          %parallel_loop3A_622 = tpu.vector_load %arg8[%parallel_loop3A_619, %parallel_loop3A_620, %parallel_loop3A_621] {strides = array<i32>} : memref<2x77x512xf32, #tpu.memory_space<vmem>>, vector<1x1x16xf32>,
          %parallel_loop3A_623 = vector.shape_cast %parallel_loop3A_622 : vector<1x1x16xf32> to vector<16xf32>
          %parallel_loop3A_624 = vector.shape_cast %parallel_loop3A_615 : vector<16xf32> to vector<1x1x16xf32>
          tpu.vector_store %arg8[%parallel_loop3A_619, %parallel_loop3A_620, %parallel_loop3A_621], %parallel_loop3A_624 {strides = array<i32>} : memref<2x77x512xf32, #tpu.memory_space<vmem>>, vector<1x1x16xf32>,
          %parallel_loop3A_625 = arith.index_cast %parallel_loop3A_233 : i32 to index
          %parallel_loop3A_626 = arith.constant 272 : index
          %parallel_loop3A_627 = tpu.vector_load %arg9[%parallel_loop3A_625, %parallel_loop3A_626] {strides = array<i32>} : memref<16x512xf32, #tpu.memory_space<vmem>>, vector<1x16xf32>,
          %parallel_loop3A_628 = vector.shape_cast %parallel_loop3A_627 : vector<1x16xf32> to vector<16xf32>
          %parallel_loop3A_629 = arith.constant 64 : i32
          %parallel_loop3A_630 = arith.addi %parallel_loop3A_629, %parallel_loop3A_231 : i32
          %parallel_loop3A_631 = arith.constant 512 : i32
          %parallel_loop3A_632 = arith.muli %parallel_loop3A_630, %parallel_loop3A_631 : i32
          %parallel_loop3A_633 = arith.constant 272 : i32
          %parallel_loop3A_634 = arith.addi %parallel_loop3A_632, %parallel_loop3A_633 : i32
          %parallel_loop3A_635 = arith.index_cast %parallel_loop3A_634 : i32 to index
          %parallel_loop3A_636 = tpu.vector_load %arg7[%parallel_loop3A_635] {strides = array<i32>} : memref<39424xf32, #tpu.memory_space<vmem>>, vector<16xf32>,
          %parallel_loop3A_637 = vector.shape_cast %parallel_loop3A_636 : vector<16xf32> to vector<16xf32>
          %parallel_loop3A_638 = arith.addf %parallel_loop3A_628, %parallel_loop3A_637 : vector<16xf32>
          %parallel_loop3A_639 = arith.constant 64 : i32
          %parallel_loop3A_640 = arith.addi %parallel_loop3A_639, %parallel_loop3A_231 : i32
          %parallel_loop3A_641 = arith.constant 1 : i32
          %parallel_loop3A_642 = arith.index_cast %parallel_loop3A_641 : i32 to index
          %parallel_loop3A_643 = arith.index_cast %parallel_loop3A_640 : i32 to index
          %parallel_loop3A_644 = arith.constant 272 : index
          %parallel_loop3A_645 = tpu.vector_load %arg8[%parallel_loop3A_642, %parallel_loop3A_643, %parallel_loop3A_644] {strides = array<i32>} : memref<2x77x512xf32, #tpu.memory_space<vmem>>, vector<1x1x16xf32>,
          %parallel_loop3A_646 = vector.shape_cast %parallel_loop3A_645 : vector<1x1x16xf32> to vector<16xf32>
          %parallel_loop3A_647 = vector.shape_cast %parallel_loop3A_638 : vector<16xf32> to vector<1x1x16xf32>
          tpu.vector_store %arg8[%parallel_loop3A_642, %parallel_loop3A_643, %parallel_loop3A_644], %parallel_loop3A_647 {strides = array<i32>} : memref<2x77x512xf32, #tpu.memory_space<vmem>>, vector<1x1x16xf32>,
          %parallel_loop3A_648 = arith.index_cast %parallel_loop3A_233 : i32 to index
          %parallel_loop3A_649 = arith.constant 288 : index
          %parallel_loop3A_650 = tpu.vector_load %arg9[%parallel_loop3A_648, %parallel_loop3A_649] {strides = array<i32>} : memref<16x512xf32, #tpu.memory_space<vmem>>, vector<1x16xf32>,
          %parallel_loop3A_651 = vector.shape_cast %parallel_loop3A_650 : vector<1x16xf32> to vector<16xf32>
          %parallel_loop3A_652 = arith.constant 64 : i32
          %parallel_loop3A_653 = arith.addi %parallel_loop3A_652, %parallel_loop3A_231 : i32
          %parallel_loop3A_654 = arith.constant 512 : i32
          %parallel_loop3A_655 = arith.muli %parallel_loop3A_653, %parallel_loop3A_654 : i32
          %parallel_loop3A_656 = arith.constant 288 : i32
          %parallel_loop3A_657 = arith.addi %parallel_loop3A_655, %parallel_loop3A_656 : i32
          %parallel_loop3A_658 = arith.index_cast %parallel_loop3A_657 : i32 to index
          %parallel_loop3A_659 = tpu.vector_load %arg7[%parallel_loop3A_658] {strides = array<i32>} : memref<39424xf32, #tpu.memory_space<vmem>>, vector<16xf32>,
          %parallel_loop3A_660 = vector.shape_cast %parallel_loop3A_659 : vector<16xf32> to vector<16xf32>
          %parallel_loop3A_661 = arith.addf %parallel_loop3A_651, %parallel_loop3A_660 : vector<16xf32>
          %parallel_loop3A_662 = arith.constant 64 : i32
          %parallel_loop3A_663 = arith.addi %parallel_loop3A_662, %parallel_loop3A_231 : i32
          %parallel_loop3A_664 = arith.constant 1 : i32
          %parallel_loop3A_665 = arith.index_cast %parallel_loop3A_664 : i32 to index
          %parallel_loop3A_666 = arith.index_cast %parallel_loop3A_663 : i32 to index
          %parallel_loop3A_667 = arith.constant 288 : index
          %parallel_loop3A_668 = tpu.vector_load %arg8[%parallel_loop3A_665, %parallel_loop3A_666, %parallel_loop3A_667] {strides = array<i32>} : memref<2x77x512xf32, #tpu.memory_space<vmem>>, vector<1x1x16xf32>,
          %parallel_loop3A_669 = vector.shape_cast %parallel_loop3A_668 : vector<1x1x16xf32> to vector<16xf32>
          %parallel_loop3A_670 = vector.shape_cast %parallel_loop3A_661 : vector<16xf32> to vector<1x1x16xf32>
          tpu.vector_store %arg8[%parallel_loop3A_665, %parallel_loop3A_666, %parallel_loop3A_667], %parallel_loop3A_670 {strides = array<i32>} : memref<2x77x512xf32, #tpu.memory_space<vmem>>, vector<1x1x16xf32>,
          %parallel_loop3A_671 = arith.index_cast %parallel_loop3A_233 : i32 to index
          %parallel_loop3A_672 = arith.constant 304 : index
          %parallel_loop3A_673 = tpu.vector_load %arg9[%parallel_loop3A_671, %parallel_loop3A_672] {strides = array<i32>} : memref<16x512xf32, #tpu.memory_space<vmem>>, vector<1x16xf32>,
          %parallel_loop3A_674 = vector.shape_cast %parallel_loop3A_673 : vector<1x16xf32> to vector<16xf32>
          %parallel_loop3A_675 = arith.constant 64 : i32
          %parallel_loop3A_676 = arith.addi %parallel_loop3A_675, %parallel_loop3A_231 : i32
          %parallel_loop3A_677 = arith.constant 512 : i32
          %parallel_loop3A_678 = arith.muli %parallel_loop3A_676, %parallel_loop3A_677 : i32
          %parallel_loop3A_679 = arith.constant 304 : i32
          %parallel_loop3A_680 = arith.addi %parallel_loop3A_678, %parallel_loop3A_679 : i32
          %parallel_loop3A_681 = arith.index_cast %parallel_loop3A_680 : i32 to index
          %parallel_loop3A_682 = tpu.vector_load %arg7[%parallel_loop3A_681] {strides = array<i32>} : memref<39424xf32, #tpu.memory_space<vmem>>, vector<16xf32>,
          %parallel_loop3A_683 = vector.shape_cast %parallel_loop3A_682 : vector<16xf32> to vector<16xf32>
          %parallel_loop3A_684 = arith.addf %parallel_loop3A_674, %parallel_loop3A_683 : vector<16xf32>
          %parallel_loop3A_685 = arith.constant 64 : i32
          %parallel_loop3A_686 = arith.addi %parallel_loop3A_685, %parallel_loop3A_231 : i32
          %parallel_loop3A_687 = arith.constant 1 : i32
          %parallel_loop3A_688 = arith.index_cast %parallel_loop3A_687 : i32 to index
          %parallel_loop3A_689 = arith.index_cast %parallel_loop3A_686 : i32 to index
          %parallel_loop3A_690 = arith.constant 304 : index
          %parallel_loop3A_691 = tpu.vector_load %arg8[%parallel_loop3A_688, %parallel_loop3A_689, %parallel_loop3A_690] {strides = array<i32>} : memref<2x77x512xf32, #tpu.memory_space<vmem>>, vector<1x1x16xf32>,
          %parallel_loop3A_692 = vector.shape_cast %parallel_loop3A_691 : vector<1x1x16xf32> to vector<16xf32>
          %parallel_loop3A_693 = vector.shape_cast %parallel_loop3A_684 : vector<16xf32> to vector<1x1x16xf32>
          tpu.vector_store %arg8[%parallel_loop3A_688, %parallel_loop3A_689, %parallel_loop3A_690], %parallel_loop3A_693 {strides = array<i32>} : memref<2x77x512xf32, #tpu.memory_space<vmem>>, vector<1x1x16xf32>,
          %parallel_loop3A_694 = arith.index_cast %parallel_loop3A_233 : i32 to index
          %parallel_loop3A_695 = arith.constant 320 : index
          %parallel_loop3A_696 = tpu.vector_load %arg9[%parallel_loop3A_694, %parallel_loop3A_695] {strides = array<i32>} : memref<16x512xf32, #tpu.memory_space<vmem>>, vector<1x16xf32>,
          %parallel_loop3A_697 = vector.shape_cast %parallel_loop3A_696 : vector<1x16xf32> to vector<16xf32>
          %parallel_loop3A_698 = arith.constant 64 : i32
          %parallel_loop3A_699 = arith.addi %parallel_loop3A_698, %parallel_loop3A_231 : i32
          %parallel_loop3A_700 = arith.constant 512 : i32
          %parallel_loop3A_701 = arith.muli %parallel_loop3A_699, %parallel_loop3A_700 : i32
          %parallel_loop3A_702 = arith.constant 320 : i32
          %parallel_loop3A_703 = arith.addi %parallel_loop3A_701, %parallel_loop3A_702 : i32
          %parallel_loop3A_704 = arith.index_cast %parallel_loop3A_703 : i32 to index
          %parallel_loop3A_705 = tpu.vector_load %arg7[%parallel_loop3A_704] {strides = array<i32>} : memref<39424xf32, #tpu.memory_space<vmem>>, vector<16xf32>,
          %parallel_loop3A_706 = vector.shape_cast %parallel_loop3A_705 : vector<16xf32> to vector<16xf32>
          %parallel_loop3A_707 = arith.addf %parallel_loop3A_697, %parallel_loop3A_706 : vector<16xf32>
          %parallel_loop3A_708 = arith.constant 64 : i32
          %parallel_loop3A_709 = arith.addi %parallel_loop3A_708, %parallel_loop3A_231 : i32
          %parallel_loop3A_710 = arith.constant 1 : i32
          %parallel_loop3A_711 = arith.index_cast %parallel_loop3A_710 : i32 to index
          %parallel_loop3A_712 = arith.index_cast %parallel_loop3A_709 : i32 to index
          %parallel_loop3A_713 = arith.constant 320 : index
          %parallel_loop3A_714 = tpu.vector_load %arg8[%parallel_loop3A_711, %parallel_loop3A_712, %parallel_loop3A_713] {strides = array<i32>} : memref<2x77x512xf32, #tpu.memory_space<vmem>>, vector<1x1x16xf32>,
          %parallel_loop3A_715 = vector.shape_cast %parallel_loop3A_714 : vector<1x1x16xf32> to vector<16xf32>
          %parallel_loop3A_716 = vector.shape_cast %parallel_loop3A_707 : vector<16xf32> to vector<1x1x16xf32>
          tpu.vector_store %arg8[%parallel_loop3A_711, %parallel_loop3A_712, %parallel_loop3A_713], %parallel_loop3A_716 {strides = array<i32>} : memref<2x77x512xf32, #tpu.memory_space<vmem>>, vector<1x1x16xf32>,
          %parallel_loop3A_717 = arith.index_cast %parallel_loop3A_233 : i32 to index
          %parallel_loop3A_718 = arith.constant 336 : index
          %parallel_loop3A_719 = tpu.vector_load %arg9[%parallel_loop3A_717, %parallel_loop3A_718] {strides = array<i32>} : memref<16x512xf32, #tpu.memory_space<vmem>>, vector<1x16xf32>,
          %parallel_loop3A_720 = vector.shape_cast %parallel_loop3A_719 : vector<1x16xf32> to vector<16xf32>
          %parallel_loop3A_721 = arith.constant 64 : i32
          %parallel_loop3A_722 = arith.addi %parallel_loop3A_721, %parallel_loop3A_231 : i32
          %parallel_loop3A_723 = arith.constant 512 : i32
          %parallel_loop3A_724 = arith.muli %parallel_loop3A_722, %parallel_loop3A_723 : i32
          %parallel_loop3A_725 = arith.constant 336 : i32
          %parallel_loop3A_726 = arith.addi %parallel_loop3A_724, %parallel_loop3A_725 : i32
          %parallel_loop3A_727 = arith.index_cast %parallel_loop3A_726 : i32 to index
          %parallel_loop3A_728 = tpu.vector_load %arg7[%parallel_loop3A_727] {strides = array<i32>} : memref<39424xf32, #tpu.memory_space<vmem>>, vector<16xf32>,
          %parallel_loop3A_729 = vector.shape_cast %parallel_loop3A_728 : vector<16xf32> to vector<16xf32>
          %parallel_loop3A_730 = arith.addf %parallel_loop3A_720, %parallel_loop3A_729 : vector<16xf32>
          %parallel_loop3A_731 = arith.constant 64 : i32
          %parallel_loop3A_732 = arith.addi %parallel_loop3A_731, %parallel_loop3A_231 : i32
          %parallel_loop3A_733 = arith.constant 1 : i32
          %parallel_loop3A_734 = arith.index_cast %parallel_loop3A_733 : i32 to index
          %parallel_loop3A_735 = arith.index_cast %parallel_loop3A_732 : i32 to index
          %parallel_loop3A_736 = arith.constant 336 : index
          %parallel_loop3A_737 = tpu.vector_load %arg8[%parallel_loop3A_734, %parallel_loop3A_735, %parallel_loop3A_736] {strides = array<i32>} : memref<2x77x512xf32, #tpu.memory_space<vmem>>, vector<1x1x16xf32>,
          %parallel_loop3A_738 = vector.shape_cast %parallel_loop3A_737 : vector<1x1x16xf32> to vector<16xf32>
          %parallel_loop3A_739 = vector.shape_cast %parallel_loop3A_730 : vector<16xf32> to vector<1x1x16xf32>
          tpu.vector_store %arg8[%parallel_loop3A_734, %parallel_loop3A_735, %parallel_loop3A_736], %parallel_loop3A_739 {strides = array<i32>} : memref<2x77x512xf32, #tpu.memory_space<vmem>>, vector<1x1x16xf32>,
          %parallel_loop3A_740 = arith.index_cast %parallel_loop3A_233 : i32 to index
          %parallel_loop3A_741 = arith.constant 352 : index
          %parallel_loop3A_742 = tpu.vector_load %arg9[%parallel_loop3A_740, %parallel_loop3A_741] {strides = array<i32>} : memref<16x512xf32, #tpu.memory_space<vmem>>, vector<1x16xf32>,
          %parallel_loop3A_743 = vector.shape_cast %parallel_loop3A_742 : vector<1x16xf32> to vector<16xf32>
          %parallel_loop3A_744 = arith.constant 64 : i32
          %parallel_loop3A_745 = arith.addi %parallel_loop3A_744, %parallel_loop3A_231 : i32
          %parallel_loop3A_746 = arith.constant 512 : i32
          %parallel_loop3A_747 = arith.muli %parallel_loop3A_745, %parallel_loop3A_746 : i32
          %parallel_loop3A_748 = arith.constant 352 : i32
          %parallel_loop3A_749 = arith.addi %parallel_loop3A_747, %parallel_loop3A_748 : i32
          %parallel_loop3A_750 = arith.index_cast %parallel_loop3A_749 : i32 to index
          %parallel_loop3A_751 = tpu.vector_load %arg7[%parallel_loop3A_750] {strides = array<i32>} : memref<39424xf32, #tpu.memory_space<vmem>>, vector<16xf32>,
          %parallel_loop3A_752 = vector.shape_cast %parallel_loop3A_751 : vector<16xf32> to vector<16xf32>
          %parallel_loop3A_753 = arith.addf %parallel_loop3A_743, %parallel_loop3A_752 : vector<16xf32>
          %parallel_loop3A_754 = arith.constant 64 : i32
          %parallel_loop3A_755 = arith.addi %parallel_loop3A_754, %parallel_loop3A_231 : i32
          %parallel_loop3A_756 = arith.constant 1 : i32
          %parallel_loop3A_757 = arith.index_cast %parallel_loop3A_756 : i32 to index
          %parallel_loop3A_758 = arith.index_cast %parallel_loop3A_755 : i32 to index
          %parallel_loop3A_759 = arith.constant 352 : index
          %parallel_loop3A_760 = tpu.vector_load %arg8[%parallel_loop3A_757, %parallel_loop3A_758, %parallel_loop3A_759] {strides = array<i32>} : memref<2x77x512xf32, #tpu.memory_space<vmem>>, vector<1x1x16xf32>,
          %parallel_loop3A_761 = vector.shape_cast %parallel_loop3A_760 : vector<1x1x16xf32> to vector<16xf32>
          %parallel_loop3A_762 = vector.shape_cast %parallel_loop3A_753 : vector<16xf32> to vector<1x1x16xf32>
          tpu.vector_store %arg8[%parallel_loop3A_757, %parallel_loop3A_758, %parallel_loop3A_759], %parallel_loop3A_762 {strides = array<i32>} : memref<2x77x512xf32, #tpu.memory_space<vmem>>, vector<1x1x16xf32>,
          %parallel_loop3A_763 = arith.index_cast %parallel_loop3A_233 : i32 to index
          %parallel_loop3A_764 = arith.constant 368 : index
          %parallel_loop3A_765 = tpu.vector_load %arg9[%parallel_loop3A_763, %parallel_loop3A_764] {strides = array<i32>} : memref<16x512xf32, #tpu.memory_space<vmem>>, vector<1x16xf32>,
          %parallel_loop3A_766 = vector.shape_cast %parallel_loop3A_765 : vector<1x16xf32> to vector<16xf32>
          %parallel_loop3A_767 = arith.constant 64 : i32
          %parallel_loop3A_768 = arith.addi %parallel_loop3A_767, %parallel_loop3A_231 : i32
          %parallel_loop3A_769 = arith.constant 512 : i32
          %parallel_loop3A_770 = arith.muli %parallel_loop3A_768, %parallel_loop3A_769 : i32
          %parallel_loop3A_771 = arith.constant 368 : i32
          %parallel_loop3A_772 = arith.addi %parallel_loop3A_770, %parallel_loop3A_771 : i32
          %parallel_loop3A_773 = arith.index_cast %parallel_loop3A_772 : i32 to index
          %parallel_loop3A_774 = tpu.vector_load %arg7[%parallel_loop3A_773] {strides = array<i32>} : memref<39424xf32, #tpu.memory_space<vmem>>, vector<16xf32>,
          %parallel_loop3A_775 = vector.shape_cast %parallel_loop3A_774 : vector<16xf32> to vector<16xf32>
          %parallel_loop3A_776 = arith.addf %parallel_loop3A_766, %parallel_loop3A_775 : vector<16xf32>
          %parallel_loop3A_777 = arith.constant 64 : i32
          %parallel_loop3A_778 = arith.addi %parallel_loop3A_777, %parallel_loop3A_231 : i32
          %parallel_loop3A_779 = arith.constant 1 : i32
          %parallel_loop3A_780 = arith.index_cast %parallel_loop3A_779 : i32 to index
          %parallel_loop3A_781 = arith.index_cast %parallel_loop3A_778 : i32 to index
          %parallel_loop3A_782 = arith.constant 368 : index
          %parallel_loop3A_783 = tpu.vector_load %arg8[%parallel_loop3A_780, %parallel_loop3A_781, %parallel_loop3A_782] {strides = array<i32>} : memref<2x77x512xf32, #tpu.memory_space<vmem>>, vector<1x1x16xf32>,
          %parallel_loop3A_784 = vector.shape_cast %parallel_loop3A_783 : vector<1x1x16xf32> to vector<16xf32>
          %parallel_loop3A_785 = vector.shape_cast %parallel_loop3A_776 : vector<16xf32> to vector<1x1x16xf32>
          tpu.vector_store %arg8[%parallel_loop3A_780, %parallel_loop3A_781, %parallel_loop3A_782], %parallel_loop3A_785 {strides = array<i32>} : memref<2x77x512xf32, #tpu.memory_space<vmem>>, vector<1x1x16xf32>,
          %parallel_loop3A_786 = arith.index_cast %parallel_loop3A_233 : i32 to index
          %parallel_loop3A_787 = arith.constant 384 : index
          %parallel_loop3A_788 = tpu.vector_load %arg9[%parallel_loop3A_786, %parallel_loop3A_787] {strides = array<i32>} : memref<16x512xf32, #tpu.memory_space<vmem>>, vector<1x16xf32>,
          %parallel_loop3A_789 = vector.shape_cast %parallel_loop3A_788 : vector<1x16xf32> to vector<16xf32>
          %parallel_loop3A_790 = arith.constant 64 : i32
          %parallel_loop3A_791 = arith.addi %parallel_loop3A_790, %parallel_loop3A_231 : i32
          %parallel_loop3A_792 = arith.constant 512 : i32
          %parallel_loop3A_793 = arith.muli %parallel_loop3A_791, %parallel_loop3A_792 : i32
          %parallel_loop3A_794 = arith.constant 384 : i32
          %parallel_loop3A_795 = arith.addi %parallel_loop3A_793, %parallel_loop3A_794 : i32
          %parallel_loop3A_796 = arith.index_cast %parallel_loop3A_795 : i32 to index
          %parallel_loop3A_797 = tpu.vector_load %arg7[%parallel_loop3A_796] {strides = array<i32>} : memref<39424xf32, #tpu.memory_space<vmem>>, vector<16xf32>,
          %parallel_loop3A_798 = vector.shape_cast %parallel_loop3A_797 : vector<16xf32> to vector<16xf32>
          %parallel_loop3A_799 = arith.addf %parallel_loop3A_789, %parallel_loop3A_798 : vector<16xf32>
          %parallel_loop3A_800 = arith.constant 64 : i32
          %parallel_loop3A_801 = arith.addi %parallel_loop3A_800, %parallel_loop3A_231 : i32
          %parallel_loop3A_802 = arith.constant 1 : i32
          %parallel_loop3A_803 = arith.index_cast %parallel_loop3A_802 : i32 to index
          %parallel_loop3A_804 = arith.index_cast %parallel_loop3A_801 : i32 to index
          %parallel_loop3A_805 = arith.constant 384 : index
          %parallel_loop3A_806 = tpu.vector_load %arg8[%parallel_loop3A_803, %parallel_loop3A_804, %parallel_loop3A_805] {strides = array<i32>} : memref<2x77x512xf32, #tpu.memory_space<vmem>>, vector<1x1x16xf32>,
          %parallel_loop3A_807 = vector.shape_cast %parallel_loop3A_806 : vector<1x1x16xf32> to vector<16xf32>
          %parallel_loop3A_808 = vector.shape_cast %parallel_loop3A_799 : vector<16xf32> to vector<1x1x16xf32>
          tpu.vector_store %arg8[%parallel_loop3A_803, %parallel_loop3A_804, %parallel_loop3A_805], %parallel_loop3A_808 {strides = array<i32>} : memref<2x77x512xf32, #tpu.memory_space<vmem>>, vector<1x1x16xf32>,
          %parallel_loop3A_809 = arith.index_cast %parallel_loop3A_233 : i32 to index
          %parallel_loop3A_810 = arith.constant 400 : index
          %parallel_loop3A_811 = tpu.vector_load %arg9[%parallel_loop3A_809, %parallel_loop3A_810] {strides = array<i32>} : memref<16x512xf32, #tpu.memory_space<vmem>>, vector<1x16xf32>,
          %parallel_loop3A_812 = vector.shape_cast %parallel_loop3A_811 : vector<1x16xf32> to vector<16xf32>
          %parallel_loop3A_813 = arith.constant 64 : i32
          %parallel_loop3A_814 = arith.addi %parallel_loop3A_813, %parallel_loop3A_231 : i32
          %parallel_loop3A_815 = arith.constant 512 : i32
          %parallel_loop3A_816 = arith.muli %parallel_loop3A_814, %parallel_loop3A_815 : i32
          %parallel_loop3A_817 = arith.constant 400 : i32
          %parallel_loop3A_818 = arith.addi %parallel_loop3A_816, %parallel_loop3A_817 : i32
          %parallel_loop3A_819 = arith.index_cast %parallel_loop3A_818 : i32 to index
          %parallel_loop3A_820 = tpu.vector_load %arg7[%parallel_loop3A_819] {strides = array<i32>} : memref<39424xf32, #tpu.memory_space<vmem>>, vector<16xf32>,
          %parallel_loop3A_821 = vector.shape_cast %parallel_loop3A_820 : vector<16xf32> to vector<16xf32>
          %parallel_loop3A_822 = arith.addf %parallel_loop3A_812, %parallel_loop3A_821 : vector<16xf32>
          %parallel_loop3A_823 = arith.constant 64 : i32
          %parallel_loop3A_824 = arith.addi %parallel_loop3A_823, %parallel_loop3A_231 : i32
          %parallel_loop3A_825 = arith.constant 1 : i32
          %parallel_loop3A_826 = arith.index_cast %parallel_loop3A_825 : i32 to index
          %parallel_loop3A_827 = arith.index_cast %parallel_loop3A_824 : i32 to index
          %parallel_loop3A_828 = arith.constant 400 : index
          %parallel_loop3A_829 = tpu.vector_load %arg8[%parallel_loop3A_826, %parallel_loop3A_827, %parallel_loop3A_828] {strides = array<i32>} : memref<2x77x512xf32, #tpu.memory_space<vmem>>, vector<1x1x16xf32>,
          %parallel_loop3A_830 = vector.shape_cast %parallel_loop3A_829 : vector<1x1x16xf32> to vector<16xf32>
          %parallel_loop3A_831 = vector.shape_cast %parallel_loop3A_822 : vector<16xf32> to vector<1x1x16xf32>
          tpu.vector_store %arg8[%parallel_loop3A_826, %parallel_loop3A_827, %parallel_loop3A_828], %parallel_loop3A_831 {strides = array<i32>} : memref<2x77x512xf32, #tpu.memory_space<vmem>>, vector<1x1x16xf32>,
          %parallel_loop3A_832 = arith.index_cast %parallel_loop3A_233 : i32 to index
          %parallel_loop3A_833 = arith.constant 416 : index
          %parallel_loop3A_834 = tpu.vector_load %arg9[%parallel_loop3A_832, %parallel_loop3A_833] {strides = array<i32>} : memref<16x512xf32, #tpu.memory_space<vmem>>, vector<1x16xf32>,
          %parallel_loop3A_835 = vector.shape_cast %parallel_loop3A_834 : vector<1x16xf32> to vector<16xf32>
          %parallel_loop3A_836 = arith.constant 64 : i32
          %parallel_loop3A_837 = arith.addi %parallel_loop3A_836, %parallel_loop3A_231 : i32
          %parallel_loop3A_838 = arith.constant 512 : i32
          %parallel_loop3A_839 = arith.muli %parallel_loop3A_837, %parallel_loop3A_838 : i32
          %parallel_loop3A_840 = arith.constant 416 : i32
          %parallel_loop3A_841 = arith.addi %parallel_loop3A_839, %parallel_loop3A_840 : i32
          %parallel_loop3A_842 = arith.index_cast %parallel_loop3A_841 : i32 to index
          %parallel_loop3A_843 = tpu.vector_load %arg7[%parallel_loop3A_842] {strides = array<i32>} : memref<39424xf32, #tpu.memory_space<vmem>>, vector<16xf32>,
          %parallel_loop3A_844 = vector.shape_cast %parallel_loop3A_843 : vector<16xf32> to vector<16xf32>
          %parallel_loop3A_845 = arith.addf %parallel_loop3A_835, %parallel_loop3A_844 : vector<16xf32>
          %parallel_loop3A_846 = arith.constant 64 : i32
          %parallel_loop3A_847 = arith.addi %parallel_loop3A_846, %parallel_loop3A_231 : i32
          %parallel_loop3A_848 = arith.constant 1 : i32
          %parallel_loop3A_849 = arith.index_cast %parallel_loop3A_848 : i32 to index
          %parallel_loop3A_850 = arith.index_cast %parallel_loop3A_847 : i32 to index
          %parallel_loop3A_851 = arith.constant 416 : index
          %parallel_loop3A_852 = tpu.vector_load %arg8[%parallel_loop3A_849, %parallel_loop3A_850, %parallel_loop3A_851] {strides = array<i32>} : memref<2x77x512xf32, #tpu.memory_space<vmem>>, vector<1x1x16xf32>,
          %parallel_loop3A_853 = vector.shape_cast %parallel_loop3A_852 : vector<1x1x16xf32> to vector<16xf32>
          %parallel_loop3A_854 = vector.shape_cast %parallel_loop3A_845 : vector<16xf32> to vector<1x1x16xf32>
          tpu.vector_store %arg8[%parallel_loop3A_849, %parallel_loop3A_850, %parallel_loop3A_851], %parallel_loop3A_854 {strides = array<i32>} : memref<2x77x512xf32, #tpu.memory_space<vmem>>, vector<1x1x16xf32>,
          %parallel_loop3A_855 = arith.index_cast %parallel_loop3A_233 : i32 to index
          %parallel_loop3A_856 = arith.constant 432 : index
          %parallel_loop3A_857 = tpu.vector_load %arg9[%parallel_loop3A_855, %parallel_loop3A_856] {strides = array<i32>} : memref<16x512xf32, #tpu.memory_space<vmem>>, vector<1x16xf32>,
          %parallel_loop3A_858 = vector.shape_cast %parallel_loop3A_857 : vector<1x16xf32> to vector<16xf32>
          %parallel_loop3A_859 = arith.constant 64 : i32
          %parallel_loop3A_860 = arith.addi %parallel_loop3A_859, %parallel_loop3A_231 : i32
          %parallel_loop3A_861 = arith.constant 512 : i32
          %parallel_loop3A_862 = arith.muli %parallel_loop3A_860, %parallel_loop3A_861 : i32
          %parallel_loop3A_863 = arith.constant 432 : i32
          %parallel_loop3A_864 = arith.addi %parallel_loop3A_862, %parallel_loop3A_863 : i32
          %parallel_loop3A_865 = arith.index_cast %parallel_loop3A_864 : i32 to index
          %parallel_loop3A_866 = tpu.vector_load %arg7[%parallel_loop3A_865] {strides = array<i32>} : memref<39424xf32, #tpu.memory_space<vmem>>, vector<16xf32>,
          %parallel_loop3A_867 = vector.shape_cast %parallel_loop3A_866 : vector<16xf32> to vector<16xf32>
          %parallel_loop3A_868 = arith.addf %parallel_loop3A_858, %parallel_loop3A_867 : vector<16xf32>
          %parallel_loop3A_869 = arith.constant 64 : i32
          %parallel_loop3A_870 = arith.addi %parallel_loop3A_869, %parallel_loop3A_231 : i32
          %parallel_loop3A_871 = arith.constant 1 : i32
          %parallel_loop3A_872 = arith.index_cast %parallel_loop3A_871 : i32 to index
          %parallel_loop3A_873 = arith.index_cast %parallel_loop3A_870 : i32 to index
          %parallel_loop3A_874 = arith.constant 432 : index
          %parallel_loop3A_875 = tpu.vector_load %arg8[%parallel_loop3A_872, %parallel_loop3A_873, %parallel_loop3A_874] {strides = array<i32>} : memref<2x77x512xf32, #tpu.memory_space<vmem>>, vector<1x1x16xf32>,
          %parallel_loop3A_876 = vector.shape_cast %parallel_loop3A_875 : vector<1x1x16xf32> to vector<16xf32>
          %parallel_loop3A_877 = vector.shape_cast %parallel_loop3A_868 : vector<16xf32> to vector<1x1x16xf32>
          tpu.vector_store %arg8[%parallel_loop3A_872, %parallel_loop3A_873, %parallel_loop3A_874], %parallel_loop3A_877 {strides = array<i32>} : memref<2x77x512xf32, #tpu.memory_space<vmem>>, vector<1x1x16xf32>,
          %parallel_loop3A_878 = arith.index_cast %parallel_loop3A_233 : i32 to index
          %parallel_loop3A_879 = arith.constant 448 : index
          %parallel_loop3A_880 = tpu.vector_load %arg9[%parallel_loop3A_878, %parallel_loop3A_879] {strides = array<i32>} : memref<16x512xf32, #tpu.memory_space<vmem>>, vector<1x16xf32>,
          %parallel_loop3A_881 = vector.shape_cast %parallel_loop3A_880 : vector<1x16xf32> to vector<16xf32>
          %parallel_loop3A_882 = arith.constant 64 : i32
          %parallel_loop3A_883 = arith.addi %parallel_loop3A_882, %parallel_loop3A_231 : i32
          %parallel_loop3A_884 = arith.constant 512 : i32
          %parallel_loop3A_885 = arith.muli %parallel_loop3A_883, %parallel_loop3A_884 : i32
          %parallel_loop3A_886 = arith.constant 448 : i32
          %parallel_loop3A_887 = arith.addi %parallel_loop3A_885, %parallel_loop3A_886 : i32
          %parallel_loop3A_888 = arith.index_cast %parallel_loop3A_887 : i32 to index
          %parallel_loop3A_889 = tpu.vector_load %arg7[%parallel_loop3A_888] {strides = array<i32>} : memref<39424xf32, #tpu.memory_space<vmem>>, vector<16xf32>,
          %parallel_loop3A_890 = vector.shape_cast %parallel_loop3A_889 : vector<16xf32> to vector<16xf32>
          %parallel_loop3A_891 = arith.addf %parallel_loop3A_881, %parallel_loop3A_890 : vector<16xf32>
          %parallel_loop3A_892 = arith.constant 64 : i32
          %parallel_loop3A_893 = arith.addi %parallel_loop3A_892, %parallel_loop3A_231 : i32
          %parallel_loop3A_894 = arith.constant 1 : i32
          %parallel_loop3A_895 = arith.index_cast %parallel_loop3A_894 : i32 to index
          %parallel_loop3A_896 = arith.index_cast %parallel_loop3A_893 : i32 to index
          %parallel_loop3A_897 = arith.constant 448 : index
          %parallel_loop3A_898 = tpu.vector_load %arg8[%parallel_loop3A_895, %parallel_loop3A_896, %parallel_loop3A_897] {strides = array<i32>} : memref<2x77x512xf32, #tpu.memory_space<vmem>>, vector<1x1x16xf32>,
          %parallel_loop3A_899 = vector.shape_cast %parallel_loop3A_898 : vector<1x1x16xf32> to vector<16xf32>
          %parallel_loop3A_900 = vector.shape_cast %parallel_loop3A_891 : vector<16xf32> to vector<1x1x16xf32>
          tpu.vector_store %arg8[%parallel_loop3A_895, %parallel_loop3A_896, %parallel_loop3A_897], %parallel_loop3A_900 {strides = array<i32>} : memref<2x77x512xf32, #tpu.memory_space<vmem>>, vector<1x1x16xf32>,
          %parallel_loop3A_901 = arith.index_cast %parallel_loop3A_233 : i32 to index
          %parallel_loop3A_902 = arith.constant 464 : index
          %parallel_loop3A_903 = tpu.vector_load %arg9[%parallel_loop3A_901, %parallel_loop3A_902] {strides = array<i32>} : memref<16x512xf32, #tpu.memory_space<vmem>>, vector<1x16xf32>,
          %parallel_loop3A_904 = vector.shape_cast %parallel_loop3A_903 : vector<1x16xf32> to vector<16xf32>
          %parallel_loop3A_905 = arith.constant 64 : i32
          %parallel_loop3A_906 = arith.addi %parallel_loop3A_905, %parallel_loop3A_231 : i32
          %parallel_loop3A_907 = arith.constant 512 : i32
          %parallel_loop3A_908 = arith.muli %parallel_loop3A_906, %parallel_loop3A_907 : i32
          %parallel_loop3A_909 = arith.constant 464 : i32
          %parallel_loop3A_910 = arith.addi %parallel_loop3A_908, %parallel_loop3A_909 : i32
          %parallel_loop3A_911 = arith.index_cast %parallel_loop3A_910 : i32 to index
          %parallel_loop3A_912 = tpu.vector_load %arg7[%parallel_loop3A_911] {strides = array<i32>} : memref<39424xf32, #tpu.memory_space<vmem>>, vector<16xf32>,
          %parallel_loop3A_913 = vector.shape_cast %parallel_loop3A_912 : vector<16xf32> to vector<16xf32>
          %parallel_loop3A_914 = arith.addf %parallel_loop3A_904, %parallel_loop3A_913 : vector<16xf32>
          %parallel_loop3A_915 = arith.constant 64 : i32
          %parallel_loop3A_916 = arith.addi %parallel_loop3A_915, %parallel_loop3A_231 : i32
          %parallel_loop3A_917 = arith.constant 1 : i32
          %parallel_loop3A_918 = arith.index_cast %parallel_loop3A_917 : i32 to index
          %parallel_loop3A_919 = arith.index_cast %parallel_loop3A_916 : i32 to index
          %parallel_loop3A_920 = arith.constant 464 : index
          %parallel_loop3A_921 = tpu.vector_load %arg8[%parallel_loop3A_918, %parallel_loop3A_919, %parallel_loop3A_920] {strides = array<i32>} : memref<2x77x512xf32, #tpu.memory_space<vmem>>, vector<1x1x16xf32>,
          %parallel_loop3A_922 = vector.shape_cast %parallel_loop3A_921 : vector<1x1x16xf32> to vector<16xf32>
          %parallel_loop3A_923 = vector.shape_cast %parallel_loop3A_914 : vector<16xf32> to vector<1x1x16xf32>
          tpu.vector_store %arg8[%parallel_loop3A_918, %parallel_loop3A_919, %parallel_loop3A_920], %parallel_loop3A_923 {strides = array<i32>} : memref<2x77x512xf32, #tpu.memory_space<vmem>>, vector<1x1x16xf32>,
          %parallel_loop3A_924 = arith.index_cast %parallel_loop3A_233 : i32 to index
          %parallel_loop3A_925 = arith.constant 480 : index
          %parallel_loop3A_926 = tpu.vector_load %arg9[%parallel_loop3A_924, %parallel_loop3A_925] {strides = array<i32>} : memref<16x512xf32, #tpu.memory_space<vmem>>, vector<1x16xf32>,
          %parallel_loop3A_927 = vector.shape_cast %parallel_loop3A_926 : vector<1x16xf32> to vector<16xf32>
          %parallel_loop3A_928 = arith.constant 64 : i32
          %parallel_loop3A_929 = arith.addi %parallel_loop3A_928, %parallel_loop3A_231 : i32
          %parallel_loop3A_930 = arith.constant 512 : i32
          %parallel_loop3A_931 = arith.muli %parallel_loop3A_929, %parallel_loop3A_930 : i32
          %parallel_loop3A_932 = arith.constant 480 : i32
          %parallel_loop3A_933 = arith.addi %parallel_loop3A_931, %parallel_loop3A_932 : i32
          %parallel_loop3A_934 = arith.index_cast %parallel_loop3A_933 : i32 to index
          %parallel_loop3A_935 = tpu.vector_load %arg7[%parallel_loop3A_934] {strides = array<i32>} : memref<39424xf32, #tpu.memory_space<vmem>>, vector<16xf32>,
          %parallel_loop3A_936 = vector.shape_cast %parallel_loop3A_935 : vector<16xf32> to vector<16xf32>
          %parallel_loop3A_937 = arith.addf %parallel_loop3A_927, %parallel_loop3A_936 : vector<16xf32>
          %parallel_loop3A_938 = arith.constant 64 : i32
          %parallel_loop3A_939 = arith.addi %parallel_loop3A_938, %parallel_loop3A_231 : i32
          %parallel_loop3A_940 = arith.constant 1 : i32
          %parallel_loop3A_941 = arith.index_cast %parallel_loop3A_940 : i32 to index
          %parallel_loop3A_942 = arith.index_cast %parallel_loop3A_939 : i32 to index
          %parallel_loop3A_943 = arith.constant 480 : index
          %parallel_loop3A_944 = tpu.vector_load %arg8[%parallel_loop3A_941, %parallel_loop3A_942, %parallel_loop3A_943] {strides = array<i32>} : memref<2x77x512xf32, #tpu.memory_space<vmem>>, vector<1x1x16xf32>,
          %parallel_loop3A_945 = vector.shape_cast %parallel_loop3A_944 : vector<1x1x16xf32> to vector<16xf32>
          %parallel_loop3A_946 = vector.shape_cast %parallel_loop3A_937 : vector<16xf32> to vector<1x1x16xf32>
          tpu.vector_store %arg8[%parallel_loop3A_941, %parallel_loop3A_942, %parallel_loop3A_943], %parallel_loop3A_946 {strides = array<i32>} : memref<2x77x512xf32, #tpu.memory_space<vmem>>, vector<1x1x16xf32>,
          %parallel_loop3A_947 = arith.index_cast %parallel_loop3A_233 : i32 to index
          %parallel_loop3A_948 = arith.constant 496 : index
          %parallel_loop3A_949 = tpu.vector_load %arg9[%parallel_loop3A_947, %parallel_loop3A_948] {strides = array<i32>} : memref<16x512xf32, #tpu.memory_space<vmem>>, vector<1x16xf32>,
          %parallel_loop3A_950 = vector.shape_cast %parallel_loop3A_949 : vector<1x16xf32> to vector<16xf32>
          %parallel_loop3A_951 = arith.constant 64 : i32
          %parallel_loop3A_952 = arith.addi %parallel_loop3A_951, %parallel_loop3A_231 : i32
          %parallel_loop3A_953 = arith.constant 512 : i32
          %parallel_loop3A_954 = arith.muli %parallel_loop3A_952, %parallel_loop3A_953 : i32
          %parallel_loop3A_955 = arith.constant 496 : i32
          %parallel_loop3A_956 = arith.addi %parallel_loop3A_954, %parallel_loop3A_955 : i32
          %parallel_loop3A_957 = arith.index_cast %parallel_loop3A_956 : i32 to index
          %parallel_loop3A_958 = tpu.vector_load %arg7[%parallel_loop3A_957] {strides = array<i32>} : memref<39424xf32, #tpu.memory_space<vmem>>, vector<16xf32>,
          %parallel_loop3A_959 = vector.shape_cast %parallel_loop3A_958 : vector<16xf32> to vector<16xf32>
          %parallel_loop3A_960 = arith.addf %parallel_loop3A_950, %parallel_loop3A_959 : vector<16xf32>
          %parallel_loop3A_961 = arith.constant 64 : i32
          %parallel_loop3A_962 = arith.addi %parallel_loop3A_961, %parallel_loop3A_231 : i32
          %parallel_loop3A_963 = arith.constant 1 : i32
          %parallel_loop3A_964 = arith.index_cast %parallel_loop3A_963 : i32 to index
          %parallel_loop3A_965 = arith.index_cast %parallel_loop3A_962 : i32 to index
          %parallel_loop3A_966 = arith.constant 496 : index
          %parallel_loop3A_967 = tpu.vector_load %arg8[%parallel_loop3A_964, %parallel_loop3A_965, %parallel_loop3A_966] {strides = array<i32>} : memref<2x77x512xf32, #tpu.memory_space<vmem>>, vector<1x1x16xf32>,
          %parallel_loop3A_968 = vector.shape_cast %parallel_loop3A_967 : vector<1x1x16xf32> to vector<16xf32>
          %parallel_loop3A_969 = vector.shape_cast %parallel_loop3A_960 : vector<16xf32> to vector<1x1x16xf32>
          tpu.vector_store %arg8[%parallel_loop3A_964, %parallel_loop3A_965, %parallel_loop3A_966], %parallel_loop3A_969 {strides = array<i32>} : memref<2x77x512xf32, #tpu.memory_space<vmem>>, vector<1x1x16xf32>,
        } {sc.loop_unroll_factor = 1 : i64, sc.parallel_access}
        %dma_start3A_207 = arith.constant 1 : i32
        %dma_start3A_208 = arith.constant 1 : i32
        %dma_start3A_209 = arith.constant 0 : i32
        %dma_start3A_210 = arith.constant 0 : i32
        %dma_start3A_211 = tpu.memref_slice %arg8[%dma_start3A_207, %dma_start3A_209, %dma_start3A_210] : memref<2x77x512xf32, #tpu.memory_space<vmem>> -> memref<1x77x512xf32, #tpu.memory_space<vmem>>
        %dma_start3A_212 = tpu.memref_squeeze %dma_start3A_211 : memref<1x77x512xf32, #tpu.memory_space<vmem>> -> memref<77x512xf32, #tpu.memory_space<vmem>>
        %dma_start3A_213 = arith.constant 0 : i32
        %dma_start3A_214 = arith.constant 0 : i32
        %dma_start3A_215 = tpu.memref_slice %arg5[%add3A_180, %dma_start3A_213, %dma_start3A_214] : memref<4096x77x512xf32, #tpu.memory_space<hbm>> -> memref<1x77x512xf32, #tpu.memory_space<hbm>>
        %dma_start3A_216 = tpu.memref_squeeze %dma_start3A_215 : memref<1x77x512xf32, #tpu.memory_space<hbm>> -> memref<77x512xf32, #tpu.memory_space<hbm>>
        %dma_start3A_217 = tpu.memref_slice %arg11[%dma_start3A_208] : memref<2x!tpu.dma_semaphore, #tpu.memory_space<semaphore_mem>> -> memref<1x!tpu.dma_semaphore, #tpu.memory_space<semaphore_mem>>
        %dma_start3A_218 = tpu.memref_squeeze %dma_start3A_217 : memref<1x!tpu.dma_semaphore, #tpu.memory_space<semaphore_mem>> -> memref<!tpu.dma_semaphore, #tpu.memory_space<semaphore_mem>>
        %dma_start3A_219 = arith.constant 0 : i32
        %dma_start3A_220 = arith.constant 0 : i32
        %dma_start3A_221 = tpu.memref_slice %arg5[%add3A_180, %dma_start3A_219, %dma_start3A_220] : memref<4096x77x512xf32, #tpu.memory_space<hbm>> -> memref<1x77x512xf32, #tpu.memory_space<hbm>>
        %dma_start3A_222 = tpu.memref_squeeze %dma_start3A_221 : memref<1x77x512xf32, #tpu.memory_space<hbm>> -> memref<77x512xf32, #tpu.memory_space<hbm>>
        %dma_start3A_223 = arith.constant 0 : i32
        %dma_start3A_224 = arith.constant 0 : i32
        %dma_start3A_225 = tpu.memref_slice %arg8[%dma_start3A_207, %dma_start3A_223, %dma_start3A_224] : memref<2x77x512xf32, #tpu.memory_space<vmem>> -> memref<1x77x512xf32, #tpu.memory_space<vmem>>
        %dma_start3A_226 = tpu.memref_squeeze %dma_start3A_225 : memref<1x77x512xf32, #tpu.memory_space<vmem>> -> memref<77x512xf32, #tpu.memory_space<vmem>>
        tpu.enqueue_dma source(%dma_start3A_226 : memref<77x512xf32, #tpu.memory_space<vmem>>) target(%dma_start3A_222 : memref<77x512xf32, #tpu.memory_space<hbm>>) target_semaphore(%dma_start3A_218 : memref<!tpu.dma_semaphore, #tpu.memory_space<semaphore_mem>>)
        %lt3A = arith.constant 3 : i32
        %lt3A_227 = arith.cmpi slt, %scan3A_65, %lt3A : i32
        %convert_element_type3A_228 = arith.extui %lt3A_227 : i1 to i32
        %cond3A_229 = arith.constant 0 : i32
        %cond3A_230 = arith.cmpi ne, %convert_element_type3A_228, %cond3A_229 : i32
        scf.if %cond3A_230 {
          %add3A_231 = arith.constant 1 : i32
          %add3A_232 = arith.addi %add3A_176, %add3A_231 : i32
          %get3A_233 = arith.index_cast %add3A_232 : i32 to index
          %get3A_234 = arith.constant 61 : index
          %get3A_235 = tpu.vector_load %arg6[%get3A_233, %get3A_234] {strides = array<i32>} : memref<8x77xi32, #tpu.memory_space<vmem>>, vector<1x16xi32>,
          %get3A_236 = vector.shape_cast %get3A_235 : vector<1x16xi32> to vector<16xi32>
          %dma_start3A_237 = arith.constant 0 : i32
          %dma_start3A_238 = arith.constant 0 : i32
          %dma_start3A_239 = tpu.memref_slice %arg3[%dma_start3A_237, %dma_start3A_238] : memref<49408x512xf32, #tpu.memory_space<hbm>> -> memref<49408x512xf32, #tpu.memory_space<hbm>>
          tpu.enqueue_indirect_dma source(%dma_start3A_239 : memref<49408x512xf32, #tpu.memory_space<hbm>>) target(%arg9 : memref<16x512xf32, #tpu.memory_space<vmem>>) offsets(%get3A_236 : vector<16xi32>) semaphore(%arg12 : memref<!tpu.dma_semaphore, #tpu.memory_space<semaphore_mem>>)
        } else {
        }
      }
      %scan3A_64 = arith.constant 4 : i32
    }
    %scan3A_7 = arith.constant 16 : i32
    %dma_wait3A = arith.constant 0 : i32
    %dma_wait3A_8 = arith.constant 0 : i32
    %dma_wait3A_9 = arith.constant 0 : i32
    %dma_wait3A_10 = arith.constant 0 : i32
    %dma_wait3A_11 = arith.constant 0 : i32
    %dma_wait3A_12 = tpu.memref_slice %arg8[%dma_wait3A, %dma_wait3A_10, %dma_wait3A_11] : memref<2x77x512xf32, #tpu.memory_space<vmem>> -> memref<1x77x512xf32, #tpu.memory_space<vmem>>
    %dma_wait3A_13 = tpu.memref_squeeze %dma_wait3A_12 : memref<1x77x512xf32, #tpu.memory_space<vmem>> -> memref<77x512xf32, #tpu.memory_space<vmem>>
    %dma_wait3A_14 = arith.constant 0 : i32
    %dma_wait3A_15 = arith.constant 0 : i32
    %dma_wait3A_16 = tpu.memref_slice %arg5[%dma_wait3A_8, %dma_wait3A_14, %dma_wait3A_15] : memref<4096x77x512xf32, #tpu.memory_space<hbm>> -> memref<1x77x512xf32, #tpu.memory_space<hbm>>
    %dma_wait3A_17 = tpu.memref_squeeze %dma_wait3A_16 : memref<1x77x512xf32, #tpu.memory_space<hbm>> -> memref<77x512xf32, #tpu.memory_space<hbm>>
    %dma_wait3A_18 = tpu.memref_slice %arg11[%dma_wait3A_9] : memref<2x!tpu.dma_semaphore, #tpu.memory_space<semaphore_mem>> -> memref<1x!tpu.dma_semaphore, #tpu.memory_space<semaphore_mem>>
    %dma_wait3A_19 = tpu.memref_squeeze %dma_wait3A_18 : memref<1x!tpu.dma_semaphore, #tpu.memory_space<semaphore_mem>> -> memref<!tpu.dma_semaphore, #tpu.memory_space<semaphore_mem>>
    %dma_wait3A_20 = arith.constant 0 : i32
    %dma_wait3A_21 = arith.constant 0 : i32
    %dma_wait3A_22 = tpu.memref_slice %arg5[%dma_wait3A_8, %dma_wait3A_20, %dma_wait3A_21] : memref<4096x77x512xf32, #tpu.memory_space<hbm>> -> memref<1x77x512xf32, #tpu.memory_space<hbm>>
    %dma_wait3A_23 = tpu.memref_squeeze %dma_wait3A_22 : memref<1x77x512xf32, #tpu.memory_space<hbm>> -> memref<77x512xf32, #tpu.memory_space<hbm>>
    %dma_wait3A_24 = arith.constant 0 : i32
    %dma_wait3A_25 = arith.constant 0 : i32
    %dma_wait3A_26 = tpu.memref_slice %arg8[%dma_wait3A, %dma_wait3A_24, %dma_wait3A_25] : memref<2x77x512xf32, #tpu.memory_space<vmem>> -> memref<1x77x512xf32, #tpu.memory_space<vmem>>
    %dma_wait3A_27 = tpu.memref_squeeze %dma_wait3A_26 : memref<1x77x512xf32, #tpu.memory_space<vmem>> -> memref<77x512xf32, #tpu.memory_space<vmem>>
    tpu.wait_dma2 semaphore(%dma_wait3A_19 : memref<!tpu.dma_semaphore, #tpu.memory_space<semaphore_mem>>) src(%dma_wait3A_27 : memref<77x512xf32, #tpu.memory_space<vmem>>) dst(%dma_wait3A_23 : memref<77x512xf32, #tpu.memory_space<hbm>>)
    %dma_wait3A_28 = arith.constant 1 : i32
    %dma_wait3A_29 = arith.constant 0 : i32
    %dma_wait3A_30 = arith.constant 1 : i32
    %dma_wait3A_31 = arith.constant 0 : i32
    %dma_wait3A_32 = arith.constant 0 : i32
    %dma_wait3A_33 = tpu.memref_slice %arg8[%dma_wait3A_28, %dma_wait3A_31, %dma_wait3A_32] : memref<2x77x512xf32, #tpu.memory_space<vmem>> -> memref<1x77x512xf32, #tpu.memory_space<vmem>>
    %dma_wait3A_34 = tpu.memref_squeeze %dma_wait3A_33 : memref<1x77x512xf32, #tpu.memory_space<vmem>> -> memref<77x512xf32, #tpu.memory_space<vmem>>
    %dma_wait3A_35 = arith.constant 0 : i32
    %dma_wait3A_36 = arith.constant 0 : i32
    %dma_wait3A_37 = tpu.memref_slice %arg5[%dma_wait3A_29, %dma_wait3A_35, %dma_wait3A_36] : memref<4096x77x512xf32, #tpu.memory_space<hbm>> -> memref<1x77x512xf32, #tpu.memory_space<hbm>>
    %dma_wait3A_38 = tpu.memref_squeeze %dma_wait3A_37 : memref<1x77x512xf32, #tpu.memory_space<hbm>> -> memref<77x512xf32, #tpu.memory_space<hbm>>
    %dma_wait3A_39 = tpu.memref_slice %arg11[%dma_wait3A_30] : memref<2x!tpu.dma_semaphore, #tpu.memory_space<semaphore_mem>> -> memref<1x!tpu.dma_semaphore, #tpu.memory_space<semaphore_mem>>
    %dma_wait3A_40 = tpu.memref_squeeze %dma_wait3A_39 : memref<1x!tpu.dma_semaphore, #tpu.memory_space<semaphore_mem>> -> memref<!tpu.dma_semaphore, #tpu.memory_space<semaphore_mem>>
    %dma_wait3A_41 = arith.constant 0 : i32
    %dma_wait3A_42 = arith.constant 0 : i32
    %dma_wait3A_43 = tpu.memref_slice %arg5[%dma_wait3A_29, %dma_wait3A_41, %dma_wait3A_42] : memref<4096x77x512xf32, #tpu.memory_space<hbm>> -> memref<1x77x512xf32, #tpu.memory_space<hbm>>
    %dma_wait3A_44 = tpu.memref_squeeze %dma_wait3A_43 : memref<1x77x512xf32, #tpu.memory_space<hbm>> -> memref<77x512xf32, #tpu.memory_space<hbm>>
    %dma_wait3A_45 = arith.constant 0 : i32
    %dma_wait3A_46 = arith.constant 0 : i32
    %dma_wait3A_47 = tpu.memref_slice %arg8[%dma_wait3A_28, %dma_wait3A_45, %dma_wait3A_46] : memref<2x77x512xf32, #tpu.memory_space<vmem>> -> memref<1x77x512xf32, #tpu.memory_space<vmem>>
    %dma_wait3A_48 = tpu.memref_squeeze %dma_wait3A_47 : memref<1x77x512xf32, #tpu.memory_space<vmem>> -> memref<77x512xf32, #tpu.memory_space<vmem>>
    tpu.wait_dma2 semaphore(%dma_wait3A_40 : memref<!tpu.dma_semaphore, #tpu.memory_space<semaphore_mem>>) src(%dma_wait3A_48 : memref<77x512xf32, #tpu.memory_space<vmem>>) dst(%dma_wait3A_44 : memref<77x512xf32, #tpu.memory_space<hbm>>)
    return
  }
}

</mosaic_0001>

<sc_bundles>
// kernel: _emb_call.3.cloned.1.call-start
scs
__scs_entry_jumppad:
0x0: {  	(pc) =	sbr.rel $0x88, $3  }
0x1: {  	(tag) =	ssettag $0x0;
	lr =	simm.s32 $0x1  }
0x2: {  	[smem:$0x3F9E] =	sst lr;
	_ =	strace $0xD0000000  }
0x3: {  	_ = 	snop  }
0x4: {  	_ = 	snop  }
0x5: {  	_ = 	snop  }
0x6: {  	_ = 	snop  }
0x7: {  	_ = 	snop  }
__scs_overlays_trampoline_lowered:
0x8: {  	[smem:$0x3FAD] =	sst s0  }
0x9: {  	[smem:$0x3FAE] =	sst s1  }
0xa: {  	[smem:$0x3FAF] =	sst s2  }
0xb: {  	[smem:$0x3FB0] =	sst s3  }
0xc: {  	[smem:$0x3FB1] =	sst s4  }
0xd: {  	[smem:$0x3FB2] =	sst s5  }
0xe: {  	[smem:$0x3FB3] =	sst s6  }
0xf: {  	[smem:$0x3FB4] =	sst s7  }
0x10: {  	[smem:$0x3FB5] =	sst s8  }
0x11: {  	[smem:$0x3FB6] =	sst s9;
	s0 =	simm.s32 @!p0 $0x0  }
0x12: {  	s1 =	sld [smem:$0x3F9C];
	s0 =	simm.s32 @p0 $0x1  }
0x13: {  	[smem:$0x3FB7] =	sst s0;
	s0 =	simm.s32 @!p1 $0x0  }
0x14: {  	s2 =	sld [smem:$0x3F9B];
	s0 =	simm.s32 @p1 $0x1  }
0x15: {  	[smem:$0x3FB8] =	sst s0;
	s0 =	simm.s32 @!p2 $0x0  }
0x16: {  	s3 =	sld [smem:$0x3FDB];
	s0 =	simm.s32 @p2 $0x1  }
0x17: {  	s4 =	simm.s32 $0x1BF5;
	[smem:$0x3FBA] =	sst s0  }
0x18: {  	s0 =	sld [smem:$0x3F9D];
	_ =	swait.ge [sflag:s4], $0x0  }
0x19: {  	s7 =	sld [smem:$0x3F9E]  }
0x1a: {  	s8 =	sadd.s32 $0xFFFFE003, lr  }
0x1b: {  	s9 =	sadd.s32 $0xFFFFFEF7, lr;
	s5 =	simm.s32 $0xFFFFFFFF;
	p2 =	slt.u32 s8, $0xFFFFF086  }
0x1c: {  	p1 =	slt.u32 s9, $0xF7A;
	s5 =	simm.s32 @!p2 $0x0  }
0x1d: {  	s5 =	simm.s32 @p1 $0x1;
	p0 =	seq.s32 s7, s2  }
0x1e: {  	s7 =	smul.u32 @!p0 $0xF7A, s2;
	p2 =	seq.s32 @!p0 s5, $0x0  }
0x1f: {  	s9 =	smul.u32 $0xF7A, s1;
	s8 =	simm.s32 @!p0 $0x1BF5;
	p2 =	por !p2, p0  }
0x20: {  	[sflag:s8] =	ssyncset.s32 @!p0 $0xFFFFF086;
	s6 =	sadd.s32 @!p0 s3, s7;
	s7 =	simm.s32 @!p0 $0x108  }
0x21: {  	s3 =	sadd.s32 s3, s9;
	s6 =	sadd.s32 @!p0 $0x88, s6;
	s7 =	simm.s32 @p2 $0x1082  }
0x22: {  	[simem:s7], [sflag:s8] =	dma.local @!p0 [hbm:s6], $0xF7A  }
0x23: {  	s9 =	sor.u32 $0xD0000000, s2;
	s6 =	simm.s32 $0x108;
	_ =	swait.ge @!p0 [sflag:s8], $0x0  }
0x24: {  	s3 =	sadd.s32 $0x88, s3;
	s6 =	simm.s32 @!p1 $0x1082;
	[sflag:s4] =	ssyncset.s32 $0xFFFFF086  }
0x25: {  	[simem:s6], [sflag:s4] =	dma.local [hbm:s3], $0xF7A  }
0x26: {  	[smem:$0x3F9E] =	sst s1;
	(tag) =	ssettag s2;
	_ =	strace s9  }
0x27: {  	s1 =	sld [smem:$0x3FAE]  }
0x28: {  	s2 =	sld [smem:$0x3FAF]  }
0x29: {  	s4 =	sld [smem:$0x3FB1]  }
0x2a: {  	p0 =	seq.s32 s5, $0x0;
	s5 =	sld [smem:$0x3FB2]  }
0x2b: {  	s6 =	sld [smem:$0x3FB3]  }
0x2c: {  	s7 =	sld [smem:$0x3FB4]  }
0x2d: {  	s3 =	simm.s32 $0x108;
	s8 =	sld [smem:$0x3FB5]  }
0x2e: {  	s3 =	simm.s32 @!p0 $0x1082;
	s9 =	sld [smem:$0x3FB6]  }
0x2f: {  	lr =	sadd.s32 s0, s3;
	s0 =	sld [smem:$0x3FAD]  }
0x30: {  	s3 =	sld [smem:$0x3FB0]  }
0x31: {  	[smem:$0x3FB9] =	sst s10  }
0x32: {  	s10 =	sld [smem:$0x3FB7];
	_ =	sdelay $0x3  }
0x33: {  	p0 =	seq.s32 s10, $0x1;
	s10 =	sld [smem:$0x3FB9];
	_ =	sdelay $0x3  }
0x34: {  	[smem:$0x3FB9] =	sst s10  }
0x35: {  	s10 =	sld [smem:$0x3FB8];
	_ =	sdelay $0x3  }
0x36: {  	p1 =	seq.s32 s10, $0x1;
	s10 =	sld [smem:$0x3FB9];
	_ =	sdelay $0x3  }
0x37: {  	[smem:$0x3FB9] =	sst s10  }
0x38: {  	s10 =	sld [smem:$0x3FBA]  }
0x39: {  	_ = 	snop;
	(pc) =	sbr.ind lr, $3  }
0x3a: {  	_ = 	snop  }
0x3b: {  	_ = 	snop  }
0x3c: {  	p2 =	seq.s32 s10, $0x1;
	s10 =	sld [smem:$0x3FB9]  }
0x3d: {  	_ =	shalt  }
0x3e: {  	_ =	shalt  }
0x3f: {  	_ =	shalt  }
0x40: {  	_ =	shalt  }
0x41: {  	_ =	shalt  }
0x42: {  	_ =	shalt  }
0x43: {  	_ =	shalt  }
0x44: {  	_ =	shalt  }
0x45: {  	_ =	shalt  }
0x46: {  	_ =	shalt  }
0x47: {  	_ =	shalt  }
0x48: {  	_ =	shalt  }
0x49: {  	_ =	shalt  }
0x4a: {  	_ =	shalt  }
0x4b: {  	_ =	shalt  }
0x4c: {  	_ =	shalt  }
0x4d: {  	_ =	shalt  }
0x4e: {  	_ =	shalt  }
0x4f: {  	_ =	shalt  }
0x50: {  	_ =	shalt  }
0x51: {  	_ =	shalt  }
0x52: {  	_ =	shalt  }
0x53: {  	_ =	shalt  }
0x54: {  	_ =	shalt  }
0x55: {  	_ =	shalt  }
0x56: {  	_ =	shalt  }
0x57: {  	_ =	shalt  }
0x58: {  	_ =	shalt  }
0x59: {  	_ =	shalt  }
0x5a: {  	_ =	shalt  }
0x5b: {  	_ =	shalt  }
0x5c: {  	_ =	shalt  }
0x5d: {  	_ =	shalt  }
0x5e: {  	_ =	shalt  }
0x5f: {  	_ =	shalt  }
0x60: {  	_ =	shalt  }
0x61: {  	_ =	shalt  }
0x62: {  	_ =	shalt  }
0x63: {  	_ =	shalt  }
0x64: {  	_ =	shalt  }
0x65: {  	_ =	shalt  }
0x66: {  	_ =	shalt  }
0x67: {  	_ =	shalt  }
0x68: {  	_ =	shalt  }
0x69: {  	_ =	shalt  }
0x6a: {  	_ =	shalt  }
0x6b: {  	_ =	shalt  }
0x6c: {  	_ =	shalt  }
0x6d: {  	_ =	shalt  }
0x6e: {  	_ =	shalt  }
0x6f: {  	_ =	shalt  }
0x70: {  	_ =	shalt  }
0x71: {  	_ =	shalt  }
0x72: {  	_ =	shalt  }
0x73: {  	_ =	shalt  }
0x74: {  	_ =	shalt  }
0x75: {  	_ =	shalt  }
0x76: {  	_ =	shalt  }
0x77: {  	_ =	shalt  }
0x78: {  	_ =	shalt  }
0x79: {  	_ =	shalt  }
0x7a: {  	_ =	shalt  }
0x7b: {  	_ =	shalt  }
0x7c: {  	_ =	shalt  }
0x7d: {  	_ =	shalt  }
0x7e: {  	_ =	shalt  }
0x7f: {  	_ =	shalt  }
0x80: {  	_ =	shalt  }
0x81: {  	_ =	shalt  }
0x82: {  	_ =	shalt  }
0x83: {  	_ =	shalt  }
0x84: {  	_ =	shalt  }
0x85: {  	_ =	shalt  }
0x86: {  	_ =	shalt  }
0x87: {  	_ =	shalt  }
.Lfunc_end0:
.L_simem_size_0:
called_computation_lowered:
.L_overlay_start_0:
0x88: {  	s2 =	sld [smem:$0x3FD9]  }
0x89: {  	s3 =	sld [smem:$0x3FFE];
	_ =	sdelay $0x1  }
0x8a: {  	s1 =	srdreg.scid  }
0x8b: {  	s0 =	sand.u32 $0x1, s1  }
0x8c: {  	s17 =	sshll.u32 s0, $0xA;
	s2 =	sadd.s32 s3, s2  }
0x8d: {  	s2 =	sadd.s32 s2, s17  }
0x8e: {  	[smem:$0x3FC5] =	sst s2  }
0x8f: {  	_ = 	snop  }
0x90: {  	s2 =	sld [smem:$0x3FC8]  }
0x91: {  	s18 =	sld [smem:$0x3FC7]  }
0x92: {  	s4 =	sld [smem:$0x3FD0];
	(tm) =	ssettm $0x1  }
0x93: {  	s5 =	sld [smem:$0x3FFB];
	_ =	sdelay $0x3  }
0x94: {  	_ =	strace s5  }
0x95: {  	s5 =	sld [smem:$0x3FFC];
	_ =	sdelay $0x3  }
0x96: {  	_ =	strace s5  }
0x97: {  	s5 =	sld [smem:$0x3FFD];
	_ =	sdelay $0x3  }
0x98: {  	_ =	strace s5  }
0x99: {  	_ =	strace $0x8FFFFFFF  }
0x9a: {  	s19 =	sld [smem:$0x3FDB];
	_ =	sdelay $0x1  }
0x9b: {  	s6 =	simm.s32 $_scs_section_size  }
0x9c: {  	s7 =	simm.s32 $_size__tile_overlayer_lowered;
	s8 =	simm.s32 $_tile_overlayer_lowered  }
0x9d: {  	s22 =	simm.s32 $0x1BFF;
	s21 =	sshll.u32 s8, $0x1;
	s5 =	sadd.s32 s6, s19  }
0x9e: {  	s9 =	simm.s32 $0x0;
	s20 =	sshll.u32 s7, $0x1;
	s7 =	sadd.s32 s21, s5  }
0x9f: {  	[timem:s9], [sflag:s22] =	dma.local [hbm:s7], s20  }
0xa0: {  	_ =	swait.ge [sflag:s22], s20  }
0xa1: {  	s6 =	ssub.s32 $0x0, s20;
	[sflag:s22] =	ssyncset.done $0x0  }
0xa2: {  	[sflag:s22] =	ssyncadd.s32 s6;
	_ =	sdelay $0x1  }
0xa3: {  	s23 =	simm.s32 $0x1B8B  }
0xa4: {  	_ =	swait.ge [sflag:s23], $0x1  }
0xa5: {  	[sflag:s23] =	ssyncset.done $0x0  }
0xa6: {  	s25 =	simm.s32 $0x1B8E;
	s24 =	sld [smem:$0x3FFE];
	[sflag:s23] =	ssyncadd.s32 $0xFFFFFFFF  }
0xa7: {  	s26 =	simm.s32 $execute0_lowered;
	[smem:$0x3FD2] =	sst s25  }
0xa8: {  	s7 =	sshll.u32 s26, $0x1;
	_ =	strace $0x80000046;
	[dreg:$0x1] =	wrdreg $0xFFFFFFFF  }
0xa9: {  	s28 =	simm.s32 $_size_execute0_lowered;
	s5 =	sadd.s32 s5, s7;
	[dreg:$0x0] =	wrdreg $0x0  }
0xaa: {  	s7 =	sshll.u32 s28, $0x1;
	[dreg:$0x2] =	wrdreg s5  }
0xab: {  	[dreg:$0x3] =	wrdreg s7  }
0xac: {  	[dreg:$0x4] =	wrdreg $0xC0  }
0xad: {  	_ =	task [dreg:s9], $0x5FFFF  }
0xae: {  	[dreg:$0x1] =	wrdreg $0xFFFFFFFF  }
0xaf: {  	[dreg:$0x0] =	wrdreg $0x60  }
0xb0: {  	[dreg:$0x2] =	wrdreg s4  }
0xb1: {  	[dreg:$0x3] =	wrdreg s2  }
0xb2: {  	[dreg:$0x4] =	wrdreg s18  }
0xb3: {  	[dreg:$0x5] =	wrdreg s24  }
0xb4: {  	[dreg:$0x6] =	wrdreg $0x9  }
0xb5: {  	_ =	task.clear_ibuf [dreg:s9], $0x7FFFF;
	_ =	strace $0x90000046  }
0xb6: {  	s29 =	simm.s32 $0x9;
	_ =	strace $0x80000048  }
0xb7: {  	_ =	swait.ge [sflag:s29], $0x1  }
0xb8: {  	[sflag:s29] =	ssyncadd.s32 $0xFFFFFFFF  }
0xb9: {  	_ =	strace $0x90000048  }
0xba: {  	_ =	sfence  }
0xbb: {  	s30 =	sld [smem:$0x0];
	_ =	sdelay $0x2  }
0xbc: {  	s31 =	sshll.u32 s1, $0xD;
	s1 =	sshrl.u32 s1, $0x2  }
0xbd: {  	s3 =	sand.u32 $0x4000, s31;
	s1 =	sadd.s32 s1, s30  }
0xbe: {  	s0 =	sor.u32 s3, s0;
	s1 =	sshll.u32 s1, $0x11  }
0xbf: {  	s0 =	sor.u32 s1, s0  }
0xc0: {  	s0 =	sadd.s32 $0x8F2B, s0  }
0xc1: {  	[sflag:s0] =	ssyncadd.remote.s32 $0x1  }
0xc2: {  	_ =	sfence.sel $0xFFFF  }
0xc3: {  	[dreg:$0x0] =	wrdreg $0xFFFFFFFF;
	(pc) =	sbr.abs _section_cstart, $3  }
0xc4: {  	[dreg:$0x1] =	wrdreg $0xFFFFFFFF  }
0xc5: {  	_ =	task.clear_ibuf [dreg:s9], $0x2FFFF;
	_ =	strace $0x9FFFFFFF  }
0xc6: {  	(tm) =	ssettm $0x7FFFFFFF  }
0xc7: {  	_ =	shalt  }
tec
execute0_lowered:
.L_overlay_start_1:
0x0: {  	(tag) =	ssettag $0x1  }
0x1: {  	s4 =	rddreg [dreg:$0x1]  }
0x2: {  	s0 =	rddreg [dreg:$0x3];
	s5 =	simm.s32 $0x0;
	s1 =	srdreg.scid  }
0x3: {  	s3 =	stileid.u32;
	[smem:$0x7FF] =	sst s5;
	s1 =	sand.u32 $0x1, s1  }
0x4: {  	s0 =	sadd.s32 $0x400, s0;
	s3 =	sshll.u32 s3, $0x8;
	_ =	strace $0x80000047  }
.Ltmp0:
0x5: {  	s31 =	ssub.s32 $0x2, s1;
	s1 =	sshll.u32 s1, $0x7;
	(pc) =	sbr.rel .LBB2_1-.Ltmp0, $4  }
0x6: {  	[smem:$0x7FA] =	sst s0;
	s2 =	sshrl.u32 s31, $0x1;
	s1 =	sor.u32 s1, s3  }
0x7: {  	v2 =	vlaneseq.u32;
	s0 =	ssub.s32 s31, s2;
	[smem:$0x7FB] =	sst s1;
	s2 =	sadd.s32 $0x100, s4  }
0x8: {  	vm0 =	vmmov $0xffff;
	v1 =	vshrl.u32 v2, $0x3;
	s0 =	smax.u32 s0, $0x1;
	[smem:$0x7FD] =	sst s2  }
0x9: {  	s6 =	simm.s32 $0x0;
	v0 =	vand.u32 $0x7, v2;
	v2 =	vor.u32 $0x8, v2;
	v1 =	vmul.u32 $0x8, v1;
	s3 =	simm.s32 $0x13E00;
	[smem:$0x7FC] =	sst s0  }
.LBB2_14:
0xa: {  	s0 =	simm.s32 $0x3  }
0xb: {  	_ =	swait.ge [sflag:s0], $0xA000  }
0xc: {  	[sflag:s0] =	ssyncset.done $0x0  }
0xd: {  	s1 =	simm.s32 $0x4;
	[sflag:s0] =	ssyncadd.s32 $0xFFFF6000  }
0xe: {  	_ =	swait.ge [sflag:s1], $0xA000  }
0xf: {  	s6 =	sld [smem:$0x7F9]  }
0x10: {  	s31 =	sld [smem:$0x7FC];
	_ =	sdelay $0x1  }
0x11: {  	s6 =	sadd.s32 $0x1, s6  }
0x12: {  	p0 =	sne.s32 s6, s31  }
.Ltmp1:
0x13: {  	_ = 	snop;
	(pc) =	sbr.rel @!p0 .LBB2_15-.Ltmp1, $3  }
0x14: {  	_ =	sdelay $0x1  }
0x15: {  	[sflag:s1] =	ssyncset.done $0x0  }
0x16: {  	[sflag:s1] =	ssyncadd.s32 $0xFFFF6000  }
.LBB2_1:
0x17: {  	[smem:$0x7F9] =	sst s6  }
0x18: {  	s0 =	rddreg [dreg:$0x2]  }
.Ltmp2:
0x19: {  	s1 =	simm.s32 $0x400;
	s31 =	simm.s32 $0x6;
	(pc) =	sbr.rel .LBB2_2-.Ltmp2, $4  }
0x1a: {  	[tilespmem:s1], [sflag:$0x6] =	stream.linear.gather [hbm4b:s0+s5], $0x9A00, $0x38;
	[tilespmem:$0x1FE00] =	vst v63  }
0x1b: {  	_ =	swait.ge [sflag:s31], $0x9A00  }
0x1c: {  	[sflag:s31] =	ssyncset.done $0x0  }
0x1d: {  	s6 =	simm.s32 $0x0;
	[sflag:s31] =	ssyncadd.s32 $0xFFFF6600  }
.LBB2_13:
0x1e: {  	s6 =	sld [smem:$0x7F8];
	_ =	sdelay $0x2  }
0x1f: {  	s6 =	sadd.s32 $0x1, s6  }
0x20: {  	p0 =	sne.s32 s6, $0x10  }
.Ltmp3:
0x21: {  	_ = 	snop;
	(pc) =	sbr.rel @!p0 .LBB2_14-.Ltmp3, $3  }
0x22: {  	_ =	sdelay $0x1  }
0x23: {  	s4 =	rddreg [dreg:$0x1]  }
0x24: {  	s2 =	sld [smem:$0x7FD]  }
.LBB2_2:
0x25: {  	s1 =	sld [smem:$0x7FB];
	_ =	sdelay $0x1  }
0x26: {  	s0 =	sshll.u32 s6, $0x3  }
0x27: {  	s24 =	rddreg [dreg:$0x0];
	s0 =	sadd.s32 s1, s0  }
0x28: {  	[smem:$0x7F7] =	sst s0;
	s0 =	sshll.u32 s0, $0x4  }
0x29: {  	s25 =	simm.s32 $0x0;
	s26 =	simm.s32 $0x6;
	s0 =	sadd.s32 s24, s0  }
0x2a: {  	[tilespmem:s25], [sflag:$0x6] =	stream.linear.gather [hbm4b:s0+s25], $0x400, $0x38;
	[tilespmem:$0x1FE00] =	vst v63  }
0x2b: {  	_ =	swait.ge [sflag:s26], $0x400  }
0x2c: {  	[sflag:s26] =	ssyncset.done $0x0  }
0x2d: {  	[sflag:s26] =	ssyncadd.s32 $0xFFFFFC00  }
0x2e: {  	v3 =	vld [tilespmem:$0x3D];
	_ =	sdelay $0x4  }
0x2f: {  	v4 =	vshll.u32 v3, $0x2  }
0x30: {  	v3 =	vand.u32 $0x7, v3;
	v4 =	vand.u32 $0xFFFFFFE0, v4  }
0x31: {  	v3 =	vor.u32 v3, v4  }
0x32: {  	v4 =	vperm.xlane v3, v0;
	_ =	sdelay $0x1  }
0x33: {  	v4 =	vadd.s32 v1, v4;
	_ =	sdelay $0x1  }
0x34: {  	v3 =	vperm.xlane v3, v2;
	_ =	sdelay $0x1  }
0x35: {  	s28 =	simm.s32 $0x1DE00;
	v3 =	vadd.s32 v1, v3  }
0x36: {  	[tilespmem:s28], [sflag:$0x5] =	stream.indirect_vreg.gather [hbm4b:s4+s25], $0x80, v4, vm0, $0xb8;
	[tilespmem:$0x1FE00] =	vst v63  }
0x37: {  	s29 =	simm.s32 $0x1E600  }
0x38: {  	[tilespmem:s29], [sflag:$0x5] =	stream.indirect_vreg.gather [hbm4b:s2+s25], $0x80, v4, vm0, $0xb8;
	[tilespmem:$0x1FE00] =	vst v63  }
0x39: {  	s30 =	simm.s32 $0x1EE00  }
0x3a: {  	[tilespmem:s30], [sflag:$0x5] =	stream.indirect_vreg.gather [hbm4b:s4+s25], $0x80, v3, vm0, $0xb8;
	[tilespmem:$0x1FE00] =	vst v63  }
0x3b: {  	s31 =	simm.s32 $0x1F600;
	s7 =	simm.s32 $0x0;
	[smem:$0x7F8] =	sst s6  }
0x3c: {  	[tilespmem:s31], [sflag:$0x5] =	stream.indirect_vreg.gather [hbm4b:s2+s25], $0x80, v3, vm0, $0xb8;
	[tilespmem:$0x1FE00] =	vst v63  }
.LBB2_3:
0x3d: {  	s0 =	sor.u32 s6, s7  }
0x3e: {  	p0 =	seq.s32 s0, $0x0  }
0x3f: {  	s0 =	simm.s32 @!p0 $0x3  }
0x40: {  	_ =	swait.ge @!p0 [sflag:s0], $0xA000  }
0x41: {  	s1 =	sshll.u32 s7, $0x8;
	[sflag:s0] =	ssyncset.done @!p0 $0x0  }
0x42: {  	s1 =	sand.u32 $0x3FFFFF00, s1;
	[sflag:s0] =	ssyncadd.s32 @!p0 $0xFFFF6000  }
0x43: {  	v3 =	vld [tilespmem:s1+$0x0];
	_ =	sdelay $0x4  }
0x44: {  	v4 =	vshll.u32 v3, $0x2  }
0x45: {  	v3 =	vand.u32 $0x7, v3;
	v4 =	vand.u32 $0xFFFFFFE0, v4  }
0x46: {  	v3 =	vor.u32 v3, v4  }
0x47: {  	v4 =	vperm.xlane v3, v0;
	_ =	sdelay $0x1  }
0x48: {  	v4 =	vadd.s32 v1, v4;
	_ =	sdelay $0x1  }
0x49: {  	v3 =	vperm.xlane v3, v2;
	_ =	sdelay $0x1  }
0x4a: {  	s25 =	simm.s32 $0x9E00;
	v3 =	vadd.s32 v1, v3  }
0x4b: {  	[tilespmem:s25], [sflag:$0x1] =	stream.indirect_vreg.gather [hbm4b:s4+s5], $0x80, v4, vm0, $0xb8;
	[tilespmem:$0x1FE00] =	vst v63  }
0x4c: {  	s26 =	simm.s32 $0xA600  }
0x4d: {  	[tilespmem:s26], [sflag:$0x1] =	stream.indirect_vreg.gather [hbm4b:s2+s5], $0x80, v4, vm0, $0xb8;
	[tilespmem:$0x1FE00] =	vst v63  }
0x4e: {  	s28 =	simm.s32 $0xAE00  }
0x4f: {  	[tilespmem:s28], [sflag:$0x1] =	stream.indirect_vreg.gather [hbm4b:s4+s5], $0x80, v3, vm0, $0xb8;
	[tilespmem:$0x1FE00] =	vst v63  }
0x50: {  	s29 =	simm.s32 $0xB600  }
0x51: {  	[tilespmem:s29], [sflag:$0x1] =	stream.indirect_vreg.gather [hbm4b:s2+s5], $0x80, v3, vm0, $0xb8;
	[tilespmem:$0x1FE00] =	vst v63  }
0x52: {  	v3 =	vld [tilespmem:s1+$0x10];
	_ =	sdelay $0x4  }
0x53: {  	v4 =	vshll.u32 v3, $0x2  }
0x54: {  	v3 =	vand.u32 $0x7, v3;
	v4 =	vand.u32 $0xFFFFFFE0, v4  }
0x55: {  	v3 =	vor.u32 v3, v4  }
0x56: {  	v4 =	vperm.xlane v3, v0;
	_ =	sdelay $0x1  }
0x57: {  	v4 =	vadd.s32 v1, v4;
	_ =	sdelay $0x1  }
0x58: {  	v3 =	vperm.xlane v3, v2;
	_ =	sdelay $0x1  }
0x59: {  	s30 =	simm.s32 $0xBE00;
	v3 =	vadd.s32 v1, v3  }
0x5a: {  	[tilespmem:s30], [sflag:$0x1] =	stream.indirect_vreg.gather [hbm4b:s4+s5], $0x80, v4, vm0, $0xb8;
	[tilespmem:$0x1FE00] =	vst v63  }
0x5b: {  	s31 =	simm.s32 $0xC600  }
0x5c: {  	[tilespmem:s31], [sflag:$0x1] =	stream.indirect_vreg.gather [hbm4b:s2+s5], $0x80, v4, vm0, $0xb8;
	[tilespmem:$0x1FE00] =	vst v63  }
0x5d: {  	s6 =	simm.s32 $0xCE00  }
0x5e: {  	[tilespmem:s6], [sflag:$0x1] =	stream.indirect_vreg.gather [hbm4b:s4+s5], $0x80, v3, vm0, $0xb8;
	[tilespmem:$0x1FE00] =	vst v63  }
0x5f: {  	s8 =	simm.s32 $0xD600  }
0x60: {  	[tilespmem:s8], [sflag:$0x1] =	stream.indirect_vreg.gather [hbm4b:s2+s5], $0x80, v3, vm0, $0xb8;
	[tilespmem:$0x1FE00] =	vst v63  }
0x61: {  	v3 =	vld [tilespmem:s1+$0x20];
	_ =	sdelay $0x4  }
0x62: {  	v4 =	vshll.u32 v3, $0x2  }
0x63: {  	v3 =	vand.u32 $0x7, v3;
	v4 =	vand.u32 $0xFFFFFFE0, v4  }
0x64: {  	v3 =	vor.u32 v3, v4  }
0x65: {  	v4 =	vperm.xlane v3, v0;
	_ =	sdelay $0x1  }
0x66: {  	v4 =	vadd.s32 v1, v4;
	_ =	sdelay $0x1  }
0x67: {  	v3 =	vperm.xlane v3, v2;
	_ =	sdelay $0x1  }
0x68: {  	s9 =	simm.s32 $0xDE00;
	v3 =	vadd.s32 v1, v3  }
0x69: {  	[tilespmem:s9], [sflag:$0x1] =	stream.indirect_vreg.gather [hbm4b:s4+s5], $0x80, v4, vm0, $0xb8;
	[tilespmem:$0x1FE00] =	vst v63  }
0x6a: {  	s10 =	simm.s32 $0xE600  }
0x6b: {  	[tilespmem:s10], [sflag:$0x1] =	stream.indirect_vreg.gather [hbm4b:s2+s5], $0x80, v4, vm0, $0xb8;
	[tilespmem:$0x1FE00] =	vst v63  }
0x6c: {  	s11 =	simm.s32 $0xEE00  }
0x6d: {  	[tilespmem:s11], [sflag:$0x1] =	stream.indirect_vreg.gather [hbm4b:s4+s5], $0x80, v3, vm0, $0xb8;
	[tilespmem:$0x1FE00] =	vst v63  }
0x6e: {  	s12 =	simm.s32 $0xF600  }
0x6f: {  	[tilespmem:s12], [sflag:$0x1] =	stream.indirect_vreg.gather [hbm4b:s2+s5], $0x80, v3, vm0, $0xb8;
	[tilespmem:$0x1FE00] =	vst v63  }
0x70: {  	v3 =	vld [tilespmem:s1+$0x30];
	_ =	sdelay $0x4  }
0x71: {  	v4 =	vshll.u32 v3, $0x2  }
0x72: {  	v3 =	vand.u32 $0x7, v3;
	v4 =	vand.u32 $0xFFFFFFE0, v4  }
0x73: {  	v3 =	vor.u32 v3, v4  }
0x74: {  	v4 =	vperm.xlane v3, v0;
	_ =	sdelay $0x1  }
0x75: {  	v4 =	vadd.s32 v1, v4;
	_ =	sdelay $0x1  }
0x76: {  	v3 =	vperm.xlane v3, v2;
	_ =	sdelay $0x1  }
0x77: {  	s13 =	simm.s32 $0xFE00;
	v3 =	vadd.s32 v1, v3  }
0x78: {  	[tilespmem:s13], [sflag:$0x1] =	stream.indirect_vreg.gather [hbm4b:s4+s5], $0x80, v4, vm0, $0xb8;
	[tilespmem:$0x1FE00] =	vst v63  }
0x79: {  	s14 =	simm.s32 $0x10600  }
0x7a: {  	[tilespmem:s14], [sflag:$0x1] =	stream.indirect_vreg.gather [hbm4b:s2+s5], $0x80, v4, vm0, $0xb8;
	[tilespmem:$0x1FE00] =	vst v63  }
0x7b: {  	s15 =	simm.s32 $0x10E00;
	s16 =	simm.s32 $0x11600;
	[smem:$0x7F2] =	sst s1  }
0x7c: {  	[tilespmem:s15], [sflag:$0x1] =	stream.indirect_vreg.gather [hbm4b:s4+s5], $0x80, v3, vm0, $0xb8;
	[tilespmem:$0x1FE00] =	vst v63  }
0x7d: {  	s17 =	sshll.u32 s7, $0x1;
	[smem:$0x7F3] =	sst s7;
	s0 =	simm.s32 @!p0 $0x4  }
0x7e: {  	[tilespmem:s16], [sflag:$0x1] =	stream.indirect_vreg.gather [hbm4b:s2+s5], $0x80, v3, vm0, $0xb8;
	[tilespmem:$0x1FE00] =	vst v63  }
0x7f: {  	s1 =	sor.u32 $0x1, s17;
	_ =	swait.ge @!p0 [sflag:s0], $0xA000  }
0x80: {  	[sflag:s0] =	ssyncset.done @!p0 $0x0;
	[smem:$0x7F5] =	sst s1;
	s1 =	sshll.u32 s1, $0x7  }
0x81: {  	[sflag:s0] =	ssyncadd.s32 @!p0 $0xFFFF6000;
	s1 =	sand.u32 $0x3FFFFF80, s1  }
0x82: {  	v3 =	vld [tilespmem:s1+$0x0];
	_ =	sdelay $0x4  }
0x83: {  	v4 =	vshll.u32 v3, $0x2  }
0x84: {  	v3 =	vand.u32 $0x7, v3;
	v4 =	vand.u32 $0xFFFFFFE0, v4  }
0x85: {  	v3 =	vor.u32 v3, v4  }
0x86: {  	v4 =	vperm.xlane v3, v0;
	_ =	sdelay $0x1  }
0x87: {  	v4 =	vadd.s32 v1, v4;
	_ =	sdelay $0x1  }
0x88: {  	v3 =	vperm.xlane v3, v2;
	_ =	sdelay $0x1  }
0x89: {  	s6 =	simm.s32 $0x0;
	v3 =	vadd.s32 v1, v3  }
0x8a: {  	[tilespmem:s3], [sflag:$0x2] =	stream.indirect_vreg.gather [hbm4b:s4+s6], $0x80, v4, vm0, $0xb8;
	[tilespmem:$0x1FE00] =	vst v63  }
0x8b: {  	s18 =	simm.s32 $0x14600  }
0x8c: {  	[tilespmem:s18], [sflag:$0x2] =	stream.indirect_vreg.gather [hbm4b:s2+s6], $0x80, v4, vm0, $0xb8;
	[tilespmem:$0x1FE00] =	vst v63  }
0x8d: {  	s19 =	simm.s32 $0x14E00  }
0x8e: {  	[tilespmem:s19], [sflag:$0x2] =	stream.indirect_vreg.gather [hbm4b:s4+s6], $0x80, v3, vm0, $0xb8;
	[tilespmem:$0x1FE00] =	vst v63  }
0x8f: {  	s20 =	simm.s32 $0x15600  }
0x90: {  	[tilespmem:s20], [sflag:$0x2] =	stream.indirect_vreg.gather [hbm4b:s2+s6], $0x80, v3, vm0, $0xb8;
	[tilespmem:$0x1FE00] =	vst v63  }
0x91: {  	v3 =	vld [tilespmem:s1+$0x10];
	_ =	sdelay $0x4  }
0x92: {  	v4 =	vshll.u32 v3, $0x2  }
0x93: {  	v3 =	vand.u32 $0x7, v3;
	v4 =	vand.u32 $0xFFFFFFE0, v4  }
0x94: {  	v3 =	vor.u32 v3, v4  }
0x95: {  	v4 =	vperm.xlane v3, v0;
	_ =	sdelay $0x1  }
0x96: {  	v4 =	vadd.s32 v1, v4;
	_ =	sdelay $0x1  }
0x97: {  	v3 =	vperm.xlane v3, v2;
	_ =	sdelay $0x1  }
0x98: {  	s21 =	simm.s32 $0x15E00;
	v3 =	vadd.s32 v1, v3  }
0x99: {  	[tilespmem:s21], [sflag:$0x2] =	stream.indirect_vreg.gather [hbm4b:s4+s6], $0x80, v4, vm0, $0xb8;
	[tilespmem:$0x1FE00] =	vst v63  }
0x9a: {  	s22 =	simm.s32 $0x16600  }
0x9b: {  	[tilespmem:s22], [sflag:$0x2] =	stream.indirect_vreg.gather [hbm4b:s2+s6], $0x80, v4, vm0, $0xb8;
	[tilespmem:$0x1FE00] =	vst v63  }
0x9c: {  	s23 =	simm.s32 $0x16E00  }
0x9d: {  	[tilespmem:s23], [sflag:$0x2] =	stream.indirect_vreg.gather [hbm4b:s4+s6], $0x80, v3, vm0, $0xb8;
	[tilespmem:$0x1FE00] =	vst v63  }
0x9e: {  	s24 =	simm.s32 $0x17600  }
0x9f: {  	[tilespmem:s24], [sflag:$0x2] =	stream.indirect_vreg.gather [hbm4b:s2+s6], $0x80, v3, vm0, $0xb8;
	[tilespmem:$0x1FE00] =	vst v63  }
0xa0: {  	v3 =	vld [tilespmem:s1+$0x20];
	_ =	sdelay $0x4  }
0xa1: {  	v4 =	vshll.u32 v3, $0x2  }
0xa2: {  	v3 =	vand.u32 $0x7, v3;
	v4 =	vand.u32 $0xFFFFFFE0, v4  }
0xa3: {  	v3 =	vor.u32 v3, v4  }
0xa4: {  	v4 =	vperm.xlane v3, v0;
	_ =	sdelay $0x1  }
0xa5: {  	v4 =	vadd.s32 v1, v4;
	_ =	sdelay $0x1  }
0xa6: {  	v3 =	vperm.xlane v3, v2;
	_ =	sdelay $0x1  }
0xa7: {  	s25 =	simm.s32 $0x17E00;
	v3 =	vadd.s32 v1, v3  }
0xa8: {  	[tilespmem:s25], [sflag:$0x2] =	stream.indirect_vreg.gather [hbm4b:s4+s6], $0x80, v4, vm0, $0xb8;
	[tilespmem:$0x1FE00] =	vst v63  }
0xa9: {  	s26 =	simm.s32 $0x18600  }
0xaa: {  	[tilespmem:s26], [sflag:$0x2] =	stream.indirect_vreg.gather [hbm4b:s2+s6], $0x80, v4, vm0, $0xb8;
	[tilespmem:$0x1FE00] =	vst v63  }
0xab: {  	s28 =	simm.s32 $0x18E00  }
0xac: {  	[tilespmem:s28], [sflag:$0x2] =	stream.indirect_vreg.gather [hbm4b:s4+s6], $0x80, v3, vm0, $0xb8;
	[tilespmem:$0x1FE00] =	vst v63  }
0xad: {  	s29 =	simm.s32 $0x19600  }
0xae: {  	[tilespmem:s29], [sflag:$0x2] =	stream.indirect_vreg.gather [hbm4b:s2+s6], $0x80, v3, vm0, $0xb8;
	[tilespmem:$0x1FE00] =	vst v63  }
0xaf: {  	v3 =	vld [tilespmem:s1+$0x30];
	_ =	sdelay $0x4  }
0xb0: {  	v4 =	vshll.u32 v3, $0x2  }
0xb1: {  	v3 =	vand.u32 $0x7, v3;
	v4 =	vand.u32 $0xFFFFFFE0, v4  }
0xb2: {  	v3 =	vor.u32 v3, v4  }
0xb3: {  	v4 =	vperm.xlane v3, v0;
	_ =	sdelay $0x1  }
0xb4: {  	v4 =	vadd.s32 v1, v4;
	_ =	sdelay $0x1  }
0xb5: {  	v3 =	vperm.xlane v3, v2;
	_ =	sdelay $0x1  }
0xb6: {  	s30 =	simm.s32 $0x19E00;
	v3 =	vadd.s32 v1, v3  }
0xb7: {  	[tilespmem:s30], [sflag:$0x2] =	stream.indirect_vreg.gather [hbm4b:s4+s6], $0x80, v4, vm0, $0xb8;
	[tilespmem:$0x1FE00] =	vst v63  }
0xb8: {  	s31 =	simm.s32 $0x1A600  }
0xb9: {  	[tilespmem:s31], [sflag:$0x2] =	stream.indirect_vreg.gather [hbm4b:s2+s6], $0x80, v4, vm0, $0xb8;
	[tilespmem:$0x1FE00] =	vst v63  }
0xba: {  	[smem:$0x7F6] =	sst s1;
	s1 =	simm.s32 $0x1AE00  }
0xbb: {  	[tilespmem:s1], [sflag:$0x2] =	stream.indirect_vreg.gather [hbm4b:s4+s6], $0x80, v3, vm0, $0xb8;
	[tilespmem:$0x1FE00] =	vst v63  }
0xbc: {  	[smem:$0x7F4] =	sst s17;
	s3 =	simm.s32 $0x1B600;
	s4 =	simm.s32 $0x1  }
0xbd: {  	[tilespmem:s3], [sflag:$0x2] =	stream.indirect_vreg.gather [hbm4b:s2+s6], $0x80, v3, vm0, $0xb8;
	[tilespmem:$0x1FE00] =	vst v63  }
0xbe: {  	_ =	swait.ge [sflag:s4], $0x8000  }
0xbf: {  	[sflag:s4] =	ssyncset.done $0x0  }
0xc0: {  	s7 =	simm.s32 $0x800;
	[sflag:s4] =	ssyncadd.s32 $0xFFFF8000  }
0xc1: {  	v3 =	vld [tilespmem:s7+$0x200]  }
0xc2: {  	v4 =	vld [tilespmem:s7+$0xFFFFFC00]  }
0xc3: {  	s8 =	simm.s32 $0x180;
	s5 =	sand.u32 $0x7000, s6;
	v5 =	vld [tilespmem:s7+$0xFFFFFE00]  }
0xc4: {  	s10 =	sand.u32 $0x380, s8;
	s9 =	sadd.s32 $0x9E00, s5  }
0xc5: {  	s11 =	simm.s32 $0x80;
	s12 =	sand.u32 $0x200, s6;
	s0 =	sadd.s32 s10, s9;
	v6 =	vld [tilespmem:s7+$0x0]  }
0xc6: {  	s1 =	sand.u32 $0x280, s11;
	s3 =	sadd.s32 s12, s9;
	[tilespmem:s0+$0x0] =	vst.add.f32.msk $0xffff, v3  }
0xc7: {  	s2 =	sadd.s32 s1, s9;
	[tilespmem:s3+$0x0] =	vst.add.f32.msk $0xffff, v4  }
0xc8: {  	[tilespmem:s2+$0x0] =	vst.add.f32.msk $0xffff, v5  }
0xc9: {  	s13 =	simm.s32 $0x100;
	v3 =	vld [tilespmem:s7+$0x210]  }
0xca: {  	s5 =	sand.u32 $0x300, s13;
	v4 =	vld [tilespmem:s7+$0xFFFFFC10]  }
0xcb: {  	s1 =	sadd.s32 s5, s9;
	v5 =	vld [tilespmem:s7+$0xFFFFFE10]  }
0xcc: {  	[tilespmem:s1+$0x0] =	vst.add.f32.msk $0xffff, v6  }
0xcd: {  	s14 =	sor.u32 $0x10, s0;
	v6 =	vld [tilespmem:s7+$0x10]  }
0xce: {  	s15 =	sor.u32 $0x10, s3;
	[tilespmem:s14+$0x0] =	vst.add.f32.msk $0xffff, v3  }
0xcf: {  	s17 =	sor.u32 $0x10, s2;
	[tilespmem:s15+$0x0] =	vst.add.f32.msk $0xffff, v4  }
0xd0: {  	[tilespmem:s17+$0x0] =	vst.add.f32.msk $0xffff, v5  }
0xd1: {  	v3 =	vld [tilespmem:s7+$0x220]  }
0xd2: {  	v4 =	vld [tilespmem:s7+$0xFFFFFC20]  }
0xd3: {  	s5 =	sor.u32 $0x10, s1;
	v5 =	vld [tilespmem:s7+$0xFFFFFE20]  }
0xd4: {  	[tilespmem:s5+$0x0] =	vst.add.f32.msk $0xffff, v6  }
0xd5: {  	s16 =	sor.u32 $0x20, s0;
	v6 =	vld [tilespmem:s7+$0x20]  }
0xd6: {  	s19 =	sor.u32 $0x20, s3;
	[tilespmem:s16+$0x0] =	vst.add.f32.msk $0xffff, v3  }
0xd7: {  	s20 =	sor.u32 $0x20, s2;
	[tilespmem:s19+$0x0] =	vst.add.f32.msk $0xffff, v4  }
0xd8: {  	[tilespmem:s20+$0x0] =	vst.add.f32.msk $0xffff, v5  }
0xd9: {  	v3 =	vld [tilespmem:s7+$0x230]  }
0xda: {  	v4 =	vld [tilespmem:s7+$0xFFFFFC30]  }
0xdb: {  	s21 =	sor.u32 $0x20, s1;
	v5 =	vld [tilespmem:s7+$0xFFFFFE30]  }
0xdc: {  	[tilespmem:s21+$0x0] =	vst.add.f32.msk $0xffff, v6  }
0xdd: {  	s18 =	sor.u32 $0x30, s0;
	v6 =	vld [tilespmem:s7+$0x30]  }
0xde: {  	s23 =	sor.u32 $0x30, s3;
	[tilespmem:s18+$0x0] =	vst.add.f32.msk $0xffff, v3  }
0xdf: {  	s25 =	sor.u32 $0x30, s2;
	[tilespmem:s23+$0x0] =	vst.add.f32.msk $0xffff, v4  }
0xe0: {  	[tilespmem:s25+$0x0] =	vst.add.f32.msk $0xffff, v5  }
0xe1: {  	v3 =	vld [tilespmem:s7+$0x240]  }
0xe2: {  	v4 =	vld [tilespmem:s7+$0xFFFFFC40]  }
0xe3: {  	s26 =	sor.u32 $0x30, s1;
	v5 =	vld [tilespmem:s7+$0xFFFFFE40]  }
0xe4: {  	[tilespmem:s26+$0x0] =	vst.add.f32.msk $0xffff, v6  }
0xe5: {  	s22 =	sor.u32 $0x40, s0;
	v6 =	vld [tilespmem:s7+$0x40]  }
0xe6: {  	s29 =	sor.u32 $0x40, s3;
	[tilespmem:s22+$0x0] =	vst.add.f32.msk $0xffff, v3  }
0xe7: {  	s30 =	sor.u32 $0x40, s2;
	[tilespmem:s29+$0x0] =	vst.add.f32.msk $0xffff, v4  }
0xe8: {  	[tilespmem:s30+$0x0] =	vst.add.f32.msk $0xffff, v5  }
0xe9: {  	v3 =	vld [tilespmem:s7+$0x250]  }
0xea: {  	v4 =	vld [tilespmem:s7+$0xFFFFFC50]  }
0xeb: {  	s31 =	sor.u32 $0x40, s1;
	v5 =	vld [tilespmem:s7+$0xFFFFFE50]  }
0xec: {  	[tilespmem:s31+$0x0] =	vst.add.f32.msk $0xffff, v6  }
0xed: {  	s24 =	sor.u32 $0x50, s0;
	v6 =	vld [tilespmem:s7+$0x50]  }
0xee: {  	s9 =	sor.u32 $0x50, s3;
	[tilespmem:s24+$0x0] =	vst.add.f32.msk $0xffff, v3  }
0xef: {  	s10 =	sor.u32 $0x50, s2;
	[tilespmem:s9+$0x0] =	vst.add.f32.msk $0xffff, v4  }
0xf0: {  	[tilespmem:s10+$0x0] =	vst.add.f32.msk $0xffff, v5  }
0xf1: {  	v3 =	vld [tilespmem:s7+$0x260]  }
0xf2: {  	v4 =	vld [tilespmem:s7+$0xFFFFFC60]  }
0xf3: {  	s11 =	sor.u32 $0x50, s1;
	v5 =	vld [tilespmem:s7+$0xFFFFFE60]  }
0xf4: {  	[tilespmem:s11+$0x0] =	vst.add.f32.msk $0xffff, v6  }
0xf5: {  	s28 =	sor.u32 $0x60, s0;
	v6 =	vld [tilespmem:s7+$0x60]  }
0xf6: {  	s12 =	sor.u32 $0x60, s3;
	[tilespmem:s28+$0x0] =	vst.add.f32.msk $0xffff, v3  }
0xf7: {  	s13 =	sor.u32 $0x60, s2;
	[tilespmem:s12+$0x0] =	vst.add.f32.msk $0xffff, v4  }
0xf8: {  	[tilespmem:s13+$0x0] =	vst.add.f32.msk $0xffff, v5  }
0xf9: {  	v3 =	vld [tilespmem:s7+$0x270]  }
0xfa: {  	s14 =	sor.u32 $0x60, s1;
	v4 =	vld [tilespmem:s7+$0xFFFFFC70]  }
0xfb: {  	[tilespmem:s14+$0x0] =	vst.add.f32.msk $0xffff, v6  }
0xfc: {  	v5 =	vld [tilespmem:s7+$0xFFFFFE70]  }
0xfd: {  	s8 =	sor.u32 $0x70, s0;
	v6 =	vld [tilespmem:s7+$0x70]  }
0xfe: {  	s15 =	sor.u32 $0x70, s3;
	[tilespmem:s8+$0x0] =	vst.add.f32.msk $0xffff, v3  }
0xff: {  	[tilespmem:s15+$0x0] =	vst.add.f32.msk $0xffff, v4  }
0x100: {  	s16 =	sor.u32 $0x70, s2;
	v3 =	vld [tilespmem:s7+$0x280]  }
0x101: {  	s17 =	sor.u32 $0x70, s1;
	[tilespmem:s16+$0x0] =	vst.add.f32.msk $0xffff, v5  }
0x102: {  	[tilespmem:s17+$0x0] =	vst.add.f32.msk $0xffff, v6  }
0x103: {  	v4 =	vld [tilespmem:s7+$0xFFFFFC80]  }
0x104: {  	v5 =	vld [tilespmem:s7+$0xFFFFFE80]  }
0x105: {  	[tilespmem:s0+$0x400] =	vst.add.f32.msk $0xffff, v3  }
0x106: {  	v3 =	vld [tilespmem:s7+$0x290]  }
0x107: {  	v6 =	vld [tilespmem:s7+$0x80]  }
0x108: {  	[tilespmem:s3+$0x400] =	vst.add.f32.msk $0xffff, v4  }
0x109: {  	[tilespmem:s2+$0x400] =	vst.add.f32.msk $0xffff, v5  }
0x10a: {  	v4 =	vld [tilespmem:s7+$0xFFFFFC90]  }
0x10b: {  	[tilespmem:s0+$0x410] =	vst.add.f32.msk $0xffff, v3  }
0x10c: {  	v3 =	vld [tilespmem:s7+$0x2A0]  }
0x10d: {  	[tilespmem:s1+$0x400] =	vst.add.f32.msk $0xffff, v6  }
0x10e: {  	v5 =	vld [tilespmem:s7+$0xFFFFFE90]  }
0x10f: {  	v6 =	vld [tilespmem:s7+$0x90]  }
0x110: {  	[tilespmem:s3+$0x410] =	vst.add.f32.msk $0xffff, v4  }
0x111: {  	[tilespmem:s0+$0x420] =	vst.add.f32.msk $0xffff, v3  }
0x112: {  	v3 =	vld [tilespmem:s7+$0x2B0]  }
0x113: {  	[tilespmem:s2+$0x410] =	vst.add.f32.msk $0xffff, v5  }
0x114: {  	[tilespmem:s1+$0x410] =	vst.add.f32.msk $0xffff, v6  }
0x115: {  	v4 =	vld [tilespmem:s7+$0xFFFFFCA0]  }
0x116: {  	v5 =	vld [tilespmem:s7+$0xFFFFFEA0]  }
0x117: {  	[tilespmem:s0+$0x430] =	vst.add.f32.msk $0xffff, v3  }
0x118: {  	v3 =	vld [tilespmem:s7+$0x2C0]  }
0x119: {  	v6 =	vld [tilespmem:s7+$0xA0]  }
0x11a: {  	[tilespmem:s3+$0x420] =	vst.add.f32.msk $0xffff, v4  }
0x11b: {  	[tilespmem:s2+$0x420] =	vst.add.f32.msk $0xffff, v5  }
0x11c: {  	v4 =	vld [tilespmem:s7+$0xFFFFFCB0]  }
0x11d: {  	[tilespmem:s0+$0x440] =	vst.add.f32.msk $0xffff, v3  }
0x11e: {  	v3 =	vld [tilespmem:s7+$0x2D0]  }
0x11f: {  	[tilespmem:s1+$0x420] =	vst.add.f32.msk $0xffff, v6  }
0x120: {  	v5 =	vld [tilespmem:s7+$0xFFFFFEB0]  }
0x121: {  	v6 =	vld [tilespmem:s7+$0xB0]  }
0x122: {  	[tilespmem:s3+$0x430] =	vst.add.f32.msk $0xffff, v4  }
0x123: {  	[tilespmem:s0+$0x450] =	vst.add.f32.msk $0xffff, v3  }
0x124: {  	v3 =	vld [tilespmem:s7+$0x2E0]  }
0x125: {  	[tilespmem:s2+$0x430] =	vst.add.f32.msk $0xffff, v5  }
0x126: {  	[tilespmem:s1+$0x430] =	vst.add.f32.msk $0xffff, v6  }
0x127: {  	v4 =	vld [tilespmem:s7+$0xFFFFFCC0]  }
0x128: {  	v5 =	vld [tilespmem:s7+$0xFFFFFEC0]  }
0x129: {  	[tilespmem:s0+$0x460] =	vst.add.f32.msk $0xffff, v3  }
0x12a: {  	v3 =	vld [tilespmem:s7+$0x2F0]  }
0x12b: {  	v6 =	vld [tilespmem:s7+$0xC0]  }
0x12c: {  	[tilespmem:s3+$0x440] =	vst.add.f32.msk $0xffff, v4  }
0x12d: {  	[tilespmem:s2+$0x440] =	vst.add.f32.msk $0xffff, v5  }
0x12e: {  	v4 =	vld [tilespmem:s7+$0xFFFFFCD0]  }
0x12f: {  	[tilespmem:s0+$0x470] =	vst.add.f32.msk $0xffff, v3  }
0x130: {  	s18 =	sand.u32 $0x7, s6;
	v3 =	vld [tilespmem:s7+$0x300]  }
0x131: {  	[tilespmem:s1+$0x440] =	vst.add.f32.msk $0xffff, v6;
	s0 =	sshll.u32 s18, $0x7  }
0x132: {  	v5 =	vld [tilespmem:s7+$0xFFFFFED0];
	s19 =	sadd.s32 $0x0, s0  }
0x133: {  	v6 =	vld [tilespmem:s7+$0xD0];
	s0 =	sadd.s32 $0x180, s19  }
0x134: {  	[tilespmem:s3+$0x450] =	vst.add.f32.msk $0xffff, v4;
	s20 =	sor.u32 $0x800, s0  }
0x135: {  	[tilespmem:s20+$0x9E00] =	vst.add.f32.msk $0xffff, v3  }
0x136: {  	v3 =	vld [tilespmem:s7+$0x310]  }
0x137: {  	[tilespmem:s2+$0x450] =	vst.add.f32.msk $0xffff, v5  }
0x138: {  	[tilespmem:s1+$0x450] =	vst.add.f32.msk $0xffff, v6  }
0x139: {  	v4 =	vld [tilespmem:s7+$0xFFFFFCE0]  }
0x13a: {  	v5 =	vld [tilespmem:s7+$0xFFFFFEE0];
	s21 =	sor.u32 $0x810, s0  }
0x13b: {  	[tilespmem:s21+$0x9E00] =	vst.add.f32.msk $0xffff, v3  }
0x13c: {  	v3 =	vld [tilespmem:s7+$0x320]  }
0x13d: {  	v6 =	vld [tilespmem:s7+$0xE0]  }
0x13e: {  	[tilespmem:s3+$0x460] =	vst.add.f32.msk $0xffff, v4  }
0x13f: {  	[tilespmem:s2+$0x460] =	vst.add.f32.msk $0xffff, v5  }
0x140: {  	v5 =	vld [tilespmem:s7+$0xFFFFFEF0];
	s22 =	sor.u32 $0x820, s0  }
0x141: {  	[tilespmem:s22+$0x9E00] =	vst.add.f32.msk $0xffff, v3  }
0x142: {  	v3 =	vld [tilespmem:s7+$0x330]  }
0x143: {  	[tilespmem:s1+$0x460] =	vst.add.f32.msk $0xffff, v6  }
0x144: {  	v6 =	vld [tilespmem:s7+$0xF0]  }
0x145: {  	v4 =	vld [tilespmem:s7+$0xFFFFFCF0]  }
0x146: {  	[tilespmem:s2+$0x470] =	vst.add.f32.msk $0xffff, v5;
	s23 =	sor.u32 $0x830, s0  }
0x147: {  	[tilespmem:s23+$0x9E00] =	vst.add.f32.msk $0xffff, v3  }
0x148: {  	v3 =	vld [tilespmem:s7+$0x340]  }
0x149: {  	[tilespmem:s1+$0x470] =	vst.add.f32.msk $0xffff, v6  }
0x14a: {  	p0 =	por $0x0, $0x0;
	s2 =	simm.s32 $0x1;
	v5 =	vld [tilespmem:s7+$0xFFFFFF00]  }
0x14b: {  	s29 =	sand.u32 $0x3, s6;
	s2 =	simm.s32 @!p0 $0x0;
	v6 =	vld [tilespmem:s7+$0x100]  }
0x14c: {  	s31 =	sshll.u32 s29, $0x8;
	[tilespmem:s3+$0x470] =	vst.add.f32.msk $0xffff, v4;
	s2 =	sshll.u32 s2, $0x9;
	s24 =	sor.u32 $0x840, s0  }
0x14d: {  	s6 =	sadd.s32 $0x0, s31;
	s1 =	sadd.s32 $0x0, s2;
	s2 =	sadd.s32 $0x80, s19;
	[tilespmem:s24+$0x9E00] =	vst.add.f32.msk $0xffff, v3  }
0x14e: {  	s3 =	sadd.s32 $0x100, s6;
	s4 =	sor.u32 $0x800, s2;
	v3 =	vld [tilespmem:s7+$0x350]  }
0x14f: {  	s9 =	sor.u32 $0x800, s3;
	[tilespmem:s4+$0x9E00] =	vst.add.f32.msk $0xffff, v5  }
0x150: {  	[tilespmem:s9+$0x9E00] =	vst.add.f32.msk $0xffff, v6  }
0x151: {  	v5 =	vld [tilespmem:s7+$0xFFFFFF10]  }
0x152: {  	s25 =	sor.u32 $0x850, s0;
	v6 =	vld [tilespmem:s7+$0x110]  }
0x153: {  	[tilespmem:s25+$0x9E00] =	vst.add.f32.msk $0xffff, v3  }
0x154: {  	v3 =	vld [tilespmem:s7+$0x360]  }
0x155: {  	s13 =	sor.u32 $0x810, s2  }
0x156: {  	s14 =	sor.u32 $0x810, s3;
	[tilespmem:s13+$0x9E00] =	vst.add.f32.msk $0xffff, v5  }
0x157: {  	[tilespmem:s14+$0x9E00] =	vst.add.f32.msk $0xffff, v6  }
0x158: {  	s26 =	sor.u32 $0x860, s0;
	v5 =	vld [tilespmem:s7+$0x120]  }
0x159: {  	[tilespmem:s26+$0x9E00] =	vst.add.f32.msk $0xffff, v3  }
0x15a: {  	v3 =	vld [tilespmem:s7+$0x370];
	_ =	sdelay $0x1  }
0x15b: {  	s17 =	sor.u32 $0x820, s3  }
0x15c: {  	[tilespmem:s17+$0x9E00] =	vst.add.f32.msk $0xffff, v5  }
0x15d: {  	s28 =	sor.u32 $0x870, s0;
	v5 =	vld [tilespmem:s7+$0x130]  }
0x15e: {  	[tilespmem:s28+$0x9E00] =	vst.add.f32.msk $0xffff, v3  }
0x15f: {  	v3 =	vld [tilespmem:s7+$0x380];
	_ =	sdelay $0x1  }
0x160: {  	v4 =	vld [tilespmem:s7+$0xFFFFFD00];
	s20 =	sor.u32 $0x830, s3  }
0x161: {  	[tilespmem:s20+$0x9E00] =	vst.add.f32.msk $0xffff, v5  }
0x162: {  	s30 =	sor.u32 $0xC00, s0;
	v5 =	vld [tilespmem:s7+$0x140]  }
0x163: {  	[tilespmem:s30+$0x9E00] =	vst.add.f32.msk $0xffff, v3  }
0x164: {  	s8 =	sor.u32 $0x800, s1;
	v3 =	vld [tilespmem:s7+$0x390]  }
0x165: {  	[tilespmem:s8+$0x9E00] =	vst.add.f32.msk $0xffff, v4  }
0x166: {  	v4 =	vld [tilespmem:s7+$0xFFFFFD10];
	s23 =	sor.u32 $0x840, s3  }
0x167: {  	[tilespmem:s23+$0x9E00] =	vst.add.f32.msk $0xffff, v5  }
0x168: {  	s10 =	sor.u32 $0xC10, s0;
	v5 =	vld [tilespmem:s7+$0x150]  }
0x169: {  	[tilespmem:s10+$0x9E00] =	vst.add.f32.msk $0xffff, v3  }
0x16a: {  	s11 =	sor.u32 $0x810, s1;
	v3 =	vld [tilespmem:s7+$0x3A0]  }
0x16b: {  	[tilespmem:s11+$0x9E00] =	vst.add.f32.msk $0xffff, v4  }
0x16c: {  	v4 =	vld [tilespmem:s7+$0xFFFFFD20];
	s28 =	sor.u32 $0x850, s3  }
0x16d: {  	[tilespmem:s28+$0x9E00] =	vst.add.f32.msk $0xffff, v5  }
0x16e: {  	s12 =	sor.u32 $0xC20, s0;
	v5 =	vld [tilespmem:s7+$0x160]  }
0x16f: {  	[tilespmem:s12+$0x9E00] =	vst.add.f32.msk $0xffff, v3  }
0x170: {  	s15 =	sor.u32 $0x820, s1;
	v3 =	vld [tilespmem:s7+$0xFFFFFF20]  }
0x171: {  	[tilespmem:s15+$0x9E00] =	vst.add.f32.msk $0xffff, v4  }
0x172: {  	s31 =	sor.u32 $0x860, s3;
	v4 =	vld [tilespmem:s7+$0xFFFFFD30]  }
0x173: {  	[tilespmem:s31+$0x9E00] =	vst.add.f32.msk $0xffff, v5  }
0x174: {  	s16 =	sor.u32 $0x820, s2;
	v5 =	vld [tilespmem:s7+$0x170]  }
0x175: {  	[tilespmem:s16+$0x9E00] =	vst.add.f32.msk $0xffff, v3  }
0x176: {  	s18 =	sor.u32 $0x830, s1;
	v3 =	vld [tilespmem:s7+$0xFFFFFF30]  }
0x177: {  	[tilespmem:s18+$0x9E00] =	vst.add.f32.msk $0xffff, v4  }
0x178: {  	v4 =	vld [tilespmem:s7+$0xFFFFFD40];
	s10 =	sor.u32 $0x870, s3  }
0x179: {  	[tilespmem:s10+$0x9E00] =	vst.add.f32.msk $0xffff, v5  }
0x17a: {  	s19 =	sor.u32 $0x830, s2;
	v5 =	vld [tilespmem:s7+$0x180]  }
0x17b: {  	[tilespmem:s19+$0x9E00] =	vst.add.f32.msk $0xffff, v3  }
0x17c: {  	v3 =	vld [tilespmem:s7+$0xFFFFFF40]  }
0x17d: {  	s21 =	sor.u32 $0x840, s1  }
0x17e: {  	[tilespmem:s21+$0x9E00] =	vst.add.f32.msk $0xffff, v4  }
0x17f: {  	s13 =	sor.u32 $0xC00, s3;
	v63 =	vld [tilespmem:s7+$0x3B0]  }
0x180: {  	s22 =	sor.u32 $0x840, s2;
	[tilespmem:s13+$0x9E00] =	vst.add.f32.msk $0xffff, v5  }
0x181: {  	[tilespmem:s22+$0x9E00] =	vst.add.f32.msk $0xffff, v3  }
0x182: {  	v3 =	vld [tilespmem:s7+$0xFFFFFD50]  }
0x183: {  	v5 =	vld [tilespmem:s7+$0x190]  }
0x184: {  	s24 =	sor.u32 $0xC30, s0;
	v4 =	vld [tilespmem:s7+$0xFFFFFF50]  }
0x185: {  	[tilespmem:s24+$0x9E00] =	vst.add.f32.msk $0xffff, v63  }
0x186: {  	s25 =	sor.u32 $0x850, s1;
	v6 =	vld [tilespmem:s7+$0x3C0]  }
0x187: {  	[tilespmem:s25+$0x9E00] =	vst.add.f32.msk $0xffff, v3  }
0x188: {  	s26 =	sor.u32 $0x850, s2;
	v3 =	vld [tilespmem:s7+$0xFFFFFD60]  }
0x189: {  	[tilespmem:s26+$0x9E00] =	vst.add.f32.msk $0xffff, v4  }
0x18a: {  	s17 =	sor.u32 $0xC10, s3;
	v4 =	vld [tilespmem:s7+$0xFFFFFF60]  }
0x18b: {  	[tilespmem:s17+$0x9E00] =	vst.add.f32.msk $0xffff, v5  }
0x18c: {  	s29 =	sor.u32 $0x860, s1;
	v5 =	vld [tilespmem:s7+$0x1A0]  }
0x18d: {  	[tilespmem:s29+$0x9E00] =	vst.add.f32.msk $0xffff, v3  }
0x18e: {  	s30 =	sor.u32 $0x860, s2;
	v3 =	vld [tilespmem:s7+$0xFFFFFD70]  }
0x18f: {  	[tilespmem:s30+$0x9E00] =	vst.add.f32.msk $0xffff, v4  }
0x190: {  	s6 =	sor.u32 $0xC40, s0;
	v4 =	vld [tilespmem:s7+$0xFFFFFF70]  }
0x191: {  	[tilespmem:s6+$0x9E00] =	vst.add.f32.msk $0xffff, v6  }
0x192: {  	s8 =	sor.u32 $0x870, s1;
	v6 =	vld [tilespmem:s7+$0x3D0]  }
0x193: {  	[tilespmem:s8+$0x9E00] =	vst.add.f32.msk $0xffff, v3  }
0x194: {  	s9 =	sor.u32 $0x870, s2;
	v3 =	vld [tilespmem:s7+$0xFFFFFD80]  }
0x195: {  	[tilespmem:s9+$0x9E00] =	vst.add.f32.msk $0xffff, v4  }
0x196: {  	s20 =	sor.u32 $0xC20, s3;
	v4 =	vld [tilespmem:s7+$0xFFFFFF80]  }
0x197: {  	[tilespmem:s20+$0x9E00] =	vst.add.f32.msk $0xffff, v5  }
0x198: {  	s11 =	sor.u32 $0xC00, s1;
	v5 =	vld [tilespmem:s7+$0x1B0]  }
0x199: {  	[tilespmem:s11+$0x9E00] =	vst.add.f32.msk $0xffff, v3  }
0x19a: {  	s12 =	sor.u32 $0xC00, s2;
	v3 =	vld [tilespmem:s7+$0xFFFFFD90]  }
0x19b: {  	[tilespmem:s12+$0x9E00] =	vst.add.f32.msk $0xffff, v4  }
0x19c: {  	s14 =	sor.u32 $0xC50, s0;
	v4 =	vld [tilespmem:s7+$0xFFFFFF90]  }
0x19d: {  	[tilespmem:s14+$0x9E00] =	vst.add.f32.msk $0xffff, v6  }
0x19e: {  	s15 =	sor.u32 $0xC10, s1;
	v6 =	vld [tilespmem:s7+$0x3E0]  }
0x19f: {  	[tilespmem:s15+$0x9E00] =	vst.add.f32.msk $0xffff, v3  }
0x1a0: {  	s16 =	sor.u32 $0xC10, s2;
	v3 =	vld [tilespmem:s7+$0xFFFFFDA0]  }
0x1a1: {  	[tilespmem:s16+$0x9E00] =	vst.add.f32.msk $0xffff, v4  }
0x1a2: {  	s24 =	sor.u32 $0xC30, s3;
	v4 =	vld [tilespmem:s7+$0xFFFFFFA0]  }
0x1a3: {  	[tilespmem:s24+$0x9E00] =	vst.add.f32.msk $0xffff, v5  }
0x1a4: {  	s18 =	sor.u32 $0xC20, s1;
	v5 =	vld [tilespmem:s7+$0x1C0]  }
0x1a5: {  	[tilespmem:s18+$0x9E00] =	vst.add.f32.msk $0xffff, v3  }
0x1a6: {  	s19 =	sor.u32 $0xC20, s2;
	v3 =	vld [tilespmem:s7+$0xFFFFFDB0]  }
0x1a7: {  	[tilespmem:s19+$0x9E00] =	vst.add.f32.msk $0xffff, v4  }
0x1a8: {  	s21 =	sor.u32 $0xC60, s0;
	v4 =	vld [tilespmem:s7+$0xFFFFFFB0]  }
0x1a9: {  	[tilespmem:s21+$0x9E00] =	vst.add.f32.msk $0xffff, v6  }
0x1aa: {  	s22 =	sor.u32 $0xC30, s1;
	v6 =	vld [tilespmem:s7+$0x3F0]  }
0x1ab: {  	[tilespmem:s22+$0x9E00] =	vst.add.f32.msk $0xffff, v3  }
0x1ac: {  	s23 =	sor.u32 $0xC30, s2;
	v3 =	vld [tilespmem:s7+$0xFFFFFDC0]  }
0x1ad: {  	[tilespmem:s23+$0x9E00] =	vst.add.f32.msk $0xffff, v4  }
0x1ae: {  	s28 =	sor.u32 $0xC40, s3;
	v4 =	vld [tilespmem:s7+$0xFFFFFFC0]  }
0x1af: {  	[tilespmem:s28+$0x9E00] =	vst.add.f32.msk $0xffff, v5  }
0x1b0: {  	s25 =	sor.u32 $0xC40, s1;
	v5 =	vld [tilespmem:s7+$0x1D0]  }
0x1b1: {  	[tilespmem:s25+$0x9E00] =	vst.add.f32.msk $0xffff, v3  }
0x1b2: {  	s26 =	sor.u32 $0xC40, s2;
	v3 =	vld [tilespmem:s7+$0xFFFFFDD0]  }
0x1b3: {  	[tilespmem:s26+$0x9E00] =	vst.add.f32.msk $0xffff, v4  }
0x1b4: {  	p0 =	por !p0, !p0;
	s0 =	sor.u32 $0xC70, s0;
	v4 =	vld [tilespmem:s7+$0xFFFFFFD0]  }
0x1b5: {  	s4 =	sor.u32 $0xC60, s2;
	s31 =	sor.u32 $0xC50, s2;
	s30 =	sor.u32 $0xC50, s3;
	[tilespmem:s0+$0x9E00] =	vst.add.f32.msk $0xffff, v6  }
0x1b6: {  	s10 =	simm.s32 $0x0;
	s13 =	simm.s32 $0x0;
	s29 =	sor.u32 $0xC50, s1;
	[tilespmem:s30+$0x9E00] =	vst.add.f32.msk $0xffff, v5  }
0x1b7: {  	s6 =	simm.s32 $0x0;
	s14 =	simm.s32 $0x0;
	s2 =	sor.u32 $0xC70, s2;
	[tilespmem:s29+$0x9E00] =	vst.add.f32.msk $0xffff, v3  }
0x1b8: {  	s8 =	sor.u32 $0xC60, s3;
	s3 =	sor.u32 $0xC70, s3;
	s9 =	simm.s32 $0x2;
	v3 =	vld [tilespmem:s7+$0xFFFFFDE0]  }
0x1b9: {  	s11 =	sor.u32 $0xC60, s1;
	s1 =	sor.u32 $0xC70, s1;
	s25 =	simm.s32 $0x800;
	[tilespmem:s31+$0x9E00] =	vst.add.f32.msk $0xffff, v4  }
.LBB2_4:
0x1ba: {  	[dreg:$0x1a] =	wrdreg s11  }
0x1bb: {  	[dreg:$0x17] =	wrdreg s8  }
0x1bc: {  	[dreg:$0x11] =	wrdreg s4;
	v4 =	vld [tilespmem:s7+$0xFFFFFFE0];
	s25 =	sadd.s32 $0x800, s25  }
0x1bd: {  	[dreg:$0xd] =	wrdreg s2;
	s6 =	sadd.s32 $0x4, s6;
	v6 =	vld [tilespmem:s25+$0x200]  }
0x1be: {  	s10 =	sadd.s32 $0x800, s10;
	s13 =	sadd.s32 $0x200, s13;
	[dreg:$0x7] =	wrdreg s6;
	v7 =	vld [tilespmem:s25+$0xFFFFFC00]  }
0x1bf: {  	p1 =	slt.u32 s6, $0x3C;
	s4 =	sand.u32 $0x7000, s10;
	v8 =	vld [tilespmem:s25+$0xFFFFFE00];
	s6 =	sadd.s32 $0x180, s13  }
0x1c0: {  	[dreg:$0xc] =	wrdreg s1;
	v5 =	vld [tilespmem:s7+$0x1E0];
	s8 =	sadd.s32 $0x9E00, s4;
	s2 =	sand.u32 $0x380, s6  }
0x1c1: {  	s5 =	sadd.s32 $0x80, s13;
	v9 =	vld [tilespmem:s25+$0x0];
	s11 =	sand.u32 $0x200, s13;
	s1 =	sadd.s32 s2, s8  }
0x1c2: {  	s5 =	sand.u32 $0x280, s5;
	s31 =	sadd.s32 s11, s8;
	[tilespmem:s1+$0x0] =	vst.add.f32.msk $0xffff, v6  }
0x1c3: {  	s17 =	sadd.s32 s5, s8;
	[tilespmem:s31+$0x0] =	vst.add.f32.msk $0xffff, v7  }
0x1c4: {  	[dreg:$0x8] =	wrdreg s9;
	s0 =	simm.s32 $0x1;
	[tilespmem:s17+$0x0] =	vst.add.f32.msk $0xffff, v8  }
0x1c5: {  	s23 =	sand.u32 $0x3, s9;
	s0 =	simm.s32 @!p0 $0x0;
	s9 =	sadd.s32 $0x100, s13;
	v6 =	vld [tilespmem:s25+$0x210]  }
0x1c6: {  	s22 =	sshll.u32 s0, $0x9;
	s0 =	sand.u32 $0x300, s9;
	v7 =	vld [tilespmem:s25+$0xFFFFFC10]  }
0x1c7: {  	s0 =	sadd.s32 s0, s8;
	v8 =	vld [tilespmem:s25+$0xFFFFFE10]  }
0x1c8: {  	[tilespmem:s0+$0x0] =	vst.add.f32.msk $0xffff, v9  }
0x1c9: {  	s12 =	sor.u32 $0x10, s1;
	v9 =	vld [tilespmem:s25+$0x10]  }
0x1ca: {  	s24 =	sshll.u32 s23, $0x8;
	s18 =	sor.u32 $0x10, s31;
	[tilespmem:s12+$0x0] =	vst.add.f32.msk $0xffff, v6  }
0x1cb: {  	s24 =	sadd.s32 s10, s24;
	s22 =	sadd.s32 s22, s10;
	s11 =	sor.u32 $0x10, s17;
	[tilespmem:s18+$0x0] =	vst.add.f32.msk $0xffff, v7  }
0x1cc: {  	s24 =	sadd.s32 $0x100, s24;
	s18 =	sor.u32 $0x800, s22;
	[tilespmem:s11+$0x0] =	vst.add.f32.msk $0xffff, v8  }
0x1cd: {  	v6 =	vld [tilespmem:s25+$0x220];
	[smem:$0x7DF] =	sst s18;
	s18 =	sor.u32 $0x800, s24  }
0x1ce: {  	v7 =	vld [tilespmem:s25+$0xFFFFFC20];
	[smem:$0x7E0] =	sst s18;
	s18 =	sor.u32 $0x810, s24  }
0x1cf: {  	s23 =	sor.u32 $0x10, s0;
	v8 =	vld [tilespmem:s25+$0xFFFFFE20];
	[smem:$0x7E2] =	sst s18;
	s18 =	sor.u32 $0x810, s22  }
0x1d0: {  	[tilespmem:s23+$0x0] =	vst.add.f32.msk $0xffff, v9;
	[smem:$0x7E1] =	sst s18;
	s18 =	sor.u32 $0x820, s24  }
0x1d1: {  	v9 =	vld [tilespmem:s25+$0x20];
	[smem:$0x7E4] =	sst s18;
	s18 =	sor.u32 $0x20, s1  }
0x1d2: {  	s21 =	sor.u32 $0x20, s31;
	s12 =	sor.u32 $0x70, s0;
	[tilespmem:s18+$0x0] =	vst.add.f32.msk $0xffff, v6  }
0x1d3: {  	s19 =	sor.u32 $0x20, s17;
	[smem:$0x7DE] =	sst s12;
	s12 =	sor.u32 $0x820, s22;
	[tilespmem:s21+$0x0] =	vst.add.f32.msk $0xffff, v7  }
0x1d4: {  	[smem:$0x7E3] =	sst s12;
	s12 =	sor.u32 $0x830, s22;
	[tilespmem:s19+$0x0] =	vst.add.f32.msk $0xffff, v8  }
0x1d5: {  	[smem:$0x7E5] =	sst s12;
	s12 =	smov.u32 s14;
	s14 =	sor.u32 $0x830, s24;
	v6 =	vld [tilespmem:s25+$0x230]  }
0x1d6: {  	[smem:$0x7E6] =	sst s14;
	s14 =	sor.u32 $0x840, s22;
	v7 =	vld [tilespmem:s25+$0xFFFFFC30]  }
0x1d7: {  	s20 =	sor.u32 $0x20, s0;
	[smem:$0x7E7] =	sst s14;
	s14 =	sor.u32 $0x840, s24;
	v8 =	vld [tilespmem:s25+$0xFFFFFE30]  }
0x1d8: {  	[smem:$0x7E8] =	sst s14;
	s14 =	sor.u32 $0x850, s24;
	[tilespmem:s20+$0x0] =	vst.add.f32.msk $0xffff, v9  }
0x1d9: {  	s11 =	sor.u32 $0x30, s1;
	[smem:$0x7EB] =	sst s14;
	s14 =	sor.u32 $0x850, s22;
	v9 =	vld [tilespmem:s25+$0x30]  }
0x1da: {  	s30 =	sor.u32 $0x30, s31;
	[smem:$0x7EA] =	sst s14;
	s14 =	sor.u32 $0x860, s22;
	[tilespmem:s11+$0x0] =	vst.add.f32.msk $0xffff, v6  }
0x1db: {  	s28 =	sor.u32 $0x30, s17;
	[smem:$0x7EC] =	sst s14;
	s14 =	sor.u32 $0x860, s24;
	[tilespmem:s30+$0x0] =	vst.add.f32.msk $0xffff, v7  }
0x1dc: {  	[smem:$0x7ED] =	sst s14;
	s14 =	sor.u32 $0xC00, s24;
	[tilespmem:s28+$0x0] =	vst.add.f32.msk $0xffff, v8  }
0x1dd: {  	[dreg:$0x1f] =	wrdreg s14;
	s14 =	sor.u32 $0xC10, s24;
	v6 =	vld [tilespmem:s25+$0x240]  }
0x1de: {  	[dreg:$0x1d] =	wrdreg s14;
	s14 =	sor.u32 $0xC30, s22;
	v7 =	vld [tilespmem:s25+$0xFFFFFC40]  }
0x1df: {  	s29 =	sor.u32 $0x30, s0;
	[dreg:$0x18] =	wrdreg s14;
	s14 =	sor.u32 $0xC40, s24;
	v8 =	vld [tilespmem:s25+$0xFFFFFE40]  }
0x1e0: {  	[tilespmem:s29+$0x0] =	vst.add.f32.msk $0xffff, v9;
	[dreg:$0x12] =	wrdreg s14;
	s14 =	sor.u32 $0xC60, s22  }
0x1e1: {  	v9 =	vld [tilespmem:s25+$0x40];
	[smem:$0x7E9] =	sst s14;
	s14 =	sor.u32 $0x40, s1  }
0x1e2: {  	s16 =	sor.u32 $0x40, s31;
	[tilespmem:s14+$0x0] =	vst.add.f32.msk $0xffff, v6  }
0x1e3: {  	s15 =	sor.u32 $0x40, s17;
	[tilespmem:s16+$0x0] =	vst.add.f32.msk $0xffff, v7  }
0x1e4: {  	[tilespmem:s15+$0x0] =	vst.add.f32.msk $0xffff, v8  }
0x1e5: {  	v6 =	vld [tilespmem:s25+$0x250]  }
0x1e6: {  	s26 =	sor.u32 $0x40, s0;
	v7 =	vld [tilespmem:s25+$0xFFFFFC50]  }
0x1e7: {  	[tilespmem:s26+$0x0] =	vst.add.f32.msk $0xffff, v9  }
0x1e8: {  	v8 =	vld [tilespmem:s25+$0xFFFFFE50]  }
0x1e9: {  	s19 =	sor.u32 $0x50, s1;
	v9 =	vld [tilespmem:s25+$0x50]  }
0x1ea: {  	s2 =	sor.u32 $0x50, s31;
	[tilespmem:s19+$0x0] =	vst.add.f32.msk $0xffff, v6  }
0x1eb: {  	[tilespmem:s2+$0x0] =	vst.add.f32.msk $0xffff, v7  }
0x1ec: {  	s9 =	sor.u32 $0x50, s17;
	v6 =	vld [tilespmem:s25+$0x260]  }
0x1ed: {  	s8 =	sor.u32 $0x50, s0;
	[tilespmem:s9+$0x0] =	vst.add.f32.msk $0xffff, v8  }
0x1ee: {  	[tilespmem:s8+$0x0] =	vst.add.f32.msk $0xffff, v9  }
0x1ef: {  	[dreg:$0x14] =	wrdreg s7;
	s23 =	sor.u32 $0x870, s24;
	v7 =	vld [tilespmem:s25+$0xFFFFFC60]  }
0x1f0: {  	[smem:$0x7F0] =	sst s23;
	s23 =	sor.u32 $0xC10, s22;
	s20 =	sor.u32 $0x60, s1;
	v8 =	vld [tilespmem:s25+$0xFFFFFE60]  }
0x1f1: {  	[dreg:$0x1e] =	wrdreg s23;
	s23 =	sor.u32 $0xC20, s24;
	[tilespmem:s20+$0x0] =	vst.add.f32.msk $0xffff, v6  }
0x1f2: {  	s5 =	sor.u32 $0x60, s31;
	[dreg:$0x19] =	wrdreg s23;
	s18 =	sor.u32 $0x870, s22;
	v6 =	vld [tilespmem:s25+$0x270]  }
0x1f3: {  	s7 =	sor.u32 $0x60, s17;
	s21 =	sor.u32 $0xC60, s24;
	[smem:$0x7EE] =	sst s18;
	v9 =	vld [tilespmem:s25+$0x60]  }
0x1f4: {  	s23 =	sor.u32 $0xC30, s24;
	s18 =	sor.u32 $0xC00, s22;
	[smem:$0x7EF] =	sst s21;
	[tilespmem:s5+$0x0] =	vst.add.f32.msk $0xffff, v7  }
0x1f5: {  	s21 =	sor.u32 $0xC70, s24;
	[smem:$0x7F1] =	sst s18;
	s18 =	sor.u32 $0xC20, s22;
	[tilespmem:s7+$0x0] =	vst.add.f32.msk $0xffff, v8  }
0x1f6: {  	[dreg:$0x1b] =	wrdreg s18;
	s18 =	sor.u32 $0xC50, s24;
	s24 =	sor.u32 $0x70, s1;
	v7 =	vld [tilespmem:s25+$0xFFFFFC70]  }
0x1f7: {  	[tilespmem:s24+$0x0] =	vst.add.f32.msk $0xffff, v6  }
0x1f8: {  	s6 =	sor.u32 $0x60, s0;
	v6 =	vld [tilespmem:s25+$0x280]  }
0x1f9: {  	[tilespmem:s6+$0x0] =	vst.add.f32.msk $0xffff, v9  }
0x1fa: {  	v8 =	vld [tilespmem:s25+$0xFFFFFE70]  }
0x1fb: {  	s4 =	sor.u32 $0x70, s31;
	v9 =	vld [tilespmem:s25+$0x70]  }
0x1fc: {  	[tilespmem:s4+$0x0] =	vst.add.f32.msk $0xffff, v7  }
0x1fd: {  	s26 =	sld [smem:$0x7DE];
	[tilespmem:s1+$0x400] =	vst.add.f32.msk $0xffff, v6  }
0x1fe: {  	[dreg:$0xa] =	wrdreg s3;
	s3 =	sor.u32 $0x70, s17;
	v6 =	vld [tilespmem:s25+$0x290]  }
0x1ff: {  	[tilespmem:s3+$0x0] =	vst.add.f32.msk $0xffff, v8  }
0x200: {  	[tilespmem:s26+$0x0] =	vst.add.f32.msk $0xffff, v9  }
0x201: {  	v7 =	vld [tilespmem:s25+$0xFFFFFC80]  }
0x202: {  	v8 =	vld [tilespmem:s25+$0xFFFFFE80]  }
0x203: {  	[tilespmem:s1+$0x410] =	vst.add.f32.msk $0xffff, v6  }
0x204: {  	v6 =	vld [tilespmem:s25+$0x2A0]  }
0x205: {  	v9 =	vld [tilespmem:s25+$0x80]  }
0x206: {  	[tilespmem:s31+$0x400] =	vst.add.f32.msk $0xffff, v7  }
0x207: {  	[tilespmem:s17+$0x400] =	vst.add.f32.msk $0xffff, v8  }
0x208: {  	v7 =	vld [tilespmem:s25+$0xFFFFFC90]  }
0x209: {  	[tilespmem:s1+$0x420] =	vst.add.f32.msk $0xffff, v6  }
0x20a: {  	v6 =	vld [tilespmem:s25+$0x2B0]  }
0x20b: {  	[tilespmem:s0+$0x400] =	vst.add.f32.msk $0xffff, v9  }
0x20c: {  	v8 =	vld [tilespmem:s25+$0xFFFFFE90]  }
0x20d: {  	v9 =	vld [tilespmem:s25+$0x90]  }
0x20e: {  	[tilespmem:s31+$0x410] =	vst.add.f32.msk $0xffff, v7  }
0x20f: {  	[tilespmem:s1+$0x430] =	vst.add.f32.msk $0xffff, v6  }
0x210: {  	v6 =	vld [tilespmem:s25+$0x2C0]  }
0x211: {  	[tilespmem:s17+$0x410] =	vst.add.f32.msk $0xffff, v8  }
0x212: {  	[tilespmem:s0+$0x410] =	vst.add.f32.msk $0xffff, v9  }
0x213: {  	v7 =	vld [tilespmem:s25+$0xFFFFFCA0]  }
0x214: {  	v8 =	vld [tilespmem:s25+$0xFFFFFEA0]  }
0x215: {  	[tilespmem:s1+$0x440] =	vst.add.f32.msk $0xffff, v6  }
0x216: {  	v6 =	vld [tilespmem:s25+$0x2D0]  }
0x217: {  	v9 =	vld [tilespmem:s25+$0xA0]  }
0x218: {  	[tilespmem:s31+$0x420] =	vst.add.f32.msk $0xffff, v7  }
0x219: {  	[tilespmem:s17+$0x420] =	vst.add.f32.msk $0xffff, v8  }
0x21a: {  	v7 =	vld [tilespmem:s25+$0xFFFFFCB0]  }
0x21b: {  	[tilespmem:s1+$0x450] =	vst.add.f32.msk $0xffff, v6  }
0x21c: {  	v6 =	vld [tilespmem:s25+$0x2E0]  }
0x21d: {  	[tilespmem:s0+$0x420] =	vst.add.f32.msk $0xffff, v9  }
0x21e: {  	v8 =	vld [tilespmem:s25+$0xFFFFFEB0]  }
0x21f: {  	v9 =	vld [tilespmem:s25+$0xB0]  }
0x220: {  	[tilespmem:s31+$0x430] =	vst.add.f32.msk $0xffff, v7  }
0x221: {  	[tilespmem:s1+$0x460] =	vst.add.f32.msk $0xffff, v6  }
0x222: {  	v6 =	vld [tilespmem:s25+$0x2F0]  }
0x223: {  	[tilespmem:s17+$0x430] =	vst.add.f32.msk $0xffff, v8  }
0x224: {  	[tilespmem:s0+$0x430] =	vst.add.f32.msk $0xffff, v9  }
0x225: {  	v8 =	vld [tilespmem:s25+$0xFFFFFEC0]  }
0x226: {  	v7 =	vld [tilespmem:s25+$0xFFFFFCC0]  }
0x227: {  	s14 =	sadd.s32 $0x4, s12;
	[tilespmem:s1+$0x470] =	vst.add.f32.msk $0xffff, v6  }
0x228: {  	s28 =	sand.u32 $0x7, s14;
	v6 =	vld [tilespmem:s25+$0x300]  }
0x229: {  	v9 =	vld [tilespmem:s25+$0xC0];
	s1 =	sshll.u32 s28, $0x7  }
0x22a: {  	[tilespmem:s17+$0x440] =	vst.add.f32.msk $0xffff, v8;
	s1 =	sadd.s32 s1, s10  }
0x22b: {  	v8 =	vld [tilespmem:s25+$0xFFFFFED0];
	s6 =	sadd.s32 $0x180, s1  }
0x22c: {  	[tilespmem:s31+$0x440] =	vst.add.f32.msk $0xffff, v7;
	s19 =	sor.u32 $0x800, s6  }
0x22d: {  	[tilespmem:s19+$0x9E00] =	vst.add.f32.msk $0xffff, v6  }
0x22e: {  	v6 =	vld [tilespmem:s25+$0x310]  }
0x22f: {  	[tilespmem:s0+$0x440] =	vst.add.f32.msk $0xffff, v9  }
0x230: {  	[tilespmem:s17+$0x450] =	vst.add.f32.msk $0xffff, v8  }
0x231: {  	v8 =	vld [tilespmem:s25+$0xFFFFFEE0]  }
0x232: {  	v7 =	vld [tilespmem:s25+$0xFFFFFCD0];
	s20 =	sor.u32 $0x810, s6  }
0x233: {  	[tilespmem:s20+$0x9E00] =	vst.add.f32.msk $0xffff, v6  }
0x234: {  	v6 =	vld [tilespmem:s25+$0x320]  }
0x235: {  	v9 =	vld [tilespmem:s25+$0xD0]  }
0x236: {  	[tilespmem:s17+$0x460] =	vst.add.f32.msk $0xffff, v8  }
0x237: {  	v8 =	vld [tilespmem:s25+$0xFFFFFEF0]  }
0x238: {  	[tilespmem:s31+$0x450] =	vst.add.f32.msk $0xffff, v7;
	s24 =	sor.u32 $0x820, s6  }
0x239: {  	[tilespmem:s24+$0x9E00] =	vst.add.f32.msk $0xffff, v6  }
0x23a: {  	v6 =	vld [tilespmem:s25+$0x330]  }
0x23b: {  	[tilespmem:s0+$0x450] =	vst.add.f32.msk $0xffff, v9  }
0x23c: {  	[tilespmem:s17+$0x470] =	vst.add.f32.msk $0xffff, v8  }
0x23d: {  	v8 =	vld [tilespmem:s25+$0xFFFFFF00]  }
0x23e: {  	v7 =	vld [tilespmem:s25+$0xFFFFFCE0];
	s20 =	sor.u32 $0x830, s6  }
0x23f: {  	[tilespmem:s20+$0x9E00] =	vst.add.f32.msk $0xffff, v6  }
0x240: {  	s29 =	sadd.s32 $0x80, s1;
	v6 =	vld [tilespmem:s25+$0x340]  }
0x241: {  	v9 =	vld [tilespmem:s25+$0xE0];
	s1 =	sor.u32 $0x800, s29  }
0x242: {  	[tilespmem:s1+$0x9E00] =	vst.add.f32.msk $0xffff, v8  }
0x243: {  	v8 =	vld [tilespmem:s25+$0xFFFFFF10]  }
0x244: {  	[tilespmem:s31+$0x460] =	vst.add.f32.msk $0xffff, v7;
	s24 =	sor.u32 $0x840, s6  }
0x245: {  	[tilespmem:s24+$0x9E00] =	vst.add.f32.msk $0xffff, v6  }
0x246: {  	v6 =	vld [tilespmem:s25+$0x350]  }
0x247: {  	[tilespmem:s0+$0x460] =	vst.add.f32.msk $0xffff, v9;
	s2 =	sor.u32 $0x810, s29  }
0x248: {  	[tilespmem:s2+$0x9E00] =	vst.add.f32.msk $0xffff, v8  }
0x249: {  	v8 =	vld [tilespmem:s25+$0xFFFFFF20]  }
0x24a: {  	v7 =	vld [tilespmem:s25+$0xFFFFFCF0];
	s20 =	sor.u32 $0x850, s6  }
0x24b: {  	[tilespmem:s20+$0x9E00] =	vst.add.f32.msk $0xffff, v6  }
0x24c: {  	v6 =	vld [tilespmem:s25+$0x360]  }
0x24d: {  	v9 =	vld [tilespmem:s25+$0xF0];
	s3 =	sor.u32 $0x820, s29  }
0x24e: {  	[tilespmem:s3+$0x9E00] =	vst.add.f32.msk $0xffff, v8  }
0x24f: {  	v8 =	vld [tilespmem:s25+$0xFFFFFF30]  }
0x250: {  	[tilespmem:s31+$0x470] =	vst.add.f32.msk $0xffff, v7;
	s24 =	sor.u32 $0x860, s6  }
0x251: {  	[tilespmem:s24+$0x9E00] =	vst.add.f32.msk $0xffff, v6  }
0x252: {  	v6 =	vld [tilespmem:s25+$0x370]  }
0x253: {  	[tilespmem:s0+$0x470] =	vst.add.f32.msk $0xffff, v9;
	s4 =	sor.u32 $0x830, s29  }
0x254: {  	[tilespmem:s4+$0x9E00] =	vst.add.f32.msk $0xffff, v8  }
0x255: {  	v8 =	vld [tilespmem:s25+$0xFFFFFF40]  }
0x256: {  	v9 =	vld [tilespmem:s25+$0x100];
	s31 =	sor.u32 $0x870, s6  }
0x257: {  	[tilespmem:s31+$0x9E00] =	vst.add.f32.msk $0xffff, v6  }
0x258: {  	s24 =	sld [smem:$0x7E0];
	v6 =	vld [tilespmem:s25+$0x380]  }
0x259: {  	v7 =	vld [tilespmem:s25+$0xFFFFFD00];
	s5 =	sor.u32 $0x840, s29  }
0x25a: {  	[tilespmem:s5+$0x9E00] =	vst.add.f32.msk $0xffff, v8  }
0x25b: {  	[tilespmem:s24+$0x9E00] =	vst.add.f32.msk $0xffff, v9  }
0x25c: {  	s17 =	sor.u32 $0xC00, s6;
	s20 =	sld [smem:$0x7DF];
	v9 =	vld [tilespmem:s25+$0x110]  }
0x25d: {  	[tilespmem:s17+$0x9E00] =	vst.add.f32.msk $0xffff, v6  }
0x25e: {  	s17 =	sld [smem:$0x7E2];
	v6 =	vld [tilespmem:s25+$0x390]  }
0x25f: {  	[tilespmem:s20+$0x9E00] =	vst.add.f32.msk $0xffff, v7  }
0x260: {  	v7 =	vld [tilespmem:s25+$0xFFFFFD10]  }
0x261: {  	[tilespmem:s17+$0x9E00] =	vst.add.f32.msk $0xffff, v9  }
0x262: {  	s1 =	sld [smem:$0x7E1];
	s31 =	sor.u32 $0xC10, s6;
	v9 =	vld [tilespmem:s25+$0x120]  }
0x263: {  	[tilespmem:s31+$0x9E00] =	vst.add.f32.msk $0xffff, v6  }
0x264: {  	s31 =	sld [smem:$0x7E4];
	v6 =	vld [tilespmem:s25+$0x3A0]  }
0x265: {  	[tilespmem:s1+$0x9E00] =	vst.add.f32.msk $0xffff, v7  }
0x266: {  	v7 =	vld [tilespmem:s25+$0xFFFFFD20]  }
0x267: {  	[tilespmem:s31+$0x9E00] =	vst.add.f32.msk $0xffff, v9  }
0x268: {  	s11 =	sor.u32 $0xC20, s6;
	s24 =	sld [smem:$0x7E3];
	v9 =	vld [tilespmem:s25+$0x130]  }
0x269: {  	[tilespmem:s11+$0x9E00] =	vst.add.f32.msk $0xffff, v6  }
0x26a: {  	s11 =	sld [smem:$0x7E6];
	v6 =	vld [tilespmem:s25+$0x3B0]  }
0x26b: {  	[tilespmem:s24+$0x9E00] =	vst.add.f32.msk $0xffff, v7  }
0x26c: {  	v7 =	vld [tilespmem:s25+$0xFFFFFD30]  }
0x26d: {  	[tilespmem:s11+$0x9E00] =	vst.add.f32.msk $0xffff, v9  }
0x26e: {  	s20 =	sor.u32 $0xC30, s6;
	v9 =	vld [tilespmem:s25+$0x140]  }
0x26f: {  	s2 =	sld [smem:$0x7E5];
	[tilespmem:s20+$0x9E00] =	vst.add.f32.msk $0xffff, v6  }
0x270: {  	v6 =	vld [tilespmem:s25+$0x3C0]  }
0x271: {  	v58 =	vld [tilespmem:s25+$0xFFFFFF50];
	s24 =	sld [smem:$0x7E8]  }
0x272: {  	[tilespmem:s2+$0x9E00] =	vst.add.f32.msk $0xffff, v7  }
0x273: {  	v7 =	vld [tilespmem:s25+$0xFFFFFD40]  }
0x274: {  	s1 =	sor.u32 $0xC40, s6;
	[tilespmem:s24+$0x9E00] =	vst.add.f32.msk $0xffff, v9  }
0x275: {  	s20 =	sld [smem:$0x7E7];
	[tilespmem:s1+$0x9E00] =	vst.add.f32.msk $0xffff, v6  }
0x276: {  	v6 =	vld [tilespmem:s25+$0x3D0]  }
0x277: {  	v59 =	vld [tilespmem:s25+$0x150]  }
0x278: {  	s4 =	sld [smem:$0x7EB];
	[tilespmem:s20+$0x9E00] =	vst.add.f32.msk $0xffff, v7  }
0x279: {  	v7 =	vld [tilespmem:s25+$0xFFFFFD50];
	s1 =	rddreg [dreg:$0x1a]  }
0x27a: {  	s3 =	sor.u32 $0xC50, s6;
	[tilespmem:s1+$0x9E00] =	vst.add.f32.msk $0xffff, v3  }
0x27b: {  	[tilespmem:s3+$0x9E00] =	vst.add.f32.msk $0xffff, v6;
	s3 =	sld [smem:$0x7EA]  }
0x27c: {  	[tilespmem:s4+$0x9E00] =	vst.add.f32.msk $0xffff, v59  }
0x27d: {  	v6 =	vld [tilespmem:s25+$0x3E0]  }
0x27e: {  	[tilespmem:s3+$0x9E00] =	vst.add.f32.msk $0xffff, v7  }
0x27f: {  	v3 =	vld [tilespmem:s25+$0xFFFFFD60]  }
0x280: {  	s8 =	sor.u32 $0x850, s29;
	v60 =	vld [tilespmem:s25+$0x160]  }
0x281: {  	s5 =	sld [smem:$0x7EC];
	[tilespmem:s8+$0x9E00] =	vst.add.f32.msk $0xffff, v58;
	s17 =	sor.u32 $0xC60, s6  }
0x282: {  	[tilespmem:s17+$0x9E00] =	vst.add.f32.msk $0xffff, v6;
	s17 =	sld [smem:$0x7ED]  }
0x283: {  	v6 =	vld [tilespmem:s25+$0x3F0]  }
0x284: {  	[tilespmem:s5+$0x9E00] =	vst.add.f32.msk $0xffff, v3  }
0x285: {  	[tilespmem:s17+$0x9E00] =	vst.add.f32.msk $0xffff, v60  }
0x286: {  	v3 =	vld [tilespmem:s25+$0xFFFFFD70]  }
0x287: {  	s24 =	rddreg [dreg:$0x17];
	v61 =	vld [tilespmem:s25+$0x170]  }
0x288: {  	s31 =	sor.u32 $0xC70, s6;
	s20 =	sld [smem:$0x7EE];
	[tilespmem:s24+$0x9E00] =	vst.add.f32.msk $0xffff, v5  }
0x289: {  	s1 =	sld [smem:$0x7F0];
	[tilespmem:s31+$0x9E00] =	vst.add.f32.msk $0xffff, v6  }
0x28a: {  	v6 =	vld [tilespmem:s25+$0xFFFFFF60]  }
0x28b: {  	[tilespmem:s20+$0x9E00] =	vst.add.f32.msk $0xffff, v3  }
0x28c: {  	s2 =	sld [smem:$0x7E9];
	[tilespmem:s1+$0x9E00] =	vst.add.f32.msk $0xffff, v61  }
0x28d: {  	v3 =	vld [tilespmem:s25+$0xFFFFFD80]  }
0x28e: {  	s8 =	rddreg [dreg:$0x11];
	v5 =	vld [tilespmem:s25+$0x180]  }
0x28f: {  	s9 =	sor.u32 $0x860, s29;
	s11 =	smov.u32 s2;
	s2 =	sld [smem:$0x7F1];
	[tilespmem:s8+$0x9E00] =	vst.add.f32.msk $0xffff, v4  }
0x290: {  	[tilespmem:s9+$0x9E00] =	vst.add.f32.msk $0xffff, v6  }
0x291: {  	v4 =	vld [tilespmem:s25+$0xFFFFFF70]  }
0x292: {  	s5 =	rddreg [dreg:$0x1f];
	[tilespmem:s2+$0x9E00] =	vst.add.f32.msk $0xffff, v3  }
0x293: {  	[tilespmem:s5+$0x9E00] =	vst.add.f32.msk $0xffff, v5  }
0x294: {  	v3 =	vld [tilespmem:s25+$0xFFFFFD90]  }
0x295: {  	s12 =	sor.u32 $0x870, s29;
	v5 =	vld [tilespmem:s25+$0x190]  }
0x296: {  	[tilespmem:s12+$0x9E00] =	vst.add.f32.msk $0xffff, v4  }
0x297: {  	v4 =	vld [tilespmem:s25+$0xFFFFFF80]  }
0x298: {  	s7 =	sor.u32 $0xC60, s29;
	s3 =	rddreg [dreg:$0x14]  }
0x299: {  	s4 =	smov.u32 s7;
	s7 =	rddreg [dreg:$0x1e];
	v62 =	vld [tilespmem:s3+$0xFFFFFDF0]  }
0x29a: {  	s12 =	rddreg [dreg:$0x1d];
	[tilespmem:s7+$0x9E00] =	vst.add.f32.msk $0xffff, v3  }
0x29b: {  	s15 =	sor.u32 $0xC00, s29;
	[tilespmem:s12+$0x9E00] =	vst.add.f32.msk $0xffff, v5  }
0x29c: {  	[tilespmem:s15+$0x9E00] =	vst.add.f32.msk $0xffff, v4  }
0x29d: {  	v4 =	vld [tilespmem:s25+$0xFFFFFF90]  }
0x29e: {  	v3 =	vld [tilespmem:s25+$0xFFFFFDA0]  }
0x29f: {  	v5 =	vld [tilespmem:s25+$0x1A0]  }
0x2a0: {  	v8 =	vld [tilespmem:s3+$0x1F0]  }
0x2a1: {  	s16 =	sor.u32 $0xC10, s29;
	v63 =	vld [tilespmem:s3+$0xFFFFFFF0]  }
0x2a2: {  	[tilespmem:s16+$0x9E00] =	vst.add.f32.msk $0xffff, v4  }
0x2a3: {  	s15 =	rddreg [dreg:$0x1b];
	v4 =	vld [tilespmem:s25+$0xFFFFFFA0]  }
0x2a4: {  	[tilespmem:s15+$0x9E00] =	vst.add.f32.msk $0xffff, v3  }
0x2a5: {  	v3 =	vld [tilespmem:s25+$0xFFFFFDB0];
	s16 =	rddreg [dreg:$0x19]  }
0x2a6: {  	[tilespmem:s16+$0x9E00] =	vst.add.f32.msk $0xffff, v5  }
0x2a7: {  	s28 =	sor.u32 $0xC20, s29;
	v5 =	vld [tilespmem:s25+$0x1B0]  }
0x2a8: {  	[tilespmem:s28+$0x9E00] =	vst.add.f32.msk $0xffff, v4  }
0x2a9: {  	s17 =	rddreg [dreg:$0x18];
	v4 =	vld [tilespmem:s25+$0xFFFFFFB0]  }
0x2aa: {  	[dreg:$0x16] =	wrdreg s23;
	[tilespmem:s17+$0x9E00] =	vst.add.f32.msk $0xffff, v3  }
0x2ab: {  	s20 =	rddreg [dreg:$0xc];
	v3 =	vld [tilespmem:s25+$0xFFFFFDC0]  }
0x2ac: {  	s24 =	rddreg [dreg:$0x16];
	[tilespmem:s20+$0x9E00] =	vst.add.f32.msk $0xffff, v62  }
0x2ad: {  	s26 =	sor.u32 $0xC30, s29;
	[tilespmem:s24+$0x9E00] =	vst.add.f32.msk $0xffff, v5  }
0x2ae: {  	s23 =	sor.u32 $0xC40, s22;
	[tilespmem:s26+$0x9E00] =	vst.add.f32.msk $0xffff, v4  }
0x2af: {  	[dreg:$0x15] =	wrdreg s23;
	v4 =	vld [tilespmem:s25+$0xFFFFFFC0]  }
0x2b0: {  	v5 =	vld [tilespmem:s25+$0x1C0];
	s26 =	rddreg [dreg:$0x15]  }
0x2b1: {  	s28 =	rddreg [dreg:$0xd];
	[tilespmem:s26+$0x9E00] =	vst.add.f32.msk $0xffff, v3  }
0x2b2: {  	[tilespmem:s28+$0x9E00] =	vst.add.f32.msk $0xffff, v63  }
0x2b3: {  	s30 =	sor.u32 $0xC40, s29;
	v3 =	vld [tilespmem:s25+$0xFFFFFDD0]  }
0x2b4: {  	[tilespmem:s30+$0x9E00] =	vst.add.f32.msk $0xffff, v4;
	s30 =	rddreg [dreg:$0x12]  }
0x2b5: {  	[tilespmem:s30+$0x9E00] =	vst.add.f32.msk $0xffff, v5  }
0x2b6: {  	s31 =	sld [smem:$0x7EF];
	v4 =	vld [tilespmem:s25+$0xFFFFFFD0]  }
0x2b7: {  	s23 =	sor.u32 $0xC50, s22;
	v5 =	vld [tilespmem:s25+$0x1D0]  }
.Ltmp4:
0x2b8: {  	p0 =	por !p0, !p0;
	[tilespmem:s23+$0x9E00] =	vst.add.f32.msk $0xffff, v3;
	(pc) =	sbr.rel @p1 .LBB2_4-.Ltmp4, $4  }
0x2b9: {  	s22 =	sor.u32 $0xC70, s22;
	s8 =	smov.u32 s31;
	s31 =	rddreg [dreg:$0xa];
	v3 =	vld [tilespmem:s25+$0xFFFFFDE0]  }
0x2ba: {  	s19 =	sor.u32 $0xC50, s29;
	s29 =	sor.u32 $0xC70, s29;
	s9 =	rddreg [dreg:$0x8];
	[tilespmem:s31+$0x9E00] =	vst.add.f32.msk $0xffff, v8  }
0x2bb: {  	s6 =	rddreg [dreg:$0x7];
	s1 =	smov.u32 s22;
	s9 =	sadd.s32 $0x2, s9;
	[tilespmem:s19+$0x9E00] =	vst.add.f32.msk $0xffff, v4  }
0x2bc: {  	s2 =	smov.u32 s29;
	s7 =	smov.u32 s25;
	s3 =	smov.u32 s21;
	[tilespmem:s18+$0x9E00] =	vst.add.f32.msk $0xffff, v5  }
0x2bd: {  	v4 =	vld [tilespmem:s7+$0xFFFFFFE0]  }
0x2be: {  	v5 =	vld [tilespmem:s7+$0x1E0];
	_ =	sdelay $0x1  }
0x2bf: {  	[tilespmem:s11+$0x9E00] =	vst.add.f32.msk $0xffff, v3  }
0x2c0: {  	v3 =	vld [tilespmem:s7+$0xFFFFFDF0]  }
0x2c1: {  	[tilespmem:s4+$0x9E00] =	vst.add.f32.msk $0xffff, v4  }
0x2c2: {  	[tilespmem:s8+$0x9E00] =	vst.add.f32.msk $0xffff, v5  }
0x2c3: {  	v4 =	vld [tilespmem:s7+$0xFFFFFFF0]  }
0x2c4: {  	v5 =	vld [tilespmem:s7+$0x1F0];
	_ =	sdelay $0x2  }
0x2c5: {  	[tilespmem:s1+$0x9E00] =	vst.add.f32.msk $0xffff, v3  }
0x2c6: {  	[tilespmem:s2+$0x9E00] =	vst.add.f32.msk $0xffff, v4  }
0x2c7: {  	s0 =	simm.s32 $0x5;
	[tilespmem:s3+$0x9E00] =	vst.add.f32.msk $0xffff, v5  }
0x2c8: {  	s6 =	simm.s32 $0x600;
	_ =	swait.ge [sflag:s0], $0x2000  }
0x2c9: {  	s9 =	simm.s32 $0x0;
	s7 =	simm.s32 $0x180;
	[sflag:s0] =	ssyncset.done $0x0  }
0x2ca: {  	s8 =	sand.u32 $0x3000, s6;
	s1 =	sand.u32 $0x380, s7;
	[sflag:s0] =	ssyncadd.s32 $0xFFFFE000  }
0x2cb: {  	s1 =	sor.u32 s1, s8;
	v3 =	vld [tilespmem:s9+$0x8400]  }
0x2cc: {  	v4 =	vld [tilespmem:s1+$0x1DE00];
	_ =	sdelay $0x3  }
0x2cd: {  	s10 =	simm.s32 $0x0;
	s11 =	simm.s32 $0x8000  }
0x2ce: {  	s3 =	sand.u32 $0x9000, s11;
	s2 =	sand.u32 $0x380, s10;
	v3 =	vadd.f32 v3, v4  }
0x2cf: {  	s11 =	sor.u32 s2, s3  }
0x2d0: {  	s1 =	sadd.s32 $0x1DE00, s1;
	[tilespmem:s11+$0x9E00] =	vst v3  }
0x2d1: {  	v3 =	vld [tilespmem:s1+$0x10]  }
0x2d2: {  	v4 =	vld [tilespmem:s9+$0x8410];
	_ =	sdelay $0x4  }
0x2d3: {  	v3 =	vadd.f32 v4, v3;
	_ =	sdelay $0x1  }
0x2d4: {  	[tilespmem:s11+$0x9E10] =	vst v3  }
0x2d5: {  	v3 =	vld [tilespmem:s1+$0x20]  }
0x2d6: {  	v4 =	vld [tilespmem:s9+$0x8420];
	_ =	sdelay $0x4  }
0x2d7: {  	v3 =	vadd.f32 v4, v3;
	_ =	sdelay $0x1  }
0x2d8: {  	[tilespmem:s11+$0x9E20] =	vst v3  }
0x2d9: {  	v3 =	vld [tilespmem:s1+$0x30]  }
0x2da: {  	v4 =	vld [tilespmem:s9+$0x8430];
	_ =	sdelay $0x4  }
0x2db: {  	v3 =	vadd.f32 v4, v3;
	_ =	sdelay $0x1  }
0x2dc: {  	[tilespmem:s11+$0x9E30] =	vst v3  }
0x2dd: {  	v3 =	vld [tilespmem:s1+$0x40]  }
0x2de: {  	v4 =	vld [tilespmem:s9+$0x8440];
	_ =	sdelay $0x4  }
0x2df: {  	v3 =	vadd.f32 v4, v3;
	_ =	sdelay $0x1  }
0x2e0: {  	[tilespmem:s11+$0x9E40] =	vst v3  }
0x2e1: {  	v3 =	vld [tilespmem:s1+$0x50]  }
0x2e2: {  	v4 =	vld [tilespmem:s9+$0x8450];
	_ =	sdelay $0x4  }
0x2e3: {  	v3 =	vadd.f32 v4, v3;
	_ =	sdelay $0x1  }
0x2e4: {  	[tilespmem:s11+$0x9E50] =	vst v3  }
0x2e5: {  	v3 =	vld [tilespmem:s1+$0x60]  }
0x2e6: {  	v4 =	vld [tilespmem:s9+$0x8460];
	_ =	sdelay $0x3  }
0x2e7: {  	s12 =	simm.s32 $0x800;
	s13 =	simm.s32 $0x200  }
0x2e8: {  	s17 =	simm.s32 $0x200;
	s2 =	sand.u32 $0x3000, s12;
	s3 =	sand.u32 $0x380, s13;
	v3 =	vadd.f32 v4, v3  }
0x2e9: {  	s2 =	sor.u32 s3, s2;
	v4 =	vld [tilespmem:s17+$0x8400]  }
0x2ea: {  	[tilespmem:s11+$0x9E60] =	vst v3;
	v3 =	vld [tilespmem:s2+$0x1DE00]  }
0x2eb: {  	v5 =	vld [tilespmem:s1+$0x70]  }
0x2ec: {  	v6 =	vld [tilespmem:s9+$0x8470];
	_ =	sdelay $0x1  }
0x2ed: {  	s14 =	simm.s32 $0x80;
	s15 =	simm.s32 $0x8200  }
0x2ee: {  	s4 =	sand.u32 $0x9000, s15;
	s3 =	sand.u32 $0x380, s14;
	v3 =	vadd.f32 v4, v3  }
0x2ef: {  	s18 =	sor.u32 s3, s4  }
0x2f0: {  	s19 =	sadd.s32 $0x1DE00, s2;
	v4 =	vadd.f32 v6, v5;
	[tilespmem:s18+$0x9E00] =	vst v3  }
0x2f1: {  	v3 =	vld [tilespmem:s19+$0x10]  }
0x2f2: {  	[tilespmem:s11+$0x9E70] =	vst v4;
	v4 =	vld [tilespmem:s17+$0x8410]  }
0x2f3: {  	v5 =	vld [tilespmem:s1+$0x400]  }
0x2f4: {  	v6 =	vld [tilespmem:s9+$0x8480];
	_ =	sdelay $0x2  }
0x2f5: {  	v3 =	vadd.f32 v4, v3;
	_ =	sdelay $0x1  }
0x2f6: {  	v4 =	vadd.f32 v6, v5;
	[tilespmem:s18+$0x9E10] =	vst v3  }
0x2f7: {  	v3 =	vld [tilespmem:s19+$0x20]  }
0x2f8: {  	v5 =	vld [tilespmem:s17+$0x8420];
	[tilespmem:s11+$0xA200] =	vst v4  }
0x2f9: {  	v4 =	vld [tilespmem:s1+$0x410]  }
0x2fa: {  	v6 =	vld [tilespmem:s9+$0x8490];
	_ =	sdelay $0x2  }
0x2fb: {  	v3 =	vadd.f32 v5, v3;
	_ =	sdelay $0x1  }
0x2fc: {  	[tilespmem:s18+$0x9E20] =	vst v3;
	v3 =	vadd.f32 v6, v4  }
0x2fd: {  	v4 =	vld [tilespmem:s19+$0x30]  }
0x2fe: {  	v5 =	vld [tilespmem:s17+$0x8430];
	[tilespmem:s11+$0xA210] =	vst v3  }
0x2ff: {  	v3 =	vld [tilespmem:s1+$0x420]  }
0x300: {  	v6 =	vld [tilespmem:s9+$0x84A0];
	_ =	sdelay $0x2  }
0x301: {  	v4 =	vadd.f32 v5, v4;
	_ =	sdelay $0x1  }
0x302: {  	[tilespmem:s18+$0x9E30] =	vst v4;
	v3 =	vadd.f32 v6, v3  }
0x303: {  	v4 =	vld [tilespmem:s19+$0x40]  }
0x304: {  	v5 =	vld [tilespmem:s17+$0x8440];
	[tilespmem:s11+$0xA220] =	vst v3  }
0x305: {  	v3 =	vld [tilespmem:s1+$0x430]  }
0x306: {  	v6 =	vld [tilespmem:s9+$0x84B0];
	_ =	sdelay $0x2  }
0x307: {  	v4 =	vadd.f32 v5, v4;
	_ =	sdelay $0x1  }
0x308: {  	[tilespmem:s18+$0x9E40] =	vst v4;
	v3 =	vadd.f32 v6, v3  }
0x309: {  	v4 =	vld [tilespmem:s19+$0x50]  }
0x30a: {  	v5 =	vld [tilespmem:s17+$0x8450];
	[tilespmem:s11+$0xA230] =	vst v3  }
0x30b: {  	v3 =	vld [tilespmem:s1+$0x440]  }
0x30c: {  	v6 =	vld [tilespmem:s9+$0x84C0];
	_ =	sdelay $0x2  }
0x30d: {  	v4 =	vadd.f32 v5, v4;
	_ =	sdelay $0x1  }
0x30e: {  	[tilespmem:s18+$0x9E50] =	vst v4;
	v3 =	vadd.f32 v6, v3  }
0x30f: {  	v4 =	vld [tilespmem:s19+$0x60]  }
0x310: {  	v5 =	vld [tilespmem:s17+$0x8460];
	[tilespmem:s11+$0xA240] =	vst v3  }
0x311: {  	v3 =	vld [tilespmem:s1+$0x450]  }
0x312: {  	v6 =	vld [tilespmem:s9+$0x84D0];
	_ =	sdelay $0x1  }
0x313: {  	s16 =	simm.s32 $0xA00;
	s20 =	simm.s32 $0x280  }
0x314: {  	s3 =	sand.u32 $0x380, s20;
	s20 =	simm.s32 $0x400;
	s2 =	sand.u32 $0x3000, s16;
	v4 =	vadd.f32 v5, v4  }
0x315: {  	s2 =	sor.u32 s3, s2;
	v5 =	vld [tilespmem:s20+$0x8400]  }
0x316: {  	[tilespmem:s18+$0x9E60] =	vst v4;
	v3 =	vadd.f32 v6, v3;
	v4 =	vld [tilespmem:s2+$0x1DE00]  }
0x317: {  	v6 =	vld [tilespmem:s19+$0x70]  }
0x318: {  	[tilespmem:s11+$0xA250] =	vst v3;
	v3 =	vld [tilespmem:s17+$0x8470]  }
0x319: {  	v7 =	vld [tilespmem:s1+$0x460]  }
0x31a: {  	s21 =	simm.s32 $0x100;
	s22 =	simm.s32 $0x8400;
	v8 =	vld [tilespmem:s9+$0x84E0]  }
0x31b: {  	s4 =	sand.u32 $0x9000, s22;
	s3 =	sand.u32 $0x380, s21;
	v4 =	vadd.f32 v5, v4  }
0x31c: {  	s21 =	sor.u32 s3, s4  }
0x31d: {  	s22 =	sadd.s32 $0x1DE00, s2;
	v3 =	vadd.f32 v3, v6;
	[tilespmem:s21+$0x9E00] =	vst v4  }
0x31e: {  	v4 =	vld [tilespmem:s22+$0x10]  }
0x31f: {  	v5 =	vld [tilespmem:s20+$0x8410];
	[tilespmem:s18+$0x9E70] =	vst v3;
	v3 =	vadd.f32 v8, v7  }
0x320: {  	v6 =	vld [tilespmem:s19+$0x400]  }
0x321: {  	[tilespmem:s11+$0xA260] =	vst v3;
	v3 =	vld [tilespmem:s17+$0x8480]  }
0x322: {  	v7 =	vld [tilespmem:s1+$0x470]  }
0x323: {  	v8 =	vld [tilespmem:s9+$0x84F0]  }
0x324: {  	v4 =	vadd.f32 v5, v4;
	_ =	sdelay $0x1  }
0x325: {  	[tilespmem:s21+$0x9E10] =	vst v4;
	v3 =	vadd.f32 v3, v6  }
0x326: {  	v4 =	vld [tilespmem:s22+$0x20]  }
0x327: {  	v6 =	vld [tilespmem:s20+$0x8420];
	v5 =	vadd.f32 v8, v7;
	[tilespmem:s18+$0xA200] =	vst v3  }
0x328: {  	v3 =	vld [tilespmem:s19+$0x410]  }
0x329: {  	[tilespmem:s11+$0xA270] =	vst v5;
	v5 =	vld [tilespmem:s17+$0x8490]  }
0x32a: {  	v7 =	vld [tilespmem:s1+$0x800]  }
0x32b: {  	v8 =	vld [tilespmem:s9+$0x8500]  }
0x32c: {  	v4 =	vadd.f32 v6, v4;
	_ =	sdelay $0x1  }
0x32d: {  	[tilespmem:s21+$0x9E20] =	vst v4;
	v3 =	vadd.f32 v5, v3  }
0x32e: {  	v4 =	vld [tilespmem:s22+$0x30]  }
0x32f: {  	v5 =	vld [tilespmem:s20+$0x8430];
	[tilespmem:s18+$0xA210] =	vst v3;
	v3 =	vadd.f32 v8, v7  }
0x330: {  	v6 =	vld [tilespmem:s19+$0x420]  }
0x331: {  	v7 =	vld [tilespmem:s17+$0x84A0];
	[tilespmem:s11+$0xA600] =	vst v3  }
0x332: {  	v3 =	vld [tilespmem:s1+$0x810]  }
0x333: {  	v8 =	vld [tilespmem:s9+$0x8510]  }
0x334: {  	v4 =	vadd.f32 v5, v4;
	_ =	sdelay $0x1  }
0x335: {  	[tilespmem:s21+$0x9E30] =	vst v4;
	v4 =	vadd.f32 v7, v6  }
0x336: {  	v5 =	vld [tilespmem:s22+$0x40]  }
0x337: {  	v6 =	vld [tilespmem:s20+$0x8440];
	[tilespmem:s18+$0xA220] =	vst v4;
	v3 =	vadd.f32 v8, v3  }
0x338: {  	v4 =	vld [tilespmem:s19+$0x430]  }
0x339: {  	v7 =	vld [tilespmem:s17+$0x84B0];
	[tilespmem:s11+$0xA610] =	vst v3  }
0x33a: {  	v3 =	vld [tilespmem:s1+$0x820]  }
0x33b: {  	v8 =	vld [tilespmem:s9+$0x8520]  }
0x33c: {  	v5 =	vadd.f32 v6, v5;
	_ =	sdelay $0x1  }
0x33d: {  	[tilespmem:s21+$0x9E40] =	vst v5;
	v4 =	vadd.f32 v7, v4  }
0x33e: {  	v5 =	vld [tilespmem:s22+$0x50]  }
0x33f: {  	v6 =	vld [tilespmem:s20+$0x8450];
	[tilespmem:s18+$0xA230] =	vst v4;
	v3 =	vadd.f32 v8, v3  }
0x340: {  	v4 =	vld [tilespmem:s19+$0x440]  }
0x341: {  	v7 =	vld [tilespmem:s17+$0x84C0];
	[tilespmem:s11+$0xA620] =	vst v3  }
0x342: {  	v3 =	vld [tilespmem:s1+$0x830]  }
0x343: {  	v8 =	vld [tilespmem:s9+$0x8530]  }
0x344: {  	v5 =	vadd.f32 v6, v5;
	_ =	sdelay $0x1  }
0x345: {  	[tilespmem:s21+$0x9E50] =	vst v5;
	v4 =	vadd.f32 v7, v4  }
0x346: {  	v5 =	vld [tilespmem:s22+$0x60]  }
0x347: {  	v6 =	vld [tilespmem:s20+$0x8460];
	[tilespmem:s18+$0xA240] =	vst v4;
	v3 =	vadd.f32 v8, v3  }
0x348: {  	v4 =	vld [tilespmem:s19+$0x450]  }
0x349: {  	v7 =	vld [tilespmem:s17+$0x84D0];
	[tilespmem:s11+$0xA630] =	vst v3  }
0x34a: {  	v3 =	vld [tilespmem:s1+$0x840]  }
0x34b: {  	s23 =	simm.s32 $0xC00;
	s24 =	simm.s32 $0x300;
	v8 =	vld [tilespmem:s9+$0x8540]  }
0x34c: {  	s3 =	sand.u32 $0x380, s24;
	s2 =	sand.u32 $0x3000, s23;
	s23 =	simm.s32 $0x600;
	v5 =	vadd.f32 v6, v5  }
0x34d: {  	s2 =	sor.u32 s3, s2;
	v6 =	vld [tilespmem:s23+$0x8400]  }
0x34e: {  	[tilespmem:s21+$0x9E60] =	vst v5;
	v5 =	vld [tilespmem:s2+$0x1DE00];
	v4 =	vadd.f32 v7, v4  }
0x34f: {  	v7 =	vld [tilespmem:s22+$0x70]  }
0x350: {  	[tilespmem:s18+$0xA250] =	vst v4;
	v3 =	vadd.f32 v8, v3;
	v4 =	vld [tilespmem:s20+$0x8470]  }
0x351: {  	v8 =	vld [tilespmem:s19+$0x460]  }
0x352: {  	s25 =	simm.s32 $0x180;
	s26 =	simm.s32 $0x8600;
	[tilespmem:s11+$0xA640] =	vst v3;
	v3 =	vld [tilespmem:s17+$0x84E0]  }
0x353: {  	s4 =	sand.u32 $0x9000, s26;
	s3 =	sand.u32 $0x380, s25;
	v5 =	vadd.f32 v6, v5;
	v9 =	vld [tilespmem:s1+$0x850]  }
0x354: {  	s24 =	sor.u32 s3, s4;
	v6 =	vld [tilespmem:s9+$0x8550]  }
0x355: {  	s25 =	sadd.s32 $0x1DE00, s2;
	[tilespmem:s24+$0x9E00] =	vst v5;
	v4 =	vadd.f32 v4, v7  }
0x356: {  	v5 =	vld [tilespmem:s25+$0x10]  }
0x357: {  	[tilespmem:s21+$0x9E70] =	vst v4;
	v3 =	vadd.f32 v3, v8;
	v4 =	vld [tilespmem:s23+$0x8410]  }
0x358: {  	v7 =	vld [tilespmem:s22+$0x400]  }
0x359: {  	[tilespmem:s18+$0xA260] =	vst v3;
	v3 =	vadd.f32 v6, v9;
	v6 =	vld [tilespmem:s20+$0x8480]  }
0x35a: {  	v8 =	vld [tilespmem:s19+$0x470]  }
0x35b: {  	[tilespmem:s11+$0xA650] =	vst v3;
	v3 =	vld [tilespmem:s17+$0x84F0]  }
0x35c: {  	v9 =	vld [tilespmem:s1+$0x860];
	v4 =	vadd.f32 v4, v5  }
0x35d: {  	v5 =	vld [tilespmem:s9+$0x8560]  }
0x35e: {  	v6 =	vadd.f32 v6, v7;
	[tilespmem:s24+$0x9E10] =	vst v4  }
0x35f: {  	v4 =	vld [tilespmem:s25+$0x20]  }
0x360: {  	v7 =	vld [tilespmem:s23+$0x8420];
	v3 =	vadd.f32 v3, v8;
	[tilespmem:s21+$0xA200] =	vst v6  }
0x361: {  	v6 =	vld [tilespmem:s22+$0x410]  }
0x362: {  	[tilespmem:s18+$0xA270] =	vst v3;
	v3 =	vadd.f32 v5, v9;
	v5 =	vld [tilespmem:s20+$0x8490]  }
0x363: {  	v8 =	vld [tilespmem:s19+$0x800]  }
0x364: {  	[tilespmem:s11+$0xA660] =	vst v3;
	v3 =	vld [tilespmem:s17+$0x8500]  }
0x365: {  	v4 =	vadd.f32 v7, v4;
	v7 =	vld [tilespmem:s1+$0x870]  }
0x366: {  	v9 =	vld [tilespmem:s9+$0x8570]  }
0x367: {  	[tilespmem:s24+$0x9E20] =	vst v4;
	v4 =	vadd.f32 v5, v6  }
0x368: {  	v5 =	vld [tilespmem:s25+$0x30]  }
0x369: {  	v6 =	vld [tilespmem:s23+$0x8430];
	[tilespmem:s21+$0xA210] =	vst v4;
	v3 =	vadd.f32 v3, v8  }
0x36a: {  	v4 =	vld [tilespmem:s22+$0x420]  }
0x36b: {  	v8 =	vld [tilespmem:s20+$0x84A0];
	[tilespmem:s18+$0xA600] =	vst v3;
	v3 =	vadd.f32 v9, v7  }
0x36c: {  	v7 =	vld [tilespmem:s19+$0x810]  }
0x36d: {  	v9 =	vld [tilespmem:s17+$0x8510];
	[tilespmem:s11+$0xA670] =	vst v3  }
0x36e: {  	v3 =	vadd.f32 v6, v5;
	v5 =	vld [tilespmem:s1+$0xC00]  }
0x36f: {  	v6 =	vld [tilespmem:s9+$0x8580]  }
0x370: {  	[tilespmem:s24+$0x9E30] =	vst v3;
	v3 =	vadd.f32 v8, v4  }
0x371: {  	v4 =	vld [tilespmem:s25+$0x40]  }
0x372: {  	v8 =	vld [tilespmem:s23+$0x8440];
	[tilespmem:s21+$0xA220] =	vst v3;
	v3 =	vadd.f32 v9, v7  }
0x373: {  	v7 =	vld [tilespmem:s22+$0x430]  }
0x374: {  	v9 =	vld [tilespmem:s20+$0x84B0];
	[tilespmem:s18+$0xA610] =	vst v3;
	v3 =	vadd.f32 v6, v5  }
0x375: {  	v5 =	vld [tilespmem:s19+$0x820]  }
0x376: {  	v6 =	vld [tilespmem:s17+$0x8520];
	[tilespmem:s11+$0xAA00] =	vst v3  }
0x377: {  	v3 =	vadd.f32 v8, v4;
	v4 =	vld [tilespmem:s1+$0xC10]  }
0x378: {  	v8 =	vld [tilespmem:s9+$0x8590]  }
0x379: {  	[tilespmem:s24+$0x9E40] =	vst v3;
	v3 =	vadd.f32 v9, v7  }
0x37a: {  	v7 =	vld [tilespmem:s25+$0x50]  }
0x37b: {  	v9 =	vld [tilespmem:s23+$0x8450];
	[tilespmem:s21+$0xA230] =	vst v3;
	v3 =	vadd.f32 v6, v5  }
0x37c: {  	v5 =	vld [tilespmem:s22+$0x440]  }
0x37d: {  	v6 =	vld [tilespmem:s20+$0x84C0];
	[tilespmem:s18+$0xA620] =	vst v3;
	v3 =	vadd.f32 v8, v4  }
0x37e: {  	v4 =	vld [tilespmem:s19+$0x830]  }
0x37f: {  	v8 =	vld [tilespmem:s17+$0x8530];
	[tilespmem:s11+$0xAA10] =	vst v3  }
0x380: {  	v3 =	vadd.f32 v9, v7;
	v7 =	vld [tilespmem:s1+$0xC20]  }
0x381: {  	s12 =	simm.s32 $0x800;
	v9 =	vld [tilespmem:s9+$0x85A0]  }
0x382: {  	v10 =	vld [tilespmem:s12+$0x8400];
	[tilespmem:s24+$0x9E50] =	vst v3;
	v3 =	vadd.f32 v6, v5  }
0x383: {  	v5 =	vld [tilespmem:s25+$0x60]  }
0x384: {  	v6 =	vld [tilespmem:s23+$0x8460];
	[tilespmem:s21+$0xA240] =	vst v3;
	v3 =	vadd.f32 v8, v4  }
0x385: {  	v4 =	vld [tilespmem:s22+$0x450]  }
0x386: {  	v8 =	vld [tilespmem:s20+$0x84D0];
	[tilespmem:s18+$0xA630] =	vst v3;
	v3 =	vadd.f32 v9, v7  }
0x387: {  	v7 =	vld [tilespmem:s19+$0x840]  }
0x388: {  	s28 =	simm.s32 $0xE00;
	s29 =	simm.s32 $0x380;
	v9 =	vld [tilespmem:s17+$0x8540];
	[tilespmem:s11+$0xAA20] =	vst v3  }
0x389: {  	s3 =	sand.u32 $0x380, s29;
	s2 =	sand.u32 $0x3000, s28;
	v3 =	vadd.f32 v6, v5;
	v5 =	vld [tilespmem:s1+$0xC30]  }
0x38a: {  	s2 =	sor.u32 s3, s2;
	v6 =	vld [tilespmem:s9+$0x85B0]  }
0x38b: {  	[tilespmem:s24+$0x9E60] =	vst v3;
	v3 =	vadd.f32 v8, v4;
	v8 =	vld [tilespmem:s2+$0x1DE00]  }
0x38c: {  	v4 =	vld [tilespmem:s25+$0x70]  }
0x38d: {  	[tilespmem:s21+$0xA250] =	vst v3;
	v3 =	vadd.f32 v9, v7;
	v7 =	vld [tilespmem:s23+$0x8470]  }
0x38e: {  	v9 =	vld [tilespmem:s22+$0x460]  }
0x38f: {  	[tilespmem:s18+$0xA640] =	vst v3;
	v3 =	vadd.f32 v6, v5;
	v5 =	vld [tilespmem:s20+$0x84E0]  }
0x390: {  	s30 =	simm.s32 $0x200;
	s31 =	simm.s32 $0x8800;
	v6 =	vld [tilespmem:s19+$0x850]  }
0x391: {  	s4 =	sand.u32 $0x9000, s31;
	s3 =	sand.u32 $0x380, s30;
	[tilespmem:s11+$0xAA30] =	vst v3;
	v3 =	vadd.f32 v10, v8;
	v8 =	vld [tilespmem:s17+$0x8550]  }
0x392: {  	s14 =	sor.u32 s3, s4;
	v4 =	vadd.f32 v7, v4;
	v7 =	vld [tilespmem:s1+$0xC40]  }
0x393: {  	s13 =	sadd.s32 $0x1DE00, s2;
	[tilespmem:s14+$0x9E00] =	vst v3;
	v3 =	vld [tilespmem:s9+$0x85C0]  }
0x394: {  	v10 =	vld [tilespmem:s13+$0x10]  }
0x395: {  	[tilespmem:s24+$0x9E70] =	vst v4;
	v4 =	vadd.f32 v5, v9;
	v9 =	vld [tilespmem:s12+$0x8410]  }
0x396: {  	v5 =	vld [tilespmem:s25+$0x400]  }
0x397: {  	[tilespmem:s21+$0xA260] =	vst v4;
	v4 =	vadd.f32 v8, v6;
	v6 =	vld [tilespmem:s23+$0x8480]  }
0x398: {  	v8 =	vld [tilespmem:s22+$0x470]  }
0x399: {  	[tilespmem:s18+$0xA650] =	vst v4;
	v3 =	vadd.f32 v3, v7;
	v4 =	vld [tilespmem:s20+$0x84F0]  }
0x39a: {  	v7 =	vld [tilespmem:s19+$0x860]  }
0x39b: {  	[tilespmem:s11+$0xAA40] =	vst v3;
	v3 =	vadd.f32 v9, v10;
	v9 =	vld [tilespmem:s17+$0x8560]  }
0x39c: {  	v10 =	vld [tilespmem:s1+$0xC50]  }
0x39d: {  	v5 =	vadd.f32 v6, v5;
	[tilespmem:s14+$0x9E10] =	vst v3;
	v3 =	vld [tilespmem:s9+$0x85D0]  }
0x39e: {  	v6 =	vld [tilespmem:s13+$0x20]  }
0x39f: {  	v4 =	vadd.f32 v4, v8;
	v8 =	vld [tilespmem:s12+$0x8420];
	[tilespmem:s24+$0xA200] =	vst v5  }
0x3a0: {  	v5 =	vld [tilespmem:s25+$0x410]  }
0x3a1: {  	[tilespmem:s21+$0xA270] =	vst v4;
	v4 =	vadd.f32 v9, v7;
	v7 =	vld [tilespmem:s23+$0x8490]  }
0x3a2: {  	v9 =	vld [tilespmem:s22+$0x800]  }
0x3a3: {  	[tilespmem:s18+$0xA660] =	vst v4;
	v3 =	vadd.f32 v3, v10;
	v4 =	vld [tilespmem:s20+$0x8500]  }
0x3a4: {  	v6 =	vadd.f32 v8, v6;
	v8 =	vld [tilespmem:s19+$0x870]  }
0x3a5: {  	[tilespmem:s11+$0xAA50] =	vst v3;
	v3 =	vld [tilespmem:s17+$0x8570]  }
0x3a6: {  	[tilespmem:s14+$0x9E20] =	vst v6;
	v5 =	vadd.f32 v7, v5;
	v6 =	vld [tilespmem:s1+$0xC60]  }
0x3a7: {  	v7 =	vld [tilespmem:s13+$0x30]  }
0x3a8: {  	v10 =	vld [tilespmem:s12+$0x8430];
	[tilespmem:s24+$0xA210] =	vst v5;
	v4 =	vadd.f32 v4, v9  }
0x3a9: {  	v5 =	vld [tilespmem:s25+$0x420]  }
0x3aa: {  	v9 =	vld [tilespmem:s23+$0x84A0];
	[tilespmem:s21+$0xA600] =	vst v4;
	v3 =	vadd.f32 v3, v8  }
0x3ab: {  	v4 =	vld [tilespmem:s22+$0x810]  }
0x3ac: {  	v8 =	vld [tilespmem:s20+$0x8510];
	[tilespmem:s18+$0xA670] =	vst v3  }
0x3ad: {  	v3 =	vadd.f32 v10, v7;
	v7 =	vld [tilespmem:s19+$0xC00]  }
0x3ae: {  	v10 =	vld [tilespmem:s17+$0x8580]  }
0x3af: {  	[tilespmem:s14+$0x9E30] =	vst v3;
	v3 =	vadd.f32 v9, v5;
	v5 =	vld [tilespmem:s9+$0x85E0]  }
0x3b0: {  	v9 =	vld [tilespmem:s13+$0x40]  }
0x3b1: {  	v11 =	vld [tilespmem:s12+$0x8440];
	[tilespmem:s24+$0xA220] =	vst v3;
	v3 =	vadd.f32 v8, v4  }
0x3b2: {  	v4 =	vld [tilespmem:s25+$0x430]  }
0x3b3: {  	v8 =	vld [tilespmem:s23+$0x84B0];
	[tilespmem:s21+$0xA610] =	vst v3;
	v3 =	vadd.f32 v10, v7  }
0x3b4: {  	v7 =	vld [tilespmem:s22+$0x820]  }
0x3b5: {  	v5 =	vadd.f32 v5, v6;
	v6 =	vld [tilespmem:s20+$0x8520];
	[tilespmem:s18+$0xAA00] =	vst v3  }
0x3b6: {  	v3 =	vadd.f32 v11, v9;
	v9 =	vld [tilespmem:s19+$0xC10]  }
0x3b7: {  	[tilespmem:s11+$0xAA60] =	vst v5;
	v5 =	vld [tilespmem:s17+$0x8590]  }
0x3b8: {  	[tilespmem:s14+$0x9E40] =	vst v3;
	v3 =	vadd.f32 v8, v4;
	v10 =	vld [tilespmem:s1+$0xC70]  }
0x3b9: {  	v4 =	vld [tilespmem:s13+$0x50]  }
0x3ba: {  	v8 =	vld [tilespmem:s12+$0x8450];
	[tilespmem:s24+$0xA230] =	vst v3;
	v3 =	vadd.f32 v6, v7  }
0x3bb: {  	v6 =	vld [tilespmem:s25+$0x440]  }
0x3bc: {  	v7 =	vld [tilespmem:s23+$0x84C0];
	[tilespmem:s21+$0xA620] =	vst v3  }
0x3bd: {  	v3 =	vadd.f32 v5, v9;
	v5 =	vld [tilespmem:s22+$0x830]  }
0x3be: {  	v11 =	vld [tilespmem:s20+$0x8530]  }
0x3bf: {  	v13 =	vld [tilespmem:s9+$0x85F0];
	[tilespmem:s18+$0xAA10] =	vst v3;
	v3 =	vadd.f32 v8, v4  }
0x3c0: {  	v4 =	vld [tilespmem:s19+$0xC20]  }
0x3c1: {  	v12 =	vld [tilespmem:s17+$0x85A0];
	[tilespmem:s14+$0x9E50] =	vst v3;
	v3 =	vadd.f32 v7, v6  }
0x3c2: {  	v8 =	vld [tilespmem:s13+$0x60]  }
0x3c3: {  	v9 =	vld [tilespmem:s12+$0x8460];
	[tilespmem:s24+$0xA240] =	vst v3;
	v3 =	vadd.f32 v11, v5  }
0x3c4: {  	v6 =	vld [tilespmem:s25+$0x450]  }
0x3c5: {  	v7 =	vld [tilespmem:s23+$0x84D0];
	[tilespmem:s21+$0xA630] =	vst v3  }
0x3c6: {  	s0 =	simm.s32 $0x280;
	s4 =	simm.s32 $0x2800;
	s1 =	simm.s32 $0x8A00;
	v4 =	vadd.f32 v12, v4;
	v3 =	vadd.f32 v13, v10;
	v5 =	vld [tilespmem:s22+$0x840]  }
.LBB2_6:
0x3c7: {  	s3 =	sadd.s32 $0xFFFF8600, s1  }
0x3c8: {  	s5 =	sadd.s32 $0x180, s0;
	v10 =	vld [tilespmem:s20+$0x8540];
	[tilespmem:s18+$0xAA20] =	vst v4;
	s6 =	smov.u32 s4;
	s2 =	sadd.s32 $0x800, s4  }
0x3c9: {  	s7 =	sand.u32 $0x3000, s3;
	s5 =	sand.u32 $0x380, s5;
	s3 =	sshra.s32 s6, $0x2;
	v4 =	vadd.f32 v9, v8;
	v8 =	vld [tilespmem:s19+$0xC30];
	[tilespmem:s11+$0xAA70] =	vst v3  }
0x3ca: {  	p0 =	sne.s32 s4, $0x6000;
	s11 =	smov.u32 s18;
	s5 =	sor.u32 s5, s7;
	v3 =	vld [tilespmem:s17+$0x85B0]  }
0x3cb: {  	s18 =	smov.u32 s21;
	s21 =	smov.u32 s24;
	s24 =	smov.u32 s14;
	v9 =	vld [tilespmem:s3+$0x8400];
	[tilespmem:s14+$0x9E60] =	vst v4;
	v4 =	vadd.f32 v7, v6  }
0x3cc: {  	v6 =	vld [tilespmem:s13+$0x70]  }
0x3cd: {  	v7 =	vld [tilespmem:s5+$0x1DE00];
	[tilespmem:s21+$0xA250] =	vst v4;
	v4 =	vadd.f32 v10, v5  }
0x3ce: {  	v5 =	vld [tilespmem:s12+$0x8470]  }
0x3cf: {  	v10 =	vld [tilespmem:s25+$0x460];
	[tilespmem:s18+$0xA640] =	vst v4;
	v3 =	vadd.f32 v3, v8  }
0x3d0: {  	s4 =	sand.u32 $0x9000, s1;
	s6 =	sand.u32 $0x380, s0;
	v4 =	vld [tilespmem:s23+$0x84E0]  }
0x3d1: {  	s14 =	sor.u32 s6, s4;
	v8 =	vld [tilespmem:s22+$0x850];
	[tilespmem:s11+$0xAA30] =	vst v3  }
0x3d2: {  	s4 =	sadd.s32 $0x1DE00, s5;
	v3 =	vadd.f32 v9, v7;
	v7 =	vld [tilespmem:s20+$0x8550]  }
0x3d3: {  	v5 =	vadd.f32 v5, v6;
	v6 =	vld [tilespmem:s19+$0xC40]  }
0x3d4: {  	[tilespmem:s14+$0x9E00] =	vst v3;
	v3 =	vld [tilespmem:s17+$0x85C0]  }
0x3d5: {  	v9 =	vld [tilespmem:s4+$0x10];
	[tilespmem:s24+$0x9E70] =	vst v5;
	v4 =	vadd.f32 v4, v10  }
0x3d6: {  	v5 =	vld [tilespmem:s13+$0x400]  }
0x3d7: {  	v10 =	vld [tilespmem:s3+$0x8410];
	[tilespmem:s21+$0xA260] =	vst v4;
	v4 =	vadd.f32 v7, v8  }
0x3d8: {  	v7 =	vld [tilespmem:s12+$0x8480]  }
0x3d9: {  	v8 =	vld [tilespmem:s25+$0x470];
	[tilespmem:s18+$0xA650] =	vst v4;
	v3 =	vadd.f32 v3, v6  }
0x3da: {  	v4 =	vld [tilespmem:s23+$0x84F0]  }
0x3db: {  	v6 =	vld [tilespmem:s22+$0x860];
	[tilespmem:s11+$0xAA40] =	vst v3  }
0x3dc: {  	v3 =	vadd.f32 v10, v9;
	v9 =	vld [tilespmem:s20+$0x8560]  }
0x3dd: {  	v5 =	vadd.f32 v7, v5;
	v7 =	vld [tilespmem:s19+$0xC50]  }
0x3de: {  	[tilespmem:s14+$0x9E10] =	vst v3;
	v3 =	vld [tilespmem:s17+$0x85D0]  }
0x3df: {  	v10 =	vld [tilespmem:s4+$0x20];
	v4 =	vadd.f32 v4, v8  }
0x3e0: {  	v8 =	vld [tilespmem:s3+$0x8420];
	[tilespmem:s24+$0xA200] =	vst v5  }
0x3e1: {  	v5 =	vld [tilespmem:s13+$0x410];
	[tilespmem:s21+$0xA270] =	vst v4;
	v4 =	vadd.f32 v9, v6  }
0x3e2: {  	v6 =	vld [tilespmem:s12+$0x8490]  }
0x3e3: {  	v9 =	vld [tilespmem:s25+$0x800];
	[tilespmem:s18+$0xA660] =	vst v4;
	v3 =	vadd.f32 v3, v7  }
0x3e4: {  	v4 =	vld [tilespmem:s23+$0x8500]  }
0x3e5: {  	v7 =	vadd.f32 v8, v10;
	v8 =	vld [tilespmem:s22+$0x870];
	[tilespmem:s11+$0xAA50] =	vst v3  }
0x3e6: {  	v3 =	vld [tilespmem:s20+$0x8570]  }
0x3e7: {  	[tilespmem:s14+$0x9E20] =	vst v7;
	v5 =	vadd.f32 v6, v5;
	v6 =	vld [tilespmem:s19+$0xC60]  }
0x3e8: {  	v7 =	vld [tilespmem:s4+$0x30]  }
0x3e9: {  	v10 =	vld [tilespmem:s3+$0x8430];
	[tilespmem:s24+$0xA210] =	vst v5;
	v4 =	vadd.f32 v4, v9  }
0x3ea: {  	v5 =	vld [tilespmem:s13+$0x420]  }
0x3eb: {  	v9 =	vld [tilespmem:s12+$0x84A0];
	[tilespmem:s21+$0xA600] =	vst v4;
	v3 =	vadd.f32 v3, v8  }
0x3ec: {  	v4 =	vld [tilespmem:s25+$0x810]  }
0x3ed: {  	v8 =	vld [tilespmem:s23+$0x8510];
	[tilespmem:s18+$0xA670] =	vst v3  }
0x3ee: {  	v3 =	vadd.f32 v10, v7;
	v7 =	vld [tilespmem:s22+$0xC00]  }
0x3ef: {  	v10 =	vld [tilespmem:s20+$0x8580]  }
0x3f0: {  	[tilespmem:s14+$0x9E30] =	vst v3;
	v3 =	vadd.f32 v9, v5;
	v5 =	vld [tilespmem:s17+$0x85E0]  }
0x3f1: {  	v9 =	vld [tilespmem:s4+$0x40]  }
0x3f2: {  	v11 =	vld [tilespmem:s3+$0x8440];
	[tilespmem:s24+$0xA220] =	vst v3;
	v3 =	vadd.f32 v8, v4  }
0x3f3: {  	v4 =	vld [tilespmem:s13+$0x430]  }
0x3f4: {  	v8 =	vld [tilespmem:s12+$0x84B0];
	[tilespmem:s21+$0xA610] =	vst v3;
	v3 =	vadd.f32 v10, v7  }
0x3f5: {  	v7 =	vld [tilespmem:s25+$0x820];
	v5 =	vadd.f32 v5, v6  }
0x3f6: {  	v6 =	vld [tilespmem:s23+$0x8520];
	[tilespmem:s18+$0xAA00] =	vst v3  }
0x3f7: {  	v3 =	vadd.f32 v11, v9;
	v9 =	vld [tilespmem:s22+$0xC10];
	[tilespmem:s11+$0xAA60] =	vst v5  }
0x3f8: {  	v5 =	vld [tilespmem:s20+$0x8590]  }
0x3f9: {  	[tilespmem:s14+$0x9E40] =	vst v3;
	v3 =	vadd.f32 v8, v4;
	v10 =	vld [tilespmem:s19+$0xC70];
	s19 =	smov.u32 s22;
	s22 =	smov.u32 s25;
	s25 =	smov.u32 s13  }
0x3fa: {  	s13 =	smov.u32 s4;
	v4 =	vld [tilespmem:s4+$0x50]  }
0x3fb: {  	v8 =	vld [tilespmem:s3+$0x8450];
	[tilespmem:s24+$0xA230] =	vst v3;
	v3 =	vadd.f32 v6, v7  }
0x3fc: {  	v6 =	vld [tilespmem:s25+$0x440]  }
0x3fd: {  	v7 =	vld [tilespmem:s12+$0x84C0];
	[tilespmem:s21+$0xA620] =	vst v3;
	v3 =	vadd.f32 v5, v9  }
0x3fe: {  	v5 =	vld [tilespmem:s22+$0x830]  }
0x3ff: {  	v11 =	vld [tilespmem:s23+$0x8530];
	[tilespmem:s18+$0xAA10] =	vst v3  }
0x400: {  	v3 =	vadd.f32 v8, v4;
	v4 =	vld [tilespmem:s19+$0xC20]  }
0x401: {  	v12 =	vld [tilespmem:s20+$0x85A0]  }
0x402: {  	[tilespmem:s14+$0x9E50] =	vst v3;
	v3 =	vadd.f32 v7, v6;
	v13 =	vld [tilespmem:s17+$0x85F0];
	s17 =	smov.u32 s20;
	s20 =	smov.u32 s23;
	s23 =	smov.u32 s12  }
.Ltmp5:
0x403: {  	s12 =	smov.u32 s3;
	v8 =	vld [tilespmem:s13+$0x60];
	(pc) =	sbr.rel @p0 .LBB2_6-.Ltmp5, $4  }
0x404: {  	v9 =	vld [tilespmem:s12+$0x8460];
	[tilespmem:s24+$0xA240] =	vst v3;
	v3 =	vadd.f32 v11, v5  }
0x405: {  	v6 =	vld [tilespmem:s25+$0x450]  }
0x406: {  	v7 =	vld [tilespmem:s23+$0x84D0];
	[tilespmem:s21+$0xA630] =	vst v3;
	v4 =	vadd.f32 v12, v4  }
0x407: {  	s1 =	sadd.s32 $0x200, s1;
	s0 =	sadd.s32 $0x80, s0;
	s4 =	smov.u32 s2;
	v5 =	vld [tilespmem:s22+$0x840];
	v3 =	vadd.f32 v13, v10  }
0x408: {  	_ = 	snop  }
0x409: {  	v8 =	vadd.f32 v9, v8;
	_ =	sdelay $0x1  }
0x40a: {  	[tilespmem:s14+$0x9E60] =	vst v8  }
0x40b: {  	v8 =	vld [tilespmem:s13+$0x70]  }
0x40c: {  	v58 =	vld [tilespmem:s12+$0x8470];
	_ =	sdelay $0x4  }
0x40d: {  	v8 =	vadd.f32 v58, v8;
	_ =	sdelay $0x1  }
0x40e: {  	[tilespmem:s14+$0x9E70] =	vst v8  }
0x40f: {  	v8 =	vld [tilespmem:s13+$0x400]  }
0x410: {  	v59 =	vld [tilespmem:s12+$0x8480];
	_ =	sdelay $0x4  }
0x411: {  	v8 =	vadd.f32 v59, v8;
	_ =	sdelay $0x1  }
0x412: {  	[tilespmem:s14+$0xA200] =	vst v8  }
0x413: {  	v8 =	vld [tilespmem:s13+$0x410]  }
0x414: {  	v60 =	vld [tilespmem:s12+$0x8490];
	_ =	sdelay $0x4  }
0x415: {  	v8 =	vadd.f32 v60, v8;
	_ =	sdelay $0x1  }
0x416: {  	[tilespmem:s14+$0xA210] =	vst v8  }
0x417: {  	v8 =	vld [tilespmem:s13+$0x420]  }
0x418: {  	v61 =	vld [tilespmem:s12+$0x84A0];
	_ =	sdelay $0x4  }
0x419: {  	v8 =	vadd.f32 v61, v8;
	_ =	sdelay $0x1  }
0x41a: {  	[tilespmem:s14+$0xA220] =	vst v8  }
0x41b: {  	v8 =	vld [tilespmem:s13+$0x430]  }
0x41c: {  	v62 =	vld [tilespmem:s12+$0x84B0];
	_ =	sdelay $0x4  }
0x41d: {  	v8 =	vadd.f32 v62, v8;
	_ =	sdelay $0x1  }
0x41e: {  	[tilespmem:s14+$0xA230] =	vst v8  }
0x41f: {  	v8 =	vld [tilespmem:s13+$0x440]  }
0x420: {  	v63 =	vld [tilespmem:s12+$0x84C0];
	_ =	sdelay $0x4  }
0x421: {  	v8 =	vadd.f32 v63, v8;
	_ =	sdelay $0x1  }
0x422: {  	[tilespmem:s14+$0xA240] =	vst v8  }
0x423: {  	v8 =	vld [tilespmem:s13+$0x450]  }
0x424: {  	v12 =	vld [tilespmem:s12+$0x84D0];
	_ =	sdelay $0x2  }
0x425: {  	v6 =	vadd.f32 v7, v6;
	_ =	sdelay $0x1  }
0x426: {  	[tilespmem:s24+$0xA250] =	vst v6;
	v6 =	vadd.f32 v12, v8  }
0x427: {  	v7 =	vld [tilespmem:s25+$0x460]  }
0x428: {  	v13 =	vld [tilespmem:s23+$0x84E0];
	[tilespmem:s14+$0xA250] =	vst v6  }
0x429: {  	v6 =	vld [tilespmem:s13+$0x460]  }
0x42a: {  	v14 =	vld [tilespmem:s12+$0x84E0];
	_ =	sdelay $0x2  }
0x42b: {  	v7 =	vadd.f32 v13, v7;
	_ =	sdelay $0x1  }
0x42c: {  	[tilespmem:s24+$0xA260] =	vst v7;
	v6 =	vadd.f32 v14, v6  }
0x42d: {  	v7 =	vld [tilespmem:s25+$0x470]  }
0x42e: {  	v15 =	vld [tilespmem:s23+$0x84F0];
	[tilespmem:s14+$0xA260] =	vst v6  }
0x42f: {  	v6 =	vld [tilespmem:s13+$0x470]  }
0x430: {  	v16 =	vld [tilespmem:s12+$0x84F0];
	_ =	sdelay $0x2  }
0x431: {  	v7 =	vadd.f32 v15, v7;
	_ =	sdelay $0x1  }
0x432: {  	[tilespmem:s24+$0xA270] =	vst v7;
	v6 =	vadd.f32 v16, v6  }
0x433: {  	v7 =	vld [tilespmem:s25+$0x800]  }
0x434: {  	v17 =	vld [tilespmem:s23+$0x8500];
	[tilespmem:s14+$0xA270] =	vst v6  }
0x435: {  	v6 =	vld [tilespmem:s13+$0x800]  }
0x436: {  	v18 =	vld [tilespmem:s12+$0x8500];
	_ =	sdelay $0x2  }
0x437: {  	v7 =	vadd.f32 v17, v7;
	_ =	sdelay $0x1  }
0x438: {  	[tilespmem:s24+$0xA600] =	vst v7;
	v6 =	vadd.f32 v18, v6  }
0x439: {  	v7 =	vld [tilespmem:s25+$0x810]  }
0x43a: {  	v19 =	vld [tilespmem:s23+$0x8510];
	[tilespmem:s14+$0xA600] =	vst v6  }
0x43b: {  	v6 =	vld [tilespmem:s13+$0x810]  }
0x43c: {  	v20 =	vld [tilespmem:s12+$0x8510];
	_ =	sdelay $0x2  }
0x43d: {  	v7 =	vadd.f32 v19, v7;
	_ =	sdelay $0x1  }
0x43e: {  	[tilespmem:s24+$0xA610] =	vst v7;
	v6 =	vadd.f32 v20, v6  }
0x43f: {  	v7 =	vld [tilespmem:s25+$0x820]  }
0x440: {  	v21 =	vld [tilespmem:s23+$0x8520];
	[tilespmem:s14+$0xA610] =	vst v6  }
0x441: {  	v6 =	vld [tilespmem:s13+$0x820]  }
0x442: {  	v22 =	vld [tilespmem:s12+$0x8520];
	_ =	sdelay $0x2  }
0x443: {  	v7 =	vadd.f32 v21, v7;
	_ =	sdelay $0x1  }
0x444: {  	[tilespmem:s24+$0xA620] =	vst v7;
	v6 =	vadd.f32 v22, v6  }
0x445: {  	v7 =	vld [tilespmem:s25+$0x830]  }
0x446: {  	v23 =	vld [tilespmem:s23+$0x8530];
	[tilespmem:s14+$0xA620] =	vst v6  }
0x447: {  	v6 =	vld [tilespmem:s13+$0x830]  }
0x448: {  	v24 =	vld [tilespmem:s12+$0x8530];
	_ =	sdelay $0x2  }
0x449: {  	v7 =	vadd.f32 v23, v7;
	_ =	sdelay $0x1  }
0x44a: {  	v25 =	vld [tilespmem:s20+$0x8540];
	[tilespmem:s24+$0xA630] =	vst v7;
	v6 =	vadd.f32 v24, v6  }
0x44b: {  	v7 =	vld [tilespmem:s25+$0x840]  }
0x44c: {  	v26 =	vld [tilespmem:s23+$0x8540];
	[tilespmem:s14+$0xA630] =	vst v6  }
0x44d: {  	v6 =	vld [tilespmem:s13+$0x840]  }
0x44e: {  	v10 =	vld [tilespmem:s12+$0x8540]  }
0x44f: {  	v5 =	vadd.f32 v25, v5;
	_ =	sdelay $0x1  }
0x450: {  	[tilespmem:s21+$0xA640] =	vst v5;
	v5 =	vadd.f32 v26, v7  }
0x451: {  	v27 =	vld [tilespmem:s20+$0x8550]  }
0x452: {  	v7 =	vld [tilespmem:s22+$0x850];
	[tilespmem:s24+$0xA640] =	vst v5;
	v5 =	vadd.f32 v10, v6  }
0x453: {  	v28 =	vld [tilespmem:s23+$0x8550]  }
0x454: {  	v6 =	vld [tilespmem:s25+$0x850];
	[tilespmem:s14+$0xA640] =	vst v5  }
0x455: {  	v5 =	vld [tilespmem:s13+$0x850]  }
0x456: {  	v29 =	vld [tilespmem:s12+$0x8550]  }
0x457: {  	v7 =	vadd.f32 v27, v7;
	_ =	sdelay $0x1  }
0x458: {  	[tilespmem:s21+$0xA650] =	vst v7;
	v6 =	vadd.f32 v28, v6  }
0x459: {  	v7 =	vld [tilespmem:s22+$0x860]  }
0x45a: {  	v30 =	vld [tilespmem:s20+$0x8560];
	[tilespmem:s24+$0xA650] =	vst v6;
	v5 =	vadd.f32 v29, v5  }
0x45b: {  	v6 =	vld [tilespmem:s25+$0x860]  }
0x45c: {  	v31 =	vld [tilespmem:s23+$0x8560];
	[tilespmem:s14+$0xA650] =	vst v5  }
0x45d: {  	v5 =	vld [tilespmem:s13+$0x860]  }
0x45e: {  	v32 =	vld [tilespmem:s12+$0x8560]  }
0x45f: {  	v7 =	vadd.f32 v30, v7;
	_ =	sdelay $0x1  }
0x460: {  	[tilespmem:s21+$0xA660] =	vst v7;
	v6 =	vadd.f32 v31, v6  }
0x461: {  	v7 =	vld [tilespmem:s22+$0x870]  }
0x462: {  	v33 =	vld [tilespmem:s20+$0x8570];
	[tilespmem:s24+$0xA660] =	vst v6;
	v5 =	vadd.f32 v32, v5  }
0x463: {  	v6 =	vld [tilespmem:s25+$0x870]  }
0x464: {  	v34 =	vld [tilespmem:s23+$0x8570];
	[tilespmem:s14+$0xA660] =	vst v5  }
0x465: {  	v5 =	vld [tilespmem:s13+$0x870]  }
0x466: {  	v35 =	vld [tilespmem:s12+$0x8570]  }
0x467: {  	v7 =	vadd.f32 v33, v7;
	_ =	sdelay $0x1  }
0x468: {  	[tilespmem:s21+$0xA670] =	vst v7;
	v6 =	vadd.f32 v34, v6  }
0x469: {  	v7 =	vld [tilespmem:s22+$0xC00]  }
0x46a: {  	v36 =	vld [tilespmem:s20+$0x8580];
	[tilespmem:s24+$0xA670] =	vst v6;
	v5 =	vadd.f32 v35, v5  }
0x46b: {  	v6 =	vld [tilespmem:s25+$0xC00]  }
0x46c: {  	v37 =	vld [tilespmem:s23+$0x8580];
	[tilespmem:s14+$0xA670] =	vst v5  }
0x46d: {  	v5 =	vld [tilespmem:s13+$0xC00]  }
0x46e: {  	v38 =	vld [tilespmem:s12+$0x8580]  }
0x46f: {  	v7 =	vadd.f32 v36, v7;
	_ =	sdelay $0x1  }
0x470: {  	[tilespmem:s21+$0xAA00] =	vst v7;
	v6 =	vadd.f32 v37, v6  }
0x471: {  	v7 =	vld [tilespmem:s22+$0xC10]  }
0x472: {  	v39 =	vld [tilespmem:s20+$0x8590];
	[tilespmem:s24+$0xAA00] =	vst v6;
	v5 =	vadd.f32 v38, v5  }
0x473: {  	v6 =	vld [tilespmem:s25+$0xC10]  }
0x474: {  	v40 =	vld [tilespmem:s23+$0x8590];
	[tilespmem:s14+$0xAA00] =	vst v5  }
0x475: {  	v5 =	vld [tilespmem:s13+$0xC10]  }
0x476: {  	v41 =	vld [tilespmem:s12+$0x8590]  }
0x477: {  	v7 =	vadd.f32 v39, v7;
	_ =	sdelay $0x1  }
0x478: {  	[tilespmem:s21+$0xAA10] =	vst v7;
	v6 =	vadd.f32 v40, v6  }
0x479: {  	v7 =	vld [tilespmem:s22+$0xC20]  }
0x47a: {  	v42 =	vld [tilespmem:s20+$0x85A0];
	[tilespmem:s24+$0xAA10] =	vst v6;
	v5 =	vadd.f32 v41, v5  }
0x47b: {  	v6 =	vld [tilespmem:s25+$0xC20]  }
0x47c: {  	v43 =	vld [tilespmem:s23+$0x85A0];
	[tilespmem:s14+$0xAA10] =	vst v5  }
0x47d: {  	v5 =	vld [tilespmem:s13+$0xC20]  }
0x47e: {  	v44 =	vld [tilespmem:s12+$0x85A0]  }
0x47f: {  	[tilespmem:s18+$0xAA20] =	vst v4;
	v4 =	vadd.f32 v42, v7  }
0x480: {  	v45 =	vld [tilespmem:s17+$0x85B0]  }
0x481: {  	v7 =	vld [tilespmem:s19+$0xC30];
	[tilespmem:s21+$0xAA20] =	vst v4;
	v4 =	vadd.f32 v43, v6  }
0x482: {  	v46 =	vld [tilespmem:s20+$0x85B0]  }
0x483: {  	v6 =	vld [tilespmem:s22+$0xC30];
	[tilespmem:s24+$0xAA20] =	vst v4;
	v4 =	vadd.f32 v44, v5  }
0x484: {  	v5 =	vld [tilespmem:s25+$0xC30]  }
0x485: {  	v47 =	vld [tilespmem:s23+$0x85B0];
	[tilespmem:s14+$0xAA20] =	vst v4  }
0x486: {  	v4 =	vadd.f32 v45, v7;
	v7 =	vld [tilespmem:s13+$0xC30]  }
0x487: {  	v48 =	vld [tilespmem:s12+$0x85B0]  }
0x488: {  	[tilespmem:s18+$0xAA30] =	vst v4;
	v4 =	vadd.f32 v46, v6  }
0x489: {  	v6 =	vld [tilespmem:s19+$0xC40]  }
0x48a: {  	v49 =	vld [tilespmem:s17+$0x85C0];
	[tilespmem:s21+$0xAA30] =	vst v4;
	v4 =	vadd.f32 v47, v5  }
0x48b: {  	v5 =	vld [tilespmem:s22+$0xC40]  }
0x48c: {  	v50 =	vld [tilespmem:s20+$0x85C0];
	[tilespmem:s24+$0xAA30] =	vst v4;
	v4 =	vadd.f32 v48, v7  }
0x48d: {  	v7 =	vld [tilespmem:s25+$0xC40]  }
0x48e: {  	v51 =	vld [tilespmem:s23+$0x85C0];
	[tilespmem:s14+$0xAA30] =	vst v4  }
0x48f: {  	v4 =	vadd.f32 v49, v6;
	v6 =	vld [tilespmem:s13+$0xC40]  }
0x490: {  	v52 =	vld [tilespmem:s12+$0x85C0]  }
0x491: {  	[tilespmem:s18+$0xAA40] =	vst v4;
	v4 =	vadd.f32 v50, v5  }
0x492: {  	v5 =	vld [tilespmem:s19+$0xC50]  }
0x493: {  	v53 =	vld [tilespmem:s17+$0x85D0];
	[tilespmem:s21+$0xAA40] =	vst v4;
	v4 =	vadd.f32 v51, v7  }
0x494: {  	v7 =	vld [tilespmem:s22+$0xC50]  }
0x495: {  	v54 =	vld [tilespmem:s20+$0x85D0];
	[tilespmem:s24+$0xAA40] =	vst v4;
	v4 =	vadd.f32 v52, v6  }
0x496: {  	v6 =	vld [tilespmem:s25+$0xC50]  }
0x497: {  	v55 =	vld [tilespmem:s23+$0x85D0];
	[tilespmem:s14+$0xAA40] =	vst v4  }
0x498: {  	v4 =	vadd.f32 v53, v5;
	v5 =	vld [tilespmem:s13+$0xC50]  }
0x499: {  	v56 =	vld [tilespmem:s12+$0x85D0]  }
0x49a: {  	[tilespmem:s18+$0xAA50] =	vst v4;
	v4 =	vadd.f32 v54, v7  }
0x49b: {  	v7 =	vld [tilespmem:s19+$0xC60]  }
0x49c: {  	v57 =	vld [tilespmem:s17+$0x85E0];
	[tilespmem:s21+$0xAA50] =	vst v4;
	v4 =	vadd.f32 v55, v6  }
0x49d: {  	v6 =	vld [tilespmem:s22+$0xC60]  }
0x49e: {  	v58 =	vld [tilespmem:s20+$0x85E0];
	[tilespmem:s24+$0xAA50] =	vst v4;
	v4 =	vadd.f32 v56, v5  }
0x49f: {  	v5 =	vld [tilespmem:s25+$0xC60]  }
0x4a0: {  	v59 =	vld [tilespmem:s23+$0x85E0];
	[tilespmem:s14+$0xAA50] =	vst v4  }
0x4a1: {  	v4 =	vadd.f32 v57, v7;
	v7 =	vld [tilespmem:s13+$0xC60]  }
0x4a2: {  	v60 =	vld [tilespmem:s12+$0x85E0]  }
0x4a3: {  	[tilespmem:s18+$0xAA60] =	vst v4;
	v4 =	vadd.f32 v58, v6  }
0x4a4: {  	v6 =	vld [tilespmem:s19+$0xC70]  }
0x4a5: {  	v61 =	vld [tilespmem:s17+$0x85F0];
	[tilespmem:s21+$0xAA60] =	vst v4;
	v4 =	vadd.f32 v59, v5  }
0x4a6: {  	v5 =	vld [tilespmem:s22+$0xC70]  }
0x4a7: {  	v62 =	vld [tilespmem:s20+$0x85F0];
	[tilespmem:s24+$0xAA60] =	vst v4;
	v4 =	vadd.f32 v60, v7  }
0x4a8: {  	v7 =	vld [tilespmem:s25+$0xC70]  }
0x4a9: {  	v63 =	vld [tilespmem:s23+$0x85F0];
	[tilespmem:s14+$0xAA60] =	vst v4  }
0x4aa: {  	v4 =	vld [tilespmem:s13+$0xC70]  }
0x4ab: {  	v11 =	vld [tilespmem:s12+$0x85F0]  }
0x4ac: {  	v6 =	vadd.f32 v61, v6  }
0x4ad: {  	[tilespmem:s11+$0xAA70] =	vst v3  }
0x4ae: {  	v3 =	vadd.f32 v62, v5;
	[tilespmem:s18+$0xAA70] =	vst v6  }
0x4af: {  	s0 =	sld [smem:$0x7F7];
	v5 =	vadd.f32 v63, v7  }
0x4b0: {  	s1 =	sld [smem:$0x7F4];
	[tilespmem:s21+$0xAA70] =	vst v3;
	v3 =	vadd.f32 v11, v4  }
0x4b1: {  	[tilespmem:s24+$0xAA70] =	vst v5  }
0x4b2: {  	[tilespmem:s14+$0xAA70] =	vst v3  }
0x4b3: {  	s0 =	sadd.s32 s0, s1;
	s28 =	sld [smem:$0x7FA]  }
0x4b4: {  	s0 =	smul.u32 $0x1400, s0  }
0x4b5: {  	s30 =	sld [smem:$0x7F6]  }
0x4b6: {  	s29 =	simm.s32 $0x9E00;
	s11 =	simm.s32 $0x0;
	s0 =	sadd.s32 s28, s0  }
0x4b7: {  	[hbm4b:s0+s11] =	stream.linear.scatter [tilespmem:s29], [sflag:$0x3], $0xA000, $0x38;
	[tilespmem:$0x1FE00] =	vst v63  }
0x4b8: {  	v3 =	vld [tilespmem:s30+$0x3D];
	_ =	sdelay $0x4  }
0x4b9: {  	v4 =	vshll.u32 v3, $0x2  }
0x4ba: {  	v3 =	vand.u32 $0x7, v3;
	v4 =	vand.u32 $0xFFFFFFE0, v4  }
0x4bb: {  	v3 =	vor.u32 v3, v4  }
0x4bc: {  	v4 =	vperm.xlane v3, v0;
	_ =	sdelay $0x1  }
0x4bd: {  	v4 =	vadd.s32 v1, v4;
	_ =	sdelay $0x1  }
0x4be: {  	v3 =	vperm.xlane v3, v2  }
0x4bf: {  	s31 =	rddreg [dreg:$0x1]  }
0x4c0: {  	s3 =	simm.s32 $0x1DE00;
	s4 =	sld [smem:$0x7FD];
	v3 =	vadd.s32 v1, v3  }
0x4c1: {  	[tilespmem:s3], [sflag:$0x5] =	stream.indirect_vreg.gather [hbm4b:s31+s11], $0x80, v4, vm0, $0xb8;
	[tilespmem:$0x1FE00] =	vst v63  }
0x4c2: {  	s2 =	simm.s32 $0x1E600  }
0x4c3: {  	[tilespmem:s2], [sflag:$0x5] =	stream.indirect_vreg.gather [hbm4b:s4+s11], $0x80, v4, vm0, $0xb8;
	[tilespmem:$0x1FE00] =	vst v63  }
0x4c4: {  	s5 =	simm.s32 $0x1EE00  }
0x4c5: {  	[tilespmem:s5], [sflag:$0x5] =	stream.indirect_vreg.gather [hbm4b:s31+s11], $0x80, v3, vm0, $0xb8;
	[tilespmem:$0x1FE00] =	vst v63  }
0x4c6: {  	s6 =	simm.s32 $0x1F600;
	s7 =	simm.s32 $0x2  }
0x4c7: {  	[tilespmem:s6], [sflag:$0x5] =	stream.indirect_vreg.gather [hbm4b:s4+s11], $0x80, v3, vm0, $0xb8;
	[tilespmem:$0x1FE00] =	vst v63  }
0x4c8: {  	_ =	swait.ge [sflag:s7], $0x8000  }
0x4c9: {  	[sflag:s7] =	ssyncset.done $0x0  }
0x4ca: {  	s17 =	simm.s32 $0x800;
	[sflag:s7] =	ssyncadd.s32 $0xFFFF8000  }
0x4cb: {  	v3 =	vld [tilespmem:s17+$0x200]  }
0x4cc: {  	v4 =	vld [tilespmem:s17+$0xFFFFFE00]  }
0x4cd: {  	s8 =	simm.s32 $0x180;
	s4 =	sand.u32 $0x7000, s11;
	v5 =	vld [tilespmem:s17+$0xFFFFFC00]  }
0x4ce: {  	s9 =	simm.s32 $0x80;
	s5 =	sand.u32 $0x380, s8;
	s6 =	sadd.s32 $0x13E00, s4  }
0x4cf: {  	s0 =	sand.u32 $0x280, s9;
	s8 =	sadd.s32 s5, s6;
	v6 =	vld [tilespmem:s17+$0x0]  }
0x4d0: {  	s2 =	sand.u32 $0x200, s11;
	s1 =	sadd.s32 s0, s6;
	[tilespmem:s8+$0x0] =	vst.add.f32.msk $0xffff, v3  }
0x4d1: {  	s7 =	sadd.s32 s2, s6;
	[tilespmem:s1+$0x0] =	vst.add.f32.msk $0xffff, v4  }
0x4d2: {  	[tilespmem:s7+$0x0] =	vst.add.f32.msk $0xffff, v5  }
0x4d3: {  	s3 =	simm.s32 $0x100;
	v3 =	vld [tilespmem:s17+$0x210]  }
0x4d4: {  	s3 =	sand.u32 $0x300, s3;
	v4 =	vld [tilespmem:s17+$0xFFFFFC10]  }
0x4d5: {  	s6 =	sadd.s32 s3, s6;
	v5 =	vld [tilespmem:s17+$0xFFFFFE10]  }
0x4d6: {  	[tilespmem:s6+$0x0] =	vst.add.f32.msk $0xffff, v6  }
0x4d7: {  	s9 =	sor.u32 $0x10, s8;
	v6 =	vld [tilespmem:s17+$0x10]  }
0x4d8: {  	s10 =	sor.u32 $0x10, s7;
	[tilespmem:s9+$0x0] =	vst.add.f32.msk $0xffff, v3  }
0x4d9: {  	s13 =	sor.u32 $0x10, s1;
	[tilespmem:s10+$0x0] =	vst.add.f32.msk $0xffff, v4  }
0x4da: {  	[tilespmem:s13+$0x0] =	vst.add.f32.msk $0xffff, v5  }
0x4db: {  	v3 =	vld [tilespmem:s17+$0x220]  }
0x4dc: {  	s10 =	sor.u32 $0x10, s6;
	v4 =	vld [tilespmem:s17+$0xFFFFFC20]  }
0x4dd: {  	[tilespmem:s10+$0x0] =	vst.add.f32.msk $0xffff, v6  }
0x4de: {  	v5 =	vld [tilespmem:s17+$0xFFFFFE20]  }
0x4df: {  	s12 =	sor.u32 $0x20, s8;
	v6 =	vld [tilespmem:s17+$0x20]  }
0x4e0: {  	s15 =	sor.u32 $0x20, s7;
	[tilespmem:s12+$0x0] =	vst.add.f32.msk $0xffff, v3  }
0x4e1: {  	[tilespmem:s15+$0x0] =	vst.add.f32.msk $0xffff, v4  }
0x4e2: {  	s16 =	sor.u32 $0x20, s1;
	v3 =	vld [tilespmem:s17+$0x230]  }
0x4e3: {  	[tilespmem:s16+$0x0] =	vst.add.f32.msk $0xffff, v5  }
0x4e4: {  	s19 =	sor.u32 $0x20, s6;
	v4 =	vld [tilespmem:s17+$0xFFFFFC30]  }
0x4e5: {  	[tilespmem:s19+$0x0] =	vst.add.f32.msk $0xffff, v6  }
0x4e6: {  	s14 =	sor.u32 $0x30, s8;
	v5 =	vld [tilespmem:s17+$0xFFFFFE30]  }
0x4e7: {  	[tilespmem:s14+$0x0] =	vst.add.f32.msk $0xffff, v3  }
0x4e8: {  	v3 =	vld [tilespmem:s17+$0x240]  }
0x4e9: {  	s20 =	sor.u32 $0x30, s7;
	v6 =	vld [tilespmem:s17+$0x30]  }
0x4ea: {  	s22 =	sor.u32 $0x30, s1;
	[tilespmem:s20+$0x0] =	vst.add.f32.msk $0xffff, v4  }
0x4eb: {  	[tilespmem:s22+$0x0] =	vst.add.f32.msk $0xffff, v5  }
0x4ec: {  	s18 =	sor.u32 $0x40, s8;
	v4 =	vld [tilespmem:s17+$0xFFFFFC40]  }
0x4ed: {  	[tilespmem:s18+$0x0] =	vst.add.f32.msk $0xffff, v3  }
0x4ee: {  	s23 =	sor.u32 $0x30, s6;
	v3 =	vld [tilespmem:s17+$0x250]  }
0x4ef: {  	[tilespmem:s23+$0x0] =	vst.add.f32.msk $0xffff, v6  }
0x4f0: {  	v5 =	vld [tilespmem:s17+$0xFFFFFE40]  }
0x4f1: {  	s25 =	sor.u32 $0x40, s7;
	v6 =	vld [tilespmem:s17+$0x40]  }
0x4f2: {  	s21 =	sor.u32 $0x50, s8;
	[tilespmem:s25+$0x0] =	vst.add.f32.msk $0xffff, v4  }
0x4f3: {  	[tilespmem:s21+$0x0] =	vst.add.f32.msk $0xffff, v3  }
0x4f4: {  	s26 =	sor.u32 $0x40, s1;
	v3 =	vld [tilespmem:s17+$0x260]  }
0x4f5: {  	[tilespmem:s26+$0x0] =	vst.add.f32.msk $0xffff, v5  }
0x4f6: {  	s28 =	sor.u32 $0x40, s6;
	v4 =	vld [tilespmem:s17+$0xFFFFFC50]  }
0x4f7: {  	[tilespmem:s28+$0x0] =	vst.add.f32.msk $0xffff, v6  }
0x4f8: {  	s24 =	sor.u32 $0x60, s8;
	v5 =	vld [tilespmem:s17+$0xFFFFFE50]  }
0x4f9: {  	[tilespmem:s24+$0x0] =	vst.add.f32.msk $0xffff, v3  }
0x4fa: {  	v3 =	vld [tilespmem:s17+$0x270]  }
0x4fb: {  	s29 =	sor.u32 $0x50, s7;
	v6 =	vld [tilespmem:s17+$0x50]  }
0x4fc: {  	s12 =	sor.u32 $0x50, s1;
	[tilespmem:s29+$0x0] =	vst.add.f32.msk $0xffff, v4  }
0x4fd: {  	[tilespmem:s12+$0x0] =	vst.add.f32.msk $0xffff, v5  }
0x4fe: {  	s8 =	sor.u32 $0x70, s8;
	v4 =	vld [tilespmem:s17+$0xFFFFFC60]  }
0x4ff: {  	[tilespmem:s8+$0x0] =	vst.add.f32.msk $0xffff, v3  }
0x500: {  	s13 =	sor.u32 $0x50, s6;
	v3 =	vld [tilespmem:s17+$0x280]  }
0x501: {  	[tilespmem:s13+$0x0] =	vst.add.f32.msk $0xffff, v6  }
0x502: {  	s15 =	sor.u32 $0x60, s7;
	v5 =	vld [tilespmem:s17+$0xFFFFFE60]  }
0x503: {  	s30 =	sadd.s32 $0x14200, s4;
	[tilespmem:s15+$0x0] =	vst.add.f32.msk $0xffff, v4  }
0x504: {  	s31 =	sadd.s32 s5, s30;
	v4 =	vld [tilespmem:s17+$0x60]  }
0x505: {  	[tilespmem:s31+$0x0] =	vst.add.f32.msk $0xffff, v3  }
0x506: {  	s16 =	sor.u32 $0x60, s1;
	v3 =	vld [tilespmem:s17+$0x290]  }
0x507: {  	[tilespmem:s16+$0x0] =	vst.add.f32.msk $0xffff, v5  }
0x508: {  	s19 =	sor.u32 $0x60, s6;
	v5 =	vld [tilespmem:s17+$0xFFFFFC70]  }
0x509: {  	[tilespmem:s19+$0x0] =	vst.add.f32.msk $0xffff, v4  }
0x50a: {  	s14 =	sor.u32 $0x10, s31;
	v4 =	vld [tilespmem:s17+$0xFFFFFE70]  }
0x50b: {  	[tilespmem:s14+$0x0] =	vst.add.f32.msk $0xffff, v3  }
0x50c: {  	v3 =	vld [tilespmem:s17+$0x2A0]  }
0x50d: {  	s7 =	sor.u32 $0x70, s7;
	v6 =	vld [tilespmem:s17+$0x70]  }
0x50e: {  	[tilespmem:s7+$0x0] =	vst.add.f32.msk $0xffff, v5  }
0x50f: {  	s1 =	sor.u32 $0x70, s1;
	v5 =	vld [tilespmem:s17+$0xFFFFFC80]  }
0x510: {  	s18 =	sor.u32 $0x20, s31;
	[tilespmem:s1+$0x0] =	vst.add.f32.msk $0xffff, v4  }
0x511: {  	[tilespmem:s18+$0x0] =	vst.add.f32.msk $0xffff, v3  }
0x512: {  	s6 =	sor.u32 $0x70, s6;
	v3 =	vld [tilespmem:s17+$0x2B0]  }
0x513: {  	[tilespmem:s6+$0x0] =	vst.add.f32.msk $0xffff, v6  }
0x514: {  	v4 =	vld [tilespmem:s17+$0xFFFFFE80]  }
0x515: {  	s7 =	sadd.s32 s2, s30;
	v6 =	vld [tilespmem:s17+$0x80]  }
0x516: {  	s20 =	sor.u32 $0x30, s31;
	[tilespmem:s7+$0x0] =	vst.add.f32.msk $0xffff, v5  }
0x517: {  	[tilespmem:s20+$0x0] =	vst.add.f32.msk $0xffff, v3  }
0x518: {  	s1 =	sadd.s32 s0, s30;
	v3 =	vld [tilespmem:s17+$0x2C0]  }
0x519: {  	[tilespmem:s1+$0x0] =	vst.add.f32.msk $0xffff, v4  }
0x51a: {  	s6 =	sadd.s32 s3, s30;
	v4 =	vld [tilespmem:s17+$0xFFFFFC90]  }
0x51b: {  	[tilespmem:s6+$0x0] =	vst.add.f32.msk $0xffff, v6  }
0x51c: {  	s21 =	sor.u32 $0x40, s31;
	v5 =	vld [tilespmem:s17+$0xFFFFFE90]  }
0x51d: {  	[tilespmem:s21+$0x0] =	vst.add.f32.msk $0xffff, v3  }
0x51e: {  	v3 =	vld [tilespmem:s17+$0x2D0]  }
0x51f: {  	s23 =	sor.u32 $0x10, s7;
	v6 =	vld [tilespmem:s17+$0x90]  }
0x520: {  	[tilespmem:s23+$0x0] =	vst.add.f32.msk $0xffff, v4  }
0x521: {  	s25 =	sor.u32 $0x10, s1;
	v4 =	vld [tilespmem:s17+$0xFFFFFCA0]  }
0x522: {  	s22 =	sor.u32 $0x50, s31;
	[tilespmem:s25+$0x0] =	vst.add.f32.msk $0xffff, v5  }
0x523: {  	[tilespmem:s22+$0x0] =	vst.add.f32.msk $0xffff, v3  }
0x524: {  	s26 =	sor.u32 $0x10, s6;
	v3 =	vld [tilespmem:s17+$0x2E0]  }
0x525: {  	[tilespmem:s26+$0x0] =	vst.add.f32.msk $0xffff, v6  }
0x526: {  	v5 =	vld [tilespmem:s17+$0xFFFFFEA0]  }
0x527: {  	s28 =	sor.u32 $0x20, s7;
	v6 =	vld [tilespmem:s17+$0xA0]  }
0x528: {  	s24 =	sor.u32 $0x60, s31;
	[tilespmem:s28+$0x0] =	vst.add.f32.msk $0xffff, v4  }
0x529: {  	[tilespmem:s24+$0x0] =	vst.add.f32.msk $0xffff, v3  }
0x52a: {  	s29 =	sor.u32 $0x20, s1;
	v3 =	vld [tilespmem:s17+$0x2F0]  }
0x52b: {  	[tilespmem:s29+$0x0] =	vst.add.f32.msk $0xffff, v5  }
0x52c: {  	s30 =	sor.u32 $0x20, s6;
	v4 =	vld [tilespmem:s17+$0xFFFFFCB0]  }
0x52d: {  	[tilespmem:s30+$0x0] =	vst.add.f32.msk $0xffff, v6  }
0x52e: {  	s8 =	sor.u32 $0x70, s31;
	v5 =	vld [tilespmem:s17+$0xFFFFFEB0]  }
0x52f: {  	[tilespmem:s8+$0x0] =	vst.add.f32.msk $0xffff, v3  }
0x530: {  	v3 =	vld [tilespmem:s17+$0x300]  }
0x531: {  	s31 =	sor.u32 $0x30, s7;
	v6 =	vld [tilespmem:s17+$0xB0]  }
0x532: {  	s13 =	sor.u32 $0x30, s1;
	[tilespmem:s31+$0x0] =	vst.add.f32.msk $0xffff, v4  }
0x533: {  	[tilespmem:s13+$0x0] =	vst.add.f32.msk $0xffff, v5;
	s8 =	sadd.s32 $0x14600, s4  }
0x534: {  	v4 =	vld [tilespmem:s17+$0xFFFFFCC0];
	s9 =	sadd.s32 s5, s8  }
0x535: {  	[tilespmem:s9+$0x0] =	vst.add.f32.msk $0xffff, v3  }
0x536: {  	s14 =	sor.u32 $0x30, s6;
	v3 =	vld [tilespmem:s17+$0x310]  }
0x537: {  	[tilespmem:s14+$0x0] =	vst.add.f32.msk $0xffff, v6  }
0x538: {  	s16 =	sor.u32 $0x40, s7;
	v5 =	vld [tilespmem:s17+$0xFFFFFEC0]  }
0x539: {  	[tilespmem:s16+$0x0] =	vst.add.f32.msk $0xffff, v4  }
0x53a: {  	v4 =	vld [tilespmem:s17+$0xC0];
	s12 =	sor.u32 $0x10, s9  }
0x53b: {  	[tilespmem:s12+$0x0] =	vst.add.f32.msk $0xffff, v3  }
0x53c: {  	s18 =	sor.u32 $0x40, s1;
	v3 =	vld [tilespmem:s17+$0x320]  }
0x53d: {  	[tilespmem:s18+$0x0] =	vst.add.f32.msk $0xffff, v5  }
0x53e: {  	s20 =	sor.u32 $0x40, s6;
	v5 =	vld [tilespmem:s17+$0xFFFFFCD0]  }
0x53f: {  	[tilespmem:s20+$0x0] =	vst.add.f32.msk $0xffff, v4  }
0x540: {  	v4 =	vld [tilespmem:s17+$0xFFFFFED0];
	s15 =	sor.u32 $0x20, s9  }
0x541: {  	[tilespmem:s15+$0x0] =	vst.add.f32.msk $0xffff, v3  }
0x542: {  	v3 =	vld [tilespmem:s17+$0x330]  }
0x543: {  	s21 =	sor.u32 $0x50, s7;
	v6 =	vld [tilespmem:s17+$0xD0]  }
0x544: {  	s23 =	sor.u32 $0x50, s1;
	[tilespmem:s21+$0x0] =	vst.add.f32.msk $0xffff, v5  }
0x545: {  	[tilespmem:s23+$0x0] =	vst.add.f32.msk $0xffff, v4  }
0x546: {  	v4 =	vld [tilespmem:s17+$0xFFFFFCE0];
	s19 =	sor.u32 $0x30, s9  }
0x547: {  	[tilespmem:s19+$0x0] =	vst.add.f32.msk $0xffff, v3  }
0x548: {  	s24 =	sor.u32 $0x50, s6;
	v3 =	vld [tilespmem:s17+$0x340]  }
0x549: {  	[tilespmem:s24+$0x0] =	vst.add.f32.msk $0xffff, v6  }
0x54a: {  	v5 =	vld [tilespmem:s17+$0xFFFFFEE0]  }
0x54b: {  	s26 =	sor.u32 $0x60, s7;
	v6 =	vld [tilespmem:s17+$0xE0]  }
0x54c: {  	[tilespmem:s26+$0x0] =	vst.add.f32.msk $0xffff, v4;
	s22 =	sor.u32 $0x40, s9  }
0x54d: {  	[tilespmem:s22+$0x0] =	vst.add.f32.msk $0xffff, v3  }
0x54e: {  	v3 =	vld [tilespmem:s17+$0x350]  }
0x54f: {  	s28 =	sor.u32 $0x60, s1;
	v4 =	vld [tilespmem:s17+$0xFFFFFCF0]  }
0x550: {  	s30 =	sor.u32 $0x60, s6;
	[tilespmem:s28+$0x0] =	vst.add.f32.msk $0xffff, v5  }
0x551: {  	[tilespmem:s30+$0x0] =	vst.add.f32.msk $0xffff, v6  }
0x552: {  	s25 =	sor.u32 $0x50, s9;
	v5 =	vld [tilespmem:s17+$0xF0]  }
0x553: {  	[tilespmem:s25+$0x0] =	vst.add.f32.msk $0xffff, v3  }
0x554: {  	s7 =	sor.u32 $0x70, s7;
	v3 =	vld [tilespmem:s17+$0x360]  }
0x555: {  	[tilespmem:s7+$0x0] =	vst.add.f32.msk $0xffff, v4  }
0x556: {  	v4 =	vld [tilespmem:s17+$0xFFFFFEF0]  }
0x557: {  	s6 =	sor.u32 $0x70, s6;
	v6 =	vld [tilespmem:s17+$0xFFFFFD00]  }
0x558: {  	s29 =	sor.u32 $0x60, s9;
	[tilespmem:s6+$0x0] =	vst.add.f32.msk $0xffff, v5  }
0x559: {  	[tilespmem:s29+$0x0] =	vst.add.f32.msk $0xffff, v3  }
0x55a: {  	v3 =	vld [tilespmem:s17+$0x370]  }
0x55b: {  	s1 =	sor.u32 $0x70, s1;
	v5 =	vld [tilespmem:s17+$0x100]  }
0x55c: {  	[tilespmem:s1+$0x0] =	vst.add.f32.msk $0xffff, v4  }
0x55d: {  	s6 =	sadd.s32 s2, s8;
	v4 =	vld [tilespmem:s17+$0xFFFFFF00]  }
0x55e: {  	s31 =	sor.u32 $0x70, s9;
	[tilespmem:s6+$0x0] =	vst.add.f32.msk $0xffff, v6  }
0x55f: {  	[tilespmem:s31+$0x0] =	vst.add.f32.msk $0xffff, v3  }
0x560: {  	s7 =	sadd.s32 s3, s8;
	v3 =	vld [tilespmem:s17+$0x380]  }
0x561: {  	s4 =	sadd.s32 $0x14A00, s4;
	[tilespmem:s7+$0x0] =	vst.add.f32.msk $0xffff, v5  }
0x562: {  	s1 =	sadd.s32 s5, s4;
	s5 =	sadd.s32 s0, s8;
	v6 =	vld [tilespmem:s17+$0x110]  }
0x563: {  	[tilespmem:s5+$0x0] =	vst.add.f32.msk $0xffff, v4  }
0x564: {  	v4 =	vld [tilespmem:s17+$0xFFFFFD10]  }
0x565: {  	[tilespmem:s1+$0x0] =	vst.add.f32.msk $0xffff, v3  }
0x566: {  	v3 =	vld [tilespmem:s17+$0x390]  }
0x567: {  	s14 =	sor.u32 $0x10, s7;
	v5 =	vld [tilespmem:s17+$0xFFFFFF10]  }
0x568: {  	s10 =	sor.u32 $0x10, s6;
	[tilespmem:s14+$0x0] =	vst.add.f32.msk $0xffff, v6  }
0x569: {  	[tilespmem:s10+$0x0] =	vst.add.f32.msk $0xffff, v4  }
0x56a: {  	s9 =	sor.u32 $0x10, s1;
	v4 =	vld [tilespmem:s17+$0xFFFFFD20]  }
0x56b: {  	[tilespmem:s9+$0x0] =	vst.add.f32.msk $0xffff, v3  }
0x56c: {  	s13 =	sor.u32 $0x10, s5;
	v3 =	vld [tilespmem:s17+$0x3A0]  }
0x56d: {  	[tilespmem:s13+$0x0] =	vst.add.f32.msk $0xffff, v5  }
0x56e: {  	s16 =	sor.u32 $0x20, s6;
	v5 =	vld [tilespmem:s17+$0xFFFFFF20]  }
0x56f: {  	[tilespmem:s16+$0x0] =	vst.add.f32.msk $0xffff, v4  }
0x570: {  	s12 =	sor.u32 $0x20, s1;
	v4 =	vld [tilespmem:s17+$0xFFFFFD30]  }
0x571: {  	[tilespmem:s12+$0x0] =	vst.add.f32.msk $0xffff, v3  }
0x572: {  	s18 =	sor.u32 $0x20, s5;
	v3 =	vld [tilespmem:s17+$0x3B0]  }
0x573: {  	[tilespmem:s18+$0x0] =	vst.add.f32.msk $0xffff, v5  }
0x574: {  	s20 =	sor.u32 $0x30, s6;
	v5 =	vld [tilespmem:s17+$0xFFFFFF30]  }
0x575: {  	[tilespmem:s20+$0x0] =	vst.add.f32.msk $0xffff, v4  }
0x576: {  	s15 =	sor.u32 $0x30, s1;
	v4 =	vld [tilespmem:s17+$0xFFFFFD40]  }
0x577: {  	[tilespmem:s15+$0x0] =	vst.add.f32.msk $0xffff, v3  }
0x578: {  	s21 =	sor.u32 $0x30, s5;
	v3 =	vld [tilespmem:s17+$0x120]  }
0x579: {  	[tilespmem:s21+$0x0] =	vst.add.f32.msk $0xffff, v5  }
0x57a: {  	s23 =	sor.u32 $0x40, s6;
	v5 =	vld [tilespmem:s17+$0xFFFFFF40]  }
0x57b: {  	[tilespmem:s23+$0x0] =	vst.add.f32.msk $0xffff, v4  }
0x57c: {  	s19 =	sor.u32 $0x20, s7;
	v4 =	vld [tilespmem:s17+$0xFFFFFD50]  }
0x57d: {  	[tilespmem:s19+$0x0] =	vst.add.f32.msk $0xffff, v3  }
0x57e: {  	v3 =	vld [tilespmem:s17+$0x130]  }
0x57f: {  	s24 =	sor.u32 $0x40, s5  }
0x580: {  	[tilespmem:s24+$0x0] =	vst.add.f32.msk $0xffff, v5  }
0x581: {  	s26 =	sor.u32 $0x50, s6;
	v5 =	vld [tilespmem:s17+$0xFFFFFF50]  }
0x582: {  	s22 =	sor.u32 $0x30, s7;
	[tilespmem:s26+$0x0] =	vst.add.f32.msk $0xffff, v4  }
0x583: {  	[tilespmem:s22+$0x0] =	vst.add.f32.msk $0xffff, v3  }
0x584: {  	v3 =	vld [tilespmem:s17+$0x140]  }
0x585: {  	s28 =	sor.u32 $0x50, s5;
	v4 =	vld [tilespmem:s17+$0xFFFFFD60]  }
0x586: {  	[tilespmem:s28+$0x0] =	vst.add.f32.msk $0xffff, v5  }
0x587: {  	v5 =	vld [tilespmem:s17+$0xFFFFFF60]  }
0x588: {  	s25 =	sor.u32 $0x40, s7  }
0x589: {  	[tilespmem:s25+$0x0] =	vst.add.f32.msk $0xffff, v3  }
0x58a: {  	s30 =	sor.u32 $0x60, s6;
	v3 =	vld [tilespmem:s17+$0x150]  }
0x58b: {  	s31 =	sor.u32 $0x60, s5;
	[tilespmem:s30+$0x0] =	vst.add.f32.msk $0xffff, v4  }
0x58c: {  	[tilespmem:s31+$0x0] =	vst.add.f32.msk $0xffff, v5  }
0x58d: {  	v5 =	vld [tilespmem:s17+$0xFFFFFD70]  }
0x58e: {  	s29 =	sor.u32 $0x50, s7;
	v4 =	vld [tilespmem:s17+$0x3C0]  }
0x58f: {  	[tilespmem:s29+$0x0] =	vst.add.f32.msk $0xffff, v3  }
0x590: {  	v3 =	vld [tilespmem:s17+$0x160]  }
0x591: {  	s6 =	sor.u32 $0x70, s6  }
0x592: {  	s10 =	sor.u32 $0x40, s1;
	[tilespmem:s6+$0x0] =	vst.add.f32.msk $0xffff, v5  }
0x593: {  	[tilespmem:s10+$0x0] =	vst.add.f32.msk $0xffff, v4  }
0x594: {  	s9 =	sor.u32 $0x60, s7;
	v4 =	vld [tilespmem:s17+$0xFFFFFD80]  }
0x595: {  	[tilespmem:s9+$0x0] =	vst.add.f32.msk $0xffff, v3  }
0x596: {  	v3 =	vld [tilespmem:s17+$0xFFFFFF70]  }
0x597: {  	v6 =	vld [tilespmem:s17+$0x170]  }
0x598: {  	s2 =	sadd.s32 s2, s4  }
0x599: {  	[tilespmem:s2+$0x0] =	vst.add.f32.msk $0xffff, v4  }
0x59a: {  	s5 =	sor.u32 $0x70, s5;
	v4 =	vld [tilespmem:s17+$0xFFFFFD90]  }
0x59b: {  	s12 =	sor.u32 $0x70, s7;
	[tilespmem:s5+$0x0] =	vst.add.f32.msk $0xffff, v3  }
0x59c: {  	[tilespmem:s12+$0x0] =	vst.add.f32.msk $0xffff, v6  }
0x59d: {  	v3 =	vld [tilespmem:s17+$0xFFFFFF80]  }
0x59e: {  	v5 =	vld [tilespmem:s17+$0x180]  }
0x59f: {  	s14 =	sor.u32 $0x10, s2  }
0x5a0: {  	[tilespmem:s14+$0x0] =	vst.add.f32.msk $0xffff, v4  }
0x5a1: {  	s0 =	sadd.s32 s0, s4;
	v4 =	vld [tilespmem:s17+$0xFFFFFDA0]  }
0x5a2: {  	s3 =	sadd.s32 s3, s4;
	[tilespmem:s0+$0x0] =	vst.add.f32.msk $0xffff, v3  }
0x5a3: {  	[tilespmem:s3+$0x0] =	vst.add.f32.msk $0xffff, v5  }
0x5a4: {  	v3 =	vld [tilespmem:s17+$0xFFFFFF90]  }
0x5a5: {  	v5 =	vld [tilespmem:s17+$0x190]  }
0x5a6: {  	s18 =	sor.u32 $0x20, s2  }
0x5a7: {  	[tilespmem:s18+$0x0] =	vst.add.f32.msk $0xffff, v4  }
0x5a8: {  	s15 =	sor.u32 $0x10, s0;
	v4 =	vld [tilespmem:s17+$0xFFFFFDB0]  }
0x5a9: {  	s16 =	sor.u32 $0x10, s3;
	[tilespmem:s15+$0x0] =	vst.add.f32.msk $0xffff, v3  }
0x5aa: {  	[tilespmem:s16+$0x0] =	vst.add.f32.msk $0xffff, v5  }
0x5ab: {  	v3 =	vld [tilespmem:s17+$0xFFFFFFA0]  }
0x5ac: {  	s22 =	sor.u32 $0x30, s2;
	v5 =	vld [tilespmem:s17+$0x1A0]  }
0x5ad: {  	[tilespmem:s22+$0x0] =	vst.add.f32.msk $0xffff, v4  }
0x5ae: {  	v4 =	vld [tilespmem:s17+$0xFFFFFDC0]  }
0x5af: {  	s19 =	sor.u32 $0x20, s0;
	v6 =	vld [tilespmem:s17+$0x3D0]  }
0x5b0: {  	s20 =	sor.u32 $0x20, s3;
	[tilespmem:s19+$0x0] =	vst.add.f32.msk $0xffff, v3  }
0x5b1: {  	[tilespmem:s20+$0x0] =	vst.add.f32.msk $0xffff, v5  }
0x5b2: {  	v3 =	vld [tilespmem:s17+$0xFFFFFFB0]  }
0x5b3: {  	s25 =	sor.u32 $0x40, s2;
	v5 =	vld [tilespmem:s17+$0x1B0]  }
0x5b4: {  	s13 =	sor.u32 $0x50, s1;
	[tilespmem:s25+$0x0] =	vst.add.f32.msk $0xffff, v4  }
0x5b5: {  	[tilespmem:s13+$0x0] =	vst.add.f32.msk $0xffff, v6  }
0x5b6: {  	s23 =	sor.u32 $0x30, s0;
	v6 =	vld [tilespmem:s17+$0x3E0]  }
0x5b7: {  	s24 =	sor.u32 $0x30, s3;
	[tilespmem:s23+$0x0] =	vst.add.f32.msk $0xffff, v3  }
0x5b8: {  	[tilespmem:s24+$0x0] =	vst.add.f32.msk $0xffff, v5  }
0x5b9: {  	v3 =	vld [tilespmem:s17+$0xFFFFFFC0]  }
0x5ba: {  	v5 =	vld [tilespmem:s17+$0x1C0]  }
0x5bb: {  	s21 =	sor.u32 $0x60, s1;
	v4 =	vld [tilespmem:s17+$0xFFFFFDD0]  }
0x5bc: {  	[tilespmem:s21+$0x0] =	vst.add.f32.msk $0xffff, v6  }
0x5bd: {  	s26 =	sor.u32 $0x40, s0;
	v6 =	vld [tilespmem:s17+$0x3F0]  }
0x5be: {  	s28 =	sor.u32 $0x40, s3;
	[tilespmem:s26+$0x0] =	vst.add.f32.msk $0xffff, v3  }
0x5bf: {  	[tilespmem:s28+$0x0] =	vst.add.f32.msk $0xffff, v5  }
0x5c0: {  	v3 =	vld [tilespmem:s17+$0xFFFFFFD0]  }
0x5c1: {  	s29 =	sor.u32 $0x50, s2;
	v5 =	vld [tilespmem:s17+$0x1D0]  }
0x5c2: {  	[tilespmem:s29+$0x0] =	vst.add.f32.msk $0xffff, v4  }
0x5c3: {  	s1 =	sor.u32 $0x70, s1;
	v4 =	vld [tilespmem:s17+$0xFFFFFDE0]  }
0x5c4: {  	s30 =	sor.u32 $0x50, s0;
	s31 =	sor.u32 $0x50, s3;
	[tilespmem:s1+$0x0] =	vst.add.f32.msk $0xffff, v6  }
0x5c5: {  	s6 =	sor.u32 $0x60, s2;
	s7 =	sor.u32 $0x60, s0;
	s10 =	sor.u32 $0x60, s3;
	[tilespmem:s30+$0x0] =	vst.add.f32.msk $0xffff, v3  }
0x5c6: {  	s2 =	sor.u32 $0x70, s2;
	s22 =	simm.s32 $0x0;
	s5 =	simm.s32 $0x0;
	[tilespmem:s31+$0x0] =	vst.add.f32.msk $0xffff, v5  }
0x5c7: {  	s0 =	sor.u32 $0x70, s0;
	s1 =	sor.u32 $0x70, s3;
	s23 =	simm.s32 $0x1000;
	v3 =	vld [tilespmem:s17+$0xFFFFFFE0]  }
.LBB2_8:
0x5c8: {  	[dreg:$0x10] =	wrdreg s10;
	v6 =	vld [tilespmem:s23+$0x200]  }
0x5c9: {  	s5 =	sadd.s32 $0x4, s5;
	v7 =	vld [tilespmem:s23+$0xFFFFFE00];
	s11 =	sadd.s32 $0x800, s11;
	s22 =	sadd.s32 $0x200, s22  }
0x5ca: {  	v9 =	vld [tilespmem:s23+$0xFFFFFC00];
	[dreg:$0x5] =	wrdreg s11;
	s25 =	sand.u32 $0x7000, s11;
	s11 =	sadd.s32 $0x180, s22  }
0x5cb: {  	v8 =	vld [tilespmem:s23+$0x0];
	s10 =	sadd.s32 $0x80, s22;
	s12 =	sadd.s32 $0x13E00, s25;
	s3 =	sand.u32 $0x380, s11  }
0x5cc: {  	v5 =	vld [tilespmem:s17+$0x1E0];
	[dreg:$0x6] =	wrdreg s5;
	s4 =	sand.u32 $0x280, s10;
	s9 =	sadd.s32 s3, s12  }
0x5cd: {  	p0 =	slt.u32 s5, $0x3C;
	s5 =	sand.u32 $0x200, s22;
	s20 =	sadd.s32 s4, s12;
	[tilespmem:s9+$0x0] =	vst.add.f32.msk $0xffff, v6  }
0x5ce: {  	[dreg:$0xf] =	wrdreg s6;
	s6 =	sadd.s32 s5, s12;
	[tilespmem:s20+$0x0] =	vst.add.f32.msk $0xffff, v7  }
0x5cf: {  	s13 =	sadd.s32 $0x100, s22;
	[tilespmem:s6+$0x0] =	vst.add.f32.msk $0xffff, v9  }
0x5d0: {  	[dreg:$0xb] =	wrdreg s2;
	s2 =	sand.u32 $0x300, s13;
	v6 =	vld [tilespmem:s23+$0x210]  }
0x5d1: {  	s21 =	sadd.s32 s2, s12;
	v7 =	vld [tilespmem:s23+$0xFFFFFC10]  }
0x5d2: {  	[dreg:$0x13] =	wrdreg s7;
	[tilespmem:s21+$0x0] =	vst.add.f32.msk $0xffff, v8  }
0x5d3: {  	[dreg:$0xe] =	wrdreg s17;
	v61 =	vld [tilespmem:s23+$0xFFFFFE10]  }
0x5d4: {  	[dreg:$0x9] =	wrdreg s0;
	s24 =	sor.u32 $0x10, s20;
	s14 =	sor.u32 $0x10, s9;
	v62 =	vld [tilespmem:s23+$0x10]  }
0x5d5: {  	s26 =	sor.u32 $0x10, s21;
	s28 =	sor.u32 $0x10, s6;
	s29 =	sor.u32 $0x20, s6;
	[tilespmem:s14+$0x0] =	vst.add.f32.msk $0xffff, v6  }
0x5d6: {  	s30 =	sor.u32 $0x20, s20;
	s19 =	sor.u32 $0x30, s6;
	s0 =	sor.u32 $0x30, s20;
	[tilespmem:s28+$0x0] =	vst.add.f32.msk $0xffff, v7  }
0x5d7: {  	s31 =	sor.u32 $0x20, s21;
	s16 =	sor.u32 $0x40, s6;
	s15 =	sor.u32 $0x40, s20;
	v6 =	vld [tilespmem:s23+$0x220]  }
0x5d8: {  	s18 =	sor.u32 $0x30, s21;
	s13 =	sor.u32 $0x50, s6;
	s17 =	sor.u32 $0x40, s21;
	[tilespmem:s24+$0x0] =	vst.add.f32.msk $0xffff, v61  }
0x5d9: {  	s10 =	sor.u32 $0x60, s6;
	s12 =	sor.u32 $0x50, s20;
	s8 =	sor.u32 $0x50, s21;
	[tilespmem:s26+$0x0] =	vst.add.f32.msk $0xffff, v62  }
0x5da: {  	s7 =	sor.u32 $0x70, s6;
	s11 =	sor.u32 $0x60, s21;
	s6 =	sor.u32 $0x70, s20;
	v7 =	vld [tilespmem:s23+$0xFFFFFC20]  }
0x5db: {  	s14 =	sor.u32 $0x60, s20;
	s20 =	sor.u32 $0x70, s21;
	s21 =	sor.u32 $0x20, s9;
	v8 =	vld [tilespmem:s23+$0xFFFFFE20]  }
0x5dc: {  	[tilespmem:s21+$0x0] =	vst.add.f32.msk $0xffff, v6  }
0x5dd: {  	v6 =	vld [tilespmem:s23+$0x230]  }
0x5de: {  	v9 =	vld [tilespmem:s23+$0x20]  }
0x5df: {  	[tilespmem:s29+$0x0] =	vst.add.f32.msk $0xffff, v7  }
0x5e0: {  	[tilespmem:s30+$0x0] =	vst.add.f32.msk $0xffff, v8  }
0x5e1: {  	s26 =	sor.u32 $0x30, s9;
	v7 =	vld [tilespmem:s23+$0xFFFFFC30]  }
0x5e2: {  	[tilespmem:s26+$0x0] =	vst.add.f32.msk $0xffff, v6  }
0x5e3: {  	v6 =	vld [tilespmem:s23+$0x240]  }
0x5e4: {  	[tilespmem:s31+$0x0] =	vst.add.f32.msk $0xffff, v9  }
0x5e5: {  	v8 =	vld [tilespmem:s23+$0xFFFFFE30]  }
0x5e6: {  	v9 =	vld [tilespmem:s23+$0x30]  }
0x5e7: {  	s28 =	sor.u32 $0x40, s9;
	[tilespmem:s19+$0x0] =	vst.add.f32.msk $0xffff, v7  }
0x5e8: {  	[tilespmem:s28+$0x0] =	vst.add.f32.msk $0xffff, v6  }
0x5e9: {  	v6 =	vld [tilespmem:s23+$0x250]  }
0x5ea: {  	[tilespmem:s0+$0x0] =	vst.add.f32.msk $0xffff, v8  }
0x5eb: {  	[tilespmem:s18+$0x0] =	vst.add.f32.msk $0xffff, v9  }
0x5ec: {  	v7 =	vld [tilespmem:s23+$0xFFFFFC40]  }
0x5ed: {  	s29 =	sor.u32 $0x50, s9;
	v8 =	vld [tilespmem:s23+$0xFFFFFE40]  }
0x5ee: {  	[tilespmem:s29+$0x0] =	vst.add.f32.msk $0xffff, v6  }
0x5ef: {  	v6 =	vld [tilespmem:s23+$0x260]  }
0x5f0: {  	v9 =	vld [tilespmem:s23+$0x40]  }
0x5f1: {  	[tilespmem:s16+$0x0] =	vst.add.f32.msk $0xffff, v7  }
0x5f2: {  	[tilespmem:s15+$0x0] =	vst.add.f32.msk $0xffff, v8  }
0x5f3: {  	s30 =	sor.u32 $0x60, s9;
	v7 =	vld [tilespmem:s23+$0xFFFFFC50]  }
0x5f4: {  	[tilespmem:s30+$0x0] =	vst.add.f32.msk $0xffff, v6  }
0x5f5: {  	v6 =	vld [tilespmem:s23+$0x270]  }
0x5f6: {  	[tilespmem:s17+$0x0] =	vst.add.f32.msk $0xffff, v9  }
0x5f7: {  	v8 =	vld [tilespmem:s23+$0xFFFFFE50]  }
0x5f8: {  	v9 =	vld [tilespmem:s23+$0x50]  }
0x5f9: {  	s31 =	sor.u32 $0x70, s9;
	[tilespmem:s13+$0x0] =	vst.add.f32.msk $0xffff, v7  }
0x5fa: {  	[tilespmem:s31+$0x0] =	vst.add.f32.msk $0xffff, v6  }
0x5fb: {  	v6 =	vld [tilespmem:s23+$0x280]  }
0x5fc: {  	[tilespmem:s12+$0x0] =	vst.add.f32.msk $0xffff, v8  }
0x5fd: {  	[tilespmem:s8+$0x0] =	vst.add.f32.msk $0xffff, v9  }
0x5fe: {  	[dreg:$0x1c] =	wrdreg s1;
	s1 =	sadd.s32 $0x14200, s25;
	v7 =	vld [tilespmem:s23+$0xFFFFFC60]  }
0x5ff: {  	s19 =	sadd.s32 s3, s1;
	v8 =	vld [tilespmem:s23+$0xFFFFFE60]  }
0x600: {  	[tilespmem:s19+$0x0] =	vst.add.f32.msk $0xffff, v6  }
0x601: {  	v6 =	vld [tilespmem:s23+$0x290]  }
0x602: {  	v9 =	vld [tilespmem:s23+$0x60]  }
0x603: {  	[tilespmem:s10+$0x0] =	vst.add.f32.msk $0xffff, v7  }
0x604: {  	s24 =	sadd.s32 s2, s1;
	[tilespmem:s14+$0x0] =	vst.add.f32.msk $0xffff, v8  }
0x605: {  	s21 =	sadd.s32 s4, s1;
	s0 =	sadd.s32 s5, s1;
	s1 =	sor.u32 $0x10, s19;
	v7 =	vld [tilespmem:s23+$0xFFFFFC70]  }
0x606: {  	[tilespmem:s1+$0x0] =	vst.add.f32.msk $0xffff, v6  }
0x607: {  	v6 =	vld [tilespmem:s23+$0x2A0]  }
0x608: {  	[tilespmem:s11+$0x0] =	vst.add.f32.msk $0xffff, v9  }
0x609: {  	v8 =	vld [tilespmem:s23+$0xFFFFFE70]  }
0x60a: {  	v9 =	vld [tilespmem:s23+$0x70]  }
0x60b: {  	[smem:$0x7C5] =	sst s20;
	s14 =	sor.u32 $0x20, s19;
	[tilespmem:s7+$0x0] =	vst.add.f32.msk $0xffff, v7  }
0x60c: {  	s11 =	sld [smem:$0x7C5];
	[tilespmem:s14+$0x0] =	vst.add.f32.msk $0xffff, v6  }
0x60d: {  	v6 =	vld [tilespmem:s23+$0x2B0]  }
0x60e: {  	[tilespmem:s6+$0x0] =	vst.add.f32.msk $0xffff, v8  }
0x60f: {  	[tilespmem:s11+$0x0] =	vst.add.f32.msk $0xffff, v9  }
0x610: {  	v7 =	vld [tilespmem:s23+$0xFFFFFC80]  }
0x611: {  	s10 =	sor.u32 $0x30, s19;
	v8 =	vld [tilespmem:s23+$0xFFFFFE80]  }
0x612: {  	[tilespmem:s10+$0x0] =	vst.add.f32.msk $0xffff, v6  }
0x613: {  	v6 =	vld [tilespmem:s23+$0x2C0]  }
0x614: {  	v9 =	vld [tilespmem:s23+$0x80]  }
0x615: {  	[tilespmem:s0+$0x0] =	vst.add.f32.msk $0xffff, v7  }
0x616: {  	[tilespmem:s21+$0x0] =	vst.add.f32.msk $0xffff, v8  }
0x617: {  	v7 =	vld [tilespmem:s23+$0xFFFFFC90];
	s14 =	sor.u32 $0x40, s19  }
0x618: {  	[tilespmem:s14+$0x0] =	vst.add.f32.msk $0xffff, v6  }
0x619: {  	s26 =	sor.u32 $0x30, s21;
	s20 =	sor.u32 $0x10, s0;
	s12 =	sor.u32 $0x60, s0;
	v6 =	vld [tilespmem:s23+$0x2D0]  }
0x61a: {  	s17 =	sor.u32 $0x20, s21;
	[smem:$0x7C8] =	sst s12;
	s12 =	sor.u32 $0x50, s24;
	[tilespmem:s24+$0x0] =	vst.add.f32.msk $0xffff, v9  }
0x61b: {  	s15 =	sor.u32 $0x40, s21;
	[smem:$0x7C7] =	sst s12;
	s12 =	sor.u32 $0x70, s0;
	v8 =	vld [tilespmem:s23+$0xFFFFFE90]  }
0x61c: {  	s8 =	sor.u32 $0x50, s21;
	[smem:$0x7CA] =	sst s12;
	s12 =	sor.u32 $0x60, s21;
	v9 =	vld [tilespmem:s23+$0x90]  }
0x61d: {  	s31 =	sor.u32 $0x10, s21;
	s1 =	sor.u32 $0x70, s21;
	s21 =	sor.u32 $0x50, s19;
	[tilespmem:s20+$0x0] =	vst.add.f32.msk $0xffff, v7  }
0x61e: {  	[tilespmem:s21+$0x0] =	vst.add.f32.msk $0xffff, v6  }
0x61f: {  	v6 =	vld [tilespmem:s23+$0x2E0]  }
0x620: {  	s30 =	sor.u32 $0x10, s24;
	[tilespmem:s31+$0x0] =	vst.add.f32.msk $0xffff, v8  }
0x621: {  	s28 =	sor.u32 $0x20, s24;
	s16 =	sor.u32 $0x30, s24;
	[smem:$0x7C6] =	sst s8;
	[tilespmem:s30+$0x0] =	vst.add.f32.msk $0xffff, v9  }
0x622: {  	s8 =	sor.u32 $0x40, s24;
	[smem:$0x7C9] =	sst s12;
	s12 =	sor.u32 $0x60, s24;
	v7 =	vld [tilespmem:s23+$0xFFFFFCA0]  }
0x623: {  	[smem:$0x7CB] =	sst s1;
	s1 =	sor.u32 $0x70, s24;
	s24 =	sor.u32 $0x60, s19;
	v8 =	vld [tilespmem:s23+$0xFFFFFEA0]  }
0x624: {  	[tilespmem:s24+$0x0] =	vst.add.f32.msk $0xffff, v6  }
0x625: {  	v6 =	vld [tilespmem:s23+$0x2F0]  }
0x626: {  	s18 =	sor.u32 $0x20, s0;
	v9 =	vld [tilespmem:s23+$0xA0]  }
0x627: {  	[tilespmem:s18+$0x0] =	vst.add.f32.msk $0xffff, v7  }
0x628: {  	[tilespmem:s17+$0x0] =	vst.add.f32.msk $0xffff, v8  }
0x629: {  	s31 =	sor.u32 $0x70, s19;
	v7 =	vld [tilespmem:s23+$0xFFFFFCB0]  }
0x62a: {  	[tilespmem:s31+$0x0] =	vst.add.f32.msk $0xffff, v6  }
0x62b: {  	v6 =	vld [tilespmem:s23+$0x300]  }
0x62c: {  	[tilespmem:s28+$0x0] =	vst.add.f32.msk $0xffff, v9  }
0x62d: {  	v8 =	vld [tilespmem:s23+$0xFFFFFEB0]  }
0x62e: {  	s29 =	sor.u32 $0x30, s0;
	[smem:$0x7CC] =	sst s1;
	s1 =	sadd.s32 $0x14600, s25;
	v9 =	vld [tilespmem:s23+$0xB0]  }
0x62f: {  	s18 =	sadd.s32 s3, s1;
	[tilespmem:s29+$0x0] =	vst.add.f32.msk $0xffff, v7  }
0x630: {  	[tilespmem:s18+$0x0] =	vst.add.f32.msk $0xffff, v6  }
0x631: {  	v6 =	vld [tilespmem:s23+$0x310]  }
0x632: {  	[tilespmem:s26+$0x0] =	vst.add.f32.msk $0xffff, v8  }
0x633: {  	[tilespmem:s16+$0x0] =	vst.add.f32.msk $0xffff, v9;
	s14 =	sadd.s32 s5, s1  }
0x634: {  	v7 =	vld [tilespmem:s23+$0xFFFFFCC0];
	s29 =	sor.u32 $0x50, s14  }
0x635: {  	v8 =	vld [tilespmem:s23+$0xFFFFFEC0];
	[smem:$0x7D2] =	sst s29;
	s29 =	sor.u32 $0x10, s18  }
0x636: {  	[tilespmem:s29+$0x0] =	vst.add.f32.msk $0xffff, v6  }
0x637: {  	v6 =	vld [tilespmem:s23+$0x320]  }
0x638: {  	s9 =	sor.u32 $0x40, s0;
	s28 =	sadd.s32 s2, s1;
	v9 =	vld [tilespmem:s23+$0xC0];
	s20 =	sor.u32 $0x40, s14  }
0x639: {  	[tilespmem:s9+$0x0] =	vst.add.f32.msk $0xffff, v7;
	[smem:$0x7CF] =	sst s20;
	s20 =	sor.u32 $0x40, s28  }
0x63a: {  	[tilespmem:s15+$0x0] =	vst.add.f32.msk $0xffff, v8;
	[smem:$0x7D1] =	sst s20;
	s20 =	sor.u32 $0x70, s14  }
0x63b: {  	v7 =	vld [tilespmem:s23+$0xFFFFFCD0];
	[smem:$0x7D8] =	sst s20;
	s20 =	sor.u32 $0x20, s18  }
0x63c: {  	[tilespmem:s20+$0x0] =	vst.add.f32.msk $0xffff, v6  }
0x63d: {  	s31 =	sadd.s32 s4, s1;
	v6 =	vld [tilespmem:s23+$0x330]  }
0x63e: {  	s26 =	sld [smem:$0x7C6];
	[tilespmem:s8+$0x0] =	vst.add.f32.msk $0xffff, v9;
	s21 =	sor.u32 $0x40, s31  }
0x63f: {  	s13 =	sor.u32 $0x50, s0;
	v8 =	vld [tilespmem:s23+$0xFFFFFED0];
	[smem:$0x7D0] =	sst s21;
	s21 =	sor.u32 $0x60, s14  }
0x640: {  	[tilespmem:s13+$0x0] =	vst.add.f32.msk $0xffff, v7;
	[smem:$0x7D5] =	sst s21;
	s21 =	sor.u32 $0x60, s31  }
0x641: {  	v7 =	vld [tilespmem:s23+$0xFFFFFCE0];
	[smem:$0x7D6] =	sst s21;
	s21 =	sor.u32 $0x30, s18  }
0x642: {  	[tilespmem:s21+$0x0] =	vst.add.f32.msk $0xffff, v6  }
0x643: {  	s8 =	sld [smem:$0x7C8];
	v6 =	vld [tilespmem:s23+$0x340]  }
0x644: {  	s9 =	sld [smem:$0x7C9];
	[tilespmem:s26+$0x0] =	vst.add.f32.msk $0xffff, v8;
	s24 =	sor.u32 $0x30, s28  }
0x645: {  	v8 =	vld [tilespmem:s23+$0xFFFFFEE0];
	[smem:$0x7CE] =	sst s24;
	s24 =	sor.u32 $0x50, s28  }
0x646: {  	v9 =	vld [tilespmem:s23+$0xD0];
	[smem:$0x7D4] =	sst s24;
	s24 =	sor.u32 $0x60, s28  }
0x647: {  	[tilespmem:s8+$0x0] =	vst.add.f32.msk $0xffff, v7;
	[smem:$0x7D7] =	sst s24;
	s24 =	sor.u32 $0x40, s18;
	s29 =	sor.u32 $0x70, s31  }
0x648: {  	[smem:$0x7D9] =	sst s29;
	[tilespmem:s24+$0x0] =	vst.add.f32.msk $0xffff, v6  }
0x649: {  	s29 =	sld [smem:$0x7C7];
	v6 =	vld [tilespmem:s23+$0x350]  }
0x64a: {  	[tilespmem:s9+$0x0] =	vst.add.f32.msk $0xffff, v8  }
0x64b: {  	v7 =	vld [tilespmem:s23+$0xFFFFFCF0];
	s1 =	sor.u32 $0x50, s31  }
0x64c: {  	[smem:$0x7D3] =	sst s1;
	s1 =	sor.u32 $0x70, s28;
	[tilespmem:s29+$0x0] =	vst.add.f32.msk $0xffff, v9  }
0x64d: {  	[smem:$0x7DA] =	sst s1;
	s1 =	sor.u32 $0x50, s18;
	v9 =	vld [tilespmem:s23+$0xE0]  }
0x64e: {  	s13 =	sld [smem:$0x7CA];
	[tilespmem:s1+$0x0] =	vst.add.f32.msk $0xffff, v6  }
0x64f: {  	v6 =	vld [tilespmem:s23+$0x360]  }
0x650: {  	v8 =	vld [tilespmem:s23+$0xFFFFFEF0]  }
0x651: {  	[tilespmem:s13+$0x0] =	vst.add.f32.msk $0xffff, v7  }
0x652: {  	v7 =	vld [tilespmem:s23+$0xFFFFFD00]  }
0x653: {  	s16 =	sld [smem:$0x7CB];
	[tilespmem:s12+$0x0] =	vst.add.f32.msk $0xffff, v9;
	s12 =	sor.u32 $0x60, s18  }
0x654: {  	[tilespmem:s12+$0x0] =	vst.add.f32.msk $0xffff, v6  }
0x655: {  	v6 =	vld [tilespmem:s23+$0x370]  }
0x656: {  	[tilespmem:s16+$0x0] =	vst.add.f32.msk $0xffff, v8  }
0x657: {  	v8 =	vld [tilespmem:s23+$0xFFFFFF00]  }
0x658: {  	[tilespmem:s14+$0x0] =	vst.add.f32.msk $0xffff, v7  }
0x659: {  	s15 =	sor.u32 $0x70, s18;
	v7 =	vld [tilespmem:s23+$0xFFFFFD10]  }
0x65a: {  	[tilespmem:s15+$0x0] =	vst.add.f32.msk $0xffff, v6  }
0x65b: {  	v6 =	vld [tilespmem:s23+$0x380]  }
0x65c: {  	[tilespmem:s31+$0x0] =	vst.add.f32.msk $0xffff, v8  }
0x65d: {  	s17 =	sor.u32 $0x10, s14;
	v8 =	vld [tilespmem:s23+$0xFFFFFF10]  }
0x65e: {  	[tilespmem:s17+$0x0] =	vst.add.f32.msk $0xffff, v7;
	s20 =	sadd.s32 $0x14A00, s25  }
0x65f: {  	s29 =	sadd.s32 s3, s20;
	v9 =	vld [tilespmem:s23+$0xF0]  }
0x660: {  	[tilespmem:s29+$0x0] =	vst.add.f32.msk $0xffff, v6  }
0x661: {  	s6 =	sor.u32 $0x10, s31;
	s18 =	sld [smem:$0x7CC];
	v6 =	vld [tilespmem:s23+$0x390]  }
0x662: {  	[tilespmem:s6+$0x0] =	vst.add.f32.msk $0xffff, v8  }
0x663: {  	v7 =	vld [tilespmem:s23+$0xFFFFFD20]  }
0x664: {  	[tilespmem:s18+$0x0] =	vst.add.f32.msk $0xffff, v9  }
0x665: {  	s10 =	sor.u32 $0x20, s14;
	s19 =	sor.u32 $0x30, s14;
	s14 =	sor.u32 $0x10, s29;
	v9 =	vld [tilespmem:s23+$0x100]  }
0x666: {  	[tilespmem:s14+$0x0] =	vst.add.f32.msk $0xffff, v6  }
0x667: {  	v6 =	vld [tilespmem:s23+$0x3A0]  }
0x668: {  	v8 =	vld [tilespmem:s23+$0xFFFFFF20]  }
0x669: {  	[tilespmem:s10+$0x0] =	vst.add.f32.msk $0xffff, v7  }
0x66a: {  	[tilespmem:s28+$0x0] =	vst.add.f32.msk $0xffff, v9  }
0x66b: {  	s17 =	sor.u32 $0x20, s29;
	v9 =	vld [tilespmem:s23+$0x110]  }
0x66c: {  	[tilespmem:s17+$0x0] =	vst.add.f32.msk $0xffff, v6  }
0x66d: {  	s11 =	sor.u32 $0x20, s31;
	v6 =	vld [tilespmem:s23+$0x3B0]  }
0x66e: {  	[tilespmem:s11+$0x0] =	vst.add.f32.msk $0xffff, v8  }
0x66f: {  	s30 =	sor.u32 $0x10, s28;
	v7 =	vld [tilespmem:s23+$0xFFFFFD30]  }
0x670: {  	[tilespmem:s30+$0x0] =	vst.add.f32.msk $0xffff, v9  }
0x671: {  	v9 =	vld [tilespmem:s23+$0x120];
	s17 =	sor.u32 $0x30, s29  }
0x672: {  	[tilespmem:s17+$0x0] =	vst.add.f32.msk $0xffff, v6  }
0x673: {  	v6 =	vld [tilespmem:s23+$0x3C0]  }
0x674: {  	s7 =	sor.u32 $0x30, s31;
	v8 =	vld [tilespmem:s23+$0xFFFFFF30]  }
0x675: {  	[smem:$0x7CD] =	sst s7;
	s7 =	sor.u32 $0x20, s28;
	[tilespmem:s19+$0x0] =	vst.add.f32.msk $0xffff, v7  }
0x676: {  	[tilespmem:s7+$0x0] =	vst.add.f32.msk $0xffff, v9  }
0x677: {  	s10 =	sld [smem:$0x7CD];
	s30 =	sor.u32 $0x40, s29;
	v9 =	vld [tilespmem:s23+$0x130]  }
0x678: {  	[tilespmem:s30+$0x0] =	vst.add.f32.msk $0xffff, v6  }
0x679: {  	s17 =	sld [smem:$0x7CE];
	v6 =	vld [tilespmem:s23+$0x3D0]  }
0x67a: {  	[tilespmem:s10+$0x0] =	vst.add.f32.msk $0xffff, v8  }
0x67b: {  	v7 =	vld [tilespmem:s23+$0xFFFFFD40]  }
0x67c: {  	[tilespmem:s17+$0x0] =	vst.add.f32.msk $0xffff, v9  }
0x67d: {  	s7 =	sor.u32 $0x50, s29;
	v9 =	vld [tilespmem:s23+$0x140]  }
0x67e: {  	s30 =	sld [smem:$0x7CF];
	[tilespmem:s7+$0x0] =	vst.add.f32.msk $0xffff, v6  }
0x67f: {  	s10 =	sld [smem:$0x7D1];
	v6 =	vld [tilespmem:s23+$0x3E0]  }
0x680: {  	v8 =	vld [tilespmem:s23+$0xFFFFFF40]  }
0x681: {  	[tilespmem:s30+$0x0] =	vst.add.f32.msk $0xffff, v7  }
0x682: {  	[tilespmem:s10+$0x0] =	vst.add.f32.msk $0xffff, v9  }
0x683: {  	s19 =	sor.u32 $0x60, s29;
	v63 =	vld [tilespmem:s23+$0x150]  }
0x684: {  	s7 =	sld [smem:$0x7D0];
	[tilespmem:s19+$0x0] =	vst.add.f32.msk $0xffff, v6  }
0x685: {  	s26 =	sadd.s32 s5, s20;
	s30 =	sld [smem:$0x7D4];
	v6 =	vld [tilespmem:s23+$0x3F0]  }
0x686: {  	s21 =	sor.u32 $0x50, s26;
	v7 =	vld [tilespmem:s23+$0xFFFFFD50]  }
0x687: {  	[smem:$0x7DB] =	sst s21;
	[tilespmem:s7+$0x0] =	vst.add.f32.msk $0xffff, v8  }
0x688: {  	s21 =	sor.u32 $0x60, s26;
	[tilespmem:s30+$0x0] =	vst.add.f32.msk $0xffff, v63;
	s19 =	rddreg [dreg:$0xf]  }
0x689: {  	s6 =	smov.u32 s21;
	s21 =	sld [smem:$0x7D2];
	s17 =	sor.u32 $0x70, s29;
	[tilespmem:s19+$0x0] =	vst.add.f32.msk $0xffff, v4  }
0x68a: {  	[tilespmem:s17+$0x0] =	vst.add.f32.msk $0xffff, v6  }
0x68b: {  	v6 =	vld [tilespmem:s23+$0xFFFFFF50]  }
0x68c: {  	[tilespmem:s21+$0x0] =	vst.add.f32.msk $0xffff, v7  }
0x68d: {  	s29 =	sld [smem:$0x7D3];
	v7 =	vld [tilespmem:s23+$0x160]  }
0x68e: {  	v4 =	vld [tilespmem:s23+$0xFFFFFD60]  }
0x68f: {  	s21 =	sld [smem:$0x7D7]  }
0x690: {  	s10 =	sld [smem:$0x7D5];
	[tilespmem:s29+$0x0] =	vst.add.f32.msk $0xffff, v6  }
0x691: {  	v6 =	vld [tilespmem:s23+$0xFFFFFF60]  }
0x692: {  	[tilespmem:s21+$0x0] =	vst.add.f32.msk $0xffff, v7  }
0x693: {  	s19 =	sld [smem:$0x7D6];
	[tilespmem:s10+$0x0] =	vst.add.f32.msk $0xffff, v4  }
0x694: {  	s17 =	rddreg [dreg:$0x13];
	v4 =	vld [tilespmem:s23+$0xFFFFFD70]  }
0x695: {  	s0 =	sadd.s32 s4, s20;
	[tilespmem:s17+$0x0] =	vst.add.f32.msk $0xffff, v3  }
0x696: {  	s31 =	sor.u32 $0x50, s0;
	s29 =	sld [smem:$0x7D8];
	[tilespmem:s19+$0x0] =	vst.add.f32.msk $0xffff, v6  }
0x697: {  	[smem:$0x7DC] =	sst s31;
	v6 =	vld [tilespmem:s23+$0x170]  }
0x698: {  	s30 =	rddreg [dreg:$0x10];
	v3 =	vld [tilespmem:s23+$0xFFFFFF70]  }
0x699: {  	s31 =	sor.u32 $0x60, s0;
	[tilespmem:s29+$0x0] =	vst.add.f32.msk $0xffff, v4;
	s19 =	sld [smem:$0x7DA]  }
0x69a: {  	s7 =	smov.u32 s31;
	s31 =	sld [smem:$0x7D9];
	v4 =	vld [tilespmem:s23+$0xFFFFFD80]  }
0x69b: {  	[tilespmem:s30+$0x0] =	vst.add.f32.msk $0xffff, v5  }
0x69c: {  	[tilespmem:s19+$0x0] =	vst.add.f32.msk $0xffff, v6  }
0x69d: {  	[tilespmem:s31+$0x0] =	vst.add.f32.msk $0xffff, v3  }
0x69e: {  	v5 =	vld [tilespmem:s23+$0x180]  }
0x69f: {  	v3 =	vld [tilespmem:s23+$0xFFFFFF80]  }
0x6a0: {  	[tilespmem:s26+$0x0] =	vst.add.f32.msk $0xffff, v4  }
0x6a1: {  	s21 =	rddreg [dreg:$0xe];
	v4 =	vld [tilespmem:s23+$0xFFFFFD90]  }
0x6a2: {  	s25 =	sadd.s32 s2, s20;
	v6 =	vld [tilespmem:s21+$0xFFFFFDF0]  }
0x6a3: {  	[tilespmem:s25+$0x0] =	vst.add.f32.msk $0xffff, v5  }
0x6a4: {  	[tilespmem:s0+$0x0] =	vst.add.f32.msk $0xffff, v3  }
0x6a5: {  	v5 =	vld [tilespmem:s23+$0x190]  }
0x6a6: {  	s3 =	sor.u32 $0x10, s26;
	v3 =	vld [tilespmem:s23+$0xFFFFFF90]  }
0x6a7: {  	[tilespmem:s3+$0x0] =	vst.add.f32.msk $0xffff, v4  }
0x6a8: {  	v4 =	vld [tilespmem:s23+$0xFFFFFDA0]  }
0x6a9: {  	s2 =	sor.u32 $0x10, s25;
	v7 =	vld [tilespmem:s21+$0xFFFFFFF0]  }
0x6aa: {  	s5 =	sor.u32 $0x10, s0;
	[tilespmem:s2+$0x0] =	vst.add.f32.msk $0xffff, v5  }
0x6ab: {  	[tilespmem:s5+$0x0] =	vst.add.f32.msk $0xffff, v3  }
0x6ac: {  	v5 =	vld [tilespmem:s23+$0x1A0]  }
0x6ad: {  	s9 =	sor.u32 $0x20, s26;
	v3 =	vld [tilespmem:s23+$0xFFFFFFA0]  }
0x6ae: {  	[tilespmem:s9+$0x0] =	vst.add.f32.msk $0xffff, v4  }
0x6af: {  	v4 =	vld [tilespmem:s23+$0xFFFFFDB0]  }
0x6b0: {  	s8 =	sor.u32 $0x20, s25;
	v8 =	vld [tilespmem:s21+$0x1F0]  }
0x6b1: {  	s24 =	sor.u32 $0x20, s0;
	[tilespmem:s8+$0x0] =	vst.add.f32.msk $0xffff, v5  }
0x6b2: {  	[tilespmem:s24+$0x0] =	vst.add.f32.msk $0xffff, v3  }
0x6b3: {  	v5 =	vld [tilespmem:s23+$0x1B0]  }
0x6b4: {  	s20 =	sor.u32 $0x30, s26;
	v3 =	vld [tilespmem:s23+$0xFFFFFFB0]  }
0x6b5: {  	s16 =	sor.u32 $0x40, s25;
	s28 =	sor.u32 $0x60, s25;
	s1 =	sor.u32 $0x30, s25;
	[tilespmem:s20+$0x0] =	vst.add.f32.msk $0xffff, v4  }
0x6b6: {  	s12 =	sor.u32 $0x50, s25;
	s14 =	sor.u32 $0x70, s25;
	s25 =	rddreg [dreg:$0xb];
	v4 =	vld [tilespmem:s23+$0xFFFFFDC0]  }
0x6b7: {  	[tilespmem:s25+$0x0] =	vst.add.f32.msk $0xffff, v6  }
0x6b8: {  	s18 =	sor.u32 $0x30, s0;
	[tilespmem:s1+$0x0] =	vst.add.f32.msk $0xffff, v5  }
0x6b9: {  	[tilespmem:s18+$0x0] =	vst.add.f32.msk $0xffff, v3  }
0x6ba: {  	v5 =	vld [tilespmem:s23+$0x1C0]  }
0x6bb: {  	s13 =	sor.u32 $0x40, s26;
	v3 =	vld [tilespmem:s23+$0xFFFFFFC0]  }
0x6bc: {  	[tilespmem:s13+$0x0] =	vst.add.f32.msk $0xffff, v4  }
0x6bd: {  	s4 =	sor.u32 $0x70, s26;
	s26 =	rddreg [dreg:$0x9];
	v4 =	vld [tilespmem:s23+$0xFFFFFDD0]  }
0x6be: {  	[tilespmem:s26+$0x0] =	vst.add.f32.msk $0xffff, v7  }
0x6bf: {  	s15 =	sor.u32 $0x40, s0;
	[tilespmem:s16+$0x0] =	vst.add.f32.msk $0xffff, v5  }
0x6c0: {  	s10 =	smov.u32 s28;
	s28 =	sld [smem:$0x7DB];
	[tilespmem:s15+$0x0] =	vst.add.f32.msk $0xffff, v3  }
0x6c1: {  	[smem:$0x7DD] =	sst s12;
	v5 =	vld [tilespmem:s23+$0x1D0]  }
0x6c2: {  	s29 =	rddreg [dreg:$0x1c];
	v3 =	vld [tilespmem:s23+$0xFFFFFFD0]  }
0x6c3: {  	s31 =	sld [smem:$0x7DD];
	[tilespmem:s28+$0x0] =	vst.add.f32.msk $0xffff, v4  }
.Ltmp6:
0x6c4: {  	s30 =	sld [smem:$0x7DC];
	v4 =	vld [tilespmem:s23+$0xFFFFFDE0];
	(pc) =	sbr.rel @p0 .LBB2_8-.Ltmp6, $4  }
0x6c5: {  	[tilespmem:s29+$0x0] =	vst.add.f32.msk $0xffff, v8  }
0x6c6: {  	s11 =	rddreg [dreg:$0x5];
	s12 =	sor.u32 $0x70, s0;
	[tilespmem:s31+$0x0] =	vst.add.f32.msk $0xffff, v5  }
0x6c7: {  	s17 =	smov.u32 s23;
	s0 =	smov.u32 s12;
	s2 =	smov.u32 s4;
	[tilespmem:s30+$0x0] =	vst.add.f32.msk $0xffff, v3  }
0x6c8: {  	s5 =	rddreg [dreg:$0x6];
	s1 =	smov.u32 s14;
	s23 =	sadd.s32 $0x800, s23;
	v3 =	vld [tilespmem:s17+$0xFFFFFFE0]  }
0x6c9: {  	_ = 	snop  }
0x6ca: {  	v5 =	vld [tilespmem:s17+$0x1E0];
	_ =	sdelay $0x1  }
0x6cb: {  	[tilespmem:s6+$0x0] =	vst.add.f32.msk $0xffff, v4  }
0x6cc: {  	[tilespmem:s7+$0x0] =	vst.add.f32.msk $0xffff, v3  }
0x6cd: {  	v3 =	vld [tilespmem:s17+$0xFFFFFDF0]  }
0x6ce: {  	[tilespmem:s10+$0x0] =	vst.add.f32.msk $0xffff, v5  }
0x6cf: {  	v4 =	vld [tilespmem:s17+$0xFFFFFFF0]  }
0x6d0: {  	v5 =	vld [tilespmem:s17+$0x1F0];
	_ =	sdelay $0x2  }
0x6d1: {  	[tilespmem:s2+$0x0] =	vst.add.f32.msk $0xffff, v3  }
0x6d2: {  	[tilespmem:s0+$0x0] =	vst.add.f32.msk $0xffff, v4  }
0x6d3: {  	s19 =	simm.s32 $0x5;
	[tilespmem:s1+$0x0] =	vst.add.f32.msk $0xffff, v5  }
0x6d4: {  	s20 =	simm.s32 $0x600;
	_ =	swait.ge [sflag:s19], $0x2000  }
0x6d5: {  	s21 =	simm.s32 $0x180;
	s3 =	simm.s32 $0x0;
	[sflag:s19] =	ssyncset.done $0x0  }
0x6d6: {  	s0 =	sand.u32 $0x3000, s20;
	s1 =	sand.u32 $0x380, s21;
	[sflag:s19] =	ssyncadd.s32 $0xFFFFE000  }
0x6d7: {  	s0 =	sor.u32 s1, s0;
	v3 =	vld [tilespmem:s3+$0x8400]  }
0x6d8: {  	v4 =	vld [tilespmem:s0+$0x1DE00];
	_ =	sdelay $0x3  }
0x6d9: {  	s22 =	simm.s32 $0x0;
	s23 =	simm.s32 $0x8000  }
0x6da: {  	s2 =	sand.u32 $0x9000, s23;
	s1 =	sand.u32 $0x380, s22;
	v3 =	vadd.f32 v3, v4  }
0x6db: {  	s4 =	sor.u32 s1, s2  }
0x6dc: {  	s2 =	sadd.s32 $0x1DE00, s0;
	[tilespmem:s4+$0x13E00] =	vst v3  }
0x6dd: {  	v3 =	vld [tilespmem:s2+$0x10]  }
0x6de: {  	v4 =	vld [tilespmem:s3+$0x8410];
	_ =	sdelay $0x4  }
0x6df: {  	v3 =	vadd.f32 v4, v3  }
0x6e0: {  	s5 =	sadd.s32 $0x13E00, s4  }
0x6e1: {  	[tilespmem:s5+$0x10] =	vst v3  }
0x6e2: {  	v3 =	vld [tilespmem:s2+$0x20]  }
0x6e3: {  	v4 =	vld [tilespmem:s3+$0x8420];
	_ =	sdelay $0x4  }
0x6e4: {  	v3 =	vadd.f32 v4, v3;
	_ =	sdelay $0x1  }
0x6e5: {  	[tilespmem:s5+$0x20] =	vst v3  }
0x6e6: {  	v3 =	vld [tilespmem:s2+$0x30]  }
0x6e7: {  	v4 =	vld [tilespmem:s3+$0x8430];
	_ =	sdelay $0x4  }
0x6e8: {  	v3 =	vadd.f32 v4, v3;
	_ =	sdelay $0x1  }
0x6e9: {  	[tilespmem:s5+$0x30] =	vst v3  }
0x6ea: {  	v3 =	vld [tilespmem:s2+$0x40]  }
0x6eb: {  	v4 =	vld [tilespmem:s3+$0x8440];
	_ =	sdelay $0x4  }
0x6ec: {  	v3 =	vadd.f32 v4, v3;
	_ =	sdelay $0x1  }
0x6ed: {  	[tilespmem:s5+$0x40] =	vst v3  }
0x6ee: {  	v3 =	vld [tilespmem:s2+$0x50]  }
0x6ef: {  	v4 =	vld [tilespmem:s3+$0x8450];
	_ =	sdelay $0x4  }
0x6f0: {  	v3 =	vadd.f32 v4, v3;
	_ =	sdelay $0x1  }
0x6f1: {  	[tilespmem:s5+$0x50] =	vst v3  }
0x6f2: {  	v3 =	vld [tilespmem:s2+$0x60]  }
0x6f3: {  	v4 =	vld [tilespmem:s3+$0x8460]  }
0x6f4: {  	s24 =	simm.s32 $0x800;
	s25 =	simm.s32 $0x200  }
0x6f5: {  	s26 =	sand.u32 $0x380, s25;
	s1 =	simm.s32 $0x200;
	s0 =	sand.u32 $0x3000, s24  }
0x6f6: {  	v5 =	vld [tilespmem:s1+$0x8400];
	s6 =	sor.u32 s26, s0  }
0x6f7: {  	v6 =	vld [tilespmem:s6+$0x1DE00]  }
0x6f8: {  	v3 =	vadd.f32 v4, v3;
	_ =	sdelay $0x1  }
0x6f9: {  	[tilespmem:s5+$0x60] =	vst v3  }
0x6fa: {  	s28 =	simm.s32 $0x80;
	s29 =	simm.s32 $0x8200;
	v3 =	vld [tilespmem:s2+$0x70]  }
0x6fb: {  	s7 =	sand.u32 $0x9000, s29;
	s0 =	sand.u32 $0x380, s28;
	v5 =	vadd.f32 v5, v6;
	v4 =	vld [tilespmem:s3+$0x8470]  }
0x6fc: {  	s0 =	sor.u32 s0, s7  }
0x6fd: {  	s7 =	sadd.s32 $0x1DE00, s6;
	[tilespmem:s0+$0x13E00] =	vst v5  }
0x6fe: {  	v5 =	vld [tilespmem:s7+$0x10]  }
0x6ff: {  	v6 =	vld [tilespmem:s1+$0x8410]  }
0x700: {  	v3 =	vadd.f32 v4, v3;
	_ =	sdelay $0x1  }
0x701: {  	[tilespmem:s5+$0x70] =	vst v3  }
0x702: {  	v3 =	vld [tilespmem:s2+$0x400]  }
0x703: {  	v5 =	vadd.f32 v6, v5;
	v4 =	vld [tilespmem:s3+$0x8480]  }
0x704: {  	s30 =	sadd.s32 $0x13E00, s0  }
0x705: {  	[tilespmem:s30+$0x10] =	vst v5  }
0x706: {  	v5 =	vld [tilespmem:s7+$0x20]  }
0x707: {  	v6 =	vld [tilespmem:s1+$0x8420]  }
0x708: {  	v3 =	vadd.f32 v4, v3;
	_ =	sdelay $0x1  }
0x709: {  	[tilespmem:s4+$0x14200] =	vst v3  }
0x70a: {  	v3 =	vld [tilespmem:s2+$0x410]  }
0x70b: {  	v5 =	vadd.f32 v6, v5;
	v4 =	vld [tilespmem:s3+$0x8490];
	_ =	sdelay $0x1  }
0x70c: {  	[tilespmem:s30+$0x20] =	vst v5  }
0x70d: {  	v5 =	vld [tilespmem:s7+$0x30]  }
0x70e: {  	v6 =	vld [tilespmem:s1+$0x8430]  }
0x70f: {  	v3 =	vadd.f32 v4, v3  }
0x710: {  	s31 =	sadd.s32 $0x14200, s4  }
0x711: {  	[tilespmem:s31+$0x10] =	vst v3  }
0x712: {  	v3 =	vld [tilespmem:s2+$0x420]  }
0x713: {  	v5 =	vadd.f32 v6, v5;
	v4 =	vld [tilespmem:s3+$0x84A0];
	_ =	sdelay $0x1  }
0x714: {  	[tilespmem:s30+$0x30] =	vst v5  }
0x715: {  	v5 =	vld [tilespmem:s7+$0x40]  }
0x716: {  	v6 =	vld [tilespmem:s1+$0x8440]  }
0x717: {  	v3 =	vadd.f32 v4, v3;
	_ =	sdelay $0x1  }
0x718: {  	[tilespmem:s31+$0x20] =	vst v3  }
0x719: {  	v3 =	vld [tilespmem:s2+$0x430]  }
0x71a: {  	v5 =	vadd.f32 v6, v5;
	v4 =	vld [tilespmem:s3+$0x84B0];
	_ =	sdelay $0x1  }
0x71b: {  	[tilespmem:s30+$0x40] =	vst v5  }
0x71c: {  	v5 =	vld [tilespmem:s7+$0x50]  }
0x71d: {  	v6 =	vld [tilespmem:s1+$0x8450]  }
0x71e: {  	v3 =	vadd.f32 v4, v3;
	_ =	sdelay $0x1  }
0x71f: {  	[tilespmem:s31+$0x30] =	vst v3  }
0x720: {  	v3 =	vld [tilespmem:s2+$0x440]  }
0x721: {  	v5 =	vadd.f32 v6, v5;
	v4 =	vld [tilespmem:s3+$0x84C0];
	_ =	sdelay $0x1  }
0x722: {  	[tilespmem:s30+$0x50] =	vst v5  }
0x723: {  	v5 =	vld [tilespmem:s7+$0x60]  }
0x724: {  	v6 =	vld [tilespmem:s1+$0x8460]  }
0x725: {  	v3 =	vadd.f32 v4, v3;
	_ =	sdelay $0x1  }
0x726: {  	[tilespmem:s31+$0x40] =	vst v3  }
0x727: {  	s8 =	simm.s32 $0xA00;
	s9 =	simm.s32 $0x280;
	v3 =	vld [tilespmem:s2+$0x450]  }
0x728: {  	s11 =	simm.s32 $0x400;
	s8 =	sand.u32 $0x3000, s8;
	s9 =	sand.u32 $0x380, s9;
	v5 =	vadd.f32 v6, v5;
	v4 =	vld [tilespmem:s3+$0x84D0]  }
0x729: {  	s8 =	sor.u32 s9, s8;
	v6 =	vld [tilespmem:s11+$0x8400]  }
0x72a: {  	[tilespmem:s30+$0x60] =	vst v5;
	v5 =	vld [tilespmem:s8+$0x1DE00]  }
0x72b: {  	v7 =	vld [tilespmem:s7+$0x70]  }
0x72c: {  	v8 =	vld [tilespmem:s1+$0x8470]  }
0x72d: {  	v3 =	vadd.f32 v4, v3  }
0x72e: {  	s12 =	simm.s32 $0x100;
	s13 =	simm.s32 $0x8400  }
0x72f: {  	s9 =	sand.u32 $0x380, s12;
	s10 =	sand.u32 $0x9000, s13;
	[tilespmem:s31+$0x50] =	vst v3;
	v3 =	vadd.f32 v6, v5  }
0x730: {  	s19 =	sor.u32 s9, s10;
	v4 =	vld [tilespmem:s2+$0x460]  }
0x731: {  	s17 =	sadd.s32 $0x1DE00, s8;
	v6 =	vadd.f32 v8, v7;
	v5 =	vld [tilespmem:s3+$0x84E0];
	[tilespmem:s19+$0x13E00] =	vst v3  }
0x732: {  	v3 =	vld [tilespmem:s17+$0x10]  }
0x733: {  	[tilespmem:s30+$0x70] =	vst v6;
	v6 =	vld [tilespmem:s11+$0x8410]  }
0x734: {  	v7 =	vld [tilespmem:s7+$0x400]  }
0x735: {  	v8 =	vld [tilespmem:s1+$0x8480]  }
0x736: {  	v4 =	vadd.f32 v5, v4;
	_ =	sdelay $0x1  }
0x737: {  	[tilespmem:s31+$0x60] =	vst v4;
	v3 =	vadd.f32 v6, v3  }
0x738: {  	s14 =	sadd.s32 $0x13E00, s19;
	v4 =	vld [tilespmem:s2+$0x470]  }
0x739: {  	v5 =	vld [tilespmem:s3+$0x84F0];
	[tilespmem:s14+$0x10] =	vst v3;
	v3 =	vadd.f32 v8, v7  }
0x73a: {  	v6 =	vld [tilespmem:s17+$0x20]  }
0x73b: {  	v7 =	vld [tilespmem:s11+$0x8420];
	[tilespmem:s0+$0x14200] =	vst v3  }
0x73c: {  	v3 =	vld [tilespmem:s7+$0x410]  }
0x73d: {  	v8 =	vld [tilespmem:s1+$0x8490]  }
0x73e: {  	v4 =	vadd.f32 v5, v4;
	_ =	sdelay $0x1  }
0x73f: {  	[tilespmem:s31+$0x70] =	vst v4;
	v4 =	vadd.f32 v7, v6  }
0x740: {  	v5 =	vld [tilespmem:s2+$0x800]  }
0x741: {  	v6 =	vld [tilespmem:s3+$0x8500];
	[tilespmem:s14+$0x20] =	vst v4;
	v3 =	vadd.f32 v8, v3  }
0x742: {  	s15 =	sadd.s32 $0x14200, s0;
	v4 =	vld [tilespmem:s17+$0x30]  }
0x743: {  	v7 =	vld [tilespmem:s11+$0x8430];
	[tilespmem:s15+$0x10] =	vst v3  }
0x744: {  	v3 =	vld [tilespmem:s7+$0x420]  }
0x745: {  	v8 =	vld [tilespmem:s1+$0x84A0]  }
0x746: {  	v5 =	vadd.f32 v6, v5;
	_ =	sdelay $0x1  }
0x747: {  	[tilespmem:s4+$0x14600] =	vst v5;
	v4 =	vadd.f32 v7, v4  }
0x748: {  	v5 =	vld [tilespmem:s2+$0x810]  }
0x749: {  	v6 =	vld [tilespmem:s3+$0x8510];
	[tilespmem:s14+$0x30] =	vst v4;
	v3 =	vadd.f32 v8, v3  }
0x74a: {  	v4 =	vld [tilespmem:s17+$0x40]  }
0x74b: {  	v7 =	vld [tilespmem:s11+$0x8440];
	[tilespmem:s15+$0x20] =	vst v3  }
0x74c: {  	v3 =	vld [tilespmem:s7+$0x430]  }
0x74d: {  	v8 =	vld [tilespmem:s1+$0x84B0]  }
0x74e: {  	v5 =	vadd.f32 v6, v5  }
0x74f: {  	s16 =	sadd.s32 $0x14600, s4  }
0x750: {  	[tilespmem:s16+$0x10] =	vst v5;
	v4 =	vadd.f32 v7, v4  }
0x751: {  	v5 =	vld [tilespmem:s2+$0x820]  }
0x752: {  	v6 =	vld [tilespmem:s3+$0x8520];
	[tilespmem:s14+$0x40] =	vst v4;
	v3 =	vadd.f32 v8, v3  }
0x753: {  	v4 =	vld [tilespmem:s17+$0x50]  }
0x754: {  	v7 =	vld [tilespmem:s11+$0x8450];
	[tilespmem:s15+$0x30] =	vst v3  }
0x755: {  	v3 =	vld [tilespmem:s7+$0x440]  }
0x756: {  	v8 =	vld [tilespmem:s1+$0x84C0]  }
0x757: {  	v5 =	vadd.f32 v6, v5;
	_ =	sdelay $0x1  }
0x758: {  	[tilespmem:s16+$0x20] =	vst v5;
	v4 =	vadd.f32 v7, v4  }
0x759: {  	v5 =	vld [tilespmem:s2+$0x830]  }
0x75a: {  	v6 =	vld [tilespmem:s3+$0x8530];
	[tilespmem:s14+$0x50] =	vst v4;
	v3 =	vadd.f32 v8, v3  }
0x75b: {  	v4 =	vld [tilespmem:s17+$0x60]  }
0x75c: {  	v7 =	vld [tilespmem:s11+$0x8460];
	[tilespmem:s15+$0x40] =	vst v3  }
0x75d: {  	v3 =	vld [tilespmem:s7+$0x450]  }
0x75e: {  	s21 =	simm.s32 $0xC00;
	s22 =	simm.s32 $0x300;
	v8 =	vld [tilespmem:s1+$0x84D0]  }
0x75f: {  	s18 =	simm.s32 $0x600;
	s9 =	sand.u32 $0x3000, s21;
	s10 =	sand.u32 $0x380, s22;
	v5 =	vadd.f32 v6, v5  }
0x760: {  	s9 =	sor.u32 s10, s9;
	v6 =	vld [tilespmem:s18+$0x8400]  }
0x761: {  	[tilespmem:s16+$0x30] =	vst v5;
	v4 =	vadd.f32 v7, v4;
	v5 =	vld [tilespmem:s9+$0x1DE00]  }
0x762: {  	v7 =	vld [tilespmem:s2+$0x840]  }
0x763: {  	v9 =	vld [tilespmem:s3+$0x8540];
	[tilespmem:s14+$0x60] =	vst v4;
	v3 =	vadd.f32 v8, v3  }
0x764: {  	v4 =	vld [tilespmem:s17+$0x70]  }
0x765: {  	s12 =	simm.s32 $0x8600;
	s23 =	simm.s32 $0x180;
	v8 =	vld [tilespmem:s11+$0x8470];
	[tilespmem:s15+$0x50] =	vst v3  }
0x766: {  	s12 =	sand.u32 $0x9000, s12;
	s10 =	sand.u32 $0x380, s23;
	v3 =	vld [tilespmem:s7+$0x460];
	v5 =	vadd.f32 v6, v5  }
0x767: {  	s13 =	sor.u32 s10, s12;
	v6 =	vld [tilespmem:s1+$0x84E0]  }
0x768: {  	s20 =	sadd.s32 $0x1DE00, s9;
	v7 =	vadd.f32 v9, v7;
	[tilespmem:s13+$0x13E00] =	vst v5  }
0x769: {  	v5 =	vld [tilespmem:s20+$0x10]  }
0x76a: {  	[tilespmem:s16+$0x40] =	vst v7;
	v4 =	vadd.f32 v8, v4;
	v7 =	vld [tilespmem:s18+$0x8410]  }
0x76b: {  	v8 =	vld [tilespmem:s2+$0x850]  }
0x76c: {  	v9 =	vld [tilespmem:s3+$0x8550];
	[tilespmem:s14+$0x70] =	vst v4;
	v3 =	vadd.f32 v6, v3  }
0x76d: {  	v4 =	vld [tilespmem:s17+$0x400]  }
0x76e: {  	[tilespmem:s15+$0x60] =	vst v3;
	v3 =	vld [tilespmem:s11+$0x8480]  }
0x76f: {  	v6 =	vld [tilespmem:s7+$0x470];
	v5 =	vadd.f32 v7, v5  }
0x770: {  	s24 =	sadd.s32 $0x13E00, s13;
	v7 =	vld [tilespmem:s1+$0x84F0]  }
0x771: {  	v8 =	vadd.f32 v9, v8;
	[tilespmem:s24+$0x10] =	vst v5  }
0x772: {  	v5 =	vld [tilespmem:s20+$0x20]  }
0x773: {  	[tilespmem:s16+$0x50] =	vst v8;
	v3 =	vadd.f32 v3, v4;
	v4 =	vld [tilespmem:s18+$0x8420]  }
0x774: {  	v8 =	vld [tilespmem:s2+$0x860]  }
0x775: {  	v9 =	vld [tilespmem:s3+$0x8560];
	[tilespmem:s19+$0x14200] =	vst v3;
	v3 =	vadd.f32 v7, v6  }
0x776: {  	v6 =	vld [tilespmem:s17+$0x410]  }
0x777: {  	v7 =	vld [tilespmem:s11+$0x8490];
	[tilespmem:s15+$0x70] =	vst v3  }
0x778: {  	v3 =	vld [tilespmem:s7+$0x800];
	v4 =	vadd.f32 v4, v5  }
0x779: {  	v5 =	vld [tilespmem:s1+$0x8500]  }
0x77a: {  	v8 =	vadd.f32 v9, v8;
	[tilespmem:s24+$0x20] =	vst v4  }
0x77b: {  	v4 =	vld [tilespmem:s20+$0x30]  }
0x77c: {  	[tilespmem:s16+$0x60] =	vst v8;
	v6 =	vadd.f32 v7, v6;
	v7 =	vld [tilespmem:s18+$0x8430]  }
0x77d: {  	s25 =	sadd.s32 $0x14200, s19;
	v8 =	vld [tilespmem:s2+$0x870]  }
0x77e: {  	v9 =	vld [tilespmem:s3+$0x8570];
	[tilespmem:s25+$0x10] =	vst v6;
	v3 =	vadd.f32 v5, v3  }
0x77f: {  	v5 =	vld [tilespmem:s17+$0x420]  }
0x780: {  	v6 =	vld [tilespmem:s11+$0x84A0];
	[tilespmem:s0+$0x14600] =	vst v3  }
0x781: {  	v3 =	vld [tilespmem:s7+$0x810];
	v4 =	vadd.f32 v7, v4  }
0x782: {  	v7 =	vld [tilespmem:s1+$0x8510]  }
0x783: {  	v8 =	vadd.f32 v9, v8;
	[tilespmem:s24+$0x30] =	vst v4  }
0x784: {  	v4 =	vld [tilespmem:s20+$0x40]  }
0x785: {  	[tilespmem:s16+$0x70] =	vst v8;
	v5 =	vadd.f32 v6, v5;
	v6 =	vld [tilespmem:s18+$0x8440]  }
0x786: {  	v8 =	vld [tilespmem:s2+$0xC00]  }
0x787: {  	v9 =	vld [tilespmem:s3+$0x8580];
	v3 =	vadd.f32 v7, v3;
	[tilespmem:s25+$0x20] =	vst v5  }
0x788: {  	s26 =	sadd.s32 $0x14600, s0;
	v5 =	vld [tilespmem:s17+$0x430]  }
0x789: {  	[tilespmem:s26+$0x10] =	vst v3;
	v3 =	vld [tilespmem:s11+$0x84B0]  }
0x78a: {  	v7 =	vld [tilespmem:s7+$0x820];
	v4 =	vadd.f32 v6, v4  }
0x78b: {  	v6 =	vld [tilespmem:s1+$0x8520]  }
0x78c: {  	v8 =	vadd.f32 v9, v8;
	[tilespmem:s24+$0x40] =	vst v4  }
0x78d: {  	v4 =	vld [tilespmem:s20+$0x50]  }
0x78e: {  	[tilespmem:s4+$0x14A00] =	vst v8;
	v8 =	vld [tilespmem:s18+$0x8450];
	v3 =	vadd.f32 v3, v5  }
0x78f: {  	v9 =	vld [tilespmem:s3+$0x8590]  }
0x790: {  	v5 =	vld [tilespmem:s2+$0xC10];
	v6 =	vadd.f32 v6, v7;
	[tilespmem:s25+$0x30] =	vst v3  }
0x791: {  	v3 =	vld [tilespmem:s17+$0x440]  }
0x792: {  	[tilespmem:s26+$0x20] =	vst v6;
	v6 =	vld [tilespmem:s11+$0x84C0]  }
0x793: {  	v4 =	vadd.f32 v8, v4;
	v7 =	vld [tilespmem:s7+$0x830]  }
0x794: {  	v8 =	vld [tilespmem:s1+$0x8530]  }
0x795: {  	[tilespmem:s24+$0x50] =	vst v4  }
0x796: {  	v4 =	vadd.f32 v9, v5;
	v5 =	vld [tilespmem:s20+$0x60]  }
0x797: {  	v9 =	vld [tilespmem:s18+$0x8460];
	v3 =	vadd.f32 v6, v3  }
0x798: {  	s14 =	simm.s32 $0x800  }
0x799: {  	v10 =	vld [tilespmem:s14+$0x8400];
	[tilespmem:s25+$0x40] =	vst v3;
	v3 =	vadd.f32 v8, v7  }
0x79a: {  	v6 =	vld [tilespmem:s17+$0x450]  }
0x79b: {  	v7 =	vld [tilespmem:s11+$0x84D0];
	[tilespmem:s26+$0x30] =	vst v3  }
0x79c: {  	s12 =	sadd.s32 $0x14A00, s4;
	v3 =	vadd.f32 v9, v5;
	v5 =	vld [tilespmem:s7+$0x840]  }
0x79d: {  	[tilespmem:s12+$0x10] =	vst v4;
	v8 =	vld [tilespmem:s1+$0x8540]  }
0x79e: {  	s29 =	simm.s32 $0x380;
	s28 =	simm.s32 $0xE00;
	v4 =	vld [tilespmem:s2+$0xC20]  }
0x79f: {  	s5 =	sand.u32 $0x380, s29;
	s4 =	sand.u32 $0x3000, s28;
	[tilespmem:s24+$0x60] =	vst v3;
	v3 =	vld [tilespmem:s3+$0x85A0]  }
0x7a0: {  	s4 =	sor.u32 s5, s4;
	v9 =	vld [tilespmem:s20+$0x70];
	v6 =	vadd.f32 v7, v6  }
0x7a1: {  	v7 =	vld [tilespmem:s4+$0x1DE00]  }
0x7a2: {  	v11 =	vld [tilespmem:s18+$0x8470];
	[tilespmem:s25+$0x50] =	vst v6;
	v5 =	vadd.f32 v8, v5  }
0x7a3: {  	v6 =	vld [tilespmem:s17+$0x460]  }
0x7a4: {  	v8 =	vld [tilespmem:s11+$0x84E0];
	v3 =	vadd.f32 v3, v4;
	[tilespmem:s26+$0x40] =	vst v5  }
0x7a5: {  	s30 =	simm.s32 $0x200;
	s31 =	simm.s32 $0x8800;
	v4 =	vld [tilespmem:s7+$0x850]  }
0x7a6: {  	s10 =	sand.u32 $0x9000, s31;
	s5 =	sand.u32 $0x380, s30;
	v5 =	vadd.f32 v10, v7;
	v7 =	vld [tilespmem:s1+$0x8550];
	[tilespmem:s12+$0x20] =	vst v3  }
0x7a7: {  	s5 =	sor.u32 s5, s10;
	v3 =	vld [tilespmem:s2+$0xC30]  }
0x7a8: {  	s21 =	sadd.s32 $0x1DE00, s4;
	v9 =	vadd.f32 v11, v9;
	[tilespmem:s5+$0x13E00] =	vst v5;
	v5 =	vld [tilespmem:s3+$0x85B0]  }
0x7a9: {  	v10 =	vld [tilespmem:s21+$0x10]  }
0x7aa: {  	[tilespmem:s24+$0x70] =	vst v9;
	v6 =	vadd.f32 v8, v6;
	v8 =	vld [tilespmem:s14+$0x8410]  }
0x7ab: {  	v9 =	vld [tilespmem:s20+$0x400]  }
0x7ac: {  	[tilespmem:s25+$0x60] =	vst v6;
	v4 =	vadd.f32 v7, v4;
	v6 =	vld [tilespmem:s18+$0x8480]  }
0x7ad: {  	v7 =	vld [tilespmem:s17+$0x470]  }
0x7ae: {  	[tilespmem:s26+$0x50] =	vst v4;
	v3 =	vadd.f32 v5, v3;
	v4 =	vld [tilespmem:s11+$0x84F0]  }
0x7af: {  	v5 =	vadd.f32 v8, v10;
	v8 =	vld [tilespmem:s7+$0x860]  }
0x7b0: {  	s8 =	sadd.s32 $0x13E00, s5;
	[tilespmem:s12+$0x30] =	vst v3;
	v3 =	vld [tilespmem:s1+$0x8560]  }
0x7b1: {  	[tilespmem:s8+$0x10] =	vst v5;
	v5 =	vadd.f32 v6, v9;
	v6 =	vld [tilespmem:s3+$0x85C0]  }
0x7b2: {  	v9 =	vld [tilespmem:s21+$0x20]  }
0x7b3: {  	v10 =	vld [tilespmem:s14+$0x8420];
	[tilespmem:s13+$0x14200] =	vst v5;
	v4 =	vadd.f32 v4, v7  }
0x7b4: {  	v5 =	vld [tilespmem:s20+$0x410]  }
0x7b5: {  	v7 =	vld [tilespmem:s18+$0x8490];
	[tilespmem:s25+$0x70] =	vst v4;
	v3 =	vadd.f32 v3, v8  }
0x7b6: {  	v4 =	vld [tilespmem:s17+$0x800]  }
0x7b7: {  	v8 =	vld [tilespmem:s11+$0x8500];
	[tilespmem:s26+$0x60] =	vst v3  }
0x7b8: {  	v3 =	vadd.f32 v10, v9;
	v9 =	vld [tilespmem:s7+$0x870]  }
0x7b9: {  	v10 =	vld [tilespmem:s1+$0x8570]  }
0x7ba: {  	[tilespmem:s8+$0x20] =	vst v3;
	v3 =	vadd.f32 v7, v5;
	v5 =	vld [tilespmem:s2+$0xC40]  }
0x7bb: {  	s6 =	sadd.s32 $0x14200, s13;
	v7 =	vld [tilespmem:s21+$0x30]  }
0x7bc: {  	v11 =	vld [tilespmem:s14+$0x8430];
	[tilespmem:s6+$0x10] =	vst v3;
	v3 =	vadd.f32 v8, v4  }
0x7bd: {  	v4 =	vld [tilespmem:s20+$0x420]  }
0x7be: {  	v8 =	vld [tilespmem:s18+$0x84A0];
	[tilespmem:s19+$0x14600] =	vst v3;
	v3 =	vadd.f32 v10, v9  }
0x7bf: {  	v9 =	vld [tilespmem:s17+$0x810]  }
0x7c0: {  	v5 =	vadd.f32 v6, v5;
	v6 =	vld [tilespmem:s11+$0x8510];
	[tilespmem:s26+$0x70] =	vst v3  }
0x7c1: {  	v3 =	vadd.f32 v11, v7;
	v7 =	vld [tilespmem:s7+$0xC00]  }
0x7c2: {  	[tilespmem:s12+$0x40] =	vst v5;
	v5 =	vld [tilespmem:s1+$0x8580]  }
0x7c3: {  	[tilespmem:s8+$0x30] =	vst v3;
	v3 =	vld [tilespmem:s2+$0xC50]  }
0x7c4: {  	v4 =	vadd.f32 v8, v4;
	v10 =	vld [tilespmem:s21+$0x40]  }
0x7c5: {  	v8 =	vld [tilespmem:s14+$0x8440]  }
0x7c6: {  	v6 =	vadd.f32 v6, v9;
	[tilespmem:s6+$0x20] =	vst v4;
	v4 =	vld [tilespmem:s3+$0x85D0]  }
0x7c7: {  	s4 =	sadd.s32 $0x14600, s19;
	v9 =	vld [tilespmem:s20+$0x430]  }
0x7c8: {  	[tilespmem:s4+$0x10] =	vst v6;
	v5 =	vadd.f32 v5, v7;
	v7 =	vld [tilespmem:s18+$0x84B0]  }
0x7c9: {  	v6 =	vld [tilespmem:s17+$0x820]  }
0x7ca: {  	[tilespmem:s0+$0x14A00] =	vst v5;
	v5 =	vadd.f32 v8, v10;
	v8 =	vld [tilespmem:s11+$0x8520]  }
0x7cb: {  	v10 =	vld [tilespmem:s7+$0xC10]  }
0x7cc: {  	v3 =	vadd.f32 v4, v3;
	v4 =	vld [tilespmem:s1+$0x8590];
	[tilespmem:s8+$0x40] =	vst v5  }
0x7cd: {  	v5 =	vld [tilespmem:s21+$0x50]  }
0x7ce: {  	[tilespmem:s12+$0x50] =	vst v3;
	v3 =	vld [tilespmem:s14+$0x8450];
	v7 =	vadd.f32 v7, v9  }
0x7cf: {  	v9 =	vld [tilespmem:s2+$0xC60]  }
0x7d0: {  	v6 =	vadd.f32 v8, v6;
	[tilespmem:s6+$0x30] =	vst v7;
	v7 =	vld [tilespmem:s3+$0x85E0]  }
0x7d1: {  	v8 =	vld [tilespmem:s20+$0x440]  }
0x7d2: {  	v4 =	vadd.f32 v4, v10;
	[tilespmem:s4+$0x20] =	vst v6;
	v6 =	vld [tilespmem:s18+$0x84C0]  }
0x7d3: {  	s0 =	sadd.s32 $0x14A00, s0;
	v3 =	vadd.f32 v3, v5;
	v10 =	vld [tilespmem:s17+$0x830]  }
0x7d4: {  	[tilespmem:s0+$0x10] =	vst v4;
	v4 =	vld [tilespmem:s11+$0x8530]  }
0x7d5: {  	v5 =	vld [tilespmem:s7+$0xC20];
	[tilespmem:s8+$0x50] =	vst v3;
	v3 =	vadd.f32 v7, v9  }
0x7d6: {  	v9 =	vld [tilespmem:s21+$0x60]  }
0x7d7: {  	v11 =	vld [tilespmem:s14+$0x8460];
	v6 =	vadd.f32 v6, v8;
	[tilespmem:s12+$0x60] =	vst v3  }
0x7d8: {  	v3 =	vld [tilespmem:s3+$0x85F0]  }
0x7d9: {  	[tilespmem:s6+$0x40] =	vst v6;
	v6 =	vadd.f32 v4, v10;
	v4 =	vld [tilespmem:s2+$0xC70]  }
0x7da: {  	v7 =	vld [tilespmem:s20+$0x450]  }
0x7db: {  	v8 =	vld [tilespmem:s18+$0x84D0];
	[tilespmem:s4+$0x30] =	vst v6  }
0x7dc: {  	s15 =	simm.s32 $0x2800;
	s3 =	simm.s32 $0x8A00;
	s2 =	simm.s32 $0x280;
	v9 =	vadd.f32 v11, v9;
	v6 =	vld [tilespmem:s17+$0x840]  }
.LBB2_10:
0x7dd: {  	s10 =	sadd.s32 $0xFFFF8600, s3  }
0x7de: {  	s16 =	sadd.s32 $0x180, s2;
	v10 =	vld [tilespmem:s11+$0x8540];
	s22 =	smov.u32 s15;
	s9 =	sadd.s32 $0x800, s15  }
0x7df: {  	s23 =	sand.u32 $0x3000, s10;
	s16 =	sand.u32 $0x380, s16;
	s10 =	sshra.s32 s22, $0x2;
	[tilespmem:s8+$0x60] =	vst v9;
	v9 =	vld [tilespmem:s1+$0x85A0];
	v3 =	vadd.f32 v3, v4  }
0x7e0: {  	p0 =	sne.s32 s15, $0x6000;
	s22 =	sor.u32 s16, s23;
	v4 =	vld [tilespmem:s21+$0x70]  }
0x7e1: {  	v11 =	vld [tilespmem:s10+$0x8400];
	v7 =	vadd.f32 v8, v7;
	[tilespmem:s12+$0x70] =	vst v3;
	s12 =	smov.u32 s0  }
0x7e2: {  	v3 =	vld [tilespmem:s22+$0x1DE00]  }
0x7e3: {  	v8 =	vld [tilespmem:s14+$0x8470];
	[tilespmem:s6+$0x50] =	vst v7;
	v6 =	vadd.f32 v10, v6  }
0x7e4: {  	v7 =	vld [tilespmem:s20+$0x460]  }
0x7e5: {  	v5 =	vadd.f32 v9, v5;
	v10 =	vld [tilespmem:s18+$0x84E0];
	[tilespmem:s4+$0x40] =	vst v6  }
0x7e6: {  	s15 =	sand.u32 $0x380, s2;
	s0 =	sand.u32 $0x9000, s3;
	v6 =	vld [tilespmem:s17+$0x850]  }
0x7e7: {  	s16 =	sor.u32 s15, s0;
	v3 =	vadd.f32 v11, v3;
	v9 =	vld [tilespmem:s11+$0x8550];
	[tilespmem:s12+$0x20] =	vst v5  }
0x7e8: {  	s15 =	sadd.s32 $0x1DE00, s22;
	v4 =	vadd.f32 v8, v4;
	v5 =	vld [tilespmem:s7+$0xC30]  }
0x7e9: {  	[tilespmem:s16+$0x13E00] =	vst v3;
	v3 =	vld [tilespmem:s1+$0x85B0]  }
0x7ea: {  	v8 =	vld [tilespmem:s15+$0x10];
	[tilespmem:s8+$0x70] =	vst v4;
	v4 =	vadd.f32 v10, v7  }
0x7eb: {  	v7 =	vld [tilespmem:s10+$0x8410]  }
0x7ec: {  	v10 =	vld [tilespmem:s21+$0x400];
	[tilespmem:s6+$0x60] =	vst v4;
	v4 =	vadd.f32 v9, v6  }
0x7ed: {  	v6 =	vld [tilespmem:s14+$0x8480]  }
0x7ee: {  	v9 =	vld [tilespmem:s20+$0x470];
	[tilespmem:s4+$0x50] =	vst v4;
	v3 =	vadd.f32 v3, v5  }
0x7ef: {  	v4 =	vld [tilespmem:s18+$0x84F0]  }
0x7f0: {  	s8 =	sadd.s32 $0x13E00, s16;
	v5 =	vadd.f32 v7, v8;
	v7 =	vld [tilespmem:s17+$0x860];
	[tilespmem:s12+$0x30] =	vst v3  }
0x7f1: {  	v3 =	vld [tilespmem:s11+$0x8560]  }
0x7f2: {  	[tilespmem:s8+$0x10] =	vst v5;
	v5 =	vadd.f32 v6, v10;
	v6 =	vld [tilespmem:s1+$0x85C0]  }
0x7f3: {  	v8 =	vld [tilespmem:s15+$0x20]  }
0x7f4: {  	v10 =	vld [tilespmem:s10+$0x8420];
	[tilespmem:s5+$0x14200] =	vst v5;
	v4 =	vadd.f32 v4, v9  }
0x7f5: {  	v5 =	vld [tilespmem:s21+$0x410]  }
0x7f6: {  	v9 =	vld [tilespmem:s14+$0x8490];
	[tilespmem:s6+$0x70] =	vst v4;
	v3 =	vadd.f32 v3, v7  }
0x7f7: {  	v4 =	vld [tilespmem:s20+$0x800]  }
0x7f8: {  	v7 =	vld [tilespmem:s18+$0x8500];
	[tilespmem:s4+$0x60] =	vst v3  }
0x7f9: {  	v3 =	vadd.f32 v10, v8;
	v8 =	vld [tilespmem:s17+$0x870]  }
0x7fa: {  	v10 =	vld [tilespmem:s11+$0x8570]  }
0x7fb: {  	[tilespmem:s8+$0x20] =	vst v3;
	v3 =	vadd.f32 v9, v5;
	v5 =	vld [tilespmem:s7+$0xC40]  }
0x7fc: {  	s6 =	sadd.s32 $0x14200, s5;
	v9 =	vld [tilespmem:s15+$0x30]  }
0x7fd: {  	v11 =	vld [tilespmem:s10+$0x8430];
	[tilespmem:s6+$0x10] =	vst v3;
	v3 =	vadd.f32 v7, v4  }
0x7fe: {  	v4 =	vld [tilespmem:s21+$0x420]  }
0x7ff: {  	v7 =	vld [tilespmem:s14+$0x84A0];
	[tilespmem:s13+$0x14600] =	vst v3;
	v3 =	vadd.f32 v10, v8  }
0x800: {  	v8 =	vld [tilespmem:s20+$0x810];
	v5 =	vadd.f32 v6, v5  }
0x801: {  	v6 =	vld [tilespmem:s18+$0x8510];
	[tilespmem:s4+$0x70] =	vst v3  }
0x802: {  	v3 =	vadd.f32 v11, v9;
	v9 =	vld [tilespmem:s17+$0xC00];
	[tilespmem:s12+$0x40] =	vst v5  }
0x803: {  	v5 =	vld [tilespmem:s11+$0x8580]  }
0x804: {  	[tilespmem:s8+$0x30] =	vst v3;
	v3 =	vld [tilespmem:s7+$0xC50]  }
0x805: {  	v4 =	vadd.f32 v7, v4;
	v10 =	vld [tilespmem:s15+$0x40]  }
0x806: {  	v7 =	vld [tilespmem:s10+$0x8440];
	v6 =	vadd.f32 v6, v8  }
0x807: {  	s4 =	sadd.s32 $0x14600, s13;
	[tilespmem:s6+$0x20] =	vst v4;
	v4 =	vld [tilespmem:s1+$0x85D0]  }
0x808: {  	v8 =	vld [tilespmem:s21+$0x430];
	[tilespmem:s4+$0x10] =	vst v6;
	v5 =	vadd.f32 v5, v9  }
0x809: {  	v6 =	vld [tilespmem:s20+$0x820]  }
0x80a: {  	v9 =	vld [tilespmem:s14+$0x84B0];
	[tilespmem:s19+$0x14A00] =	vst v5  }
0x80b: {  	v5 =	vadd.f32 v7, v10;
	v7 =	vld [tilespmem:s18+$0x8520]  }
0x80c: {  	v10 =	vld [tilespmem:s17+$0xC10];
	v3 =	vadd.f32 v4, v3  }
0x80d: {  	[tilespmem:s8+$0x40] =	vst v5;
	v4 =	vld [tilespmem:s11+$0x8590]  }
0x80e: {  	v5 =	vld [tilespmem:s15+$0x50];
	[tilespmem:s12+$0x50] =	vst v3  }
0x80f: {  	v3 =	vld [tilespmem:s10+$0x8450];
	v8 =	vadd.f32 v9, v8  }
0x810: {  	v6 =	vadd.f32 v7, v6;
	v7 =	vld [tilespmem:s7+$0xC60]  }
0x811: {  	[tilespmem:s6+$0x30] =	vst v8;
	v8 =	vld [tilespmem:s1+$0x85E0]  }
0x812: {  	v9 =	vld [tilespmem:s21+$0x440];
	[tilespmem:s4+$0x20] =	vst v6;
	v4 =	vadd.f32 v4, v10  }
0x813: {  	s0 =	sadd.s32 $0x14A00, s19;
	s19 =	smov.u32 s13;
	s13 =	smov.u32 s5;
	v6 =	vld [tilespmem:s14+$0x84C0]  }
0x814: {  	s5 =	smov.u32 s16;
	v3 =	vadd.f32 v3, v5;
	v10 =	vld [tilespmem:s20+$0x830];
	[tilespmem:s0+$0x10] =	vst v4  }
0x815: {  	v4 =	vld [tilespmem:s18+$0x8530]  }
0x816: {  	[tilespmem:s8+$0x50] =	vst v3;
	v5 =	vld [tilespmem:s17+$0xC20];
	v3 =	vadd.f32 v8, v7  }
0x817: {  	v11 =	vld [tilespmem:s15+$0x60]  }
0x818: {  	v12 =	vld [tilespmem:s10+$0x8460];
	v6 =	vadd.f32 v6, v9;
	[tilespmem:s12+$0x60] =	vst v3  }
.Ltmp7:
0x819: {  	v3 =	vld [tilespmem:s1+$0x85F0];
	s1 =	smov.u32 s11;
	s11 =	smov.u32 s18;
	(pc) =	sbr.rel @p0 .LBB2_10-.Ltmp7, $4  }
0x81a: {  	s18 =	smov.u32 s14;
	s14 =	smov.u32 s10;
	[tilespmem:s6+$0x40] =	vst v6;
	v6 =	vadd.f32 v4, v10;
	v4 =	vld [tilespmem:s7+$0xC70];
	s7 =	smov.u32 s17  }
0x81b: {  	s17 =	smov.u32 s20;
	s20 =	smov.u32 s21;
	v7 =	vld [tilespmem:s21+$0x450];
	s21 =	smov.u32 s15  }
0x81c: {  	v8 =	vld [tilespmem:s18+$0x84D0];
	[tilespmem:s4+$0x30] =	vst v6  }
0x81d: {  	s2 =	sadd.s32 $0x80, s2;
	s3 =	sadd.s32 $0x200, s3;
	s15 =	smov.u32 s9;
	v9 =	vadd.f32 v12, v11;
	v6 =	vld [tilespmem:s17+$0x840]  }
0x81e: {  	_ = 	snop  }
0x81f: {  	[tilespmem:s8+$0x60] =	vst v9  }
0x820: {  	v9 =	vld [tilespmem:s21+$0x70]  }
0x821: {  	v10 =	vld [tilespmem:s14+$0x8470];
	_ =	sdelay $0x4  }
0x822: {  	v9 =	vadd.f32 v10, v9;
	_ =	sdelay $0x1  }
0x823: {  	[tilespmem:s8+$0x70] =	vst v9  }
0x824: {  	v9 =	vld [tilespmem:s21+$0x400]  }
0x825: {  	v12 =	vld [tilespmem:s14+$0x8480];
	_ =	sdelay $0x4  }
0x826: {  	v9 =	vadd.f32 v12, v9;
	_ =	sdelay $0x1  }
0x827: {  	[tilespmem:s5+$0x14200] =	vst v9  }
0x828: {  	v9 =	vld [tilespmem:s21+$0x410]  }
0x829: {  	v13 =	vld [tilespmem:s14+$0x8490];
	_ =	sdelay $0x4  }
0x82a: {  	v9 =	vadd.f32 v13, v9  }
0x82b: {  	s2 =	sadd.s32 $0x14200, s5  }
0x82c: {  	[tilespmem:s2+$0x10] =	vst v9  }
0x82d: {  	v9 =	vld [tilespmem:s21+$0x420]  }
0x82e: {  	v14 =	vld [tilespmem:s14+$0x84A0];
	_ =	sdelay $0x4  }
0x82f: {  	v9 =	vadd.f32 v14, v9;
	_ =	sdelay $0x1  }
0x830: {  	[tilespmem:s2+$0x20] =	vst v9  }
0x831: {  	v9 =	vld [tilespmem:s21+$0x430]  }
0x832: {  	v15 =	vld [tilespmem:s14+$0x84B0];
	_ =	sdelay $0x4  }
0x833: {  	v9 =	vadd.f32 v15, v9;
	_ =	sdelay $0x1  }
0x834: {  	[tilespmem:s2+$0x30] =	vst v9  }
0x835: {  	v9 =	vld [tilespmem:s21+$0x440]  }
0x836: {  	v16 =	vld [tilespmem:s14+$0x84C0];
	_ =	sdelay $0x4  }
0x837: {  	v9 =	vadd.f32 v16, v9;
	_ =	sdelay $0x1  }
0x838: {  	[tilespmem:s2+$0x40] =	vst v9  }
0x839: {  	v9 =	vld [tilespmem:s21+$0x450]  }
0x83a: {  	v17 =	vld [tilespmem:s14+$0x84D0];
	_ =	sdelay $0x2  }
0x83b: {  	v7 =	vadd.f32 v8, v7;
	_ =	sdelay $0x1  }
0x83c: {  	[tilespmem:s6+$0x50] =	vst v7;
	v18 =	vadd.f32 v17, v9  }
0x83d: {  	v19 =	vld [tilespmem:s20+$0x460]  }
0x83e: {  	v20 =	vld [tilespmem:s18+$0x84E0];
	[tilespmem:s2+$0x50] =	vst v18  }
0x83f: {  	v7 =	vld [tilespmem:s21+$0x460]  }
0x840: {  	v21 =	vld [tilespmem:s14+$0x84E0];
	_ =	sdelay $0x2  }
0x841: {  	v8 =	vadd.f32 v20, v19;
	_ =	sdelay $0x1  }
0x842: {  	[tilespmem:s6+$0x60] =	vst v8;
	v7 =	vadd.f32 v21, v7  }
0x843: {  	v8 =	vld [tilespmem:s20+$0x470]  }
0x844: {  	v22 =	vld [tilespmem:s18+$0x84F0];
	[tilespmem:s2+$0x60] =	vst v7  }
0x845: {  	v7 =	vld [tilespmem:s21+$0x470]  }
0x846: {  	v23 =	vld [tilespmem:s14+$0x84F0];
	_ =	sdelay $0x2  }
0x847: {  	v8 =	vadd.f32 v22, v8;
	_ =	sdelay $0x1  }
0x848: {  	[tilespmem:s6+$0x70] =	vst v8;
	v7 =	vadd.f32 v23, v7  }
0x849: {  	v8 =	vld [tilespmem:s20+$0x800]  }
0x84a: {  	v24 =	vld [tilespmem:s18+$0x8500];
	[tilespmem:s2+$0x70] =	vst v7  }
0x84b: {  	v7 =	vld [tilespmem:s21+$0x800]  }
0x84c: {  	v25 =	vld [tilespmem:s14+$0x8500];
	_ =	sdelay $0x2  }
0x84d: {  	v8 =	vadd.f32 v24, v8;
	_ =	sdelay $0x1  }
0x84e: {  	[tilespmem:s13+$0x14600] =	vst v8;
	v7 =	vadd.f32 v25, v7  }
0x84f: {  	v8 =	vld [tilespmem:s20+$0x810]  }
0x850: {  	v26 =	vld [tilespmem:s18+$0x8510];
	[tilespmem:s5+$0x14600] =	vst v7  }
0x851: {  	v7 =	vld [tilespmem:s21+$0x810]  }
0x852: {  	v27 =	vld [tilespmem:s14+$0x8510];
	_ =	sdelay $0x2  }
0x853: {  	v8 =	vadd.f32 v26, v8  }
0x854: {  	s3 =	sadd.s32 $0x14600, s13  }
0x855: {  	[tilespmem:s3+$0x10] =	vst v8;
	v7 =	vadd.f32 v27, v7  }
0x856: {  	s25 =	sadd.s32 $0x14600, s5;
	v8 =	vld [tilespmem:s20+$0x820]  }
0x857: {  	v28 =	vld [tilespmem:s18+$0x8520];
	[tilespmem:s25+$0x10] =	vst v7  }
0x858: {  	v7 =	vld [tilespmem:s21+$0x820]  }
0x859: {  	v29 =	vld [tilespmem:s14+$0x8520];
	_ =	sdelay $0x2  }
0x85a: {  	v8 =	vadd.f32 v28, v8;
	_ =	sdelay $0x1  }
0x85b: {  	[tilespmem:s3+$0x20] =	vst v8;
	v7 =	vadd.f32 v29, v7  }
0x85c: {  	v8 =	vld [tilespmem:s20+$0x830]  }
0x85d: {  	v30 =	vld [tilespmem:s18+$0x8530];
	[tilespmem:s25+$0x20] =	vst v7  }
0x85e: {  	v7 =	vld [tilespmem:s21+$0x830]  }
0x85f: {  	v31 =	vld [tilespmem:s14+$0x8530];
	_ =	sdelay $0x2  }
0x860: {  	v8 =	vadd.f32 v30, v8  }
0x861: {  	v32 =	vld [tilespmem:s11+$0x8540]  }
0x862: {  	[tilespmem:s3+$0x30] =	vst v8;
	v7 =	vadd.f32 v31, v7  }
0x863: {  	v8 =	vld [tilespmem:s20+$0x840]  }
0x864: {  	v33 =	vld [tilespmem:s18+$0x8540];
	[tilespmem:s25+$0x30] =	vst v7  }
0x865: {  	v7 =	vld [tilespmem:s21+$0x840]  }
0x866: {  	v6 =	vadd.f32 v32, v6;
	v11 =	vld [tilespmem:s14+$0x8540];
	_ =	sdelay $0x1  }
0x867: {  	[tilespmem:s4+$0x40] =	vst v6  }
0x868: {  	v35 =	vld [tilespmem:s17+$0x850];
	v34 =	vadd.f32 v33, v8  }
0x869: {  	v36 =	vld [tilespmem:s11+$0x8550]  }
0x86a: {  	[tilespmem:s3+$0x40] =	vst v34;
	v37 =	vadd.f32 v11, v7  }
0x86b: {  	v38 =	vld [tilespmem:s20+$0x850]  }
0x86c: {  	v39 =	vld [tilespmem:s18+$0x8550];
	[tilespmem:s25+$0x40] =	vst v37  }
0x86d: {  	v6 =	vld [tilespmem:s21+$0x850]  }
0x86e: {  	v8 =	vadd.f32 v36, v35;
	v40 =	vld [tilespmem:s14+$0x8550];
	_ =	sdelay $0x1  }
0x86f: {  	[tilespmem:s4+$0x50] =	vst v8  }
0x870: {  	v8 =	vld [tilespmem:s17+$0x860];
	v7 =	vadd.f32 v39, v38  }
0x871: {  	v41 =	vld [tilespmem:s11+$0x8560]  }
0x872: {  	[tilespmem:s3+$0x50] =	vst v7;
	v6 =	vadd.f32 v40, v6  }
0x873: {  	v7 =	vld [tilespmem:s20+$0x860]  }
0x874: {  	v42 =	vld [tilespmem:s18+$0x8560];
	[tilespmem:s25+$0x50] =	vst v6  }
0x875: {  	v6 =	vld [tilespmem:s21+$0x860]  }
0x876: {  	v8 =	vadd.f32 v41, v8;
	v43 =	vld [tilespmem:s14+$0x8560];
	_ =	sdelay $0x1  }
0x877: {  	[tilespmem:s4+$0x60] =	vst v8  }
0x878: {  	v8 =	vld [tilespmem:s17+$0x870];
	v7 =	vadd.f32 v42, v7  }
0x879: {  	v44 =	vld [tilespmem:s11+$0x8570]  }
0x87a: {  	[tilespmem:s3+$0x60] =	vst v7;
	v6 =	vadd.f32 v43, v6  }
0x87b: {  	v7 =	vld [tilespmem:s20+$0x870]  }
0x87c: {  	v45 =	vld [tilespmem:s18+$0x8570];
	[tilespmem:s25+$0x60] =	vst v6  }
0x87d: {  	v6 =	vld [tilespmem:s21+$0x870]  }
0x87e: {  	v8 =	vadd.f32 v44, v8;
	v46 =	vld [tilespmem:s14+$0x8570];
	_ =	sdelay $0x1  }
0x87f: {  	[tilespmem:s4+$0x70] =	vst v8  }
0x880: {  	v8 =	vld [tilespmem:s17+$0xC00];
	v7 =	vadd.f32 v45, v7  }
0x881: {  	v47 =	vld [tilespmem:s11+$0x8580]  }
0x882: {  	[tilespmem:s3+$0x70] =	vst v7;
	v6 =	vadd.f32 v46, v6  }
0x883: {  	v7 =	vld [tilespmem:s20+$0xC00]  }
0x884: {  	v48 =	vld [tilespmem:s18+$0x8580];
	[tilespmem:s25+$0x70] =	vst v6  }
0x885: {  	v6 =	vld [tilespmem:s21+$0xC00]  }
0x886: {  	v8 =	vadd.f32 v47, v8;
	v49 =	vld [tilespmem:s14+$0x8580];
	_ =	sdelay $0x1  }
0x887: {  	[tilespmem:s19+$0x14A00] =	vst v8  }
0x888: {  	v8 =	vld [tilespmem:s17+$0xC10];
	v7 =	vadd.f32 v48, v7  }
0x889: {  	v50 =	vld [tilespmem:s11+$0x8590]  }
0x88a: {  	[tilespmem:s13+$0x14A00] =	vst v7;
	v6 =	vadd.f32 v49, v6  }
0x88b: {  	v7 =	vld [tilespmem:s20+$0xC10]  }
0x88c: {  	v51 =	vld [tilespmem:s18+$0x8590];
	[tilespmem:s5+$0x14A00] =	vst v6  }
0x88d: {  	v6 =	vld [tilespmem:s21+$0xC10]  }
0x88e: {  	v8 =	vadd.f32 v50, v8;
	v52 =	vld [tilespmem:s14+$0x8590]  }
0x88f: {  	s26 =	sadd.s32 $0x14A00, s19  }
0x890: {  	v53 =	vld [tilespmem:s1+$0x85A0];
	[tilespmem:s26+$0x10] =	vst v8  }
0x891: {  	v8 =	vld [tilespmem:s17+$0xC20];
	v7 =	vadd.f32 v51, v7  }
0x892: {  	s28 =	sadd.s32 $0x14A00, s13;
	v54 =	vld [tilespmem:s11+$0x85A0]  }
0x893: {  	[tilespmem:s28+$0x10] =	vst v7;
	v6 =	vadd.f32 v52, v6  }
0x894: {  	s29 =	sadd.s32 $0x14A00, s5;
	v7 =	vld [tilespmem:s20+$0xC20]  }
0x895: {  	v5 =	vadd.f32 v53, v5;
	v55 =	vld [tilespmem:s18+$0x85A0];
	[tilespmem:s29+$0x10] =	vst v6  }
0x896: {  	v6 =	vld [tilespmem:s21+$0xC20]  }
0x897: {  	[tilespmem:s0+$0x20] =	vst v5;
	v57 =	vadd.f32 v54, v8;
	v56 =	vld [tilespmem:s14+$0x85A0]  }
0x898: {  	v58 =	vld [tilespmem:s7+$0xC30]  }
0x899: {  	v59 =	vld [tilespmem:s1+$0x85B0];
	[tilespmem:s26+$0x20] =	vst v57  }
0x89a: {  	v61 =	vld [tilespmem:s17+$0xC30];
	v60 =	vadd.f32 v55, v7  }
0x89b: {  	v62 =	vld [tilespmem:s11+$0x85B0]  }
0x89c: {  	[tilespmem:s28+$0x20] =	vst v60;
	v63 =	vadd.f32 v56, v6  }
0x89d: {  	v12 =	vld [tilespmem:s20+$0xC30]  }
0x89e: {  	v14 =	vadd.f32 v59, v58;
	v13 =	vld [tilespmem:s18+$0x85B0];
	[tilespmem:s29+$0x20] =	vst v63  }
0x89f: {  	v15 =	vld [tilespmem:s21+$0xC30]  }
0x8a0: {  	[tilespmem:s0+$0x30] =	vst v14;
	v17 =	vadd.f32 v62, v61;
	v16 =	vld [tilespmem:s14+$0x85B0]  }
0x8a1: {  	v19 =	vld [tilespmem:s7+$0xC40]  }
0x8a2: {  	v18 =	vld [tilespmem:s1+$0x85C0];
	[tilespmem:s26+$0x30] =	vst v17  }
0x8a3: {  	v21 =	vld [tilespmem:s11+$0x85C0];
	v20 =	vadd.f32 v13, v12  }
0x8a4: {  	v22 =	vld [tilespmem:s17+$0xC40]  }
0x8a5: {  	[tilespmem:s28+$0x30] =	vst v20;
	v23 =	vadd.f32 v16, v15  }
0x8a6: {  	v24 =	vld [tilespmem:s18+$0x85C0]  }
0x8a7: {  	v26 =	vadd.f32 v18, v19;
	v25 =	vld [tilespmem:s20+$0xC40];
	[tilespmem:s29+$0x30] =	vst v23  }
0x8a8: {  	v27 =	vld [tilespmem:s14+$0x85C0]  }
0x8a9: {  	[tilespmem:s0+$0x40] =	vst v26;
	v29 =	vadd.f32 v21, v22;
	v28 =	vld [tilespmem:s21+$0xC40]  }
0x8aa: {  	v30 =	vld [tilespmem:s7+$0xC50]  }
0x8ab: {  	v31 =	vld [tilespmem:s1+$0x85D0];
	[tilespmem:s26+$0x40] =	vst v29  }
0x8ac: {  	v33 =	vld [tilespmem:s17+$0xC50];
	v32 =	vadd.f32 v24, v25  }
0x8ad: {  	v34 =	vld [tilespmem:s11+$0x85D0]  }
0x8ae: {  	[tilespmem:s28+$0x40] =	vst v32;
	v35 =	vadd.f32 v27, v28  }
0x8af: {  	v36 =	vld [tilespmem:s20+$0xC50]  }
0x8b0: {  	v38 =	vadd.f32 v31, v30;
	v37 =	vld [tilespmem:s18+$0x85D0];
	[tilespmem:s29+$0x40] =	vst v35  }
0x8b1: {  	v39 =	vld [tilespmem:s21+$0xC50]  }
0x8b2: {  	[tilespmem:s0+$0x50] =	vst v38;
	v41 =	vadd.f32 v34, v33;
	v40 =	vld [tilespmem:s14+$0x85D0]  }
0x8b3: {  	v42 =	vld [tilespmem:s7+$0xC60]  }
0x8b4: {  	[tilespmem:s26+$0x50] =	vst v41;
	v43 =	vld [tilespmem:s1+$0x85E0]  }
0x8b5: {  	v45 =	vld [tilespmem:s17+$0xC60];
	v44 =	vadd.f32 v37, v36  }
0x8b6: {  	v46 =	vld [tilespmem:s11+$0x85E0]  }
0x8b7: {  	[tilespmem:s28+$0x50] =	vst v44;
	v47 =	vadd.f32 v40, v39  }
0x8b8: {  	v48 =	vld [tilespmem:s20+$0xC60]  }
0x8b9: {  	v49 =	vld [tilespmem:s18+$0x85E0];
	[tilespmem:s29+$0x50] =	vst v47  }
0x8ba: {  	v50 =	vadd.f32 v43, v42;
	v51 =	vld [tilespmem:s21+$0xC60]  }
0x8bb: {  	v53 =	vadd.f32 v46, v45;
	v52 =	vld [tilespmem:s14+$0x85E0]  }
0x8bc: {  	[tilespmem:s0+$0x60] =	vst v50  }
0x8bd: {  	v54 =	vld [tilespmem:s1+$0x85F0];
	[tilespmem:s26+$0x60] =	vst v53  }
0x8be: {  	v57 =	vld [tilespmem:s11+$0x85F0];
	v56 =	vadd.f32 v49, v48  }
0x8bf: {  	v58 =	vld [tilespmem:s17+$0xC70]  }
0x8c0: {  	v55 =	vld [tilespmem:s7+$0xC70];
	[tilespmem:s28+$0x60] =	vst v56;
	v59 =	vadd.f32 v52, v51  }
0x8c1: {  	v60 =	vld [tilespmem:s18+$0x85F0]  }
0x8c2: {  	v61 =	vld [tilespmem:s20+$0xC70];
	[tilespmem:s29+$0x60] =	vst v59  }
0x8c3: {  	v5 =	vld [tilespmem:s14+$0x85F0]  }
0x8c4: {  	v3 =	vadd.f32 v3, v4;
	v12 =	vld [tilespmem:s21+$0xC70]  }
0x8c5: {  	v62 =	vadd.f32 v54, v55  }
0x8c6: {  	[tilespmem:s12+$0x70] =	vst v3  }
0x8c7: {  	v3 =	vadd.f32 v57, v58;
	[tilespmem:s0+$0x70] =	vst v62  }
0x8c8: {  	v63 =	vadd.f32 v60, v61;
	s0 =	sld [smem:$0x7F7]  }
0x8c9: {  	s30 =	sld [smem:$0x7F5];
	[tilespmem:s26+$0x70] =	vst v3;
	v3 =	vadd.f32 v5, v12  }
0x8ca: {  	[tilespmem:s28+$0x70] =	vst v63  }
0x8cb: {  	[tilespmem:s29+$0x70] =	vst v3  }
0x8cc: {  	s7 =	sld [smem:$0x7F3];
	_ =	sdelay $0x2  }
0x8cd: {  	p0 =	seq.s32 s7, $0x3  }
.Ltmp8:
0x8ce: {  	s0 =	sadd.s32 s0, s30;
	s31 =	sld [smem:$0x7FA];
	(pc) =	sbr.rel @p0 .LBB2_13-.Ltmp8, $3  }
0x8cf: {  	s0 =	smul.u32 $0x1400, s0;
	_ =	sdelay $0x1  }
0x8d0: {  	s3 =	simm.s32 $0x13E00;
	s5 =	simm.s32 $0x0;
	s0 =	sadd.s32 s31, s0  }
0x8d1: {  	[hbm4b:s0+s5] =	stream.linear.scatter [tilespmem:s3], [sflag:$0x4], $0xA000, $0x38;
	[tilespmem:$0x1FE00] =	vst v63  }
0x8d2: {  	s0 =	sld [smem:$0x7F2];
	_ =	sdelay $0x2  }
0x8d3: {  	v3 =	vld [tilespmem:s0+$0x13D];
	_ =	sdelay $0x4  }
0x8d4: {  	v4 =	vshll.u32 v3, $0x2  }
0x8d5: {  	v3 =	vand.u32 $0x7, v3;
	v4 =	vand.u32 $0xFFFFFFE0, v4  }
0x8d6: {  	v3 =	vor.u32 v3, v4  }
0x8d7: {  	v4 =	vperm.xlane v3, v0;
	_ =	sdelay $0x1  }
0x8d8: {  	v4 =	vadd.s32 v1, v4;
	_ =	sdelay $0x2  }
0x8d9: {  	s4 =	rddreg [dreg:$0x1];
	v3 =	vperm.xlane v3, v2  }
0x8da: {  	s28 =	simm.s32 $0x1DE00;
	s2 =	sld [smem:$0x7FD]  }
0x8db: {  	v3 =	vadd.s32 v1, v3;
	[tilespmem:s28], [sflag:$0x5] =	stream.indirect_vreg.gather [hbm4b:s4+s5], $0x80, v4, vm0, $0xb8;
	[tilespmem:$0x1FE00] =	vst v63  }
0x8dc: {  	s29 =	simm.s32 $0x1E600  }
0x8dd: {  	[tilespmem:s29], [sflag:$0x5] =	stream.indirect_vreg.gather [hbm4b:s2+s5], $0x80, v4, vm0, $0xb8;
	[tilespmem:$0x1FE00] =	vst v63  }
.Ltmp9:
0x8de: {  	_ = 	snop;
	(pc) =	sbr.rel .LBB2_3-.Ltmp9, $4  }
0x8df: {  	s30 =	simm.s32 $0x1EE00;
	s6 =	sld [smem:$0x7F8]  }
0x8e0: {  	[tilespmem:s30], [sflag:$0x5] =	stream.indirect_vreg.gather [hbm4b:s4+s5], $0x80, v3, vm0, $0xb8;
	[tilespmem:$0x1FE00] =	vst v63  }
0x8e1: {  	s31 =	simm.s32 $0x1F600;
	s7 =	sadd.s32 $0x1, s7  }
0x8e2: {  	[tilespmem:s31], [sflag:$0x5] =	stream.indirect_vreg.gather [hbm4b:s2+s5], $0x80, v3, vm0, $0xb8;
	[tilespmem:$0x1FE00] =	vst v63  }
.LBB2_15:
0x8e3: {  	_ =	sfence.sel $0x180000  }
0x8e4: {  	[bflag:$0x0] =	sbarrier.arrive $0xFFFF  }
0x8e5: {  	_ =	strace $0x90000047  }
0x8e6: {  	s0 =	stileid.u32;
	[bflag:$0x2] =	sbarrier.arrive $0xFFFF  }
0x8e7: {  	p0 =	sne.s32 s0, $0x0;
	s0 =	rddreg [dreg:$0x4]  }
0x8e8: {  	s0 =	sadd.s32 @!p0 $0x100000, s0  }
0x8e9: {  	[sflag:s0] =	ssyncadd.tile.s32 @!p0 $0x1;
	_ =	shalt  }
.Lfunc_end2:
_tile_overlayer_lowered:
.L_overlay_start_2:
0x8ea: {  	(tag) =	ssettag $0x2  }
0x8eb: {  	s0 =	rddreg [dreg:$0x0];
	s2 =	stileid.u32  }
0x8ec: {  	s1 =	rddreg [dreg:$0x1];
	p0 =	sne.s32 s2, $0x0  }
0x8ed: {  	s3 =	rddreg [dreg:$0x2];
	[bflag:$0x3] =	sbarrier.arrive $0xFFFF;
	s2 =	simm.s32 @!p0 $0x1C06  }
0x8ee: {  	[timem:s3], [sflag:s2] =	dma.local @!p0 [hbm:s0], s1  }
0x8ef: {  	s0 =	simm.s32 @!p0 $0x6  }
0x8f0: {  	_ =	swait.ge @!p0 [sflag:s0], s1  }
0x8f1: {  	s1 =	ssub.s32 @!p0 $0x0, s1;
	[sflag:s0] =	ssyncset.done @!p0 $0x0  }
0x8f2: {  	[sflag:s0] =	ssyncadd.s32 @!p0 s1  }
0x8f3: {  	[bflag:$0x3] =	sbarrier.arrive $0xFFFF  }
0x8f4: {  	_ =	shalt  }

</sc_bundles>
